<compile_context>
chip_gen: v7x
topology: tpu7x:2x2x1
jax: 0.10.2.dev20260603
libtpu: 0.0.44.dev20260713+nightly
codegen_flags: <defaults>
</compile_context>

<pallas_src>
import functools

import jax
import jax.numpy as jnp
from jax import lax
from jax.experimental import pallas as pl
from jax.experimental.pallas import tpu as pltpu
from jax.experimental.pallas import tpu_sc as plsc

S = 256
K = 8
C = 16
LANES = 16
NC, NS = 2, 16
NW = NC * NS
ROWS_W = S // NW
PIX_W = ROWS_W * S
CH = 2048
R_NDC = 1.5 / S * 2.0
R2 = R_NDC * R_NDC


def _scalar(v):
    v = jnp.asarray(v)
    return v[0] if v.ndim == 1 else v


@functools.lru_cache(maxsize=None)
def _make_raster(B, N):
    mesh = plsc.VectorSubcoreMesh(
        core_axis_name="c", subcore_axis_name="s",
        num_cores=NC, num_subcores=NS)

    chunk_buf = [
        pltpu.VMEM((CH,), jnp.float32),
        pltpu.VMEM((CH,), jnp.float32),
        pltpu.VMEM((CH,), jnp.float32),
        pltpu.VMEM((CH,), jnp.int32),
        pltpu.VMEM((CH,), jnp.int32),
    ]

    @functools.partial(
        pl.kernel,
        out_type=jax.ShapeDtypeStruct((B, C, S, S), jnp.float32),
        mesh=mesh,
        compiler_params=pltpu.CompilerParams(
            use_tc_tiling_on_sc=False, needs_layout_passes=False),
        scratch_types=[
            *chunk_buf,
            *chunk_buf,
            pltpu.VMEM((CH + LANES,), jnp.int32),
            *[pltpu.VMEM((PIX_W,), jnp.float32) for _ in range(K)],
            *[pltpu.VMEM((PIX_W,), jnp.int32) for _ in range(K)],
            pltpu.VMEM((C, ROWS_W, S), jnp.float32),
            pltpu.VMEM((K * LANES,), jnp.int32),
            pltpu.VMEM((K * LANES,), jnp.int32),
            pltpu.VMEM((K * LANES, C), jnp.float32),
            pltpu.VMEM((K * LANES, C), jnp.float32),
            pltpu.SemaphoreType.DMA,
            pltpu.SemaphoreType.DMA,
            pltpu.SemaphoreType.DMA,
            pltpu.SemaphoreType.DMA,
        ],
    )
    def raster(x_hbm, y_hbm, z_hbm, ci_hbm, cj_hbm, ft_hbm, out_hbm,
               xbA, ybA, zbA, cibA, cjbA,
               xbB, ybB, zbB, cibB, cjbB,
               hid,
               zb0, zb1, zb2, zb3, zb4, zb5, zb6, zb7,
               pb0, pb1, pb2, pb3, pb4, pb5, pb6, pb7,
               acc, idxgA, idxgB, rowsA, rowsB,
               semA, semB, semRA, semRB):
        zbufs = (zb0, zb1, zb2, zb3, zb4, zb5, zb6, zb7)
        pbufs = (pb0, pb1, pb2, pb3, pb4, pb5, pb6, pb7)
        cid = lax.axis_index("c")
        sid = lax.axis_index("s")
        wid = sid * NC + cid
        lo = wid * ROWS_W
        iota = lax.broadcasted_iota(jnp.int32, (LANES,), 0)
        groups = []
        for g0 in range(2):
            off = iota + g0 * LANES
            oiv = off // 5 - 2
            ojv = lax.rem(off, 5) - 2
            gm = off < 25
            groups.append((oiv, ojv, gm))
        zero16f = jnp.zeros((LANES,), jnp.float32)
        inf16 = jnp.full((LANES,), jnp.inf, jnp.float32)
        zero16i = jnp.zeros((LANES,), jnp.int32)

        bufsA = (xbA, ybA, zbA, cibA, cjbA)
        bufsB = (xbB, ybB, zbB, cibB, cjbB)
        hbm5 = (x_hbm, y_hbm, z_hbm, ci_hbm, cj_hbm)

        def issue_chunk(b, t, bufs, sem):
            src = pl.ds(t * CH, CH)
            for h, d in zip(hbm5, bufs):
                pltpu.async_copy(h.at[b, src], d, sem)

        def wait_chunk(b, t, bufs, sem):
            src = pl.ds(t * CH, CH)
            for h, d in zip(hbm5, bufs):
                pltpu.make_async_copy(h.at[b, src], d, sem).wait()

        def batch_body(b, _):
            boff = b * N

            def init_body(i, _c):
                sl = pl.ds(i * LANES, LANES)
                for k in range(K):
                    zbufs[k][sl] = inf16
                    pbufs[k][sl] = zero16i
                return _c

            lax.fori_loop(0, PIX_W // LANES, init_body, 0)

            def make_hit_body(t, bufs):
                xb, yb, zb, cib, cjb = bufs

                def hit_body(h, _c):
                    hsp = jnp.full((LANES,), h, jnp.int32)
                    lidx = plsc.load_gather(hid, [hsp])
                    px = plsc.load_gather(xb, [lidx])
                    py = plsc.load_gather(yb, [lidx])
                    pz = plsc.load_gather(zb, [lidx])
                    pci = plsc.load_gather(cib, [lidx])
                    pcj = plsc.load_gather(cjb, [lidx])
                    pidv = lidx + t * CH
                    _hit_tail(px, py, pz, pci, pcj, pidv)
                    return _c

                return hit_body

            def _hit_tail(px, py, pz, pci, pcj, pidv):
                for (oiv, ojv, gm) in groups:
                    pi = pci + oiv
                    pj = pcj + ojv
                    m = (gm & (pi >= lo) & (pi < lo + ROWS_W)
                         & (pj >= 0) & (pj < S))
                    cxv = 1.0 - (pj.astype(jnp.float32) + 0.5) * (2.0 / S)
                    cyv = 1.0 - (pi.astype(jnp.float32) + 0.5) * (2.0 / S)
                    dx = px - cxv
                    dy = py - cyv
                    d2 = dx * dx + dy * dy
                    m = m & (d2 < R2)
                    cd = jnp.clip(d2 * (1.0 / R2), 0.001, 1.0)
                    yv = plsc.bitcast(
                        (plsc.bitcast(cd, jnp.int32) >> 1) + 0x1FBD1DF5,
                        jnp.float32)
                    for _ in range(2):
                        yv = 0.5 * (yv + cd / yv)
                    al = 1.0 - yv
                    aq = (al * 65535.0 + 0.5).astype(jnp.int32)
                    p = (pi - lo) * S + pj
                    p = jnp.where(m, p, 0)
                    zc = pz
                    pc = (pidv << 16) | aq
                    zks = [plsc.load_gather(zbufs[k], [p], mask=m)
                           for k in range(K)]
                    pks = [plsc.load_gather(pbufs[k], [p], mask=m)
                           for k in range(K)]
                    for k in range(K):
                        sw = m & (zc < zks[k])
                        plsc.store_scatter(zbufs[k], [p], zc, mask=sw)
                        plsc.store_scatter(pbufs[k], [p], pc, mask=sw)
                        zc = jnp.where(sw, zks[k], zc)
                        pc = jnp.where(sw, pks[k], pc)

            def process_chunk(t, bufs):
                xb, yb, zb, cib, cjb = bufs

                def scan_body(g, cnt):
                    sl = pl.ds(g * LANES, LANES)
                    civ = cib[sl]
                    cjv = cjb[sl]
                    zv = zb[sl]
                    m = ((civ >= lo - 2) & (civ <= lo + ROWS_W + 1)
                         & (zv > 0.0) & (cjv >= -2) & (cjv <= S + 1))
                    lidx = g * LANES + iota
                    plsc.store_compressed(hid.at[pl.ds(cnt, LANES)],
                                          lidx, mask=m)
                    return cnt + _scalar(
                        plsc.all_reduce_population_count(m))

                cnt = lax.fori_loop(0, CH // LANES, scan_body,
                                    jnp.int32(0))
                lax.fori_loop(0, cnt, make_hit_body(t, bufs), 0)

            def pair_body(t, _c):
                wait_chunk(b, 2 * t, bufsA, semA)
                issue_chunk(b, 2 * t + 1, bufsB, semB)
                process_chunk(2 * t, bufsA)
                wait_chunk(b, 2 * t + 1, bufsB, semB)

                @pl.when(t < N // CH // 2 - 1)
                def _():
                    issue_chunk(b, 2 * t + 2, bufsA, semA)

                process_chunk(2 * t + 1, bufsB)
                return _c

            issue_chunk(b, 0, bufsA, semA)
            lax.fori_loop(0, N // CH // 2, pair_body, 0)

            def build_idx(g, idxg):
                base = g * LANES
                for k in range(K):
                    pv = pbufs[k][pl.ds(base, LANES)]
                    idxg[pl.ds(k * LANES, LANES)] = (
                        lax.shift_right_logical(pv, 16) + boff)

            def compute_group(g, rows):
                base = g * LANES
                avs = [(pbufs[k][pl.ds(base, LANES)] & 0xFFFF
                        ).astype(jnp.float32) * (1.0 / 65535.0)
                       for k in range(K)]
                rg = base // S
                cb = lax.rem(base, S)
                for c in range(C):
                    accv = zero16f
                    csp = jnp.full((LANES,), c, jnp.int32)
                    for k in range(K):
                        fv = avs[k]
                        accv = accv + avs[k] * fv
                    acc[c, rg, pl.ds(cb, LANES)] = accv

            def comp_pair(g, _c):
                build_idx(2 * g + 1, idxgB)
                pltpu.async_copy(ft_hbm.at[idxgB], rowsB, semRB)
                pltpu.make_async_copy(ft_hbm.at[idxgA], rowsA,
                                      semRA).wait()
                compute_group(2 * g, rowsA)

                @pl.when(g < PIX_W // LANES // 2 - 1)
                def _():
                    build_idx(2 * g + 2, idxgA)
                    pltpu.async_copy(ft_hbm.at[idxgA], rowsA, semRA)

                pltpu.make_async_copy(ft_hbm.at[idxgB], rowsB,
                                      semRB).wait()
                compute_group(2 * g + 1, rowsB)
                return _c

            build_idx(0, idxgA)
            pltpu.async_copy(ft_hbm.at[idxgA], rowsA, semRA)
            lax.fori_loop(0, PIX_W // LANES // 2, comp_pair, 0)
            pltpu.sync_copy(acc, out_hbm.at[b, :, pl.ds(lo, ROWS_W), :])
            return _

        lax.fori_loop(0, B, batch_body, 0)

    return raster


@jax.jit
def kernel(pts3D, src):
    B, N = pts3D.shape[0], pts3D.shape[1]
    x = -pts3D[..., 0]
    y = -pts3D[..., 1]
    z = pts3D[..., 2]
    jf = (1.0 - x) * (S / 2.0) - 0.5
    if_ = (1.0 - y) * (S / 2.0) - 0.5
    cj = jnp.round(jf).astype(jnp.int32)
    ci = jnp.round(if_).astype(jnp.int32)
    ft = jnp.transpose(src, (0, 2, 1)).reshape(B * N, C)
    return _make_raster(B, N)(x, y, z, ci, cj, ft)

# --- scband reference (transcript-rebuilt; emitter-appended) ---
"""Pipeline reference for scband-rasterize-points-xys-blending-25941602468568 (READ-ONLY COPY).

The authoritative reference and input builder live on the scoring server;
editing this copy changes nothing except your own understanding.
"""

import jax, jax.numpy as jnp
import numpy as np

RADIUS = 1.5
SIZE = 256
PPP = 8
RAD_POW = 2


def _rasterize_one(pts, feat):
    # pts: [N, 3] (NDC-ish coords), feat: [C, N]
    S = SIZE
    K = PPP
    N = pts.shape[0]
    radius_ndc = float(RADIUS) / float(SIZE) * 2.0
    # forward negates x and y before rasterizing
    x = -pts[:, 0]
    y = -pts[:, 1]
    z = pts[:, 2]
    # NDC -> pixel (pytorch3d-style: +x left, +y up, pixel (0,0) top-left)
    jf = (1.0 - x) * S / 2.0 - 0.5
    if_ = (1.0 - y) * S / 2.0 - 0.5
    cj = jnp.round(jf).astype(jnp.int32)
    ci = jnp.round(if_).astype(jnp.int32)
    # candidate pixel window around each point (radius=1.5px -> 5x5 is safe)
    offs = jnp.arange(-2, 3, dtype=jnp.int32)
    di, dj = jnp.meshgrid(offs, offs, indexing='ij')
    di = di.reshape(-1)
    dj = dj.reshape(-1)  # [25]
    pi = ci[:, None] + di[None, :]  # [N, 25]
    pj = cj[:, None] + dj[None, :]
    # pixel-center NDC coords
    cx = 1.0 - 2.0 * (pj.astype(jnp.float32) + 0.5) / S
    cy = 1.0 - 2.0 * (pi.astype(jnp.float32) + 0.5) / S
    d2 = (x[:, None] - cx) ** 2 + (y[:, None] - cy) ** 2  # squared NDC dist
    valid = (pi >= 0) & (pi < S) & (pj >= 0) & (pj < S) & (d2 < radius_ndc ** 2) & (z[:, None] > 0)
    P = S * S
    pid = jnp.where(valid, pi * S + pj, P).reshape(-1)  # invalid -> dummy row P
    zc = jnp.broadcast_to(z[:, None], d2.shape).reshape(-1)
    d2f = d2.reshape(-1)
    pti = jnp.broadcast_to(jnp.arange(N, dtype=jnp.int32)[:, None], d2.shape).reshape(-1)
    # sort candidates by (pixel id, depth) -> per-pixel z-ordered list
    order = jnp.lexsort((zc, pid))
    pid_s = pid[order]
    z_s = zc[order]
    d2_s = d2f[order]
    pt_s = pti[order]
    first = jnp.searchsorted(pid_s, pid_s, side='left')
    rank = jnp.arange(pid_s.shape[0]) - first
    keep = (pid_s < P) & (rank < K)
    row = jnp.where(keep, pid_s, P)
    col = jnp.where(keep, rank, 0)
    idx_buf = jnp.full((P + 1, K), -1, dtype=jnp.int32).at[row, col].set(pt_s)
    d2_buf = jnp.full((P + 1, K), -1.0, dtype=pts.dtype).at[row, col].set(d2_s)
    idx_buf = idx_buf[:P].reshape(S, S, K)
    d2_buf = d2_buf[:P].reshape(S, S, K)
    # dist = dist / radius**rad_pow ; alphas = 1 - clamp(dist,0.001,1)**0.5
    dist = d2_buf / (radius_ndc ** RAD_POW)
    alphas = 1.0 - jnp.sqrt(jnp.clip(dist, 0.001, 1.0))  # [S, S, K]
    mask = (idx_buf >= 0).astype(feat.dtype)
    safe_idx = jnp.clip(idx_buf, 0, None)
    gathered = jnp.take(feat, safe_idx, axis=1)  # [C, S, S, K]
    out = jnp.sum(gathered * (alphas * mask)[None, ...], axis=-1)  # weighted_sum
    return out  # [C, S, S]


def reference(pts3D, src):
    # pts3D: [B, N, 3], src: [B, C, N]
    outs = [_rasterize_one(pts3D[b], src[b]) for b in range(pts3D.shape[0])]
    return jnp.stack(outs, axis=0)  # [B, C, S, S]


def setup_inputs(seed: int = 0):
    key = jax.random.key(seed)
    k1, k2 = jax.random.split(key)
    pts3D = jax.random.normal(k1, (4, 65536, 3), dtype=jnp.float32)
    src = jax.random.normal(k2, (4, 16, 65536), dtype=jnp.float32)
    return {"pts3D": pts3D, "src": src}

if __name__ == "__main__":
    import jax
    _d = setup_inputs()
    print(jax.jit(kernel)(*tuple(_d.values())))

</pallas_src>

<mosaic_0001>
#map = affine_map<(d0, d1) -> (0, 0)>
#map1 = affine_map<(d0, d1) -> (0, 0, 0, 0)>
module attributes {stable_mosaic.version = 14 : i64} {
  func.func @raster(%arg0: i32, %arg1: i32, %arg2: memref<4x65536xf32, #tpu.memory_space<hbm>>, %arg3: memref<4x65536xf32, #tpu.memory_space<hbm>>, %arg4: memref<4x65536xf32, #tpu.memory_space<hbm>>, %arg5: memref<4x65536xi32, #tpu.memory_space<hbm>>, %arg6: memref<4x65536xi32, #tpu.memory_space<hbm>>, %arg7: memref<262144x16xf32, #tpu.memory_space<hbm>>, %arg8: memref<4x16x256x256xf32, #tpu.memory_space<hbm>>, %arg9: memref<2048xf32, #tpu.memory_space<vmem>>, %arg10: memref<2048xf32, #tpu.memory_space<vmem>>, %arg11: memref<2048xf32, #tpu.memory_space<vmem>>, %arg12: memref<2048xi32, #tpu.memory_space<vmem>>, %arg13: memref<2048xi32, #tpu.memory_space<vmem>>, %arg14: memref<2048xf32, #tpu.memory_space<vmem>>, %arg15: memref<2048xf32, #tpu.memory_space<vmem>>, %arg16: memref<2048xf32, #tpu.memory_space<vmem>>, %arg17: memref<2048xi32, #tpu.memory_space<vmem>>, %arg18: memref<2048xi32, #tpu.memory_space<vmem>>, %arg19: memref<2064xi32, #tpu.memory_space<vmem>>, %arg20: memref<2048xf32, #tpu.memory_space<vmem>>, %arg21: memref<2048xf32, #tpu.memory_space<vmem>>, %arg22: memref<2048xf32, #tpu.memory_space<vmem>>, %arg23: memref<2048xf32, #tpu.memory_space<vmem>>, %arg24: memref<2048xf32, #tpu.memory_space<vmem>>, %arg25: memref<2048xf32, #tpu.memory_space<vmem>>, %arg26: memref<2048xf32, #tpu.memory_space<vmem>>, %arg27: memref<2048xf32, #tpu.memory_space<vmem>>, %arg28: memref<2048xi32, #tpu.memory_space<vmem>>, %arg29: memref<2048xi32, #tpu.memory_space<vmem>>, %arg30: memref<2048xi32, #tpu.memory_space<vmem>>, %arg31: memref<2048xi32, #tpu.memory_space<vmem>>, %arg32: memref<2048xi32, #tpu.memory_space<vmem>>, %arg33: memref<2048xi32, #tpu.memory_space<vmem>>, %arg34: memref<2048xi32, #tpu.memory_space<vmem>>, %arg35: memref<2048xi32, #tpu.memory_space<vmem>>, %arg36: memref<16x8x256xf32, #tpu.memory_space<vmem>>, %arg37: memref<128xi32, #tpu.memory_space<vmem>>, %arg38: memref<128xi32, #tpu.memory_space<vmem>>, %arg39: memref<128x16xf32, #tpu.memory_space<vmem>>, %arg40: memref<128x16xf32, #tpu.memory_space<vmem>>, %arg41: memref<!tpu.dma_semaphore, #tpu.memory_space<semaphore_mem>>, %arg42: memref<!tpu.dma_semaphore, #tpu.memory_space<semaphore_mem>>, %arg43: memref<!tpu.dma_semaphore, #tpu.memory_space<semaphore_mem>>, %arg44: memref<!tpu.dma_semaphore, #tpu.memory_space<semaphore_mem>>) attributes {dimension_semantics = [#tpu.dimension_semantics<core_parallel>, #tpu.dimension_semantics<subcore_parallel>], iteration_bounds = array<i64: 2, 16>, scalar_prefetch = 0 : i64, scratch_operands = 36 : i64, tpu.core_type = #tpu.core_type<sc_vector_subcore>, window_params = [{transform_indices = #map}, {transform_indices = #map}, {transform_indices = #map}, {transform_indices = #map}, {transform_indices = #map}, {transform_indices = #map}, {transform_indices = #map1}]} {
    %mul3A = arith.constant 2 : i32
    %mul3A_0 = arith.muli %arg1, %mul3A : i32
    %add3A = arith.addi %mul3A_0, %arg0 : i32
    %mul3A_1 = arith.constant 8 : i32
    %mul3A_2 = arith.muli %add3A, %mul3A_1 : i32
    %iota3A = tpu.iota {dimensions = array<i32: 0>} : vector<16xi32>
    %add3A_3 = arith.constant 0 : i32
    %add3A_4 = vector.broadcast %add3A_3 : i32 to vector<16xi32>
    %add3A_5 = arith.addi %iota3A, %add3A_4 : vector<16xi32>
    %jit3A = arith.constant 5 : i32
    %div3A = vector.broadcast %jit3A : i32 to vector<16xi32>
    %div3A_6 = arith.divsi %add3A_5, %div3A : vector<16xi32>
    %sign3A = arith.constant 0 : i32
    %sign3A_7 = vector.broadcast %sign3A : i32 to vector<16xi32>
    %sign3A_8 = arith.cmpi sgt, %add3A_5, %sign3A_7 : vector<16xi32>
    %sign3A_9 = arith.extui %sign3A_8 : vector<16xi1> to vector<16xi32>
    %sign3A_10 = arith.constant 0 : i32
    %sign3A_11 = vector.broadcast %sign3A_10 : i32 to vector<16xi32>
    %sign3A_12 = arith.cmpi slt, %add3A_5, %sign3A_11 : vector<16xi32>
    %sign3A_13 = arith.extui %sign3A_12 : vector<16xi1> to vector<16xi32>
    %sign3A_14 = arith.subi %sign3A_9, %sign3A_13 : vector<16xi32>
    %sign3A_15 = arith.constant 0 : i32
    %sign3A_16 = arith.cmpi sgt, %jit3A, %sign3A_15 : i32
    %sign3A_17 = arith.extui %sign3A_16 : i1 to i32
    %sign3A_18 = arith.constant 0 : i32
    %sign3A_19 = arith.cmpi slt, %jit3A, %sign3A_18 : i32
    %sign3A_20 = arith.extui %sign3A_19 : i1 to i32
    %sign3A_21 = arith.subi %sign3A_17, %sign3A_20 : i32
    %ne3A = vector.broadcast %sign3A_21 : i32 to vector<16xi32>
    %ne3A_22 = arith.cmpi ne, %sign3A_14, %ne3A : vector<16xi32>
    %rem3A = vector.broadcast %jit3A : i32 to vector<16xi32>
    %rem3A_23 = arith.remsi %add3A_5, %rem3A : vector<16xi32>
    %ne3A_24 = arith.constant 0 : i32
    %ne3A_25 = vector.broadcast %ne3A_24 : i32 to vector<16xi32>
    %ne3A_26 = arith.cmpi ne, %rem3A_23, %ne3A_25 : vector<16xi32>
    %and3A = arith.andi %ne3A_22, %ne3A_26 : vector<16xi1>
    %sub3A = arith.constant 1 : i32
    %sub3A_27 = vector.broadcast %sub3A : i32 to vector<16xi32>
    %sub3A_28 = arith.subi %div3A_6, %sub3A_27 : vector<16xi32>
    %select_n3A = arith.select %and3A, %sub3A_28, %div3A_6 : vector<16xi1>, vector<16xi32>
    %sub3A_29 = arith.constant 2 : i32
    %sub3A_30 = vector.broadcast %sub3A_29 : i32 to vector<16xi32>
    %sub3A_31 = arith.subi %select_n3A, %sub3A_30 : vector<16xi32>
    %rem3A_32 = arith.constant 5 : i32
    %rem3A_33 = vector.broadcast %rem3A_32 : i32 to vector<16xi32>
    %rem3A_34 = arith.remsi %add3A_5, %rem3A_33 : vector<16xi32>
    %sub3A_35 = arith.constant 2 : i32
    %sub3A_36 = vector.broadcast %sub3A_35 : i32 to vector<16xi32>
    %sub3A_37 = arith.subi %rem3A_34, %sub3A_36 : vector<16xi32>
    %lt3A = arith.constant 25 : i32
    %lt3A_38 = vector.broadcast %lt3A : i32 to vector<16xi32>
    %lt3A_39 = arith.cmpi slt, %add3A_5, %lt3A_38 : vector<16xi32>
    %add3A_40 = arith.constant 16 : i32
    %add3A_41 = vector.broadcast %add3A_40 : i32 to vector<16xi32>
    %add3A_42 = arith.addi %iota3A, %add3A_41 : vector<16xi32>
    %jit3A_43 = arith.constant 5 : i32
    %div3A_44 = vector.broadcast %jit3A_43 : i32 to vector<16xi32>
    %div3A_45 = arith.divsi %add3A_42, %div3A_44 : vector<16xi32>
    %sign3A_46 = arith.constant 0 : i32
    %sign3A_47 = vector.broadcast %sign3A_46 : i32 to vector<16xi32>
    %sign3A_48 = arith.cmpi sgt, %add3A_42, %sign3A_47 : vector<16xi32>
    %sign3A_49 = arith.extui %sign3A_48 : vector<16xi1> to vector<16xi32>
    %sign3A_50 = arith.constant 0 : i32
    %sign3A_51 = vector.broadcast %sign3A_50 : i32 to vector<16xi32>
    %sign3A_52 = arith.cmpi slt, %add3A_42, %sign3A_51 : vector<16xi32>
    %sign3A_53 = arith.extui %sign3A_52 : vector<16xi1> to vector<16xi32>
    %sign3A_54 = arith.subi %sign3A_49, %sign3A_53 : vector<16xi32>
    %sign3A_55 = arith.constant 0 : i32
    %sign3A_56 = arith.cmpi sgt, %jit3A_43, %sign3A_55 : i32
    %sign3A_57 = arith.extui %sign3A_56 : i1 to i32
    %sign3A_58 = arith.constant 0 : i32
    %sign3A_59 = arith.cmpi slt, %jit3A_43, %sign3A_58 : i32
    %sign3A_60 = arith.extui %sign3A_59 : i1 to i32
    %sign3A_61 = arith.subi %sign3A_57, %sign3A_60 : i32
    %ne3A_62 = vector.broadcast %sign3A_61 : i32 to vector<16xi32>
    %ne3A_63 = arith.cmpi ne, %sign3A_54, %ne3A_62 : vector<16xi32>
    %rem3A_64 = vector.broadcast %jit3A_43 : i32 to vector<16xi32>
    %rem3A_65 = arith.remsi %add3A_42, %rem3A_64 : vector<16xi32>
    %ne3A_66 = arith.constant 0 : i32
    %ne3A_67 = vector.broadcast %ne3A_66 : i32 to vector<16xi32>
    %ne3A_68 = arith.cmpi ne, %rem3A_65, %ne3A_67 : vector<16xi32>
    %and3A_69 = arith.andi %ne3A_63, %ne3A_68 : vector<16xi1>
    %sub3A_70 = arith.constant 1 : i32
    %sub3A_71 = vector.broadcast %sub3A_70 : i32 to vector<16xi32>
    %sub3A_72 = arith.subi %div3A_45, %sub3A_71 : vector<16xi32>
    %select_n3A_73 = arith.select %and3A_69, %sub3A_72, %div3A_45 : vector<16xi1>, vector<16xi32>
    %sub3A_74 = arith.constant 2 : i32
    %sub3A_75 = vector.broadcast %sub3A_74 : i32 to vector<16xi32>
    %sub3A_76 = arith.subi %select_n3A_73, %sub3A_75 : vector<16xi32>
    %rem3A_77 = arith.constant 5 : i32
    %rem3A_78 = vector.broadcast %rem3A_77 : i32 to vector<16xi32>
    %rem3A_79 = arith.remsi %add3A_42, %rem3A_78 : vector<16xi32>
    %sub3A_80 = arith.constant 2 : i32
    %sub3A_81 = vector.broadcast %sub3A_80 : i32 to vector<16xi32>
    %sub3A_82 = arith.subi %rem3A_79, %sub3A_81 : vector<16xi32>
    %lt3A_83 = arith.constant 25 : i32
    %lt3A_84 = vector.broadcast %lt3A_83 : i32 to vector<16xi32>
    %lt3A_85 = arith.cmpi slt, %add3A_42, %lt3A_84 : vector<16xi32>
    %broadcast_in_dim3A = arith.constant 0.000000e+00 : f32
    %broadcast_in_dim3A_86 = vector.broadcast %broadcast_in_dim3A : f32 to vector<16xf32>
    %broadcast_in_dim3A_87 = arith.constant 0x7F800000 : f32
    %broadcast_in_dim3A_88 = vector.broadcast %broadcast_in_dim3A_87 : f32 to vector<16xf32>
    %broadcast_in_dim3A_89 = arith.constant 0 : i32
    %broadcast_in_dim3A_90 = vector.broadcast %broadcast_in_dim3A_89 : i32 to vector<16xi32>
    %scan3A = arith.constant 0 : i32
    %scan3A_91 = arith.constant 0 : i32
    %scan3A_92 = arith.constant 4 : i32
    %scan3A_93 = arith.addi %scan3A_91, %scan3A_92 : i32
    %scan3A_94 = arith.constant 1 : i32
    scf.for %scan3A_96 = %scan3A_91 to %scan3A_93 step %scan3A_94  : i32 {
      %mul3A_97 = arith.constant 65536 : i32
      %mul3A_98 = arith.muli %scan3A_96, %mul3A_97 : i32
      %scan3A_99 = arith.constant 0 : i32
      %scan3A_100 = arith.constant 0 : i32
      %scan3A_101 = arith.constant 128 : i32
      %scan3A_102 = arith.addi %scan3A_100, %scan3A_101 : i32
      %scan3A_103 = arith.constant 1 : i32
      scf.for %scan3A_218 = %scan3A_100 to %scan3A_102 step %scan3A_103  : i32 {
        %mul3A_219 = arith.constant 16 : i32
        %mul3A_220 = arith.muli %scan3A_218, %mul3A_219 : i32
        %swap3A_221 = arith.index_cast %mul3A_220 : i32 to index
        %swap3A_222 = tpu.vector_load %arg20[%swap3A_221] {strides = array<i32>} : memref<2048xf32, #tpu.memory_space<vmem>>, vector<16xf32>,
        tpu.vector_store %arg20[%swap3A_221], %broadcast_in_dim3A_88 {strides = array<i32>} : memref<2048xf32, #tpu.memory_space<vmem>>, vector<16xf32>,
        %swap3A_223 = arith.index_cast %mul3A_220 : i32 to index
        %swap3A_224 = tpu.vector_load %arg28[%swap3A_223] {strides = array<i32>} : memref<2048xi32, #tpu.memory_space<vmem>>, vector<16xi32>,
        tpu.vector_store %arg28[%swap3A_223], %broadcast_in_dim3A_90 {strides = array<i32>} : memref<2048xi32, #tpu.memory_space<vmem>>, vector<16xi32>,
        %swap3A_225 = arith.index_cast %mul3A_220 : i32 to index
        %swap3A_226 = tpu.vector_load %arg21[%swap3A_225] {strides = array<i32>} : memref<2048xf32, #tpu.memory_space<vmem>>, vector<16xf32>,
        tpu.vector_store %arg21[%swap3A_225], %broadcast_in_dim3A_88 {strides = array<i32>} : memref<2048xf32, #tpu.memory_space<vmem>>, vector<16xf32>,
        %swap3A_227 = arith.index_cast %mul3A_220 : i32 to index
        %swap3A_228 = tpu.vector_load %arg29[%swap3A_227] {strides = array<i32>} : memref<2048xi32, #tpu.memory_space<vmem>>, vector<16xi32>,
        tpu.vector_store %arg29[%swap3A_227], %broadcast_in_dim3A_90 {strides = array<i32>} : memref<2048xi32, #tpu.memory_space<vmem>>, vector<16xi32>,
        %swap3A_229 = arith.index_cast %mul3A_220 : i32 to index
        %swap3A_230 = tpu.vector_load %arg22[%swap3A_229] {strides = array<i32>} : memref<2048xf32, #tpu.memory_space<vmem>>, vector<16xf32>,
        tpu.vector_store %arg22[%swap3A_229], %broadcast_in_dim3A_88 {strides = array<i32>} : memref<2048xf32, #tpu.memory_space<vmem>>, vector<16xf32>,
        %swap3A_231 = arith.index_cast %mul3A_220 : i32 to index
        %swap3A_232 = tpu.vector_load %arg30[%swap3A_231] {strides = array<i32>} : memref<2048xi32, #tpu.memory_space<vmem>>, vector<16xi32>,
        tpu.vector_store %arg30[%swap3A_231], %broadcast_in_dim3A_90 {strides = array<i32>} : memref<2048xi32, #tpu.memory_space<vmem>>, vector<16xi32>,
        %swap3A_233 = arith.index_cast %mul3A_220 : i32 to index
        %swap3A_234 = tpu.vector_load %arg23[%swap3A_233] {strides = array<i32>} : memref<2048xf32, #tpu.memory_space<vmem>>, vector<16xf32>,
        tpu.vector_store %arg23[%swap3A_233], %broadcast_in_dim3A_88 {strides = array<i32>} : memref<2048xf32, #tpu.memory_space<vmem>>, vector<16xf32>,
        %swap3A_235 = arith.index_cast %mul3A_220 : i32 to index
        %swap3A_236 = tpu.vector_load %arg31[%swap3A_235] {strides = array<i32>} : memref<2048xi32, #tpu.memory_space<vmem>>, vector<16xi32>,
        tpu.vector_store %arg31[%swap3A_235], %broadcast_in_dim3A_90 {strides = array<i32>} : memref<2048xi32, #tpu.memory_space<vmem>>, vector<16xi32>,
        %swap3A_237 = arith.index_cast %mul3A_220 : i32 to index
        %swap3A_238 = tpu.vector_load %arg24[%swap3A_237] {strides = array<i32>} : memref<2048xf32, #tpu.memory_space<vmem>>, vector<16xf32>,
        tpu.vector_store %arg24[%swap3A_237], %broadcast_in_dim3A_88 {strides = array<i32>} : memref<2048xf32, #tpu.memory_space<vmem>>, vector<16xf32>,
        %swap3A_239 = arith.index_cast %mul3A_220 : i32 to index
        %swap3A_240 = tpu.vector_load %arg32[%swap3A_239] {strides = array<i32>} : memref<2048xi32, #tpu.memory_space<vmem>>, vector<16xi32>,
        tpu.vector_store %arg32[%swap3A_239], %broadcast_in_dim3A_90 {strides = array<i32>} : memref<2048xi32, #tpu.memory_space<vmem>>, vector<16xi32>,
        %swap3A_241 = arith.index_cast %mul3A_220 : i32 to index
        %swap3A_242 = tpu.vector_load %arg25[%swap3A_241] {strides = array<i32>} : memref<2048xf32, #tpu.memory_space<vmem>>, vector<16xf32>,
        tpu.vector_store %arg25[%swap3A_241], %broadcast_in_dim3A_88 {strides = array<i32>} : memref<2048xf32, #tpu.memory_space<vmem>>, vector<16xf32>,
        %swap3A_243 = arith.index_cast %mul3A_220 : i32 to index
        %swap3A_244 = tpu.vector_load %arg33[%swap3A_243] {strides = array<i32>} : memref<2048xi32, #tpu.memory_space<vmem>>, vector<16xi32>,
        tpu.vector_store %arg33[%swap3A_243], %broadcast_in_dim3A_90 {strides = array<i32>} : memref<2048xi32, #tpu.memory_space<vmem>>, vector<16xi32>,
        %swap3A_245 = arith.index_cast %mul3A_220 : i32 to index
        %swap3A_246 = tpu.vector_load %arg26[%swap3A_245] {strides = array<i32>} : memref<2048xf32, #tpu.memory_space<vmem>>, vector<16xf32>,
        tpu.vector_store %arg26[%swap3A_245], %broadcast_in_dim3A_88 {strides = array<i32>} : memref<2048xf32, #tpu.memory_space<vmem>>, vector<16xf32>,
        %swap3A_247 = arith.index_cast %mul3A_220 : i32 to index
        %swap3A_248 = tpu.vector_load %arg34[%swap3A_247] {strides = array<i32>} : memref<2048xi32, #tpu.memory_space<vmem>>, vector<16xi32>,
        tpu.vector_store %arg34[%swap3A_247], %broadcast_in_dim3A_90 {strides = array<i32>} : memref<2048xi32, #tpu.memory_space<vmem>>, vector<16xi32>,
        %swap3A_249 = arith.index_cast %mul3A_220 : i32 to index
        %swap3A_250 = tpu.vector_load %arg27[%swap3A_249] {strides = array<i32>} : memref<2048xf32, #tpu.memory_space<vmem>>, vector<16xf32>,
        tpu.vector_store %arg27[%swap3A_249], %broadcast_in_dim3A_88 {strides = array<i32>} : memref<2048xf32, #tpu.memory_space<vmem>>, vector<16xf32>,
        %swap3A_251 = arith.index_cast %mul3A_220 : i32 to index
        %swap3A_252 = tpu.vector_load %arg35[%swap3A_251] {strides = array<i32>} : memref<2048xi32, #tpu.memory_space<vmem>>, vector<16xi32>,
        tpu.vector_store %arg35[%swap3A_251], %broadcast_in_dim3A_90 {strides = array<i32>} : memref<2048xi32, #tpu.memory_space<vmem>>, vector<16xi32>,
      }
      %scan3A_104 = arith.constant 128 : i32
      %dma_start3A = arith.constant 0 : i32
      %dma_start3A_105 = tpu.memref_slice %arg2[%scan3A_96, %dma_start3A] : memref<4x65536xf32, #tpu.memory_space<hbm>> -> memref<1x2048xf32, #tpu.memory_space<hbm>>
      %dma_start3A_106 = tpu.memref_squeeze %dma_start3A_105 : memref<1x2048xf32, #tpu.memory_space<hbm>> -> memref<2048xf32, #tpu.memory_space<hbm>>
      %dma_start3A_107 = arith.constant 0 : i32
      %dma_start3A_108 = tpu.memref_slice %arg2[%scan3A_96, %dma_start3A_107] : memref<4x65536xf32, #tpu.memory_space<hbm>> -> memref<1x2048xf32, #tpu.memory_space<hbm>>
      %dma_start3A_109 = tpu.memref_squeeze %dma_start3A_108 : memref<1x2048xf32, #tpu.memory_space<hbm>> -> memref<2048xf32, #tpu.memory_space<hbm>>
      tpu.enqueue_dma source(%dma_start3A_109 : memref<2048xf32, #tpu.memory_space<hbm>>) target(%arg9 : memref<2048xf32, #tpu.memory_space<vmem>>) target_semaphore(%arg41 : memref<!tpu.dma_semaphore, #tpu.memory_space<semaphore_mem>>)
      %dma_start3A_110 = arith.constant 0 : i32
      %dma_start3A_111 = tpu.memref_slice %arg3[%scan3A_96, %dma_start3A_110] : memref<4x65536xf32, #tpu.memory_space<hbm>> -> memref<1x2048xf32, #tpu.memory_space<hbm>>
      %dma_start3A_112 = tpu.memref_squeeze %dma_start3A_111 : memref<1x2048xf32, #tpu.memory_space<hbm>> -> memref<2048xf32, #tpu.memory_space<hbm>>
      %dma_start3A_113 = arith.constant 0 : i32
      %dma_start3A_114 = tpu.memref_slice %arg3[%scan3A_96, %dma_start3A_113] : memref<4x65536xf32, #tpu.memory_space<hbm>> -> memref<1x2048xf32, #tpu.memory_space<hbm>>
      %dma_start3A_115 = tpu.memref_squeeze %dma_start3A_114 : memref<1x2048xf32, #tpu.memory_space<hbm>> -> memref<2048xf32, #tpu.memory_space<hbm>>
      tpu.enqueue_dma source(%dma_start3A_115 : memref<2048xf32, #tpu.memory_space<hbm>>) target(%arg10 : memref<2048xf32, #tpu.memory_space<vmem>>) target_semaphore(%arg41 : memref<!tpu.dma_semaphore, #tpu.memory_space<semaphore_mem>>)
      %dma_start3A_116 = arith.constant 0 : i32
      %dma_start3A_117 = tpu.memref_slice %arg4[%scan3A_96, %dma_start3A_116] : memref<4x65536xf32, #tpu.memory_space<hbm>> -> memref<1x2048xf32, #tpu.memory_space<hbm>>
      %dma_start3A_118 = tpu.memref_squeeze %dma_start3A_117 : memref<1x2048xf32, #tpu.memory_space<hbm>> -> memref<2048xf32, #tpu.memory_space<hbm>>
      %dma_start3A_119 = arith.constant 0 : i32
      %dma_start3A_120 = tpu.memref_slice %arg4[%scan3A_96, %dma_start3A_119] : memref<4x65536xf32, #tpu.memory_space<hbm>> -> memref<1x2048xf32, #tpu.memory_space<hbm>>
      %dma_start3A_121 = tpu.memref_squeeze %dma_start3A_120 : memref<1x2048xf32, #tpu.memory_space<hbm>> -> memref<2048xf32, #tpu.memory_space<hbm>>
      tpu.enqueue_dma source(%dma_start3A_121 : memref<2048xf32, #tpu.memory_space<hbm>>) target(%arg11 : memref<2048xf32, #tpu.memory_space<vmem>>) target_semaphore(%arg41 : memref<!tpu.dma_semaphore, #tpu.memory_space<semaphore_mem>>)
      %dma_start3A_122 = arith.constant 0 : i32
      %dma_start3A_123 = tpu.memref_slice %arg5[%scan3A_96, %dma_start3A_122] : memref<4x65536xi32, #tpu.memory_space<hbm>> -> memref<1x2048xi32, #tpu.memory_space<hbm>>
      %dma_start3A_124 = tpu.memref_squeeze %dma_start3A_123 : memref<1x2048xi32, #tpu.memory_space<hbm>> -> memref<2048xi32, #tpu.memory_space<hbm>>
      %dma_start3A_125 = arith.constant 0 : i32
      %dma_start3A_126 = tpu.memref_slice %arg5[%scan3A_96, %dma_start3A_125] : memref<4x65536xi32, #tpu.memory_space<hbm>> -> memref<1x2048xi32, #tpu.memory_space<hbm>>
      %dma_start3A_127 = tpu.memref_squeeze %dma_start3A_126 : memref<1x2048xi32, #tpu.memory_space<hbm>> -> memref<2048xi32, #tpu.memory_space<hbm>>
      tpu.enqueue_dma source(%dma_start3A_127 : memref<2048xi32, #tpu.memory_space<hbm>>) target(%arg12 : memref<2048xi32, #tpu.memory_space<vmem>>) target_semaphore(%arg41 : memref<!tpu.dma_semaphore, #tpu.memory_space<semaphore_mem>>)
      %dma_start3A_128 = arith.constant 0 : i32
      %dma_start3A_129 = tpu.memref_slice %arg6[%scan3A_96, %dma_start3A_128] : memref<4x65536xi32, #tpu.memory_space<hbm>> -> memref<1x2048xi32, #tpu.memory_space<hbm>>
      %dma_start3A_130 = tpu.memref_squeeze %dma_start3A_129 : memref<1x2048xi32, #tpu.memory_space<hbm>> -> memref<2048xi32, #tpu.memory_space<hbm>>
      %dma_start3A_131 = arith.constant 0 : i32
      %dma_start3A_132 = tpu.memref_slice %arg6[%scan3A_96, %dma_start3A_131] : memref<4x65536xi32, #tpu.memory_space<hbm>> -> memref<1x2048xi32, #tpu.memory_space<hbm>>
      %dma_start3A_133 = tpu.memref_squeeze %dma_start3A_132 : memref<1x2048xi32, #tpu.memory_space<hbm>> -> memref<2048xi32, #tpu.memory_space<hbm>>
      tpu.enqueue_dma source(%dma_start3A_133 : memref<2048xi32, #tpu.memory_space<hbm>>) target(%arg13 : memref<2048xi32, #tpu.memory_space<vmem>>) target_semaphore(%arg41 : memref<!tpu.dma_semaphore, #tpu.memory_space<semaphore_mem>>)
      %scan3A_134 = arith.constant 0 : i32
      %scan3A_135 = arith.constant 0 : i32
      %scan3A_136 = arith.constant 16 : i32
      %scan3A_137 = arith.addi %scan3A_135, %scan3A_136 : i32
      %scan3A_138 = arith.constant 1 : i32
      scf.for %scan3A_218 = %scan3A_135 to %scan3A_137 step %scan3A_138  : i32 {
        %mul3A_219 = arith.constant 2 : i32
        %mul3A_220 = arith.muli %mul3A_219, %scan3A_218 : i32
        %mul3A_221 = arith.constant 2048 : i32
        %mul3A_222 = arith.muli %mul3A_220, %mul3A_221 : i32
        %dma_wait3A = tpu.memref_slice %arg2[%scan3A_96, %mul3A_222] : memref<4x65536xf32, #tpu.memory_space<hbm>> -> memref<1x2048xf32, #tpu.memory_space<hbm>>
        %dma_wait3A_223 = tpu.memref_squeeze %dma_wait3A : memref<1x2048xf32, #tpu.memory_space<hbm>> -> memref<2048xf32, #tpu.memory_space<hbm>>
        %dma_wait3A_224 = tpu.memref_slice %arg2[%scan3A_96, %mul3A_222] : memref<4x65536xf32, #tpu.memory_space<hbm>> -> memref<1x2048xf32, #tpu.memory_space<hbm>>
        %dma_wait3A_225 = tpu.memref_squeeze %dma_wait3A_224 : memref<1x2048xf32, #tpu.memory_space<hbm>> -> memref<2048xf32, #tpu.memory_space<hbm>>
        tpu.wait_dma2 semaphore(%arg41 : memref<!tpu.dma_semaphore, #tpu.memory_space<semaphore_mem>>) src(%dma_wait3A_225 : memref<2048xf32, #tpu.memory_space<hbm>>) dst(%arg9 : memref<2048xf32, #tpu.memory_space<vmem>>)
        %dma_wait3A_226 = tpu.memref_slice %arg3[%scan3A_96, %mul3A_222] : memref<4x65536xf32, #tpu.memory_space<hbm>> -> memref<1x2048xf32, #tpu.memory_space<hbm>>
        %dma_wait3A_227 = tpu.memref_squeeze %dma_wait3A_226 : memref<1x2048xf32, #tpu.memory_space<hbm>> -> memref<2048xf32, #tpu.memory_space<hbm>>
        %dma_wait3A_228 = tpu.memref_slice %arg3[%scan3A_96, %mul3A_222] : memref<4x65536xf32, #tpu.memory_space<hbm>> -> memref<1x2048xf32, #tpu.memory_space<hbm>>
        %dma_wait3A_229 = tpu.memref_squeeze %dma_wait3A_228 : memref<1x2048xf32, #tpu.memory_space<hbm>> -> memref<2048xf32, #tpu.memory_space<hbm>>
        tpu.wait_dma2 semaphore(%arg41 : memref<!tpu.dma_semaphore, #tpu.memory_space<semaphore_mem>>) src(%dma_wait3A_229 : memref<2048xf32, #tpu.memory_space<hbm>>) dst(%arg10 : memref<2048xf32, #tpu.memory_space<vmem>>)
        %dma_wait3A_230 = tpu.memref_slice %arg4[%scan3A_96, %mul3A_222] : memref<4x65536xf32, #tpu.memory_space<hbm>> -> memref<1x2048xf32, #tpu.memory_space<hbm>>
        %dma_wait3A_231 = tpu.memref_squeeze %dma_wait3A_230 : memref<1x2048xf32, #tpu.memory_space<hbm>> -> memref<2048xf32, #tpu.memory_space<hbm>>
        %dma_wait3A_232 = tpu.memref_slice %arg4[%scan3A_96, %mul3A_222] : memref<4x65536xf32, #tpu.memory_space<hbm>> -> memref<1x2048xf32, #tpu.memory_space<hbm>>
        %dma_wait3A_233 = tpu.memref_squeeze %dma_wait3A_232 : memref<1x2048xf32, #tpu.memory_space<hbm>> -> memref<2048xf32, #tpu.memory_space<hbm>>
        tpu.wait_dma2 semaphore(%arg41 : memref<!tpu.dma_semaphore, #tpu.memory_space<semaphore_mem>>) src(%dma_wait3A_233 : memref<2048xf32, #tpu.memory_space<hbm>>) dst(%arg11 : memref<2048xf32, #tpu.memory_space<vmem>>)
        %dma_wait3A_234 = tpu.memref_slice %arg5[%scan3A_96, %mul3A_222] : memref<4x65536xi32, #tpu.memory_space<hbm>> -> memref<1x2048xi32, #tpu.memory_space<hbm>>
        %dma_wait3A_235 = tpu.memref_squeeze %dma_wait3A_234 : memref<1x2048xi32, #tpu.memory_space<hbm>> -> memref<2048xi32, #tpu.memory_space<hbm>>
        %dma_wait3A_236 = tpu.memref_slice %arg5[%scan3A_96, %mul3A_222] : memref<4x65536xi32, #tpu.memory_space<hbm>> -> memref<1x2048xi32, #tpu.memory_space<hbm>>
        %dma_wait3A_237 = tpu.memref_squeeze %dma_wait3A_236 : memref<1x2048xi32, #tpu.memory_space<hbm>> -> memref<2048xi32, #tpu.memory_space<hbm>>
        tpu.wait_dma2 semaphore(%arg41 : memref<!tpu.dma_semaphore, #tpu.memory_space<semaphore_mem>>) src(%dma_wait3A_237 : memref<2048xi32, #tpu.memory_space<hbm>>) dst(%arg12 : memref<2048xi32, #tpu.memory_space<vmem>>)
        %dma_wait3A_238 = tpu.memref_slice %arg6[%scan3A_96, %mul3A_222] : memref<4x65536xi32, #tpu.memory_space<hbm>> -> memref<1x2048xi32, #tpu.memory_space<hbm>>
        %dma_wait3A_239 = tpu.memref_squeeze %dma_wait3A_238 : memref<1x2048xi32, #tpu.memory_space<hbm>> -> memref<2048xi32, #tpu.memory_space<hbm>>
        %dma_wait3A_240 = tpu.memref_slice %arg6[%scan3A_96, %mul3A_222] : memref<4x65536xi32, #tpu.memory_space<hbm>> -> memref<1x2048xi32, #tpu.memory_space<hbm>>
        %dma_wait3A_241 = tpu.memref_squeeze %dma_wait3A_240 : memref<1x2048xi32, #tpu.memory_space<hbm>> -> memref<2048xi32, #tpu.memory_space<hbm>>
        tpu.wait_dma2 semaphore(%arg41 : memref<!tpu.dma_semaphore, #tpu.memory_space<semaphore_mem>>) src(%dma_wait3A_241 : memref<2048xi32, #tpu.memory_space<hbm>>) dst(%arg13 : memref<2048xi32, #tpu.memory_space<vmem>>)
        %mul3A_242 = arith.constant 2 : i32
        %mul3A_243 = arith.muli %mul3A_242, %scan3A_218 : i32
        %add3A_244 = arith.constant 1 : i32
        %add3A_245 = arith.addi %mul3A_243, %add3A_244 : i32
        %mul3A_246 = arith.constant 2048 : i32
        %mul3A_247 = arith.muli %add3A_245, %mul3A_246 : i32
        %dma_start3A_248 = tpu.memref_slice %arg2[%scan3A_96, %mul3A_247] : memref<4x65536xf32, #tpu.memory_space<hbm>> -> memref<1x2048xf32, #tpu.memory_space<hbm>>
        %dma_start3A_249 = tpu.memref_squeeze %dma_start3A_248 : memref<1x2048xf32, #tpu.memory_space<hbm>> -> memref<2048xf32, #tpu.memory_space<hbm>>
        %dma_start3A_250 = tpu.memref_slice %arg2[%scan3A_96, %mul3A_247] : memref<4x65536xf32, #tpu.memory_space<hbm>> -> memref<1x2048xf32, #tpu.memory_space<hbm>>
        %dma_start3A_251 = tpu.memref_squeeze %dma_start3A_250 : memref<1x2048xf32, #tpu.memory_space<hbm>> -> memref<2048xf32, #tpu.memory_space<hbm>>
        tpu.enqueue_dma source(%dma_start3A_251 : memref<2048xf32, #tpu.memory_space<hbm>>) target(%arg14 : memref<2048xf32, #tpu.memory_space<vmem>>) target_semaphore(%arg42 : memref<!tpu.dma_semaphore, #tpu.memory_space<semaphore_mem>>)
        %dma_start3A_252 = tpu.memref_slice %arg3[%scan3A_96, %mul3A_247] : memref<4x65536xf32, #tpu.memory_space<hbm>> -> memref<1x2048xf32, #tpu.memory_space<hbm>>
        %dma_start3A_253 = tpu.memref_squeeze %dma_start3A_252 : memref<1x2048xf32, #tpu.memory_space<hbm>> -> memref<2048xf32, #tpu.memory_space<hbm>>
        %dma_start3A_254 = tpu.memref_slice %arg3[%scan3A_96, %mul3A_247] : memref<4x65536xf32, #tpu.memory_space<hbm>> -> memref<1x2048xf32, #tpu.memory_space<hbm>>
        %dma_start3A_255 = tpu.memref_squeeze %dma_start3A_254 : memref<1x2048xf32, #tpu.memory_space<hbm>> -> memref<2048xf32, #tpu.memory_space<hbm>>
        tpu.enqueue_dma source(%dma_start3A_255 : memref<2048xf32, #tpu.memory_space<hbm>>) target(%arg15 : memref<2048xf32, #tpu.memory_space<vmem>>) target_semaphore(%arg42 : memref<!tpu.dma_semaphore, #tpu.memory_space<semaphore_mem>>)
        %dma_start3A_256 = tpu.memref_slice %arg4[%scan3A_96, %mul3A_247] : memref<4x65536xf32, #tpu.memory_space<hbm>> -> memref<1x2048xf32, #tpu.memory_space<hbm>>
        %dma_start3A_257 = tpu.memref_squeeze %dma_start3A_256 : memref<1x2048xf32, #tpu.memory_space<hbm>> -> memref<2048xf32, #tpu.memory_space<hbm>>
        %dma_start3A_258 = tpu.memref_slice %arg4[%scan3A_96, %mul3A_247] : memref<4x65536xf32, #tpu.memory_space<hbm>> -> memref<1x2048xf32, #tpu.memory_space<hbm>>
        %dma_start3A_259 = tpu.memref_squeeze %dma_start3A_258 : memref<1x2048xf32, #tpu.memory_space<hbm>> -> memref<2048xf32, #tpu.memory_space<hbm>>
        tpu.enqueue_dma source(%dma_start3A_259 : memref<2048xf32, #tpu.memory_space<hbm>>) target(%arg16 : memref<2048xf32, #tpu.memory_space<vmem>>) target_semaphore(%arg42 : memref<!tpu.dma_semaphore, #tpu.memory_space<semaphore_mem>>)
        %dma_start3A_260 = tpu.memref_slice %arg5[%scan3A_96, %mul3A_247] : memref<4x65536xi32, #tpu.memory_space<hbm>> -> memref<1x2048xi32, #tpu.memory_space<hbm>>
        %dma_start3A_261 = tpu.memref_squeeze %dma_start3A_260 : memref<1x2048xi32, #tpu.memory_space<hbm>> -> memref<2048xi32, #tpu.memory_space<hbm>>
        %dma_start3A_262 = tpu.memref_slice %arg5[%scan3A_96, %mul3A_247] : memref<4x65536xi32, #tpu.memory_space<hbm>> -> memref<1x2048xi32, #tpu.memory_space<hbm>>
        %dma_start3A_263 = tpu.memref_squeeze %dma_start3A_262 : memref<1x2048xi32, #tpu.memory_space<hbm>> -> memref<2048xi32, #tpu.memory_space<hbm>>
        tpu.enqueue_dma source(%dma_start3A_263 : memref<2048xi32, #tpu.memory_space<hbm>>) target(%arg17 : memref<2048xi32, #tpu.memory_space<vmem>>) target_semaphore(%arg42 : memref<!tpu.dma_semaphore, #tpu.memory_space<semaphore_mem>>)
        %dma_start3A_264 = tpu.memref_slice %arg6[%scan3A_96, %mul3A_247] : memref<4x65536xi32, #tpu.memory_space<hbm>> -> memref<1x2048xi32, #tpu.memory_space<hbm>>
        %dma_start3A_265 = tpu.memref_squeeze %dma_start3A_264 : memref<1x2048xi32, #tpu.memory_space<hbm>> -> memref<2048xi32, #tpu.memory_space<hbm>>
        %dma_start3A_266 = tpu.memref_slice %arg6[%scan3A_96, %mul3A_247] : memref<4x65536xi32, #tpu.memory_space<hbm>> -> memref<1x2048xi32, #tpu.memory_space<hbm>>
        %dma_start3A_267 = tpu.memref_squeeze %dma_start3A_266 : memref<1x2048xi32, #tpu.memory_space<hbm>> -> memref<2048xi32, #tpu.memory_space<hbm>>
        tpu.enqueue_dma source(%dma_start3A_267 : memref<2048xi32, #tpu.memory_space<hbm>>) target(%arg18 : memref<2048xi32, #tpu.memory_space<vmem>>) target_semaphore(%arg42 : memref<!tpu.dma_semaphore, #tpu.memory_space<semaphore_mem>>)
        %mul3A_268 = arith.constant 2 : i32
        %mul3A_269 = arith.muli %mul3A_268, %scan3A_218 : i32
        %scan3A_270 = arith.constant 0 : i32
        %scan3A_271 = arith.constant 0 : i32
        %scan3A_272 = arith.constant 128 : i32
        %scan3A_273 = arith.addi %scan3A_271, %scan3A_272 : i32
        %scan3A_274 = arith.constant 1 : i32
        %scan3A_275 = scf.for %scan3A_336 = %scan3A_271 to %scan3A_273 step %scan3A_274 iter_args(%scan3A_337 = %scan3A_270) -> (i32)  : i32 {
          %mul3A_338 = arith.constant 16 : i32
          %mul3A_339 = arith.muli %scan3A_336, %mul3A_338 : i32
          %get3A_340 = arith.index_cast %mul3A_339 : i32 to index
          %get3A_341 = tpu.vector_load %arg12[%get3A_340] {strides = array<i32>} : memref<2048xi32, #tpu.memory_space<vmem>>, vector<16xi32>,
          %get3A_342 = arith.index_cast %mul3A_339 : i32 to index
          %get3A_343 = tpu.vector_load %arg13[%get3A_342] {strides = array<i32>} : memref<2048xi32, #tpu.memory_space<vmem>>, vector<16xi32>,
          %get3A_344 = arith.index_cast %mul3A_339 : i32 to index
          %get3A_345 = tpu.vector_load %arg11[%get3A_344] {strides = array<i32>} : memref<2048xf32, #tpu.memory_space<vmem>>, vector<16xf32>,
          %sub3A_346 = arith.constant 2 : i32
          %sub3A_347 = arith.subi %mul3A_2, %sub3A_346 : i32
          %ge3A = vector.broadcast %sub3A_347 : i32 to vector<16xi32>
          %ge3A_348 = arith.cmpi sge, %get3A_341, %ge3A : vector<16xi32>
          %add3A_349 = arith.constant 8 : i32
          %add3A_350 = arith.addi %mul3A_2, %add3A_349 : i32
          %add3A_351 = arith.constant 1 : i32
          %add3A_352 = arith.addi %add3A_350, %add3A_351 : i32
          %le3A = vector.broadcast %add3A_352 : i32 to vector<16xi32>
          %le3A_353 = arith.cmpi sle, %get3A_341, %le3A : vector<16xi32>
          %and3A_354 = arith.andi %ge3A_348, %le3A_353 : vector<16xi1>
          %gt3A = arith.constant 0.000000e+00 : f32
          %gt3A_355 = vector.broadcast %gt3A : f32 to vector<16xf32>
          %gt3A_356 = arith.cmpf ogt, %get3A_345, %gt3A_355 : vector<16xf32>
          %and3A_357 = arith.andi %and3A_354, %gt3A_356 : vector<16xi1>
          %ge3A_358 = arith.constant -2 : i32
          %ge3A_359 = vector.broadcast %ge3A_358 : i32 to vector<16xi32>
          %ge3A_360 = arith.cmpi sge, %get3A_343, %ge3A_359 : vector<16xi32>
          %and3A_361 = arith.andi %and3A_357, %ge3A_360 : vector<16xi1>
          %le3A_362 = arith.constant 257 : i32
          %le3A_363 = vector.broadcast %le3A_362 : i32 to vector<16xi32>
          %le3A_364 = arith.cmpi sle, %get3A_343, %le3A_363 : vector<16xi32>
          %and3A_365 = arith.andi %and3A_361, %le3A_364 : vector<16xi1>
          %mul3A_366 = arith.constant 16 : i32
          %mul3A_367 = arith.muli %scan3A_336, %mul3A_366 : i32
          %add3A_368 = vector.broadcast %mul3A_367 : i32 to vector<16xi32>
          %add3A_369 = arith.addi %add3A_368, %iota3A : vector<16xi32>
          %swap3A_370 = arith.index_cast %scan3A_337 : i32 to index
          %swap3A_371 = tpu.vector_load %arg19[%swap3A_370] masked %and3A_365 {strides = array<i32>} : memref<2064xi32, #tpu.memory_space<vmem>>, vector<16xi32>, vector<16xi1>
          tpu.vector_store %arg19[%swap3A_370], %add3A_369 masked %and3A_365 {strides = array<i32>} : memref<2064xi32, #tpu.memory_space<vmem>>, vector<16xi32>, vector<16xi1>
          %all_reduce_population_count3A = tpu.all_reduce %and3A_365 {dim = 0 : i64, kind = #tpu.reduction_kind<sum>} : vector<16xi1> -> vector<16xi32>
          %slice3A = vector.extract_strided_slice %all_reduce_population_count3A {offsets = [0], sizes = [1], strides = [1]} : vector<16xi32> to vector<1xi32>
          %squeeze3A = vector.extract %slice3A[0] : i32 from vector<1xi32>
          %add3A_372 = arith.addi %scan3A_337, %squeeze3A : i32
          scf.yield %add3A_372 : i32
        }
        %scan3A_276 = arith.constant 128 : i32
        %while3A = arith.constant 0 : i32
        %while3A_277 = arith.constant 0 : i32
        %while3A_278 = arith.subi %scan3A_275, %while3A_277 : i32
        %while3A_279 = arith.addi %while3A_277, %while3A_278 : i32
        %while3A_280 = arith.constant 1 : i32
        %while3A_281 = arith.divsi %while3A_278, %while3A_280 : i32
        %while3A_282 = arith.muli %while3A_281, %while3A_280 : i32
        %while3A_283 = arith.addi %while3A_277, %while3A_282 : i32
        %while3A_284 = arith.constant 1 : i32
        scf.for %while3A_336 = %while3A_277 to %while3A_283 step %while3A_284  : i32 {
          %broadcast_in_dim3A_337 = vector.broadcast %while3A_336 : i32 to vector<16xi32>
          %gather3A = tpu.vector_load_idx %arg19[%broadcast_in_dim3A_337] : memref<2064xi32, #tpu.memory_space<vmem>>[vector<16xi32>], vector<16xi32>,
          %gather3A_338 = tpu.vector_load_idx %arg9[%gather3A] : memref<2048xf32, #tpu.memory_space<vmem>>[vector<16xi32>], vector<16xf32>,
          %gather3A_339 = tpu.vector_load_idx %arg10[%gather3A] : memref<2048xf32, #tpu.memory_space<vmem>>[vector<16xi32>], vector<16xf32>,
          %gather3A_340 = tpu.vector_load_idx %arg11[%gather3A] : memref<2048xf32, #tpu.memory_space<vmem>>[vector<16xi32>], vector<16xf32>,
          %gather3A_341 = tpu.vector_load_idx %arg12[%gather3A] : memref<2048xi32, #tpu.memory_space<vmem>>[vector<16xi32>], vector<16xi32>,
          %gather3A_342 = tpu.vector_load_idx %arg13[%gather3A] : memref<2048xi32, #tpu.memory_space<vmem>>[vector<16xi32>], vector<16xi32>,
          %mul3A_343 = arith.constant 2048 : i32
          %mul3A_344 = arith.muli %mul3A_269, %mul3A_343 : i32
          %add3A_345 = vector.broadcast %mul3A_344 : i32 to vector<16xi32>
          %add3A_346 = arith.addi %gather3A, %add3A_345 : vector<16xi32>
          %add3A_347 = arith.addi %gather3A_341, %sub3A_31 : vector<16xi32>
          %add3A_348 = arith.addi %gather3A_342, %sub3A_37 : vector<16xi32>
          %ge3A = vector.broadcast %mul3A_2 : i32 to vector<16xi32>
          %ge3A_349 = arith.cmpi sge, %add3A_347, %ge3A : vector<16xi32>
          %and3A_350 = arith.andi %lt3A_39, %ge3A_349 : vector<16xi1>
          %add3A_351 = arith.constant 8 : i32
          %add3A_352 = arith.addi %mul3A_2, %add3A_351 : i32
          %lt3A_353 = vector.broadcast %add3A_352 : i32 to vector<16xi32>
          %lt3A_354 = arith.cmpi slt, %add3A_347, %lt3A_353 : vector<16xi32>
          %and3A_355 = arith.andi %and3A_350, %lt3A_354 : vector<16xi1>
          %ge3A_356 = arith.constant 0 : i32
          %ge3A_357 = vector.broadcast %ge3A_356 : i32 to vector<16xi32>
          %ge3A_358 = arith.cmpi sge, %add3A_348, %ge3A_357 : vector<16xi32>
          %and3A_359 = arith.andi %and3A_355, %ge3A_358 : vector<16xi1>
          %lt3A_360 = arith.constant 256 : i32
          %lt3A_361 = vector.broadcast %lt3A_360 : i32 to vector<16xi32>
          %lt3A_362 = arith.cmpi slt, %add3A_348, %lt3A_361 : vector<16xi32>
          %and3A_363 = arith.andi %and3A_359, %lt3A_362 : vector<16xi1>
          %convert_element_type3A_364 = arith.sitofp %add3A_348 : vector<16xi32> to vector<16xf32>
          %add3A_365 = arith.constant 5.000000e-01 : f32
          %add3A_366 = vector.broadcast %add3A_365 : f32 to vector<16xf32>
          %add3A_367 = arith.addf %convert_element_type3A_364, %add3A_366 : vector<16xf32>
          %mul3A_368 = arith.constant 7.812500e-03 : f32
          %mul3A_369 = vector.broadcast %mul3A_368 : f32 to vector<16xf32>
          %mul3A_370 = arith.mulf %add3A_367, %mul3A_369 : vector<16xf32>
          %sub3A_371 = arith.constant 1.000000e+00 : f32
          %sub3A_372 = vector.broadcast %sub3A_371 : f32 to vector<16xf32>
          %sub3A_373 = arith.subf %sub3A_372, %mul3A_370 : vector<16xf32>
          %convert_element_type3A_374 = arith.sitofp %add3A_347 : vector<16xi32> to vector<16xf32>
          %add3A_375 = arith.constant 5.000000e-01 : f32
          %add3A_376 = vector.broadcast %add3A_375 : f32 to vector<16xf32>
          %add3A_377 = arith.addf %convert_element_type3A_374, %add3A_376 : vector<16xf32>
          %mul3A_378 = arith.constant 7.812500e-03 : f32
          %mul3A_379 = vector.broadcast %mul3A_378 : f32 to vector<16xf32>
          %mul3A_380 = arith.mulf %add3A_377, %mul3A_379 : vector<16xf32>
          %sub3A_381 = arith.constant 1.000000e+00 : f32
          %sub3A_382 = vector.broadcast %sub3A_381 : f32 to vector<16xf32>
          %sub3A_383 = arith.subf %sub3A_382, %mul3A_380 : vector<16xf32>
          %sub3A_384 = arith.subf %gather3A_338, %sub3A_373 : vector<16xf32>
          %sub3A_385 = arith.subf %gather3A_339, %sub3A_383 : vector<16xf32>
          %mul3A_386 = arith.mulf %sub3A_384, %sub3A_384 : vector<16xf32>
          %mul3A_387 = arith.mulf %sub3A_385, %sub3A_385 : vector<16xf32>
          %add3A_388 = arith.addf %mul3A_386, %mul3A_387 : vector<16xf32>
          %lt3A_389 = arith.constant 1.37329102E-4 : f32
          %lt3A_390 = vector.broadcast %lt3A_389 : f32 to vector<16xf32>
          %lt3A_391 = arith.cmpf olt, %add3A_388, %lt3A_390 : vector<16xf32>
          %and3A_392 = arith.andi %and3A_363, %lt3A_391 : vector<16xi1>
          %mul3A_393 = arith.constant 7281.77783 : f32
          %mul3A_394 = vector.broadcast %mul3A_393 : f32 to vector<16xf32>
          %mul3A_395 = arith.mulf %add3A_388, %mul3A_394 : vector<16xf32>
          %jit3A_396 = arith.constant 1.000000e-03 : f32
          %jit3A_397 = arith.constant 1.000000e+00 : f32
          %max3A = vector.broadcast %jit3A_396 : f32 to vector<16xf32>
          %max3A_398 = arith.maximumf %max3A, %mul3A_395 : vector<16xf32>
          %min3A = vector.broadcast %jit3A_397 : f32 to vector<16xf32>
          %min3A_399 = arith.minimumf %min3A, %max3A_398 : vector<16xf32>
          %bitcast3A = vector.bitcast %min3A_399 : vector<16xf32> to vector<16xi32>
          %shift_right_arithmetic3A = arith.constant 1 : i32
          %shift_right_arithmetic3A_400 = vector.broadcast %shift_right_arithmetic3A : i32 to vector<16xi32>
          %shift_right_arithmetic3A_401 = arith.shrsi %bitcast3A, %shift_right_arithmetic3A_400 : vector<16xi32>
          %add3A_402 = arith.constant 532487669 : i32
          %add3A_403 = vector.broadcast %add3A_402 : i32 to vector<16xi32>
          %add3A_404 = arith.addi %shift_right_arithmetic3A_401, %add3A_403 : vector<16xi32>
          %bitcast3A_405 = vector.bitcast %add3A_404 : vector<16xi32> to vector<16xf32>
          %div3A_406 = arith.divf %min3A_399, %bitcast3A_405 : vector<16xf32>
          %add3A_407 = arith.addf %bitcast3A_405, %div3A_406 : vector<16xf32>
          %mul3A_408 = arith.constant 5.000000e-01 : f32
          %mul3A_409 = vector.broadcast %mul3A_408 : f32 to vector<16xf32>
          %mul3A_410 = arith.mulf %mul3A_409, %add3A_407 : vector<16xf32>
          %div3A_411 = arith.divf %min3A_399, %mul3A_410 : vector<16xf32>
          %add3A_412 = arith.addf %mul3A_410, %div3A_411 : vector<16xf32>
          %mul3A_413 = arith.constant 5.000000e-01 : f32
          %mul3A_414 = vector.broadcast %mul3A_413 : f32 to vector<16xf32>
          %mul3A_415 = arith.mulf %mul3A_414, %add3A_412 : vector<16xf32>
          %sub3A_416 = arith.constant 1.000000e+00 : f32
          %sub3A_417 = vector.broadcast %sub3A_416 : f32 to vector<16xf32>
          %sub3A_418 = arith.subf %sub3A_417, %mul3A_415 : vector<16xf32>
          %mul3A_419 = arith.constant 6.553500e+04 : f32
          %mul3A_420 = vector.broadcast %mul3A_419 : f32 to vector<16xf32>
          %mul3A_421 = arith.mulf %sub3A_418, %mul3A_420 : vector<16xf32>
          %add3A_422 = arith.constant 5.000000e-01 : f32
          %add3A_423 = vector.broadcast %add3A_422 : f32 to vector<16xf32>
          %add3A_424 = arith.addf %mul3A_421, %add3A_423 : vector<16xf32>
          %convert_element_type3A_425 = arith.fptosi %add3A_424 : vector<16xf32> to vector<16xi32>
          %sub3A_426 = vector.broadcast %mul3A_2 : i32 to vector<16xi32>
          %sub3A_427 = arith.subi %add3A_347, %sub3A_426 : vector<16xi32>
          %mul3A_428 = arith.constant 256 : i32
          %mul3A_429 = vector.broadcast %mul3A_428 : i32 to vector<16xi32>
          %mul3A_430 = arith.muli %sub3A_427, %mul3A_429 : vector<16xi32>
          %add3A_431 = arith.addi %mul3A_430, %add3A_348 : vector<16xi32>
          %jit3A_432 = arith.constant 0 : i32
          %broadcast_in_dim3A_433 = vector.broadcast %jit3A_432 : i32 to vector<16xi32>
          %select_n3A_434 = arith.select %and3A_392, %add3A_431, %broadcast_in_dim3A_433 : vector<16xi1>, vector<16xi32>
          %shift_left3A = arith.constant 16 : i32
          %shift_left3A_435 = vector.broadcast %shift_left3A : i32 to vector<16xi32>
          %shift_left3A_436 = arith.shli %add3A_346, %shift_left3A_435 : vector<16xi32>
          %or3A = arith.ori %shift_left3A_436, %convert_element_type3A_425 : vector<16xi32>
          %gather3A_437 = tpu.vector_load_idx %arg20[%select_n3A_434] masked %and3A_392 : memref<2048xf32, #tpu.memory_space<vmem>>[vector<16xi32>], vector<16xf32>, vector<16xi1>
          %gather3A_438 = tpu.vector_load_idx %arg21[%select_n3A_434] masked %and3A_392 : memref<2048xf32, #tpu.memory_space<vmem>>[vector<16xi32>], vector<16xf32>, vector<16xi1>
          %gather3A_439 = tpu.vector_load_idx %arg22[%select_n3A_434] masked %and3A_392 : memref<2048xf32, #tpu.memory_space<vmem>>[vector<16xi32>], vector<16xf32>, vector<16xi1>
          %gather3A_440 = tpu.vector_load_idx %arg23[%select_n3A_434] masked %and3A_392 : memref<2048xf32, #tpu.memory_space<vmem>>[vector<16xi32>], vector<16xf32>, vector<16xi1>
          %gather3A_441 = tpu.vector_load_idx %arg24[%select_n3A_434] masked %and3A_392 : memref<2048xf32, #tpu.memory_space<vmem>>[vector<16xi32>], vector<16xf32>, vector<16xi1>
          %gather3A_442 = tpu.vector_load_idx %arg25[%select_n3A_434] masked %and3A_392 : memref<2048xf32, #tpu.memory_space<vmem>>[vector<16xi32>], vector<16xf32>, vector<16xi1>
          %gather3A_443 = tpu.vector_load_idx %arg26[%select_n3A_434] masked %and3A_392 : memref<2048xf32, #tpu.memory_space<vmem>>[vector<16xi32>], vector<16xf32>, vector<16xi1>
          %gather3A_444 = tpu.vector_load_idx %arg27[%select_n3A_434] masked %and3A_392 : memref<2048xf32, #tpu.memory_space<vmem>>[vector<16xi32>], vector<16xf32>, vector<16xi1>
          %gather3A_445 = tpu.vector_load_idx %arg28[%select_n3A_434] masked %and3A_392 : memref<2048xi32, #tpu.memory_space<vmem>>[vector<16xi32>], vector<16xi32>, vector<16xi1>
          %gather3A_446 = tpu.vector_load_idx %arg29[%select_n3A_434] masked %and3A_392 : memref<2048xi32, #tpu.memory_space<vmem>>[vector<16xi32>], vector<16xi32>, vector<16xi1>
          %gather3A_447 = tpu.vector_load_idx %arg30[%select_n3A_434] masked %and3A_392 : memref<2048xi32, #tpu.memory_space<vmem>>[vector<16xi32>], vector<16xi32>, vector<16xi1>
          %gather3A_448 = tpu.vector_load_idx %arg31[%select_n3A_434] masked %and3A_392 : memref<2048xi32, #tpu.memory_space<vmem>>[vector<16xi32>], vector<16xi32>, vector<16xi1>
          %gather3A_449 = tpu.vector_load_idx %arg32[%select_n3A_434] masked %and3A_392 : memref<2048xi32, #tpu.memory_space<vmem>>[vector<16xi32>], vector<16xi32>, vector<16xi1>
          %gather3A_450 = tpu.vector_load_idx %arg33[%select_n3A_434] masked %and3A_392 : memref<2048xi32, #tpu.memory_space<vmem>>[vector<16xi32>], vector<16xi32>, vector<16xi1>
          %gather3A_451 = tpu.vector_load_idx %arg34[%select_n3A_434] masked %and3A_392 : memref<2048xi32, #tpu.memory_space<vmem>>[vector<16xi32>], vector<16xi32>, vector<16xi1>
          %gather3A_452 = tpu.vector_load_idx %arg35[%select_n3A_434] masked %and3A_392 : memref<2048xi32, #tpu.memory_space<vmem>>[vector<16xi32>], vector<16xi32>, vector<16xi1>
          %lt3A_453 = arith.cmpf olt, %gather3A_340, %gather3A_437 : vector<16xf32>
          %and3A_454 = arith.andi %and3A_392, %lt3A_453 : vector<16xi1>
          tpu.vector_store_idx %arg20[%select_n3A_434], %gather3A_340 masked %and3A_454 : memref<2048xf32, #tpu.memory_space<vmem>>[vector<16xi32>], vector<16xf32>, vector<16xi1>
          tpu.vector_store_idx %arg28[%select_n3A_434], %or3A masked %and3A_454 : memref<2048xi32, #tpu.memory_space<vmem>>[vector<16xi32>], vector<16xi32>, vector<16xi1>
          %select_n3A_455 = arith.select %and3A_454, %gather3A_437, %gather3A_340 : vector<16xi1>, vector<16xf32>
          %select_n3A_456 = arith.select %and3A_454, %gather3A_445, %or3A : vector<16xi1>, vector<16xi32>
          %lt3A_457 = arith.cmpf olt, %select_n3A_455, %gather3A_438 : vector<16xf32>
          %and3A_458 = arith.andi %and3A_392, %lt3A_457 : vector<16xi1>
          tpu.vector_store_idx %arg21[%select_n3A_434], %select_n3A_455 masked %and3A_458 : memref<2048xf32, #tpu.memory_space<vmem>>[vector<16xi32>], vector<16xf32>, vector<16xi1>
          tpu.vector_store_idx %arg29[%select_n3A_434], %select_n3A_456 masked %and3A_458 : memref<2048xi32, #tpu.memory_space<vmem>>[vector<16xi32>], vector<16xi32>, vector<16xi1>
          %select_n3A_459 = arith.select %and3A_458, %gather3A_438, %select_n3A_455 : vector<16xi1>, vector<16xf32>
          %select_n3A_460 = arith.select %and3A_458, %gather3A_446, %select_n3A_456 : vector<16xi1>, vector<16xi32>
          %lt3A_461 = arith.cmpf olt, %select_n3A_459, %gather3A_439 : vector<16xf32>
          %and3A_462 = arith.andi %and3A_392, %lt3A_461 : vector<16xi1>
          tpu.vector_store_idx %arg22[%select_n3A_434], %select_n3A_459 masked %and3A_462 : memref<2048xf32, #tpu.memory_space<vmem>>[vector<16xi32>], vector<16xf32>, vector<16xi1>
          tpu.vector_store_idx %arg30[%select_n3A_434], %select_n3A_460 masked %and3A_462 : memref<2048xi32, #tpu.memory_space<vmem>>[vector<16xi32>], vector<16xi32>, vector<16xi1>
          %select_n3A_463 = arith.select %and3A_462, %gather3A_439, %select_n3A_459 : vector<16xi1>, vector<16xf32>
          %select_n3A_464 = arith.select %and3A_462, %gather3A_447, %select_n3A_460 : vector<16xi1>, vector<16xi32>
          %lt3A_465 = arith.cmpf olt, %select_n3A_463, %gather3A_440 : vector<16xf32>
          %and3A_466 = arith.andi %and3A_392, %lt3A_465 : vector<16xi1>
          tpu.vector_store_idx %arg23[%select_n3A_434], %select_n3A_463 masked %and3A_466 : memref<2048xf32, #tpu.memory_space<vmem>>[vector<16xi32>], vector<16xf32>, vector<16xi1>
          tpu.vector_store_idx %arg31[%select_n3A_434], %select_n3A_464 masked %and3A_466 : memref<2048xi32, #tpu.memory_space<vmem>>[vector<16xi32>], vector<16xi32>, vector<16xi1>
          %select_n3A_467 = arith.select %and3A_466, %gather3A_440, %select_n3A_463 : vector<16xi1>, vector<16xf32>
          %select_n3A_468 = arith.select %and3A_466, %gather3A_448, %select_n3A_464 : vector<16xi1>, vector<16xi32>
          %lt3A_469 = arith.cmpf olt, %select_n3A_467, %gather3A_441 : vector<16xf32>
          %and3A_470 = arith.andi %and3A_392, %lt3A_469 : vector<16xi1>
          tpu.vector_store_idx %arg24[%select_n3A_434], %select_n3A_467 masked %and3A_470 : memref<2048xf32, #tpu.memory_space<vmem>>[vector<16xi32>], vector<16xf32>, vector<16xi1>
          tpu.vector_store_idx %arg32[%select_n3A_434], %select_n3A_468 masked %and3A_470 : memref<2048xi32, #tpu.memory_space<vmem>>[vector<16xi32>], vector<16xi32>, vector<16xi1>
          %select_n3A_471 = arith.select %and3A_470, %gather3A_441, %select_n3A_467 : vector<16xi1>, vector<16xf32>
          %select_n3A_472 = arith.select %and3A_470, %gather3A_449, %select_n3A_468 : vector<16xi1>, vector<16xi32>
          %lt3A_473 = arith.cmpf olt, %select_n3A_471, %gather3A_442 : vector<16xf32>
          %and3A_474 = arith.andi %and3A_392, %lt3A_473 : vector<16xi1>
          tpu.vector_store_idx %arg25[%select_n3A_434], %select_n3A_471 masked %and3A_474 : memref<2048xf32, #tpu.memory_space<vmem>>[vector<16xi32>], vector<16xf32>, vector<16xi1>
          tpu.vector_store_idx %arg33[%select_n3A_434], %select_n3A_472 masked %and3A_474 : memref<2048xi32, #tpu.memory_space<vmem>>[vector<16xi32>], vector<16xi32>, vector<16xi1>
          %select_n3A_475 = arith.select %and3A_474, %gather3A_442, %select_n3A_471 : vector<16xi1>, vector<16xf32>
          %select_n3A_476 = arith.select %and3A_474, %gather3A_450, %select_n3A_472 : vector<16xi1>, vector<16xi32>
          %lt3A_477 = arith.cmpf olt, %select_n3A_475, %gather3A_443 : vector<16xf32>
          %and3A_478 = arith.andi %and3A_392, %lt3A_477 : vector<16xi1>
          tpu.vector_store_idx %arg26[%select_n3A_434], %select_n3A_475 masked %and3A_478 : memref<2048xf32, #tpu.memory_space<vmem>>[vector<16xi32>], vector<16xf32>, vector<16xi1>
          tpu.vector_store_idx %arg34[%select_n3A_434], %select_n3A_476 masked %and3A_478 : memref<2048xi32, #tpu.memory_space<vmem>>[vector<16xi32>], vector<16xi32>, vector<16xi1>
          %select_n3A_479 = arith.select %and3A_478, %gather3A_443, %select_n3A_475 : vector<16xi1>, vector<16xf32>
          %select_n3A_480 = arith.select %and3A_478, %gather3A_451, %select_n3A_476 : vector<16xi1>, vector<16xi32>
          %lt3A_481 = arith.cmpf olt, %select_n3A_479, %gather3A_444 : vector<16xf32>
          %and3A_482 = arith.andi %and3A_392, %lt3A_481 : vector<16xi1>
          tpu.vector_store_idx %arg27[%select_n3A_434], %select_n3A_479 masked %and3A_482 : memref<2048xf32, #tpu.memory_space<vmem>>[vector<16xi32>], vector<16xf32>, vector<16xi1>
          tpu.vector_store_idx %arg35[%select_n3A_434], %select_n3A_480 masked %and3A_482 : memref<2048xi32, #tpu.memory_space<vmem>>[vector<16xi32>], vector<16xi32>, vector<16xi1>
          %select_n3A_483 = arith.select %and3A_482, %gather3A_444, %select_n3A_479 : vector<16xi1>, vector<16xf32>
          %select_n3A_484 = arith.select %and3A_482, %gather3A_452, %select_n3A_480 : vector<16xi1>, vector<16xi32>
          %add3A_485 = arith.addi %gather3A_341, %sub3A_76 : vector<16xi32>
          %add3A_486 = arith.addi %gather3A_342, %sub3A_82 : vector<16xi32>
          %ge3A_487 = vector.broadcast %mul3A_2 : i32 to vector<16xi32>
          %ge3A_488 = arith.cmpi sge, %add3A_485, %ge3A_487 : vector<16xi32>
          %and3A_489 = arith.andi %lt3A_85, %ge3A_488 : vector<16xi1>
          %add3A_490 = arith.constant 8 : i32
          %add3A_491 = arith.addi %mul3A_2, %add3A_490 : i32
          %lt3A_492 = vector.broadcast %add3A_491 : i32 to vector<16xi32>
          %lt3A_493 = arith.cmpi slt, %add3A_485, %lt3A_492 : vector<16xi32>
          %and3A_494 = arith.andi %and3A_489, %lt3A_493 : vector<16xi1>
          %ge3A_495 = arith.constant 0 : i32
          %ge3A_496 = vector.broadcast %ge3A_495 : i32 to vector<16xi32>
          %ge3A_497 = arith.cmpi sge, %add3A_486, %ge3A_496 : vector<16xi32>
          %and3A_498 = arith.andi %and3A_494, %ge3A_497 : vector<16xi1>
          %lt3A_499 = arith.constant 256 : i32
          %lt3A_500 = vector.broadcast %lt3A_499 : i32 to vector<16xi32>
          %lt3A_501 = arith.cmpi slt, %add3A_486, %lt3A_500 : vector<16xi32>
          %and3A_502 = arith.andi %and3A_498, %lt3A_501 : vector<16xi1>
          %convert_element_type3A_503 = arith.sitofp %add3A_486 : vector<16xi32> to vector<16xf32>
          %add3A_504 = arith.constant 5.000000e-01 : f32
          %add3A_505 = vector.broadcast %add3A_504 : f32 to vector<16xf32>
          %add3A_506 = arith.addf %convert_element_type3A_503, %add3A_505 : vector<16xf32>
          %mul3A_507 = arith.constant 7.812500e-03 : f32
          %mul3A_508 = vector.broadcast %mul3A_507 : f32 to vector<16xf32>
          %mul3A_509 = arith.mulf %add3A_506, %mul3A_508 : vector<16xf32>
          %sub3A_510 = arith.constant 1.000000e+00 : f32
          %sub3A_511 = vector.broadcast %sub3A_510 : f32 to vector<16xf32>
          %sub3A_512 = arith.subf %sub3A_511, %mul3A_509 : vector<16xf32>
          %convert_element_type3A_513 = arith.sitofp %add3A_485 : vector<16xi32> to vector<16xf32>
          %add3A_514 = arith.constant 5.000000e-01 : f32
          %add3A_515 = vector.broadcast %add3A_514 : f32 to vector<16xf32>
          %add3A_516 = arith.addf %convert_element_type3A_513, %add3A_515 : vector<16xf32>
          %mul3A_517 = arith.constant 7.812500e-03 : f32
          %mul3A_518 = vector.broadcast %mul3A_517 : f32 to vector<16xf32>
          %mul3A_519 = arith.mulf %add3A_516, %mul3A_518 : vector<16xf32>
          %sub3A_520 = arith.constant 1.000000e+00 : f32
          %sub3A_521 = vector.broadcast %sub3A_520 : f32 to vector<16xf32>
          %sub3A_522 = arith.subf %sub3A_521, %mul3A_519 : vector<16xf32>
          %sub3A_523 = arith.subf %gather3A_338, %sub3A_512 : vector<16xf32>
          %sub3A_524 = arith.subf %gather3A_339, %sub3A_522 : vector<16xf32>
          %mul3A_525 = arith.mulf %sub3A_523, %sub3A_523 : vector<16xf32>
          %mul3A_526 = arith.mulf %sub3A_524, %sub3A_524 : vector<16xf32>
          %add3A_527 = arith.addf %mul3A_525, %mul3A_526 : vector<16xf32>
          %lt3A_528 = arith.constant 1.37329102E-4 : f32
          %lt3A_529 = vector.broadcast %lt3A_528 : f32 to vector<16xf32>
          %lt3A_530 = arith.cmpf olt, %add3A_527, %lt3A_529 : vector<16xf32>
          %and3A_531 = arith.andi %and3A_502, %lt3A_530 : vector<16xi1>
          %mul3A_532 = arith.constant 7281.77783 : f32
          %mul3A_533 = vector.broadcast %mul3A_532 : f32 to vector<16xf32>
          %mul3A_534 = arith.mulf %add3A_527, %mul3A_533 : vector<16xf32>
          %jit3A_535 = arith.constant 1.000000e-03 : f32
          %jit3A_536 = arith.constant 1.000000e+00 : f32
          %max3A_537 = vector.broadcast %jit3A_535 : f32 to vector<16xf32>
          %max3A_538 = arith.maximumf %max3A_537, %mul3A_534 : vector<16xf32>
          %min3A_539 = vector.broadcast %jit3A_536 : f32 to vector<16xf32>
          %min3A_540 = arith.minimumf %min3A_539, %max3A_538 : vector<16xf32>
          %bitcast3A_541 = vector.bitcast %min3A_540 : vector<16xf32> to vector<16xi32>
          %shift_right_arithmetic3A_542 = arith.constant 1 : i32
          %shift_right_arithmetic3A_543 = vector.broadcast %shift_right_arithmetic3A_542 : i32 to vector<16xi32>
          %shift_right_arithmetic3A_544 = arith.shrsi %bitcast3A_541, %shift_right_arithmetic3A_543 : vector<16xi32>
          %add3A_545 = arith.constant 532487669 : i32
          %add3A_546 = vector.broadcast %add3A_545 : i32 to vector<16xi32>
          %add3A_547 = arith.addi %shift_right_arithmetic3A_544, %add3A_546 : vector<16xi32>
          %bitcast3A_548 = vector.bitcast %add3A_547 : vector<16xi32> to vector<16xf32>
          %div3A_549 = arith.divf %min3A_540, %bitcast3A_548 : vector<16xf32>
          %add3A_550 = arith.addf %bitcast3A_548, %div3A_549 : vector<16xf32>
          %mul3A_551 = arith.constant 5.000000e-01 : f32
          %mul3A_552 = vector.broadcast %mul3A_551 : f32 to vector<16xf32>
          %mul3A_553 = arith.mulf %mul3A_552, %add3A_550 : vector<16xf32>
          %div3A_554 = arith.divf %min3A_540, %mul3A_553 : vector<16xf32>
          %add3A_555 = arith.addf %mul3A_553, %div3A_554 : vector<16xf32>
          %mul3A_556 = arith.constant 5.000000e-01 : f32
          %mul3A_557 = vector.broadcast %mul3A_556 : f32 to vector<16xf32>
          %mul3A_558 = arith.mulf %mul3A_557, %add3A_555 : vector<16xf32>
          %sub3A_559 = arith.constant 1.000000e+00 : f32
          %sub3A_560 = vector.broadcast %sub3A_559 : f32 to vector<16xf32>
          %sub3A_561 = arith.subf %sub3A_560, %mul3A_558 : vector<16xf32>
          %mul3A_562 = arith.constant 6.553500e+04 : f32
          %mul3A_563 = vector.broadcast %mul3A_562 : f32 to vector<16xf32>
          %mul3A_564 = arith.mulf %sub3A_561, %mul3A_563 : vector<16xf32>
          %add3A_565 = arith.constant 5.000000e-01 : f32
          %add3A_566 = vector.broadcast %add3A_565 : f32 to vector<16xf32>
          %add3A_567 = arith.addf %mul3A_564, %add3A_566 : vector<16xf32>
          %convert_element_type3A_568 = arith.fptosi %add3A_567 : vector<16xf32> to vector<16xi32>
          %sub3A_569 = vector.broadcast %mul3A_2 : i32 to vector<16xi32>
          %sub3A_570 = arith.subi %add3A_485, %sub3A_569 : vector<16xi32>
          %mul3A_571 = arith.constant 256 : i32
          %mul3A_572 = vector.broadcast %mul3A_571 : i32 to vector<16xi32>
          %mul3A_573 = arith.muli %sub3A_570, %mul3A_572 : vector<16xi32>
          %add3A_574 = arith.addi %mul3A_573, %add3A_486 : vector<16xi32>
          %jit3A_575 = arith.constant 0 : i32
          %broadcast_in_dim3A_576 = vector.broadcast %jit3A_575 : i32 to vector<16xi32>
          %select_n3A_577 = arith.select %and3A_531, %add3A_574, %broadcast_in_dim3A_576 : vector<16xi1>, vector<16xi32>
          %shift_left3A_578 = arith.constant 16 : i32
          %shift_left3A_579 = vector.broadcast %shift_left3A_578 : i32 to vector<16xi32>
          %shift_left3A_580 = arith.shli %add3A_346, %shift_left3A_579 : vector<16xi32>
          %or3A_581 = arith.ori %shift_left3A_580, %convert_element_type3A_568 : vector<16xi32>
          %gather3A_582 = tpu.vector_load_idx %arg20[%select_n3A_577] masked %and3A_531 : memref<2048xf32, #tpu.memory_space<vmem>>[vector<16xi32>], vector<16xf32>, vector<16xi1>
          %gather3A_583 = tpu.vector_load_idx %arg21[%select_n3A_577] masked %and3A_531 : memref<2048xf32, #tpu.memory_space<vmem>>[vector<16xi32>], vector<16xf32>, vector<16xi1>
          %gather3A_584 = tpu.vector_load_idx %arg22[%select_n3A_577] masked %and3A_531 : memref<2048xf32, #tpu.memory_space<vmem>>[vector<16xi32>], vector<16xf32>, vector<16xi1>
          %gather3A_585 = tpu.vector_load_idx %arg23[%select_n3A_577] masked %and3A_531 : memref<2048xf32, #tpu.memory_space<vmem>>[vector<16xi32>], vector<16xf32>, vector<16xi1>
          %gather3A_586 = tpu.vector_load_idx %arg24[%select_n3A_577] masked %and3A_531 : memref<2048xf32, #tpu.memory_space<vmem>>[vector<16xi32>], vector<16xf32>, vector<16xi1>
          %gather3A_587 = tpu.vector_load_idx %arg25[%select_n3A_577] masked %and3A_531 : memref<2048xf32, #tpu.memory_space<vmem>>[vector<16xi32>], vector<16xf32>, vector<16xi1>
          %gather3A_588 = tpu.vector_load_idx %arg26[%select_n3A_577] masked %and3A_531 : memref<2048xf32, #tpu.memory_space<vmem>>[vector<16xi32>], vector<16xf32>, vector<16xi1>
          %gather3A_589 = tpu.vector_load_idx %arg27[%select_n3A_577] masked %and3A_531 : memref<2048xf32, #tpu.memory_space<vmem>>[vector<16xi32>], vector<16xf32>, vector<16xi1>
          %gather3A_590 = tpu.vector_load_idx %arg28[%select_n3A_577] masked %and3A_531 : memref<2048xi32, #tpu.memory_space<vmem>>[vector<16xi32>], vector<16xi32>, vector<16xi1>
          %gather3A_591 = tpu.vector_load_idx %arg29[%select_n3A_577] masked %and3A_531 : memref<2048xi32, #tpu.memory_space<vmem>>[vector<16xi32>], vector<16xi32>, vector<16xi1>
          %gather3A_592 = tpu.vector_load_idx %arg30[%select_n3A_577] masked %and3A_531 : memref<2048xi32, #tpu.memory_space<vmem>>[vector<16xi32>], vector<16xi32>, vector<16xi1>
          %gather3A_593 = tpu.vector_load_idx %arg31[%select_n3A_577] masked %and3A_531 : memref<2048xi32, #tpu.memory_space<vmem>>[vector<16xi32>], vector<16xi32>, vector<16xi1>
          %gather3A_594 = tpu.vector_load_idx %arg32[%select_n3A_577] masked %and3A_531 : memref<2048xi32, #tpu.memory_space<vmem>>[vector<16xi32>], vector<16xi32>, vector<16xi1>
          %gather3A_595 = tpu.vector_load_idx %arg33[%select_n3A_577] masked %and3A_531 : memref<2048xi32, #tpu.memory_space<vmem>>[vector<16xi32>], vector<16xi32>, vector<16xi1>
          %gather3A_596 = tpu.vector_load_idx %arg34[%select_n3A_577] masked %and3A_531 : memref<2048xi32, #tpu.memory_space<vmem>>[vector<16xi32>], vector<16xi32>, vector<16xi1>
          %gather3A_597 = tpu.vector_load_idx %arg35[%select_n3A_577] masked %and3A_531 : memref<2048xi32, #tpu.memory_space<vmem>>[vector<16xi32>], vector<16xi32>, vector<16xi1>
          %lt3A_598 = arith.cmpf olt, %gather3A_340, %gather3A_582 : vector<16xf32>
          %and3A_599 = arith.andi %and3A_531, %lt3A_598 : vector<16xi1>
          tpu.vector_store_idx %arg20[%select_n3A_577], %gather3A_340 masked %and3A_599 : memref<2048xf32, #tpu.memory_space<vmem>>[vector<16xi32>], vector<16xf32>, vector<16xi1>
          tpu.vector_store_idx %arg28[%select_n3A_577], %or3A_581 masked %and3A_599 : memref<2048xi32, #tpu.memory_space<vmem>>[vector<16xi32>], vector<16xi32>, vector<16xi1>
          %select_n3A_600 = arith.select %and3A_599, %gather3A_582, %gather3A_340 : vector<16xi1>, vector<16xf32>
          %select_n3A_601 = arith.select %and3A_599, %gather3A_590, %or3A_581 : vector<16xi1>, vector<16xi32>
          %lt3A_602 = arith.cmpf olt, %select_n3A_600, %gather3A_583 : vector<16xf32>
          %and3A_603 = arith.andi %and3A_531, %lt3A_602 : vector<16xi1>
          tpu.vector_store_idx %arg21[%select_n3A_577], %select_n3A_600 masked %and3A_603 : memref<2048xf32, #tpu.memory_space<vmem>>[vector<16xi32>], vector<16xf32>, vector<16xi1>
          tpu.vector_store_idx %arg29[%select_n3A_577], %select_n3A_601 masked %and3A_603 : memref<2048xi32, #tpu.memory_space<vmem>>[vector<16xi32>], vector<16xi32>, vector<16xi1>
          %select_n3A_604 = arith.select %and3A_603, %gather3A_583, %select_n3A_600 : vector<16xi1>, vector<16xf32>
          %select_n3A_605 = arith.select %and3A_603, %gather3A_591, %select_n3A_601 : vector<16xi1>, vector<16xi32>
          %lt3A_606 = arith.cmpf olt, %select_n3A_604, %gather3A_584 : vector<16xf32>
          %and3A_607 = arith.andi %and3A_531, %lt3A_606 : vector<16xi1>
          tpu.vector_store_idx %arg22[%select_n3A_577], %select_n3A_604 masked %and3A_607 : memref<2048xf32, #tpu.memory_space<vmem>>[vector<16xi32>], vector<16xf32>, vector<16xi1>
          tpu.vector_store_idx %arg30[%select_n3A_577], %select_n3A_605 masked %and3A_607 : memref<2048xi32, #tpu.memory_space<vmem>>[vector<16xi32>], vector<16xi32>, vector<16xi1>
          %select_n3A_608 = arith.select %and3A_607, %gather3A_584, %select_n3A_604 : vector<16xi1>, vector<16xf32>
          %select_n3A_609 = arith.select %and3A_607, %gather3A_592, %select_n3A_605 : vector<16xi1>, vector<16xi32>
          %lt3A_610 = arith.cmpf olt, %select_n3A_608, %gather3A_585 : vector<16xf32>
          %and3A_611 = arith.andi %and3A_531, %lt3A_610 : vector<16xi1>
          tpu.vector_store_idx %arg23[%select_n3A_577], %select_n3A_608 masked %and3A_611 : memref<2048xf32, #tpu.memory_space<vmem>>[vector<16xi32>], vector<16xf32>, vector<16xi1>
          tpu.vector_store_idx %arg31[%select_n3A_577], %select_n3A_609 masked %and3A_611 : memref<2048xi32, #tpu.memory_space<vmem>>[vector<16xi32>], vector<16xi32>, vector<16xi1>
          %select_n3A_612 = arith.select %and3A_611, %gather3A_585, %select_n3A_608 : vector<16xi1>, vector<16xf32>
          %select_n3A_613 = arith.select %and3A_611, %gather3A_593, %select_n3A_609 : vector<16xi1>, vector<16xi32>
          %lt3A_614 = arith.cmpf olt, %select_n3A_612, %gather3A_586 : vector<16xf32>
          %and3A_615 = arith.andi %and3A_531, %lt3A_614 : vector<16xi1>
          tpu.vector_store_idx %arg24[%select_n3A_577], %select_n3A_612 masked %and3A_615 : memref<2048xf32, #tpu.memory_space<vmem>>[vector<16xi32>], vector<16xf32>, vector<16xi1>
          tpu.vector_store_idx %arg32[%select_n3A_577], %select_n3A_613 masked %and3A_615 : memref<2048xi32, #tpu.memory_space<vmem>>[vector<16xi32>], vector<16xi32>, vector<16xi1>
          %select_n3A_616 = arith.select %and3A_615, %gather3A_586, %select_n3A_612 : vector<16xi1>, vector<16xf32>
          %select_n3A_617 = arith.select %and3A_615, %gather3A_594, %select_n3A_613 : vector<16xi1>, vector<16xi32>
          %lt3A_618 = arith.cmpf olt, %select_n3A_616, %gather3A_587 : vector<16xf32>
          %and3A_619 = arith.andi %and3A_531, %lt3A_618 : vector<16xi1>
          tpu.vector_store_idx %arg25[%select_n3A_577], %select_n3A_616 masked %and3A_619 : memref<2048xf32, #tpu.memory_space<vmem>>[vector<16xi32>], vector<16xf32>, vector<16xi1>
          tpu.vector_store_idx %arg33[%select_n3A_577], %select_n3A_617 masked %and3A_619 : memref<2048xi32, #tpu.memory_space<vmem>>[vector<16xi32>], vector<16xi32>, vector<16xi1>
          %select_n3A_620 = arith.select %and3A_619, %gather3A_587, %select_n3A_616 : vector<16xi1>, vector<16xf32>
          %select_n3A_621 = arith.select %and3A_619, %gather3A_595, %select_n3A_617 : vector<16xi1>, vector<16xi32>
          %lt3A_622 = arith.cmpf olt, %select_n3A_620, %gather3A_588 : vector<16xf32>
          %and3A_623 = arith.andi %and3A_531, %lt3A_622 : vector<16xi1>
          tpu.vector_store_idx %arg26[%select_n3A_577], %select_n3A_620 masked %and3A_623 : memref<2048xf32, #tpu.memory_space<vmem>>[vector<16xi32>], vector<16xf32>, vector<16xi1>
          tpu.vector_store_idx %arg34[%select_n3A_577], %select_n3A_621 masked %and3A_623 : memref<2048xi32, #tpu.memory_space<vmem>>[vector<16xi32>], vector<16xi32>, vector<16xi1>
          %select_n3A_624 = arith.select %and3A_623, %gather3A_588, %select_n3A_620 : vector<16xi1>, vector<16xf32>
          %select_n3A_625 = arith.select %and3A_623, %gather3A_596, %select_n3A_621 : vector<16xi1>, vector<16xi32>
          %lt3A_626 = arith.cmpf olt, %select_n3A_624, %gather3A_589 : vector<16xf32>
          %and3A_627 = arith.andi %and3A_531, %lt3A_626 : vector<16xi1>
          tpu.vector_store_idx %arg27[%select_n3A_577], %select_n3A_624 masked %and3A_627 : memref<2048xf32, #tpu.memory_space<vmem>>[vector<16xi32>], vector<16xf32>, vector<16xi1>
          tpu.vector_store_idx %arg35[%select_n3A_577], %select_n3A_625 masked %and3A_627 : memref<2048xi32, #tpu.memory_space<vmem>>[vector<16xi32>], vector<16xi32>, vector<16xi1>
          %select_n3A_628 = arith.select %and3A_627, %gather3A_589, %select_n3A_624 : vector<16xi1>, vector<16xf32>
          %select_n3A_629 = arith.select %and3A_627, %gather3A_597, %select_n3A_625 : vector<16xi1>, vector<16xi32>
        }
        %while3A_285 = arith.constant 1 : i32
        scf.for %while3A_336 = %while3A_283 to %while3A_279 step %while3A_285  : i32 {
          %broadcast_in_dim3A_337 = vector.broadcast %while3A_336 : i32 to vector<16xi32>
          %gather3A = tpu.vector_load_idx %arg19[%broadcast_in_dim3A_337] : memref<2064xi32, #tpu.memory_space<vmem>>[vector<16xi32>], vector<16xi32>,
          %gather3A_338 = tpu.vector_load_idx %arg9[%gather3A] : memref<2048xf32, #tpu.memory_space<vmem>>[vector<16xi32>], vector<16xf32>,
          %gather3A_339 = tpu.vector_load_idx %arg10[%gather3A] : memref<2048xf32, #tpu.memory_space<vmem>>[vector<16xi32>], vector<16xf32>,
          %gather3A_340 = tpu.vector_load_idx %arg11[%gather3A] : memref<2048xf32, #tpu.memory_space<vmem>>[vector<16xi32>], vector<16xf32>,
          %gather3A_341 = tpu.vector_load_idx %arg12[%gather3A] : memref<2048xi32, #tpu.memory_space<vmem>>[vector<16xi32>], vector<16xi32>,
          %gather3A_342 = tpu.vector_load_idx %arg13[%gather3A] : memref<2048xi32, #tpu.memory_space<vmem>>[vector<16xi32>], vector<16xi32>,
          %mul3A_343 = arith.constant 2048 : i32
          %mul3A_344 = arith.muli %mul3A_269, %mul3A_343 : i32
          %add3A_345 = vector.broadcast %mul3A_344 : i32 to vector<16xi32>
          %add3A_346 = arith.addi %gather3A, %add3A_345 : vector<16xi32>
          %add3A_347 = arith.addi %gather3A_341, %sub3A_31 : vector<16xi32>
          %add3A_348 = arith.addi %gather3A_342, %sub3A_37 : vector<16xi32>
          %ge3A = vector.broadcast %mul3A_2 : i32 to vector<16xi32>
          %ge3A_349 = arith.cmpi sge, %add3A_347, %ge3A : vector<16xi32>
          %and3A_350 = arith.andi %lt3A_39, %ge3A_349 : vector<16xi1>
          %add3A_351 = arith.constant 8 : i32
          %add3A_352 = arith.addi %mul3A_2, %add3A_351 : i32
          %lt3A_353 = vector.broadcast %add3A_352 : i32 to vector<16xi32>
          %lt3A_354 = arith.cmpi slt, %add3A_347, %lt3A_353 : vector<16xi32>
          %and3A_355 = arith.andi %and3A_350, %lt3A_354 : vector<16xi1>
          %ge3A_356 = arith.constant 0 : i32
          %ge3A_357 = vector.broadcast %ge3A_356 : i32 to vector<16xi32>
          %ge3A_358 = arith.cmpi sge, %add3A_348, %ge3A_357 : vector<16xi32>
          %and3A_359 = arith.andi %and3A_355, %ge3A_358 : vector<16xi1>
          %lt3A_360 = arith.constant 256 : i32
          %lt3A_361 = vector.broadcast %lt3A_360 : i32 to vector<16xi32>
          %lt3A_362 = arith.cmpi slt, %add3A_348, %lt3A_361 : vector<16xi32>
          %and3A_363 = arith.andi %and3A_359, %lt3A_362 : vector<16xi1>
          %convert_element_type3A_364 = arith.sitofp %add3A_348 : vector<16xi32> to vector<16xf32>
          %add3A_365 = arith.constant 5.000000e-01 : f32
          %add3A_366 = vector.broadcast %add3A_365 : f32 to vector<16xf32>
          %add3A_367 = arith.addf %convert_element_type3A_364, %add3A_366 : vector<16xf32>
          %mul3A_368 = arith.constant 7.812500e-03 : f32
          %mul3A_369 = vector.broadcast %mul3A_368 : f32 to vector<16xf32>
          %mul3A_370 = arith.mulf %add3A_367, %mul3A_369 : vector<16xf32>
          %sub3A_371 = arith.constant 1.000000e+00 : f32
          %sub3A_372 = vector.broadcast %sub3A_371 : f32 to vector<16xf32>
          %sub3A_373 = arith.subf %sub3A_372, %mul3A_370 : vector<16xf32>
          %convert_element_type3A_374 = arith.sitofp %add3A_347 : vector<16xi32> to vector<16xf32>
          %add3A_375 = arith.constant 5.000000e-01 : f32
          %add3A_376 = vector.broadcast %add3A_375 : f32 to vector<16xf32>
          %add3A_377 = arith.addf %convert_element_type3A_374, %add3A_376 : vector<16xf32>
          %mul3A_378 = arith.constant 7.812500e-03 : f32
          %mul3A_379 = vector.broadcast %mul3A_378 : f32 to vector<16xf32>
          %mul3A_380 = arith.mulf %add3A_377, %mul3A_379 : vector<16xf32>
          %sub3A_381 = arith.constant 1.000000e+00 : f32
          %sub3A_382 = vector.broadcast %sub3A_381 : f32 to vector<16xf32>
          %sub3A_383 = arith.subf %sub3A_382, %mul3A_380 : vector<16xf32>
          %sub3A_384 = arith.subf %gather3A_338, %sub3A_373 : vector<16xf32>
          %sub3A_385 = arith.subf %gather3A_339, %sub3A_383 : vector<16xf32>
          %mul3A_386 = arith.mulf %sub3A_384, %sub3A_384 : vector<16xf32>
          %mul3A_387 = arith.mulf %sub3A_385, %sub3A_385 : vector<16xf32>
          %add3A_388 = arith.addf %mul3A_386, %mul3A_387 : vector<16xf32>
          %lt3A_389 = arith.constant 1.37329102E-4 : f32
          %lt3A_390 = vector.broadcast %lt3A_389 : f32 to vector<16xf32>
          %lt3A_391 = arith.cmpf olt, %add3A_388, %lt3A_390 : vector<16xf32>
          %and3A_392 = arith.andi %and3A_363, %lt3A_391 : vector<16xi1>
          %mul3A_393 = arith.constant 7281.77783 : f32
          %mul3A_394 = vector.broadcast %mul3A_393 : f32 to vector<16xf32>
          %mul3A_395 = arith.mulf %add3A_388, %mul3A_394 : vector<16xf32>
          %jit3A_396 = arith.constant 1.000000e-03 : f32
          %jit3A_397 = arith.constant 1.000000e+00 : f32
          %max3A = vector.broadcast %jit3A_396 : f32 to vector<16xf32>
          %max3A_398 = arith.maximumf %max3A, %mul3A_395 : vector<16xf32>
          %min3A = vector.broadcast %jit3A_397 : f32 to vector<16xf32>
          %min3A_399 = arith.minimumf %min3A, %max3A_398 : vector<16xf32>
          %bitcast3A = vector.bitcast %min3A_399 : vector<16xf32> to vector<16xi32>
          %shift_right_arithmetic3A = arith.constant 1 : i32
          %shift_right_arithmetic3A_400 = vector.broadcast %shift_right_arithmetic3A : i32 to vector<16xi32>
          %shift_right_arithmetic3A_401 = arith.shrsi %bitcast3A, %shift_right_arithmetic3A_400 : vector<16xi32>
          %add3A_402 = arith.constant 532487669 : i32
          %add3A_403 = vector.broadcast %add3A_402 : i32 to vector<16xi32>
          %add3A_404 = arith.addi %shift_right_arithmetic3A_401, %add3A_403 : vector<16xi32>
          %bitcast3A_405 = vector.bitcast %add3A_404 : vector<16xi32> to vector<16xf32>
          %div3A_406 = arith.divf %min3A_399, %bitcast3A_405 : vector<16xf32>
          %add3A_407 = arith.addf %bitcast3A_405, %div3A_406 : vector<16xf32>
          %mul3A_408 = arith.constant 5.000000e-01 : f32
          %mul3A_409 = vector.broadcast %mul3A_408 : f32 to vector<16xf32>
          %mul3A_410 = arith.mulf %mul3A_409, %add3A_407 : vector<16xf32>
          %div3A_411 = arith.divf %min3A_399, %mul3A_410 : vector<16xf32>
          %add3A_412 = arith.addf %mul3A_410, %div3A_411 : vector<16xf32>
          %mul3A_413 = arith.constant 5.000000e-01 : f32
          %mul3A_414 = vector.broadcast %mul3A_413 : f32 to vector<16xf32>
          %mul3A_415 = arith.mulf %mul3A_414, %add3A_412 : vector<16xf32>
          %sub3A_416 = arith.constant 1.000000e+00 : f32
          %sub3A_417 = vector.broadcast %sub3A_416 : f32 to vector<16xf32>
          %sub3A_418 = arith.subf %sub3A_417, %mul3A_415 : vector<16xf32>
          %mul3A_419 = arith.constant 6.553500e+04 : f32
          %mul3A_420 = vector.broadcast %mul3A_419 : f32 to vector<16xf32>
          %mul3A_421 = arith.mulf %sub3A_418, %mul3A_420 : vector<16xf32>
          %add3A_422 = arith.constant 5.000000e-01 : f32
          %add3A_423 = vector.broadcast %add3A_422 : f32 to vector<16xf32>
          %add3A_424 = arith.addf %mul3A_421, %add3A_423 : vector<16xf32>
          %convert_element_type3A_425 = arith.fptosi %add3A_424 : vector<16xf32> to vector<16xi32>
          %sub3A_426 = vector.broadcast %mul3A_2 : i32 to vector<16xi32>
          %sub3A_427 = arith.subi %add3A_347, %sub3A_426 : vector<16xi32>
          %mul3A_428 = arith.constant 256 : i32
          %mul3A_429 = vector.broadcast %mul3A_428 : i32 to vector<16xi32>
          %mul3A_430 = arith.muli %sub3A_427, %mul3A_429 : vector<16xi32>
          %add3A_431 = arith.addi %mul3A_430, %add3A_348 : vector<16xi32>
          %jit3A_432 = arith.constant 0 : i32
          %broadcast_in_dim3A_433 = vector.broadcast %jit3A_432 : i32 to vector<16xi32>
          %select_n3A_434 = arith.select %and3A_392, %add3A_431, %broadcast_in_dim3A_433 : vector<16xi1>, vector<16xi32>
          %shift_left3A = arith.constant 16 : i32
          %shift_left3A_435 = vector.broadcast %shift_left3A : i32 to vector<16xi32>
          %shift_left3A_436 = arith.shli %add3A_346, %shift_left3A_435 : vector<16xi32>
          %or3A = arith.ori %shift_left3A_436, %convert_element_type3A_425 : vector<16xi32>
          %gather3A_437 = tpu.vector_load_idx %arg20[%select_n3A_434] masked %and3A_392 : memref<2048xf32, #tpu.memory_space<vmem>>[vector<16xi32>], vector<16xf32>, vector<16xi1>
          %gather3A_438 = tpu.vector_load_idx %arg21[%select_n3A_434] masked %and3A_392 : memref<2048xf32, #tpu.memory_space<vmem>>[vector<16xi32>], vector<16xf32>, vector<16xi1>
          %gather3A_439 = tpu.vector_load_idx %arg22[%select_n3A_434] masked %and3A_392 : memref<2048xf32, #tpu.memory_space<vmem>>[vector<16xi32>], vector<16xf32>, vector<16xi1>
          %gather3A_440 = tpu.vector_load_idx %arg23[%select_n3A_434] masked %and3A_392 : memref<2048xf32, #tpu.memory_space<vmem>>[vector<16xi32>], vector<16xf32>, vector<16xi1>
          %gather3A_441 = tpu.vector_load_idx %arg24[%select_n3A_434] masked %and3A_392 : memref<2048xf32, #tpu.memory_space<vmem>>[vector<16xi32>], vector<16xf32>, vector<16xi1>
          %gather3A_442 = tpu.vector_load_idx %arg25[%select_n3A_434] masked %and3A_392 : memref<2048xf32, #tpu.memory_space<vmem>>[vector<16xi32>], vector<16xf32>, vector<16xi1>
          %gather3A_443 = tpu.vector_load_idx %arg26[%select_n3A_434] masked %and3A_392 : memref<2048xf32, #tpu.memory_space<vmem>>[vector<16xi32>], vector<16xf32>, vector<16xi1>
          %gather3A_444 = tpu.vector_load_idx %arg27[%select_n3A_434] masked %and3A_392 : memref<2048xf32, #tpu.memory_space<vmem>>[vector<16xi32>], vector<16xf32>, vector<16xi1>
          %gather3A_445 = tpu.vector_load_idx %arg28[%select_n3A_434] masked %and3A_392 : memref<2048xi32, #tpu.memory_space<vmem>>[vector<16xi32>], vector<16xi32>, vector<16xi1>
          %gather3A_446 = tpu.vector_load_idx %arg29[%select_n3A_434] masked %and3A_392 : memref<2048xi32, #tpu.memory_space<vmem>>[vector<16xi32>], vector<16xi32>, vector<16xi1>
          %gather3A_447 = tpu.vector_load_idx %arg30[%select_n3A_434] masked %and3A_392 : memref<2048xi32, #tpu.memory_space<vmem>>[vector<16xi32>], vector<16xi32>, vector<16xi1>
          %gather3A_448 = tpu.vector_load_idx %arg31[%select_n3A_434] masked %and3A_392 : memref<2048xi32, #tpu.memory_space<vmem>>[vector<16xi32>], vector<16xi32>, vector<16xi1>
          %gather3A_449 = tpu.vector_load_idx %arg32[%select_n3A_434] masked %and3A_392 : memref<2048xi32, #tpu.memory_space<vmem>>[vector<16xi32>], vector<16xi32>, vector<16xi1>
          %gather3A_450 = tpu.vector_load_idx %arg33[%select_n3A_434] masked %and3A_392 : memref<2048xi32, #tpu.memory_space<vmem>>[vector<16xi32>], vector<16xi32>, vector<16xi1>
          %gather3A_451 = tpu.vector_load_idx %arg34[%select_n3A_434] masked %and3A_392 : memref<2048xi32, #tpu.memory_space<vmem>>[vector<16xi32>], vector<16xi32>, vector<16xi1>
          %gather3A_452 = tpu.vector_load_idx %arg35[%select_n3A_434] masked %and3A_392 : memref<2048xi32, #tpu.memory_space<vmem>>[vector<16xi32>], vector<16xi32>, vector<16xi1>
          %lt3A_453 = arith.cmpf olt, %gather3A_340, %gather3A_437 : vector<16xf32>
          %and3A_454 = arith.andi %and3A_392, %lt3A_453 : vector<16xi1>
          tpu.vector_store_idx %arg20[%select_n3A_434], %gather3A_340 masked %and3A_454 : memref<2048xf32, #tpu.memory_space<vmem>>[vector<16xi32>], vector<16xf32>, vector<16xi1>
          tpu.vector_store_idx %arg28[%select_n3A_434], %or3A masked %and3A_454 : memref<2048xi32, #tpu.memory_space<vmem>>[vector<16xi32>], vector<16xi32>, vector<16xi1>
          %select_n3A_455 = arith.select %and3A_454, %gather3A_437, %gather3A_340 : vector<16xi1>, vector<16xf32>
          %select_n3A_456 = arith.select %and3A_454, %gather3A_445, %or3A : vector<16xi1>, vector<16xi32>
          %lt3A_457 = arith.cmpf olt, %select_n3A_455, %gather3A_438 : vector<16xf32>
          %and3A_458 = arith.andi %and3A_392, %lt3A_457 : vector<16xi1>
          tpu.vector_store_idx %arg21[%select_n3A_434], %select_n3A_455 masked %and3A_458 : memref<2048xf32, #tpu.memory_space<vmem>>[vector<16xi32>], vector<16xf32>, vector<16xi1>
          tpu.vector_store_idx %arg29[%select_n3A_434], %select_n3A_456 masked %and3A_458 : memref<2048xi32, #tpu.memory_space<vmem>>[vector<16xi32>], vector<16xi32>, vector<16xi1>
          %select_n3A_459 = arith.select %and3A_458, %gather3A_438, %select_n3A_455 : vector<16xi1>, vector<16xf32>
          %select_n3A_460 = arith.select %and3A_458, %gather3A_446, %select_n3A_456 : vector<16xi1>, vector<16xi32>
          %lt3A_461 = arith.cmpf olt, %select_n3A_459, %gather3A_439 : vector<16xf32>
          %and3A_462 = arith.andi %and3A_392, %lt3A_461 : vector<16xi1>
          tpu.vector_store_idx %arg22[%select_n3A_434], %select_n3A_459 masked %and3A_462 : memref<2048xf32, #tpu.memory_space<vmem>>[vector<16xi32>], vector<16xf32>, vector<16xi1>
          tpu.vector_store_idx %arg30[%select_n3A_434], %select_n3A_460 masked %and3A_462 : memref<2048xi32, #tpu.memory_space<vmem>>[vector<16xi32>], vector<16xi32>, vector<16xi1>
          %select_n3A_463 = arith.select %and3A_462, %gather3A_439, %select_n3A_459 : vector<16xi1>, vector<16xf32>
          %select_n3A_464 = arith.select %and3A_462, %gather3A_447, %select_n3A_460 : vector<16xi1>, vector<16xi32>
          %lt3A_465 = arith.cmpf olt, %select_n3A_463, %gather3A_440 : vector<16xf32>
          %and3A_466 = arith.andi %and3A_392, %lt3A_465 : vector<16xi1>
          tpu.vector_store_idx %arg23[%select_n3A_434], %select_n3A_463 masked %and3A_466 : memref<2048xf32, #tpu.memory_space<vmem>>[vector<16xi32>], vector<16xf32>, vector<16xi1>
          tpu.vector_store_idx %arg31[%select_n3A_434], %select_n3A_464 masked %and3A_466 : memref<2048xi32, #tpu.memory_space<vmem>>[vector<16xi32>], vector<16xi32>, vector<16xi1>
          %select_n3A_467 = arith.select %and3A_466, %gather3A_440, %select_n3A_463 : vector<16xi1>, vector<16xf32>
          %select_n3A_468 = arith.select %and3A_466, %gather3A_448, %select_n3A_464 : vector<16xi1>, vector<16xi32>
          %lt3A_469 = arith.cmpf olt, %select_n3A_467, %gather3A_441 : vector<16xf32>
          %and3A_470 = arith.andi %and3A_392, %lt3A_469 : vector<16xi1>
          tpu.vector_store_idx %arg24[%select_n3A_434], %select_n3A_467 masked %and3A_470 : memref<2048xf32, #tpu.memory_space<vmem>>[vector<16xi32>], vector<16xf32>, vector<16xi1>
          tpu.vector_store_idx %arg32[%select_n3A_434], %select_n3A_468 masked %and3A_470 : memref<2048xi32, #tpu.memory_space<vmem>>[vector<16xi32>], vector<16xi32>, vector<16xi1>
          %select_n3A_471 = arith.select %and3A_470, %gather3A_441, %select_n3A_467 : vector<16xi1>, vector<16xf32>
          %select_n3A_472 = arith.select %and3A_470, %gather3A_449, %select_n3A_468 : vector<16xi1>, vector<16xi32>
          %lt3A_473 = arith.cmpf olt, %select_n3A_471, %gather3A_442 : vector<16xf32>
          %and3A_474 = arith.andi %and3A_392, %lt3A_473 : vector<16xi1>
          tpu.vector_store_idx %arg25[%select_n3A_434], %select_n3A_471 masked %and3A_474 : memref<2048xf32, #tpu.memory_space<vmem>>[vector<16xi32>], vector<16xf32>, vector<16xi1>
          tpu.vector_store_idx %arg33[%select_n3A_434], %select_n3A_472 masked %and3A_474 : memref<2048xi32, #tpu.memory_space<vmem>>[vector<16xi32>], vector<16xi32>, vector<16xi1>
          %select_n3A_475 = arith.select %and3A_474, %gather3A_442, %select_n3A_471 : vector<16xi1>, vector<16xf32>
          %select_n3A_476 = arith.select %and3A_474, %gather3A_450, %select_n3A_472 : vector<16xi1>, vector<16xi32>
          %lt3A_477 = arith.cmpf olt, %select_n3A_475, %gather3A_443 : vector<16xf32>
          %and3A_478 = arith.andi %and3A_392, %lt3A_477 : vector<16xi1>
          tpu.vector_store_idx %arg26[%select_n3A_434], %select_n3A_475 masked %and3A_478 : memref<2048xf32, #tpu.memory_space<vmem>>[vector<16xi32>], vector<16xf32>, vector<16xi1>
          tpu.vector_store_idx %arg34[%select_n3A_434], %select_n3A_476 masked %and3A_478 : memref<2048xi32, #tpu.memory_space<vmem>>[vector<16xi32>], vector<16xi32>, vector<16xi1>
          %select_n3A_479 = arith.select %and3A_478, %gather3A_443, %select_n3A_475 : vector<16xi1>, vector<16xf32>
          %select_n3A_480 = arith.select %and3A_478, %gather3A_451, %select_n3A_476 : vector<16xi1>, vector<16xi32>
          %lt3A_481 = arith.cmpf olt, %select_n3A_479, %gather3A_444 : vector<16xf32>
          %and3A_482 = arith.andi %and3A_392, %lt3A_481 : vector<16xi1>
          tpu.vector_store_idx %arg27[%select_n3A_434], %select_n3A_479 masked %and3A_482 : memref<2048xf32, #tpu.memory_space<vmem>>[vector<16xi32>], vector<16xf32>, vector<16xi1>
          tpu.vector_store_idx %arg35[%select_n3A_434], %select_n3A_480 masked %and3A_482 : memref<2048xi32, #tpu.memory_space<vmem>>[vector<16xi32>], vector<16xi32>, vector<16xi1>
          %select_n3A_483 = arith.select %and3A_482, %gather3A_444, %select_n3A_479 : vector<16xi1>, vector<16xf32>
          %select_n3A_484 = arith.select %and3A_482, %gather3A_452, %select_n3A_480 : vector<16xi1>, vector<16xi32>
          %add3A_485 = arith.addi %gather3A_341, %sub3A_76 : vector<16xi32>
          %add3A_486 = arith.addi %gather3A_342, %sub3A_82 : vector<16xi32>
          %ge3A_487 = vector.broadcast %mul3A_2 : i32 to vector<16xi32>
          %ge3A_488 = arith.cmpi sge, %add3A_485, %ge3A_487 : vector<16xi32>
          %and3A_489 = arith.andi %lt3A_85, %ge3A_488 : vector<16xi1>
          %add3A_490 = arith.constant 8 : i32
          %add3A_491 = arith.addi %mul3A_2, %add3A_490 : i32
          %lt3A_492 = vector.broadcast %add3A_491 : i32 to vector<16xi32>
          %lt3A_493 = arith.cmpi slt, %add3A_485, %lt3A_492 : vector<16xi32>
          %and3A_494 = arith.andi %and3A_489, %lt3A_493 : vector<16xi1>
          %ge3A_495 = arith.constant 0 : i32
          %ge3A_496 = vector.broadcast %ge3A_495 : i32 to vector<16xi32>
          %ge3A_497 = arith.cmpi sge, %add3A_486, %ge3A_496 : vector<16xi32>
          %and3A_498 = arith.andi %and3A_494, %ge3A_497 : vector<16xi1>
          %lt3A_499 = arith.constant 256 : i32
          %lt3A_500 = vector.broadcast %lt3A_499 : i32 to vector<16xi32>
          %lt3A_501 = arith.cmpi slt, %add3A_486, %lt3A_500 : vector<16xi32>
          %and3A_502 = arith.andi %and3A_498, %lt3A_501 : vector<16xi1>
          %convert_element_type3A_503 = arith.sitofp %add3A_486 : vector<16xi32> to vector<16xf32>
          %add3A_504 = arith.constant 5.000000e-01 : f32
          %add3A_505 = vector.broadcast %add3A_504 : f32 to vector<16xf32>
          %add3A_506 = arith.addf %convert_element_type3A_503, %add3A_505 : vector<16xf32>
          %mul3A_507 = arith.constant 7.812500e-03 : f32
          %mul3A_508 = vector.broadcast %mul3A_507 : f32 to vector<16xf32>
          %mul3A_509 = arith.mulf %add3A_506, %mul3A_508 : vector<16xf32>
          %sub3A_510 = arith.constant 1.000000e+00 : f32
          %sub3A_511 = vector.broadcast %sub3A_510 : f32 to vector<16xf32>
          %sub3A_512 = arith.subf %sub3A_511, %mul3A_509 : vector<16xf32>
          %convert_element_type3A_513 = arith.sitofp %add3A_485 : vector<16xi32> to vector<16xf32>
          %add3A_514 = arith.constant 5.000000e-01 : f32
          %add3A_515 = vector.broadcast %add3A_514 : f32 to vector<16xf32>
          %add3A_516 = arith.addf %convert_element_type3A_513, %add3A_515 : vector<16xf32>
          %mul3A_517 = arith.constant 7.812500e-03 : f32
          %mul3A_518 = vector.broadcast %mul3A_517 : f32 to vector<16xf32>
          %mul3A_519 = arith.mulf %add3A_516, %mul3A_518 : vector<16xf32>
          %sub3A_520 = arith.constant 1.000000e+00 : f32
          %sub3A_521 = vector.broadcast %sub3A_520 : f32 to vector<16xf32>
          %sub3A_522 = arith.subf %sub3A_521, %mul3A_519 : vector<16xf32>
          %sub3A_523 = arith.subf %gather3A_338, %sub3A_512 : vector<16xf32>
          %sub3A_524 = arith.subf %gather3A_339, %sub3A_522 : vector<16xf32>
          %mul3A_525 = arith.mulf %sub3A_523, %sub3A_523 : vector<16xf32>
          %mul3A_526 = arith.mulf %sub3A_524, %sub3A_524 : vector<16xf32>
          %add3A_527 = arith.addf %mul3A_525, %mul3A_526 : vector<16xf32>
          %lt3A_528 = arith.constant 1.37329102E-4 : f32
          %lt3A_529 = vector.broadcast %lt3A_528 : f32 to vector<16xf32>
          %lt3A_530 = arith.cmpf olt, %add3A_527, %lt3A_529 : vector<16xf32>
          %and3A_531 = arith.andi %and3A_502, %lt3A_530 : vector<16xi1>
          %mul3A_532 = arith.constant 7281.77783 : f32
          %mul3A_533 = vector.broadcast %mul3A_532 : f32 to vector<16xf32>
          %mul3A_534 = arith.mulf %add3A_527, %mul3A_533 : vector<16xf32>
          %jit3A_535 = arith.constant 1.000000e-03 : f32
          %jit3A_536 = arith.constant 1.000000e+00 : f32
          %max3A_537 = vector.broadcast %jit3A_535 : f32 to vector<16xf32>
          %max3A_538 = arith.maximumf %max3A_537, %mul3A_534 : vector<16xf32>
          %min3A_539 = vector.broadcast %jit3A_536 : f32 to vector<16xf32>
          %min3A_540 = arith.minimumf %min3A_539, %max3A_538 : vector<16xf32>
          %bitcast3A_541 = vector.bitcast %min3A_540 : vector<16xf32> to vector<16xi32>
          %shift_right_arithmetic3A_542 = arith.constant 1 : i32
          %shift_right_arithmetic3A_543 = vector.broadcast %shift_right_arithmetic3A_542 : i32 to vector<16xi32>
          %shift_right_arithmetic3A_544 = arith.shrsi %bitcast3A_541, %shift_right_arithmetic3A_543 : vector<16xi32>
          %add3A_545 = arith.constant 532487669 : i32
          %add3A_546 = vector.broadcast %add3A_545 : i32 to vector<16xi32>
          %add3A_547 = arith.addi %shift_right_arithmetic3A_544, %add3A_546 : vector<16xi32>
          %bitcast3A_548 = vector.bitcast %add3A_547 : vector<16xi32> to vector<16xf32>
          %div3A_549 = arith.divf %min3A_540, %bitcast3A_548 : vector<16xf32>
          %add3A_550 = arith.addf %bitcast3A_548, %div3A_549 : vector<16xf32>
          %mul3A_551 = arith.constant 5.000000e-01 : f32
          %mul3A_552 = vector.broadcast %mul3A_551 : f32 to vector<16xf32>
          %mul3A_553 = arith.mulf %mul3A_552, %add3A_550 : vector<16xf32>
          %div3A_554 = arith.divf %min3A_540, %mul3A_553 : vector<16xf32>
          %add3A_555 = arith.addf %mul3A_553, %div3A_554 : vector<16xf32>
          %mul3A_556 = arith.constant 5.000000e-01 : f32
          %mul3A_557 = vector.broadcast %mul3A_556 : f32 to vector<16xf32>
          %mul3A_558 = arith.mulf %mul3A_557, %add3A_555 : vector<16xf32>
          %sub3A_559 = arith.constant 1.000000e+00 : f32
          %sub3A_560 = vector.broadcast %sub3A_559 : f32 to vector<16xf32>
          %sub3A_561 = arith.subf %sub3A_560, %mul3A_558 : vector<16xf32>
          %mul3A_562 = arith.constant 6.553500e+04 : f32
          %mul3A_563 = vector.broadcast %mul3A_562 : f32 to vector<16xf32>
          %mul3A_564 = arith.mulf %sub3A_561, %mul3A_563 : vector<16xf32>
          %add3A_565 = arith.constant 5.000000e-01 : f32
          %add3A_566 = vector.broadcast %add3A_565 : f32 to vector<16xf32>
          %add3A_567 = arith.addf %mul3A_564, %add3A_566 : vector<16xf32>
          %convert_element_type3A_568 = arith.fptosi %add3A_567 : vector<16xf32> to vector<16xi32>
          %sub3A_569 = vector.broadcast %mul3A_2 : i32 to vector<16xi32>
          %sub3A_570 = arith.subi %add3A_485, %sub3A_569 : vector<16xi32>
          %mul3A_571 = arith.constant 256 : i32
          %mul3A_572 = vector.broadcast %mul3A_571 : i32 to vector<16xi32>
          %mul3A_573 = arith.muli %sub3A_570, %mul3A_572 : vector<16xi32>
          %add3A_574 = arith.addi %mul3A_573, %add3A_486 : vector<16xi32>
          %jit3A_575 = arith.constant 0 : i32
          %broadcast_in_dim3A_576 = vector.broadcast %jit3A_575 : i32 to vector<16xi32>
          %select_n3A_577 = arith.select %and3A_531, %add3A_574, %broadcast_in_dim3A_576 : vector<16xi1>, vector<16xi32>
          %shift_left3A_578 = arith.constant 16 : i32
          %shift_left3A_579 = vector.broadcast %shift_left3A_578 : i32 to vector<16xi32>
          %shift_left3A_580 = arith.shli %add3A_346, %shift_left3A_579 : vector<16xi32>
          %or3A_581 = arith.ori %shift_left3A_580, %convert_element_type3A_568 : vector<16xi32>
          %gather3A_582 = tpu.vector_load_idx %arg20[%select_n3A_577] masked %and3A_531 : memref<2048xf32, #tpu.memory_space<vmem>>[vector<16xi32>], vector<16xf32>, vector<16xi1>
          %gather3A_583 = tpu.vector_load_idx %arg21[%select_n3A_577] masked %and3A_531 : memref<2048xf32, #tpu.memory_space<vmem>>[vector<16xi32>], vector<16xf32>, vector<16xi1>
          %gather3A_584 = tpu.vector_load_idx %arg22[%select_n3A_577] masked %and3A_531 : memref<2048xf32, #tpu.memory_space<vmem>>[vector<16xi32>], vector<16xf32>, vector<16xi1>
          %gather3A_585 = tpu.vector_load_idx %arg23[%select_n3A_577] masked %and3A_531 : memref<2048xf32, #tpu.memory_space<vmem>>[vector<16xi32>], vector<16xf32>, vector<16xi1>
          %gather3A_586 = tpu.vector_load_idx %arg24[%select_n3A_577] masked %and3A_531 : memref<2048xf32, #tpu.memory_space<vmem>>[vector<16xi32>], vector<16xf32>, vector<16xi1>
          %gather3A_587 = tpu.vector_load_idx %arg25[%select_n3A_577] masked %and3A_531 : memref<2048xf32, #tpu.memory_space<vmem>>[vector<16xi32>], vector<16xf32>, vector<16xi1>
          %gather3A_588 = tpu.vector_load_idx %arg26[%select_n3A_577] masked %and3A_531 : memref<2048xf32, #tpu.memory_space<vmem>>[vector<16xi32>], vector<16xf32>, vector<16xi1>
          %gather3A_589 = tpu.vector_load_idx %arg27[%select_n3A_577] masked %and3A_531 : memref<2048xf32, #tpu.memory_space<vmem>>[vector<16xi32>], vector<16xf32>, vector<16xi1>
          %gather3A_590 = tpu.vector_load_idx %arg28[%select_n3A_577] masked %and3A_531 : memref<2048xi32, #tpu.memory_space<vmem>>[vector<16xi32>], vector<16xi32>, vector<16xi1>
          %gather3A_591 = tpu.vector_load_idx %arg29[%select_n3A_577] masked %and3A_531 : memref<2048xi32, #tpu.memory_space<vmem>>[vector<16xi32>], vector<16xi32>, vector<16xi1>
          %gather3A_592 = tpu.vector_load_idx %arg30[%select_n3A_577] masked %and3A_531 : memref<2048xi32, #tpu.memory_space<vmem>>[vector<16xi32>], vector<16xi32>, vector<16xi1>
          %gather3A_593 = tpu.vector_load_idx %arg31[%select_n3A_577] masked %and3A_531 : memref<2048xi32, #tpu.memory_space<vmem>>[vector<16xi32>], vector<16xi32>, vector<16xi1>
          %gather3A_594 = tpu.vector_load_idx %arg32[%select_n3A_577] masked %and3A_531 : memref<2048xi32, #tpu.memory_space<vmem>>[vector<16xi32>], vector<16xi32>, vector<16xi1>
          %gather3A_595 = tpu.vector_load_idx %arg33[%select_n3A_577] masked %and3A_531 : memref<2048xi32, #tpu.memory_space<vmem>>[vector<16xi32>], vector<16xi32>, vector<16xi1>
          %gather3A_596 = tpu.vector_load_idx %arg34[%select_n3A_577] masked %and3A_531 : memref<2048xi32, #tpu.memory_space<vmem>>[vector<16xi32>], vector<16xi32>, vector<16xi1>
          %gather3A_597 = tpu.vector_load_idx %arg35[%select_n3A_577] masked %and3A_531 : memref<2048xi32, #tpu.memory_space<vmem>>[vector<16xi32>], vector<16xi32>, vector<16xi1>
          %lt3A_598 = arith.cmpf olt, %gather3A_340, %gather3A_582 : vector<16xf32>
          %and3A_599 = arith.andi %and3A_531, %lt3A_598 : vector<16xi1>
          tpu.vector_store_idx %arg20[%select_n3A_577], %gather3A_340 masked %and3A_599 : memref<2048xf32, #tpu.memory_space<vmem>>[vector<16xi32>], vector<16xf32>, vector<16xi1>
          tpu.vector_store_idx %arg28[%select_n3A_577], %or3A_581 masked %and3A_599 : memref<2048xi32, #tpu.memory_space<vmem>>[vector<16xi32>], vector<16xi32>, vector<16xi1>
          %select_n3A_600 = arith.select %and3A_599, %gather3A_582, %gather3A_340 : vector<16xi1>, vector<16xf32>
          %select_n3A_601 = arith.select %and3A_599, %gather3A_590, %or3A_581 : vector<16xi1>, vector<16xi32>
          %lt3A_602 = arith.cmpf olt, %select_n3A_600, %gather3A_583 : vector<16xf32>
          %and3A_603 = arith.andi %and3A_531, %lt3A_602 : vector<16xi1>
          tpu.vector_store_idx %arg21[%select_n3A_577], %select_n3A_600 masked %and3A_603 : memref<2048xf32, #tpu.memory_space<vmem>>[vector<16xi32>], vector<16xf32>, vector<16xi1>
          tpu.vector_store_idx %arg29[%select_n3A_577], %select_n3A_601 masked %and3A_603 : memref<2048xi32, #tpu.memory_space<vmem>>[vector<16xi32>], vector<16xi32>, vector<16xi1>
          %select_n3A_604 = arith.select %and3A_603, %gather3A_583, %select_n3A_600 : vector<16xi1>, vector<16xf32>
          %select_n3A_605 = arith.select %and3A_603, %gather3A_591, %select_n3A_601 : vector<16xi1>, vector<16xi32>
          %lt3A_606 = arith.cmpf olt, %select_n3A_604, %gather3A_584 : vector<16xf32>
          %and3A_607 = arith.andi %and3A_531, %lt3A_606 : vector<16xi1>
          tpu.vector_store_idx %arg22[%select_n3A_577], %select_n3A_604 masked %and3A_607 : memref<2048xf32, #tpu.memory_space<vmem>>[vector<16xi32>], vector<16xf32>, vector<16xi1>
          tpu.vector_store_idx %arg30[%select_n3A_577], %select_n3A_605 masked %and3A_607 : memref<2048xi32, #tpu.memory_space<vmem>>[vector<16xi32>], vector<16xi32>, vector<16xi1>
          %select_n3A_608 = arith.select %and3A_607, %gather3A_584, %select_n3A_604 : vector<16xi1>, vector<16xf32>
          %select_n3A_609 = arith.select %and3A_607, %gather3A_592, %select_n3A_605 : vector<16xi1>, vector<16xi32>
          %lt3A_610 = arith.cmpf olt, %select_n3A_608, %gather3A_585 : vector<16xf32>
          %and3A_611 = arith.andi %and3A_531, %lt3A_610 : vector<16xi1>
          tpu.vector_store_idx %arg23[%select_n3A_577], %select_n3A_608 masked %and3A_611 : memref<2048xf32, #tpu.memory_space<vmem>>[vector<16xi32>], vector<16xf32>, vector<16xi1>
          tpu.vector_store_idx %arg31[%select_n3A_577], %select_n3A_609 masked %and3A_611 : memref<2048xi32, #tpu.memory_space<vmem>>[vector<16xi32>], vector<16xi32>, vector<16xi1>
          %select_n3A_612 = arith.select %and3A_611, %gather3A_585, %select_n3A_608 : vector<16xi1>, vector<16xf32>
          %select_n3A_613 = arith.select %and3A_611, %gather3A_593, %select_n3A_609 : vector<16xi1>, vector<16xi32>
          %lt3A_614 = arith.cmpf olt, %select_n3A_612, %gather3A_586 : vector<16xf32>
          %and3A_615 = arith.andi %and3A_531, %lt3A_614 : vector<16xi1>
          tpu.vector_store_idx %arg24[%select_n3A_577], %select_n3A_612 masked %and3A_615 : memref<2048xf32, #tpu.memory_space<vmem>>[vector<16xi32>], vector<16xf32>, vector<16xi1>
          tpu.vector_store_idx %arg32[%select_n3A_577], %select_n3A_613 masked %and3A_615 : memref<2048xi32, #tpu.memory_space<vmem>>[vector<16xi32>], vector<16xi32>, vector<16xi1>
          %select_n3A_616 = arith.select %and3A_615, %gather3A_586, %select_n3A_612 : vector<16xi1>, vector<16xf32>
          %select_n3A_617 = arith.select %and3A_615, %gather3A_594, %select_n3A_613 : vector<16xi1>, vector<16xi32>
          %lt3A_618 = arith.cmpf olt, %select_n3A_616, %gather3A_587 : vector<16xf32>
          %and3A_619 = arith.andi %and3A_531, %lt3A_618 : vector<16xi1>
          tpu.vector_store_idx %arg25[%select_n3A_577], %select_n3A_616 masked %and3A_619 : memref<2048xf32, #tpu.memory_space<vmem>>[vector<16xi32>], vector<16xf32>, vector<16xi1>
          tpu.vector_store_idx %arg33[%select_n3A_577], %select_n3A_617 masked %and3A_619 : memref<2048xi32, #tpu.memory_space<vmem>>[vector<16xi32>], vector<16xi32>, vector<16xi1>
          %select_n3A_620 = arith.select %and3A_619, %gather3A_587, %select_n3A_616 : vector<16xi1>, vector<16xf32>
          %select_n3A_621 = arith.select %and3A_619, %gather3A_595, %select_n3A_617 : vector<16xi1>, vector<16xi32>
          %lt3A_622 = arith.cmpf olt, %select_n3A_620, %gather3A_588 : vector<16xf32>
          %and3A_623 = arith.andi %and3A_531, %lt3A_622 : vector<16xi1>
          tpu.vector_store_idx %arg26[%select_n3A_577], %select_n3A_620 masked %and3A_623 : memref<2048xf32, #tpu.memory_space<vmem>>[vector<16xi32>], vector<16xf32>, vector<16xi1>
          tpu.vector_store_idx %arg34[%select_n3A_577], %select_n3A_621 masked %and3A_623 : memref<2048xi32, #tpu.memory_space<vmem>>[vector<16xi32>], vector<16xi32>, vector<16xi1>
          %select_n3A_624 = arith.select %and3A_623, %gather3A_588, %select_n3A_620 : vector<16xi1>, vector<16xf32>
          %select_n3A_625 = arith.select %and3A_623, %gather3A_596, %select_n3A_621 : vector<16xi1>, vector<16xi32>
          %lt3A_626 = arith.cmpf olt, %select_n3A_624, %gather3A_589 : vector<16xf32>
          %and3A_627 = arith.andi %and3A_531, %lt3A_626 : vector<16xi1>
          tpu.vector_store_idx %arg27[%select_n3A_577], %select_n3A_624 masked %and3A_627 : memref<2048xf32, #tpu.memory_space<vmem>>[vector<16xi32>], vector<16xf32>, vector<16xi1>
          tpu.vector_store_idx %arg35[%select_n3A_577], %select_n3A_625 masked %and3A_627 : memref<2048xi32, #tpu.memory_space<vmem>>[vector<16xi32>], vector<16xi32>, vector<16xi1>
          %select_n3A_628 = arith.select %and3A_627, %gather3A_589, %select_n3A_624 : vector<16xi1>, vector<16xf32>
          %select_n3A_629 = arith.select %and3A_627, %gather3A_597, %select_n3A_625 : vector<16xi1>, vector<16xi32>
        }
        %mul3A_286 = arith.constant 2 : i32
        %mul3A_287 = arith.muli %mul3A_286, %scan3A_218 : i32
        %add3A_288 = arith.constant 1 : i32
        %add3A_289 = arith.addi %mul3A_287, %add3A_288 : i32
        %mul3A_290 = arith.constant 2048 : i32
        %mul3A_291 = arith.muli %add3A_289, %mul3A_290 : i32
        %dma_wait3A_292 = tpu.memref_slice %arg2[%scan3A_96, %mul3A_291] : memref<4x65536xf32, #tpu.memory_space<hbm>> -> memref<1x2048xf32, #tpu.memory_space<hbm>>
        %dma_wait3A_293 = tpu.memref_squeeze %dma_wait3A_292 : memref<1x2048xf32, #tpu.memory_space<hbm>> -> memref<2048xf32, #tpu.memory_space<hbm>>
        %dma_wait3A_294 = tpu.memref_slice %arg2[%scan3A_96, %mul3A_291] : memref<4x65536xf32, #tpu.memory_space<hbm>> -> memref<1x2048xf32, #tpu.memory_space<hbm>>
        %dma_wait3A_295 = tpu.memref_squeeze %dma_wait3A_294 : memref<1x2048xf32, #tpu.memory_space<hbm>> -> memref<2048xf32, #tpu.memory_space<hbm>>
        tpu.wait_dma2 semaphore(%arg42 : memref<!tpu.dma_semaphore, #tpu.memory_space<semaphore_mem>>) src(%dma_wait3A_295 : memref<2048xf32, #tpu.memory_space<hbm>>) dst(%arg14 : memref<2048xf32, #tpu.memory_space<vmem>>)
        %dma_wait3A_296 = tpu.memref_slice %arg3[%scan3A_96, %mul3A_291] : memref<4x65536xf32, #tpu.memory_space<hbm>> -> memref<1x2048xf32, #tpu.memory_space<hbm>>
        %dma_wait3A_297 = tpu.memref_squeeze %dma_wait3A_296 : memref<1x2048xf32, #tpu.memory_space<hbm>> -> memref<2048xf32, #tpu.memory_space<hbm>>
        %dma_wait3A_298 = tpu.memref_slice %arg3[%scan3A_96, %mul3A_291] : memref<4x65536xf32, #tpu.memory_space<hbm>> -> memref<1x2048xf32, #tpu.memory_space<hbm>>
        %dma_wait3A_299 = tpu.memref_squeeze %dma_wait3A_298 : memref<1x2048xf32, #tpu.memory_space<hbm>> -> memref<2048xf32, #tpu.memory_space<hbm>>
        tpu.wait_dma2 semaphore(%arg42 : memref<!tpu.dma_semaphore, #tpu.memory_space<semaphore_mem>>) src(%dma_wait3A_299 : memref<2048xf32, #tpu.memory_space<hbm>>) dst(%arg15 : memref<2048xf32, #tpu.memory_space<vmem>>)
        %dma_wait3A_300 = tpu.memref_slice %arg4[%scan3A_96, %mul3A_291] : memref<4x65536xf32, #tpu.memory_space<hbm>> -> memref<1x2048xf32, #tpu.memory_space<hbm>>
        %dma_wait3A_301 = tpu.memref_squeeze %dma_wait3A_300 : memref<1x2048xf32, #tpu.memory_space<hbm>> -> memref<2048xf32, #tpu.memory_space<hbm>>
        %dma_wait3A_302 = tpu.memref_slice %arg4[%scan3A_96, %mul3A_291] : memref<4x65536xf32, #tpu.memory_space<hbm>> -> memref<1x2048xf32, #tpu.memory_space<hbm>>
        %dma_wait3A_303 = tpu.memref_squeeze %dma_wait3A_302 : memref<1x2048xf32, #tpu.memory_space<hbm>> -> memref<2048xf32, #tpu.memory_space<hbm>>
        tpu.wait_dma2 semaphore(%arg42 : memref<!tpu.dma_semaphore, #tpu.memory_space<semaphore_mem>>) src(%dma_wait3A_303 : memref<2048xf32, #tpu.memory_space<hbm>>) dst(%arg16 : memref<2048xf32, #tpu.memory_space<vmem>>)
        %dma_wait3A_304 = tpu.memref_slice %arg5[%scan3A_96, %mul3A_291] : memref<4x65536xi32, #tpu.memory_space<hbm>> -> memref<1x2048xi32, #tpu.memory_space<hbm>>
        %dma_wait3A_305 = tpu.memref_squeeze %dma_wait3A_304 : memref<1x2048xi32, #tpu.memory_space<hbm>> -> memref<2048xi32, #tpu.memory_space<hbm>>
        %dma_wait3A_306 = tpu.memref_slice %arg5[%scan3A_96, %mul3A_291] : memref<4x65536xi32, #tpu.memory_space<hbm>> -> memref<1x2048xi32, #tpu.memory_space<hbm>>
        %dma_wait3A_307 = tpu.memref_squeeze %dma_wait3A_306 : memref<1x2048xi32, #tpu.memory_space<hbm>> -> memref<2048xi32, #tpu.memory_space<hbm>>
        tpu.wait_dma2 semaphore(%arg42 : memref<!tpu.dma_semaphore, #tpu.memory_space<semaphore_mem>>) src(%dma_wait3A_307 : memref<2048xi32, #tpu.memory_space<hbm>>) dst(%arg17 : memref<2048xi32, #tpu.memory_space<vmem>>)
        %dma_wait3A_308 = tpu.memref_slice %arg6[%scan3A_96, %mul3A_291] : memref<4x65536xi32, #tpu.memory_space<hbm>> -> memref<1x2048xi32, #tpu.memory_space<hbm>>
        %dma_wait3A_309 = tpu.memref_squeeze %dma_wait3A_308 : memref<1x2048xi32, #tpu.memory_space<hbm>> -> memref<2048xi32, #tpu.memory_space<hbm>>
        %dma_wait3A_310 = tpu.memref_slice %arg6[%scan3A_96, %mul3A_291] : memref<4x65536xi32, #tpu.memory_space<hbm>> -> memref<1x2048xi32, #tpu.memory_space<hbm>>
        %dma_wait3A_311 = tpu.memref_squeeze %dma_wait3A_310 : memref<1x2048xi32, #tpu.memory_space<hbm>> -> memref<2048xi32, #tpu.memory_space<hbm>>
        tpu.wait_dma2 semaphore(%arg42 : memref<!tpu.dma_semaphore, #tpu.memory_space<semaphore_mem>>) src(%dma_wait3A_311 : memref<2048xi32, #tpu.memory_space<hbm>>) dst(%arg18 : memref<2048xi32, #tpu.memory_space<vmem>>)
        %lt3A_312 = arith.constant 15 : i32
        %lt3A_313 = arith.cmpi slt, %scan3A_218, %lt3A_312 : i32
        %convert_element_type3A = arith.extui %lt3A_313 : i1 to i32
        %cond3A = arith.constant 0 : i32
        %cond3A_314 = arith.cmpi ne, %convert_element_type3A, %cond3A : i32
        scf.if %cond3A_314 {
          %mul3A_336 = arith.constant 2 : i32
          %mul3A_337 = arith.muli %mul3A_336, %scan3A_218 : i32
          %add3A_338 = arith.constant 2 : i32
          %add3A_339 = arith.addi %mul3A_337, %add3A_338 : i32
          %mul3A_340 = arith.constant 2048 : i32
          %mul3A_341 = arith.muli %add3A_339, %mul3A_340 : i32
          %dma_start3A_342 = tpu.memref_slice %arg2[%scan3A_96, %mul3A_341] : memref<4x65536xf32, #tpu.memory_space<hbm>> -> memref<1x2048xf32, #tpu.memory_space<hbm>>
          %dma_start3A_343 = tpu.memref_squeeze %dma_start3A_342 : memref<1x2048xf32, #tpu.memory_space<hbm>> -> memref<2048xf32, #tpu.memory_space<hbm>>
          %dma_start3A_344 = tpu.memref_slice %arg2[%scan3A_96, %mul3A_341] : memref<4x65536xf32, #tpu.memory_space<hbm>> -> memref<1x2048xf32, #tpu.memory_space<hbm>>
          %dma_start3A_345 = tpu.memref_squeeze %dma_start3A_344 : memref<1x2048xf32, #tpu.memory_space<hbm>> -> memref<2048xf32, #tpu.memory_space<hbm>>
          tpu.enqueue_dma source(%dma_start3A_345 : memref<2048xf32, #tpu.memory_space<hbm>>) target(%arg9 : memref<2048xf32, #tpu.memory_space<vmem>>) target_semaphore(%arg41 : memref<!tpu.dma_semaphore, #tpu.memory_space<semaphore_mem>>)
          %dma_start3A_346 = tpu.memref_slice %arg3[%scan3A_96, %mul3A_341] : memref<4x65536xf32, #tpu.memory_space<hbm>> -> memref<1x2048xf32, #tpu.memory_space<hbm>>
          %dma_start3A_347 = tpu.memref_squeeze %dma_start3A_346 : memref<1x2048xf32, #tpu.memory_space<hbm>> -> memref<2048xf32, #tpu.memory_space<hbm>>
          %dma_start3A_348 = tpu.memref_slice %arg3[%scan3A_96, %mul3A_341] : memref<4x65536xf32, #tpu.memory_space<hbm>> -> memref<1x2048xf32, #tpu.memory_space<hbm>>
          %dma_start3A_349 = tpu.memref_squeeze %dma_start3A_348 : memref<1x2048xf32, #tpu.memory_space<hbm>> -> memref<2048xf32, #tpu.memory_space<hbm>>
          tpu.enqueue_dma source(%dma_start3A_349 : memref<2048xf32, #tpu.memory_space<hbm>>) target(%arg10 : memref<2048xf32, #tpu.memory_space<vmem>>) target_semaphore(%arg41 : memref<!tpu.dma_semaphore, #tpu.memory_space<semaphore_mem>>)
          %dma_start3A_350 = tpu.memref_slice %arg4[%scan3A_96, %mul3A_341] : memref<4x65536xf32, #tpu.memory_space<hbm>> -> memref<1x2048xf32, #tpu.memory_space<hbm>>
          %dma_start3A_351 = tpu.memref_squeeze %dma_start3A_350 : memref<1x2048xf32, #tpu.memory_space<hbm>> -> memref<2048xf32, #tpu.memory_space<hbm>>
          %dma_start3A_352 = tpu.memref_slice %arg4[%scan3A_96, %mul3A_341] : memref<4x65536xf32, #tpu.memory_space<hbm>> -> memref<1x2048xf32, #tpu.memory_space<hbm>>
          %dma_start3A_353 = tpu.memref_squeeze %dma_start3A_352 : memref<1x2048xf32, #tpu.memory_space<hbm>> -> memref<2048xf32, #tpu.memory_space<hbm>>
          tpu.enqueue_dma source(%dma_start3A_353 : memref<2048xf32, #tpu.memory_space<hbm>>) target(%arg11 : memref<2048xf32, #tpu.memory_space<vmem>>) target_semaphore(%arg41 : memref<!tpu.dma_semaphore, #tpu.memory_space<semaphore_mem>>)
          %dma_start3A_354 = tpu.memref_slice %arg5[%scan3A_96, %mul3A_341] : memref<4x65536xi32, #tpu.memory_space<hbm>> -> memref<1x2048xi32, #tpu.memory_space<hbm>>
          %dma_start3A_355 = tpu.memref_squeeze %dma_start3A_354 : memref<1x2048xi32, #tpu.memory_space<hbm>> -> memref<2048xi32, #tpu.memory_space<hbm>>
          %dma_start3A_356 = tpu.memref_slice %arg5[%scan3A_96, %mul3A_341] : memref<4x65536xi32, #tpu.memory_space<hbm>> -> memref<1x2048xi32, #tpu.memory_space<hbm>>
          %dma_start3A_357 = tpu.memref_squeeze %dma_start3A_356 : memref<1x2048xi32, #tpu.memory_space<hbm>> -> memref<2048xi32, #tpu.memory_space<hbm>>
          tpu.enqueue_dma source(%dma_start3A_357 : memref<2048xi32, #tpu.memory_space<hbm>>) target(%arg12 : memref<2048xi32, #tpu.memory_space<vmem>>) target_semaphore(%arg41 : memref<!tpu.dma_semaphore, #tpu.memory_space<semaphore_mem>>)
          %dma_start3A_358 = tpu.memref_slice %arg6[%scan3A_96, %mul3A_341] : memref<4x65536xi32, #tpu.memory_space<hbm>> -> memref<1x2048xi32, #tpu.memory_space<hbm>>
          %dma_start3A_359 = tpu.memref_squeeze %dma_start3A_358 : memref<1x2048xi32, #tpu.memory_space<hbm>> -> memref<2048xi32, #tpu.memory_space<hbm>>
          %dma_start3A_360 = tpu.memref_slice %arg6[%scan3A_96, %mul3A_341] : memref<4x65536xi32, #tpu.memory_space<hbm>> -> memref<1x2048xi32, #tpu.memory_space<hbm>>
          %dma_start3A_361 = tpu.memref_squeeze %dma_start3A_360 : memref<1x2048xi32, #tpu.memory_space<hbm>> -> memref<2048xi32, #tpu.memory_space<hbm>>
          tpu.enqueue_dma source(%dma_start3A_361 : memref<2048xi32, #tpu.memory_space<hbm>>) target(%arg13 : memref<2048xi32, #tpu.memory_space<vmem>>) target_semaphore(%arg41 : memref<!tpu.dma_semaphore, #tpu.memory_space<semaphore_mem>>)
        } else {
        }
        %mul3A_315 = arith.constant 2 : i32
        %mul3A_316 = arith.muli %mul3A_315, %scan3A_218 : i32
        %add3A_317 = arith.constant 1 : i32
        %add3A_318 = arith.addi %mul3A_316, %add3A_317 : i32
        %scan3A_319 = arith.constant 0 : i32
        %scan3A_320 = arith.constant 0 : i32
        %scan3A_321 = arith.constant 128 : i32
        %scan3A_322 = arith.addi %scan3A_320, %scan3A_321 : i32
        %scan3A_323 = arith.constant 1 : i32
        %scan3A_324 = scf.for %scan3A_336 = %scan3A_320 to %scan3A_322 step %scan3A_323 iter_args(%scan3A_337 = %scan3A_319) -> (i32)  : i32 {
          %mul3A_338 = arith.constant 16 : i32
          %mul3A_339 = arith.muli %scan3A_336, %mul3A_338 : i32
          %get3A_340 = arith.index_cast %mul3A_339 : i32 to index
          %get3A_341 = tpu.vector_load %arg17[%get3A_340] {strides = array<i32>} : memref<2048xi32, #tpu.memory_space<vmem>>, vector<16xi32>,
          %get3A_342 = arith.index_cast %mul3A_339 : i32 to index
          %get3A_343 = tpu.vector_load %arg18[%get3A_342] {strides = array<i32>} : memref<2048xi32, #tpu.memory_space<vmem>>, vector<16xi32>,
          %get3A_344 = arith.index_cast %mul3A_339 : i32 to index
          %get3A_345 = tpu.vector_load %arg16[%get3A_344] {strides = array<i32>} : memref<2048xf32, #tpu.memory_space<vmem>>, vector<16xf32>,
          %sub3A_346 = arith.constant 2 : i32
          %sub3A_347 = arith.subi %mul3A_2, %sub3A_346 : i32
          %ge3A = vector.broadcast %sub3A_347 : i32 to vector<16xi32>
          %ge3A_348 = arith.cmpi sge, %get3A_341, %ge3A : vector<16xi32>
          %add3A_349 = arith.constant 8 : i32
          %add3A_350 = arith.addi %mul3A_2, %add3A_349 : i32
          %add3A_351 = arith.constant 1 : i32
          %add3A_352 = arith.addi %add3A_350, %add3A_351 : i32
          %le3A = vector.broadcast %add3A_352 : i32 to vector<16xi32>
          %le3A_353 = arith.cmpi sle, %get3A_341, %le3A : vector<16xi32>
          %and3A_354 = arith.andi %ge3A_348, %le3A_353 : vector<16xi1>
          %gt3A = arith.constant 0.000000e+00 : f32
          %gt3A_355 = vector.broadcast %gt3A : f32 to vector<16xf32>
          %gt3A_356 = arith.cmpf ogt, %get3A_345, %gt3A_355 : vector<16xf32>
          %and3A_357 = arith.andi %and3A_354, %gt3A_356 : vector<16xi1>
          %ge3A_358 = arith.constant -2 : i32
          %ge3A_359 = vector.broadcast %ge3A_358 : i32 to vector<16xi32>
          %ge3A_360 = arith.cmpi sge, %get3A_343, %ge3A_359 : vector<16xi32>
          %and3A_361 = arith.andi %and3A_357, %ge3A_360 : vector<16xi1>
          %le3A_362 = arith.constant 257 : i32
          %le3A_363 = vector.broadcast %le3A_362 : i32 to vector<16xi32>
          %le3A_364 = arith.cmpi sle, %get3A_343, %le3A_363 : vector<16xi32>
          %and3A_365 = arith.andi %and3A_361, %le3A_364 : vector<16xi1>
          %mul3A_366 = arith.constant 16 : i32
          %mul3A_367 = arith.muli %scan3A_336, %mul3A_366 : i32
          %add3A_368 = vector.broadcast %mul3A_367 : i32 to vector<16xi32>
          %add3A_369 = arith.addi %add3A_368, %iota3A : vector<16xi32>
          %swap3A_370 = arith.index_cast %scan3A_337 : i32 to index
          %swap3A_371 = tpu.vector_load %arg19[%swap3A_370] masked %and3A_365 {strides = array<i32>} : memref<2064xi32, #tpu.memory_space<vmem>>, vector<16xi32>, vector<16xi1>
          tpu.vector_store %arg19[%swap3A_370], %add3A_369 masked %and3A_365 {strides = array<i32>} : memref<2064xi32, #tpu.memory_space<vmem>>, vector<16xi32>, vector<16xi1>
          %all_reduce_population_count3A = tpu.all_reduce %and3A_365 {dim = 0 : i64, kind = #tpu.reduction_kind<sum>} : vector<16xi1> -> vector<16xi32>
          %slice3A = vector.extract_strided_slice %all_reduce_population_count3A {offsets = [0], sizes = [1], strides = [1]} : vector<16xi32> to vector<1xi32>
          %squeeze3A = vector.extract %slice3A[0] : i32 from vector<1xi32>
          %add3A_372 = arith.addi %scan3A_337, %squeeze3A : i32
          scf.yield %add3A_372 : i32
        }
        %scan3A_325 = arith.constant 128 : i32
        %while3A_326 = arith.constant 0 : i32
        %while3A_327 = arith.constant 0 : i32
        %while3A_328 = arith.subi %scan3A_324, %while3A_327 : i32
        %while3A_329 = arith.addi %while3A_327, %while3A_328 : i32
        %while3A_330 = arith.constant 1 : i32
        %while3A_331 = arith.divsi %while3A_328, %while3A_330 : i32
        %while3A_332 = arith.muli %while3A_331, %while3A_330 : i32
        %while3A_333 = arith.addi %while3A_327, %while3A_332 : i32
        %while3A_334 = arith.constant 1 : i32
        scf.for %while3A_336 = %while3A_327 to %while3A_333 step %while3A_334  : i32 {
          %broadcast_in_dim3A_337 = vector.broadcast %while3A_336 : i32 to vector<16xi32>
          %gather3A = tpu.vector_load_idx %arg19[%broadcast_in_dim3A_337] : memref<2064xi32, #tpu.memory_space<vmem>>[vector<16xi32>], vector<16xi32>,
          %gather3A_338 = tpu.vector_load_idx %arg14[%gather3A] : memref<2048xf32, #tpu.memory_space<vmem>>[vector<16xi32>], vector<16xf32>,
          %gather3A_339 = tpu.vector_load_idx %arg15[%gather3A] : memref<2048xf32, #tpu.memory_space<vmem>>[vector<16xi32>], vector<16xf32>,
          %gather3A_340 = tpu.vector_load_idx %arg16[%gather3A] : memref<2048xf32, #tpu.memory_space<vmem>>[vector<16xi32>], vector<16xf32>,
          %gather3A_341 = tpu.vector_load_idx %arg17[%gather3A] : memref<2048xi32, #tpu.memory_space<vmem>>[vector<16xi32>], vector<16xi32>,
          %gather3A_342 = tpu.vector_load_idx %arg18[%gather3A] : memref<2048xi32, #tpu.memory_space<vmem>>[vector<16xi32>], vector<16xi32>,
          %mul3A_343 = arith.constant 2048 : i32
          %mul3A_344 = arith.muli %add3A_318, %mul3A_343 : i32
          %add3A_345 = vector.broadcast %mul3A_344 : i32 to vector<16xi32>
          %add3A_346 = arith.addi %gather3A, %add3A_345 : vector<16xi32>
          %add3A_347 = arith.addi %gather3A_341, %sub3A_31 : vector<16xi32>
          %add3A_348 = arith.addi %gather3A_342, %sub3A_37 : vector<16xi32>
          %ge3A = vector.broadcast %mul3A_2 : i32 to vector<16xi32>
          %ge3A_349 = arith.cmpi sge, %add3A_347, %ge3A : vector<16xi32>
          %and3A_350 = arith.andi %lt3A_39, %ge3A_349 : vector<16xi1>
          %add3A_351 = arith.constant 8 : i32
          %add3A_352 = arith.addi %mul3A_2, %add3A_351 : i32
          %lt3A_353 = vector.broadcast %add3A_352 : i32 to vector<16xi32>
          %lt3A_354 = arith.cmpi slt, %add3A_347, %lt3A_353 : vector<16xi32>
          %and3A_355 = arith.andi %and3A_350, %lt3A_354 : vector<16xi1>
          %ge3A_356 = arith.constant 0 : i32
          %ge3A_357 = vector.broadcast %ge3A_356 : i32 to vector<16xi32>
          %ge3A_358 = arith.cmpi sge, %add3A_348, %ge3A_357 : vector<16xi32>
          %and3A_359 = arith.andi %and3A_355, %ge3A_358 : vector<16xi1>
          %lt3A_360 = arith.constant 256 : i32
          %lt3A_361 = vector.broadcast %lt3A_360 : i32 to vector<16xi32>
          %lt3A_362 = arith.cmpi slt, %add3A_348, %lt3A_361 : vector<16xi32>
          %and3A_363 = arith.andi %and3A_359, %lt3A_362 : vector<16xi1>
          %convert_element_type3A_364 = arith.sitofp %add3A_348 : vector<16xi32> to vector<16xf32>
          %add3A_365 = arith.constant 5.000000e-01 : f32
          %add3A_366 = vector.broadcast %add3A_365 : f32 to vector<16xf32>
          %add3A_367 = arith.addf %convert_element_type3A_364, %add3A_366 : vector<16xf32>
          %mul3A_368 = arith.constant 7.812500e-03 : f32
          %mul3A_369 = vector.broadcast %mul3A_368 : f32 to vector<16xf32>
          %mul3A_370 = arith.mulf %add3A_367, %mul3A_369 : vector<16xf32>
          %sub3A_371 = arith.constant 1.000000e+00 : f32
          %sub3A_372 = vector.broadcast %sub3A_371 : f32 to vector<16xf32>
          %sub3A_373 = arith.subf %sub3A_372, %mul3A_370 : vector<16xf32>
          %convert_element_type3A_374 = arith.sitofp %add3A_347 : vector<16xi32> to vector<16xf32>
          %add3A_375 = arith.constant 5.000000e-01 : f32
          %add3A_376 = vector.broadcast %add3A_375 : f32 to vector<16xf32>
          %add3A_377 = arith.addf %convert_element_type3A_374, %add3A_376 : vector<16xf32>
          %mul3A_378 = arith.constant 7.812500e-03 : f32
          %mul3A_379 = vector.broadcast %mul3A_378 : f32 to vector<16xf32>
          %mul3A_380 = arith.mulf %add3A_377, %mul3A_379 : vector<16xf32>
          %sub3A_381 = arith.constant 1.000000e+00 : f32
          %sub3A_382 = vector.broadcast %sub3A_381 : f32 to vector<16xf32>
          %sub3A_383 = arith.subf %sub3A_382, %mul3A_380 : vector<16xf32>
          %sub3A_384 = arith.subf %gather3A_338, %sub3A_373 : vector<16xf32>
          %sub3A_385 = arith.subf %gather3A_339, %sub3A_383 : vector<16xf32>
          %mul3A_386 = arith.mulf %sub3A_384, %sub3A_384 : vector<16xf32>
          %mul3A_387 = arith.mulf %sub3A_385, %sub3A_385 : vector<16xf32>
          %add3A_388 = arith.addf %mul3A_386, %mul3A_387 : vector<16xf32>
          %lt3A_389 = arith.constant 1.37329102E-4 : f32
          %lt3A_390 = vector.broadcast %lt3A_389 : f32 to vector<16xf32>
          %lt3A_391 = arith.cmpf olt, %add3A_388, %lt3A_390 : vector<16xf32>
          %and3A_392 = arith.andi %and3A_363, %lt3A_391 : vector<16xi1>
          %mul3A_393 = arith.constant 7281.77783 : f32
          %mul3A_394 = vector.broadcast %mul3A_393 : f32 to vector<16xf32>
          %mul3A_395 = arith.mulf %add3A_388, %mul3A_394 : vector<16xf32>
          %jit3A_396 = arith.constant 1.000000e-03 : f32
          %jit3A_397 = arith.constant 1.000000e+00 : f32
          %max3A = vector.broadcast %jit3A_396 : f32 to vector<16xf32>
          %max3A_398 = arith.maximumf %max3A, %mul3A_395 : vector<16xf32>
          %min3A = vector.broadcast %jit3A_397 : f32 to vector<16xf32>
          %min3A_399 = arith.minimumf %min3A, %max3A_398 : vector<16xf32>
          %bitcast3A = vector.bitcast %min3A_399 : vector<16xf32> to vector<16xi32>
          %shift_right_arithmetic3A = arith.constant 1 : i32
          %shift_right_arithmetic3A_400 = vector.broadcast %shift_right_arithmetic3A : i32 to vector<16xi32>
          %shift_right_arithmetic3A_401 = arith.shrsi %bitcast3A, %shift_right_arithmetic3A_400 : vector<16xi32>
          %add3A_402 = arith.constant 532487669 : i32
          %add3A_403 = vector.broadcast %add3A_402 : i32 to vector<16xi32>
          %add3A_404 = arith.addi %shift_right_arithmetic3A_401, %add3A_403 : vector<16xi32>
          %bitcast3A_405 = vector.bitcast %add3A_404 : vector<16xi32> to vector<16xf32>
          %div3A_406 = arith.divf %min3A_399, %bitcast3A_405 : vector<16xf32>
          %add3A_407 = arith.addf %bitcast3A_405, %div3A_406 : vector<16xf32>
          %mul3A_408 = arith.constant 5.000000e-01 : f32
          %mul3A_409 = vector.broadcast %mul3A_408 : f32 to vector<16xf32>
          %mul3A_410 = arith.mulf %mul3A_409, %add3A_407 : vector<16xf32>
          %div3A_411 = arith.divf %min3A_399, %mul3A_410 : vector<16xf32>
          %add3A_412 = arith.addf %mul3A_410, %div3A_411 : vector<16xf32>
          %mul3A_413 = arith.constant 5.000000e-01 : f32
          %mul3A_414 = vector.broadcast %mul3A_413 : f32 to vector<16xf32>
          %mul3A_415 = arith.mulf %mul3A_414, %add3A_412 : vector<16xf32>
          %sub3A_416 = arith.constant 1.000000e+00 : f32
          %sub3A_417 = vector.broadcast %sub3A_416 : f32 to vector<16xf32>
          %sub3A_418 = arith.subf %sub3A_417, %mul3A_415 : vector<16xf32>
          %mul3A_419 = arith.constant 6.553500e+04 : f32
          %mul3A_420 = vector.broadcast %mul3A_419 : f32 to vector<16xf32>
          %mul3A_421 = arith.mulf %sub3A_418, %mul3A_420 : vector<16xf32>
          %add3A_422 = arith.constant 5.000000e-01 : f32
          %add3A_423 = vector.broadcast %add3A_422 : f32 to vector<16xf32>
          %add3A_424 = arith.addf %mul3A_421, %add3A_423 : vector<16xf32>
          %convert_element_type3A_425 = arith.fptosi %add3A_424 : vector<16xf32> to vector<16xi32>
          %sub3A_426 = vector.broadcast %mul3A_2 : i32 to vector<16xi32>
          %sub3A_427 = arith.subi %add3A_347, %sub3A_426 : vector<16xi32>
          %mul3A_428 = arith.constant 256 : i32
          %mul3A_429 = vector.broadcast %mul3A_428 : i32 to vector<16xi32>
          %mul3A_430 = arith.muli %sub3A_427, %mul3A_429 : vector<16xi32>
          %add3A_431 = arith.addi %mul3A_430, %add3A_348 : vector<16xi32>
          %jit3A_432 = arith.constant 0 : i32
          %broadcast_in_dim3A_433 = vector.broadcast %jit3A_432 : i32 to vector<16xi32>
          %select_n3A_434 = arith.select %and3A_392, %add3A_431, %broadcast_in_dim3A_433 : vector<16xi1>, vector<16xi32>
          %shift_left3A = arith.constant 16 : i32
          %shift_left3A_435 = vector.broadcast %shift_left3A : i32 to vector<16xi32>
          %shift_left3A_436 = arith.shli %add3A_346, %shift_left3A_435 : vector<16xi32>
          %or3A = arith.ori %shift_left3A_436, %convert_element_type3A_425 : vector<16xi32>
          %gather3A_437 = tpu.vector_load_idx %arg20[%select_n3A_434] masked %and3A_392 : memref<2048xf32, #tpu.memory_space<vmem>>[vector<16xi32>], vector<16xf32>, vector<16xi1>
          %gather3A_438 = tpu.vector_load_idx %arg21[%select_n3A_434] masked %and3A_392 : memref<2048xf32, #tpu.memory_space<vmem>>[vector<16xi32>], vector<16xf32>, vector<16xi1>
          %gather3A_439 = tpu.vector_load_idx %arg22[%select_n3A_434] masked %and3A_392 : memref<2048xf32, #tpu.memory_space<vmem>>[vector<16xi32>], vector<16xf32>, vector<16xi1>
          %gather3A_440 = tpu.vector_load_idx %arg23[%select_n3A_434] masked %and3A_392 : memref<2048xf32, #tpu.memory_space<vmem>>[vector<16xi32>], vector<16xf32>, vector<16xi1>
          %gather3A_441 = tpu.vector_load_idx %arg24[%select_n3A_434] masked %and3A_392 : memref<2048xf32, #tpu.memory_space<vmem>>[vector<16xi32>], vector<16xf32>, vector<16xi1>
          %gather3A_442 = tpu.vector_load_idx %arg25[%select_n3A_434] masked %and3A_392 : memref<2048xf32, #tpu.memory_space<vmem>>[vector<16xi32>], vector<16xf32>, vector<16xi1>
          %gather3A_443 = tpu.vector_load_idx %arg26[%select_n3A_434] masked %and3A_392 : memref<2048xf32, #tpu.memory_space<vmem>>[vector<16xi32>], vector<16xf32>, vector<16xi1>
          %gather3A_444 = tpu.vector_load_idx %arg27[%select_n3A_434] masked %and3A_392 : memref<2048xf32, #tpu.memory_space<vmem>>[vector<16xi32>], vector<16xf32>, vector<16xi1>
          %gather3A_445 = tpu.vector_load_idx %arg28[%select_n3A_434] masked %and3A_392 : memref<2048xi32, #tpu.memory_space<vmem>>[vector<16xi32>], vector<16xi32>, vector<16xi1>
          %gather3A_446 = tpu.vector_load_idx %arg29[%select_n3A_434] masked %and3A_392 : memref<2048xi32, #tpu.memory_space<vmem>>[vector<16xi32>], vector<16xi32>, vector<16xi1>
          %gather3A_447 = tpu.vector_load_idx %arg30[%select_n3A_434] masked %and3A_392 : memref<2048xi32, #tpu.memory_space<vmem>>[vector<16xi32>], vector<16xi32>, vector<16xi1>
          %gather3A_448 = tpu.vector_load_idx %arg31[%select_n3A_434] masked %and3A_392 : memref<2048xi32, #tpu.memory_space<vmem>>[vector<16xi32>], vector<16xi32>, vector<16xi1>
          %gather3A_449 = tpu.vector_load_idx %arg32[%select_n3A_434] masked %and3A_392 : memref<2048xi32, #tpu.memory_space<vmem>>[vector<16xi32>], vector<16xi32>, vector<16xi1>
          %gather3A_450 = tpu.vector_load_idx %arg33[%select_n3A_434] masked %and3A_392 : memref<2048xi32, #tpu.memory_space<vmem>>[vector<16xi32>], vector<16xi32>, vector<16xi1>
          %gather3A_451 = tpu.vector_load_idx %arg34[%select_n3A_434] masked %and3A_392 : memref<2048xi32, #tpu.memory_space<vmem>>[vector<16xi32>], vector<16xi32>, vector<16xi1>
          %gather3A_452 = tpu.vector_load_idx %arg35[%select_n3A_434] masked %and3A_392 : memref<2048xi32, #tpu.memory_space<vmem>>[vector<16xi32>], vector<16xi32>, vector<16xi1>
          %lt3A_453 = arith.cmpf olt, %gather3A_340, %gather3A_437 : vector<16xf32>
          %and3A_454 = arith.andi %and3A_392, %lt3A_453 : vector<16xi1>
          tpu.vector_store_idx %arg20[%select_n3A_434], %gather3A_340 masked %and3A_454 : memref<2048xf32, #tpu.memory_space<vmem>>[vector<16xi32>], vector<16xf32>, vector<16xi1>
          tpu.vector_store_idx %arg28[%select_n3A_434], %or3A masked %and3A_454 : memref<2048xi32, #tpu.memory_space<vmem>>[vector<16xi32>], vector<16xi32>, vector<16xi1>
          %select_n3A_455 = arith.select %and3A_454, %gather3A_437, %gather3A_340 : vector<16xi1>, vector<16xf32>
          %select_n3A_456 = arith.select %and3A_454, %gather3A_445, %or3A : vector<16xi1>, vector<16xi32>
          %lt3A_457 = arith.cmpf olt, %select_n3A_455, %gather3A_438 : vector<16xf32>
          %and3A_458 = arith.andi %and3A_392, %lt3A_457 : vector<16xi1>
          tpu.vector_store_idx %arg21[%select_n3A_434], %select_n3A_455 masked %and3A_458 : memref<2048xf32, #tpu.memory_space<vmem>>[vector<16xi32>], vector<16xf32>, vector<16xi1>
          tpu.vector_store_idx %arg29[%select_n3A_434], %select_n3A_456 masked %and3A_458 : memref<2048xi32, #tpu.memory_space<vmem>>[vector<16xi32>], vector<16xi32>, vector<16xi1>
          %select_n3A_459 = arith.select %and3A_458, %gather3A_438, %select_n3A_455 : vector<16xi1>, vector<16xf32>
          %select_n3A_460 = arith.select %and3A_458, %gather3A_446, %select_n3A_456 : vector<16xi1>, vector<16xi32>
          %lt3A_461 = arith.cmpf olt, %select_n3A_459, %gather3A_439 : vector<16xf32>
          %and3A_462 = arith.andi %and3A_392, %lt3A_461 : vector<16xi1>
          tpu.vector_store_idx %arg22[%select_n3A_434], %select_n3A_459 masked %and3A_462 : memref<2048xf32, #tpu.memory_space<vmem>>[vector<16xi32>], vector<16xf32>, vector<16xi1>
          tpu.vector_store_idx %arg30[%select_n3A_434], %select_n3A_460 masked %and3A_462 : memref<2048xi32, #tpu.memory_space<vmem>>[vector<16xi32>], vector<16xi32>, vector<16xi1>
          %select_n3A_463 = arith.select %and3A_462, %gather3A_439, %select_n3A_459 : vector<16xi1>, vector<16xf32>
          %select_n3A_464 = arith.select %and3A_462, %gather3A_447, %select_n3A_460 : vector<16xi1>, vector<16xi32>
          %lt3A_465 = arith.cmpf olt, %select_n3A_463, %gather3A_440 : vector<16xf32>
          %and3A_466 = arith.andi %and3A_392, %lt3A_465 : vector<16xi1>
          tpu.vector_store_idx %arg23[%select_n3A_434], %select_n3A_463 masked %and3A_466 : memref<2048xf32, #tpu.memory_space<vmem>>[vector<16xi32>], vector<16xf32>, vector<16xi1>
          tpu.vector_store_idx %arg31[%select_n3A_434], %select_n3A_464 masked %and3A_466 : memref<2048xi32, #tpu.memory_space<vmem>>[vector<16xi32>], vector<16xi32>, vector<16xi1>
          %select_n3A_467 = arith.select %and3A_466, %gather3A_440, %select_n3A_463 : vector<16xi1>, vector<16xf32>
          %select_n3A_468 = arith.select %and3A_466, %gather3A_448, %select_n3A_464 : vector<16xi1>, vector<16xi32>
          %lt3A_469 = arith.cmpf olt, %select_n3A_467, %gather3A_441 : vector<16xf32>
          %and3A_470 = arith.andi %and3A_392, %lt3A_469 : vector<16xi1>
          tpu.vector_store_idx %arg24[%select_n3A_434], %select_n3A_467 masked %and3A_470 : memref<2048xf32, #tpu.memory_space<vmem>>[vector<16xi32>], vector<16xf32>, vector<16xi1>
          tpu.vector_store_idx %arg32[%select_n3A_434], %select_n3A_468 masked %and3A_470 : memref<2048xi32, #tpu.memory_space<vmem>>[vector<16xi32>], vector<16xi32>, vector<16xi1>
          %select_n3A_471 = arith.select %and3A_470, %gather3A_441, %select_n3A_467 : vector<16xi1>, vector<16xf32>
          %select_n3A_472 = arith.select %and3A_470, %gather3A_449, %select_n3A_468 : vector<16xi1>, vector<16xi32>
          %lt3A_473 = arith.cmpf olt, %select_n3A_471, %gather3A_442 : vector<16xf32>
          %and3A_474 = arith.andi %and3A_392, %lt3A_473 : vector<16xi1>
          tpu.vector_store_idx %arg25[%select_n3A_434], %select_n3A_471 masked %and3A_474 : memref<2048xf32, #tpu.memory_space<vmem>>[vector<16xi32>], vector<16xf32>, vector<16xi1>
          tpu.vector_store_idx %arg33[%select_n3A_434], %select_n3A_472 masked %and3A_474 : memref<2048xi32, #tpu.memory_space<vmem>>[vector<16xi32>], vector<16xi32>, vector<16xi1>
          %select_n3A_475 = arith.select %and3A_474, %gather3A_442, %select_n3A_471 : vector<16xi1>, vector<16xf32>
          %select_n3A_476 = arith.select %and3A_474, %gather3A_450, %select_n3A_472 : vector<16xi1>, vector<16xi32>
          %lt3A_477 = arith.cmpf olt, %select_n3A_475, %gather3A_443 : vector<16xf32>
          %and3A_478 = arith.andi %and3A_392, %lt3A_477 : vector<16xi1>
          tpu.vector_store_idx %arg26[%select_n3A_434], %select_n3A_475 masked %and3A_478 : memref<2048xf32, #tpu.memory_space<vmem>>[vector<16xi32>], vector<16xf32>, vector<16xi1>
          tpu.vector_store_idx %arg34[%select_n3A_434], %select_n3A_476 masked %and3A_478 : memref<2048xi32, #tpu.memory_space<vmem>>[vector<16xi32>], vector<16xi32>, vector<16xi1>
          %select_n3A_479 = arith.select %and3A_478, %gather3A_443, %select_n3A_475 : vector<16xi1>, vector<16xf32>
          %select_n3A_480 = arith.select %and3A_478, %gather3A_451, %select_n3A_476 : vector<16xi1>, vector<16xi32>
          %lt3A_481 = arith.cmpf olt, %select_n3A_479, %gather3A_444 : vector<16xf32>
          %and3A_482 = arith.andi %and3A_392, %lt3A_481 : vector<16xi1>
          tpu.vector_store_idx %arg27[%select_n3A_434], %select_n3A_479 masked %and3A_482 : memref<2048xf32, #tpu.memory_space<vmem>>[vector<16xi32>], vector<16xf32>, vector<16xi1>
          tpu.vector_store_idx %arg35[%select_n3A_434], %select_n3A_480 masked %and3A_482 : memref<2048xi32, #tpu.memory_space<vmem>>[vector<16xi32>], vector<16xi32>, vector<16xi1>
          %select_n3A_483 = arith.select %and3A_482, %gather3A_444, %select_n3A_479 : vector<16xi1>, vector<16xf32>
          %select_n3A_484 = arith.select %and3A_482, %gather3A_452, %select_n3A_480 : vector<16xi1>, vector<16xi32>
          %add3A_485 = arith.addi %gather3A_341, %sub3A_76 : vector<16xi32>
          %add3A_486 = arith.addi %gather3A_342, %sub3A_82 : vector<16xi32>
          %ge3A_487 = vector.broadcast %mul3A_2 : i32 to vector<16xi32>
          %ge3A_488 = arith.cmpi sge, %add3A_485, %ge3A_487 : vector<16xi32>
          %and3A_489 = arith.andi %lt3A_85, %ge3A_488 : vector<16xi1>
          %add3A_490 = arith.constant 8 : i32
          %add3A_491 = arith.addi %mul3A_2, %add3A_490 : i32
          %lt3A_492 = vector.broadcast %add3A_491 : i32 to vector<16xi32>
          %lt3A_493 = arith.cmpi slt, %add3A_485, %lt3A_492 : vector<16xi32>
          %and3A_494 = arith.andi %and3A_489, %lt3A_493 : vector<16xi1>
          %ge3A_495 = arith.constant 0 : i32
          %ge3A_496 = vector.broadcast %ge3A_495 : i32 to vector<16xi32>
          %ge3A_497 = arith.cmpi sge, %add3A_486, %ge3A_496 : vector<16xi32>
          %and3A_498 = arith.andi %and3A_494, %ge3A_497 : vector<16xi1>
          %lt3A_499 = arith.constant 256 : i32
          %lt3A_500 = vector.broadcast %lt3A_499 : i32 to vector<16xi32>
          %lt3A_501 = arith.cmpi slt, %add3A_486, %lt3A_500 : vector<16xi32>
          %and3A_502 = arith.andi %and3A_498, %lt3A_501 : vector<16xi1>
          %convert_element_type3A_503 = arith.sitofp %add3A_486 : vector<16xi32> to vector<16xf32>
          %add3A_504 = arith.constant 5.000000e-01 : f32
          %add3A_505 = vector.broadcast %add3A_504 : f32 to vector<16xf32>
          %add3A_506 = arith.addf %convert_element_type3A_503, %add3A_505 : vector<16xf32>
          %mul3A_507 = arith.constant 7.812500e-03 : f32
          %mul3A_508 = vector.broadcast %mul3A_507 : f32 to vector<16xf32>
          %mul3A_509 = arith.mulf %add3A_506, %mul3A_508 : vector<16xf32>
          %sub3A_510 = arith.constant 1.000000e+00 : f32
          %sub3A_511 = vector.broadcast %sub3A_510 : f32 to vector<16xf32>
          %sub3A_512 = arith.subf %sub3A_511, %mul3A_509 : vector<16xf32>
          %convert_element_type3A_513 = arith.sitofp %add3A_485 : vector<16xi32> to vector<16xf32>
          %add3A_514 = arith.constant 5.000000e-01 : f32
          %add3A_515 = vector.broadcast %add3A_514 : f32 to vector<16xf32>
          %add3A_516 = arith.addf %convert_element_type3A_513, %add3A_515 : vector<16xf32>
          %mul3A_517 = arith.constant 7.812500e-03 : f32
          %mul3A_518 = vector.broadcast %mul3A_517 : f32 to vector<16xf32>
          %mul3A_519 = arith.mulf %add3A_516, %mul3A_518 : vector<16xf32>
          %sub3A_520 = arith.constant 1.000000e+00 : f32
          %sub3A_521 = vector.broadcast %sub3A_520 : f32 to vector<16xf32>
          %sub3A_522 = arith.subf %sub3A_521, %mul3A_519 : vector<16xf32>
          %sub3A_523 = arith.subf %gather3A_338, %sub3A_512 : vector<16xf32>
          %sub3A_524 = arith.subf %gather3A_339, %sub3A_522 : vector<16xf32>
          %mul3A_525 = arith.mulf %sub3A_523, %sub3A_523 : vector<16xf32>
          %mul3A_526 = arith.mulf %sub3A_524, %sub3A_524 : vector<16xf32>
          %add3A_527 = arith.addf %mul3A_525, %mul3A_526 : vector<16xf32>
          %lt3A_528 = arith.constant 1.37329102E-4 : f32
          %lt3A_529 = vector.broadcast %lt3A_528 : f32 to vector<16xf32>
          %lt3A_530 = arith.cmpf olt, %add3A_527, %lt3A_529 : vector<16xf32>
          %and3A_531 = arith.andi %and3A_502, %lt3A_530 : vector<16xi1>
          %mul3A_532 = arith.constant 7281.77783 : f32
          %mul3A_533 = vector.broadcast %mul3A_532 : f32 to vector<16xf32>
          %mul3A_534 = arith.mulf %add3A_527, %mul3A_533 : vector<16xf32>
          %jit3A_535 = arith.constant 1.000000e-03 : f32
          %jit3A_536 = arith.constant 1.000000e+00 : f32
          %max3A_537 = vector.broadcast %jit3A_535 : f32 to vector<16xf32>
          %max3A_538 = arith.maximumf %max3A_537, %mul3A_534 : vector<16xf32>
          %min3A_539 = vector.broadcast %jit3A_536 : f32 to vector<16xf32>
          %min3A_540 = arith.minimumf %min3A_539, %max3A_538 : vector<16xf32>
          %bitcast3A_541 = vector.bitcast %min3A_540 : vector<16xf32> to vector<16xi32>
          %shift_right_arithmetic3A_542 = arith.constant 1 : i32
          %shift_right_arithmetic3A_543 = vector.broadcast %shift_right_arithmetic3A_542 : i32 to vector<16xi32>
          %shift_right_arithmetic3A_544 = arith.shrsi %bitcast3A_541, %shift_right_arithmetic3A_543 : vector<16xi32>
          %add3A_545 = arith.constant 532487669 : i32
          %add3A_546 = vector.broadcast %add3A_545 : i32 to vector<16xi32>
          %add3A_547 = arith.addi %shift_right_arithmetic3A_544, %add3A_546 : vector<16xi32>
          %bitcast3A_548 = vector.bitcast %add3A_547 : vector<16xi32> to vector<16xf32>
          %div3A_549 = arith.divf %min3A_540, %bitcast3A_548 : vector<16xf32>
          %add3A_550 = arith.addf %bitcast3A_548, %div3A_549 : vector<16xf32>
          %mul3A_551 = arith.constant 5.000000e-01 : f32
          %mul3A_552 = vector.broadcast %mul3A_551 : f32 to vector<16xf32>
          %mul3A_553 = arith.mulf %mul3A_552, %add3A_550 : vector<16xf32>
          %div3A_554 = arith.divf %min3A_540, %mul3A_553 : vector<16xf32>
          %add3A_555 = arith.addf %mul3A_553, %div3A_554 : vector<16xf32>
          %mul3A_556 = arith.constant 5.000000e-01 : f32
          %mul3A_557 = vector.broadcast %mul3A_556 : f32 to vector<16xf32>
          %mul3A_558 = arith.mulf %mul3A_557, %add3A_555 : vector<16xf32>
          %sub3A_559 = arith.constant 1.000000e+00 : f32
          %sub3A_560 = vector.broadcast %sub3A_559 : f32 to vector<16xf32>
          %sub3A_561 = arith.subf %sub3A_560, %mul3A_558 : vector<16xf32>
          %mul3A_562 = arith.constant 6.553500e+04 : f32
          %mul3A_563 = vector.broadcast %mul3A_562 : f32 to vector<16xf32>
          %mul3A_564 = arith.mulf %sub3A_561, %mul3A_563 : vector<16xf32>
          %add3A_565 = arith.constant 5.000000e-01 : f32
          %add3A_566 = vector.broadcast %add3A_565 : f32 to vector<16xf32>
          %add3A_567 = arith.addf %mul3A_564, %add3A_566 : vector<16xf32>
          %convert_element_type3A_568 = arith.fptosi %add3A_567 : vector<16xf32> to vector<16xi32>
          %sub3A_569 = vector.broadcast %mul3A_2 : i32 to vector<16xi32>
          %sub3A_570 = arith.subi %add3A_485, %sub3A_569 : vector<16xi32>
          %mul3A_571 = arith.constant 256 : i32
          %mul3A_572 = vector.broadcast %mul3A_571 : i32 to vector<16xi32>
          %mul3A_573 = arith.muli %sub3A_570, %mul3A_572 : vector<16xi32>
          %add3A_574 = arith.addi %mul3A_573, %add3A_486 : vector<16xi32>
          %jit3A_575 = arith.constant 0 : i32
          %broadcast_in_dim3A_576 = vector.broadcast %jit3A_575 : i32 to vector<16xi32>
          %select_n3A_577 = arith.select %and3A_531, %add3A_574, %broadcast_in_dim3A_576 : vector<16xi1>, vector<16xi32>
          %shift_left3A_578 = arith.constant 16 : i32
          %shift_left3A_579 = vector.broadcast %shift_left3A_578 : i32 to vector<16xi32>
          %shift_left3A_580 = arith.shli %add3A_346, %shift_left3A_579 : vector<16xi32>
          %or3A_581 = arith.ori %shift_left3A_580, %convert_element_type3A_568 : vector<16xi32>
          %gather3A_582 = tpu.vector_load_idx %arg20[%select_n3A_577] masked %and3A_531 : memref<2048xf32, #tpu.memory_space<vmem>>[vector<16xi32>], vector<16xf32>, vector<16xi1>
          %gather3A_583 = tpu.vector_load_idx %arg21[%select_n3A_577] masked %and3A_531 : memref<2048xf32, #tpu.memory_space<vmem>>[vector<16xi32>], vector<16xf32>, vector<16xi1>
          %gather3A_584 = tpu.vector_load_idx %arg22[%select_n3A_577] masked %and3A_531 : memref<2048xf32, #tpu.memory_space<vmem>>[vector<16xi32>], vector<16xf32>, vector<16xi1>
          %gather3A_585 = tpu.vector_load_idx %arg23[%select_n3A_577] masked %and3A_531 : memref<2048xf32, #tpu.memory_space<vmem>>[vector<16xi32>], vector<16xf32>, vector<16xi1>
          %gather3A_586 = tpu.vector_load_idx %arg24[%select_n3A_577] masked %and3A_531 : memref<2048xf32, #tpu.memory_space<vmem>>[vector<16xi32>], vector<16xf32>, vector<16xi1>
          %gather3A_587 = tpu.vector_load_idx %arg25[%select_n3A_577] masked %and3A_531 : memref<2048xf32, #tpu.memory_space<vmem>>[vector<16xi32>], vector<16xf32>, vector<16xi1>
          %gather3A_588 = tpu.vector_load_idx %arg26[%select_n3A_577] masked %and3A_531 : memref<2048xf32, #tpu.memory_space<vmem>>[vector<16xi32>], vector<16xf32>, vector<16xi1>
          %gather3A_589 = tpu.vector_load_idx %arg27[%select_n3A_577] masked %and3A_531 : memref<2048xf32, #tpu.memory_space<vmem>>[vector<16xi32>], vector<16xf32>, vector<16xi1>
          %gather3A_590 = tpu.vector_load_idx %arg28[%select_n3A_577] masked %and3A_531 : memref<2048xi32, #tpu.memory_space<vmem>>[vector<16xi32>], vector<16xi32>, vector<16xi1>
          %gather3A_591 = tpu.vector_load_idx %arg29[%select_n3A_577] masked %and3A_531 : memref<2048xi32, #tpu.memory_space<vmem>>[vector<16xi32>], vector<16xi32>, vector<16xi1>
          %gather3A_592 = tpu.vector_load_idx %arg30[%select_n3A_577] masked %and3A_531 : memref<2048xi32, #tpu.memory_space<vmem>>[vector<16xi32>], vector<16xi32>, vector<16xi1>
          %gather3A_593 = tpu.vector_load_idx %arg31[%select_n3A_577] masked %and3A_531 : memref<2048xi32, #tpu.memory_space<vmem>>[vector<16xi32>], vector<16xi32>, vector<16xi1>
          %gather3A_594 = tpu.vector_load_idx %arg32[%select_n3A_577] masked %and3A_531 : memref<2048xi32, #tpu.memory_space<vmem>>[vector<16xi32>], vector<16xi32>, vector<16xi1>
          %gather3A_595 = tpu.vector_load_idx %arg33[%select_n3A_577] masked %and3A_531 : memref<2048xi32, #tpu.memory_space<vmem>>[vector<16xi32>], vector<16xi32>, vector<16xi1>
          %gather3A_596 = tpu.vector_load_idx %arg34[%select_n3A_577] masked %and3A_531 : memref<2048xi32, #tpu.memory_space<vmem>>[vector<16xi32>], vector<16xi32>, vector<16xi1>
          %gather3A_597 = tpu.vector_load_idx %arg35[%select_n3A_577] masked %and3A_531 : memref<2048xi32, #tpu.memory_space<vmem>>[vector<16xi32>], vector<16xi32>, vector<16xi1>
          %lt3A_598 = arith.cmpf olt, %gather3A_340, %gather3A_582 : vector<16xf32>
          %and3A_599 = arith.andi %and3A_531, %lt3A_598 : vector<16xi1>
          tpu.vector_store_idx %arg20[%select_n3A_577], %gather3A_340 masked %and3A_599 : memref<2048xf32, #tpu.memory_space<vmem>>[vector<16xi32>], vector<16xf32>, vector<16xi1>
          tpu.vector_store_idx %arg28[%select_n3A_577], %or3A_581 masked %and3A_599 : memref<2048xi32, #tpu.memory_space<vmem>>[vector<16xi32>], vector<16xi32>, vector<16xi1>
          %select_n3A_600 = arith.select %and3A_599, %gather3A_582, %gather3A_340 : vector<16xi1>, vector<16xf32>
          %select_n3A_601 = arith.select %and3A_599, %gather3A_590, %or3A_581 : vector<16xi1>, vector<16xi32>
          %lt3A_602 = arith.cmpf olt, %select_n3A_600, %gather3A_583 : vector<16xf32>
          %and3A_603 = arith.andi %and3A_531, %lt3A_602 : vector<16xi1>
          tpu.vector_store_idx %arg21[%select_n3A_577], %select_n3A_600 masked %and3A_603 : memref<2048xf32, #tpu.memory_space<vmem>>[vector<16xi32>], vector<16xf32>, vector<16xi1>
          tpu.vector_store_idx %arg29[%select_n3A_577], %select_n3A_601 masked %and3A_603 : memref<2048xi32, #tpu.memory_space<vmem>>[vector<16xi32>], vector<16xi32>, vector<16xi1>
          %select_n3A_604 = arith.select %and3A_603, %gather3A_583, %select_n3A_600 : vector<16xi1>, vector<16xf32>
          %select_n3A_605 = arith.select %and3A_603, %gather3A_591, %select_n3A_601 : vector<16xi1>, vector<16xi32>
          %lt3A_606 = arith.cmpf olt, %select_n3A_604, %gather3A_584 : vector<16xf32>
          %and3A_607 = arith.andi %and3A_531, %lt3A_606 : vector<16xi1>
          tpu.vector_store_idx %arg22[%select_n3A_577], %select_n3A_604 masked %and3A_607 : memref<2048xf32, #tpu.memory_space<vmem>>[vector<16xi32>], vector<16xf32>, vector<16xi1>
          tpu.vector_store_idx %arg30[%select_n3A_577], %select_n3A_605 masked %and3A_607 : memref<2048xi32, #tpu.memory_space<vmem>>[vector<16xi32>], vector<16xi32>, vector<16xi1>
          %select_n3A_608 = arith.select %and3A_607, %gather3A_584, %select_n3A_604 : vector<16xi1>, vector<16xf32>
          %select_n3A_609 = arith.select %and3A_607, %gather3A_592, %select_n3A_605 : vector<16xi1>, vector<16xi32>
          %lt3A_610 = arith.cmpf olt, %select_n3A_608, %gather3A_585 : vector<16xf32>
          %and3A_611 = arith.andi %and3A_531, %lt3A_610 : vector<16xi1>
          tpu.vector_store_idx %arg23[%select_n3A_577], %select_n3A_608 masked %and3A_611 : memref<2048xf32, #tpu.memory_space<vmem>>[vector<16xi32>], vector<16xf32>, vector<16xi1>
          tpu.vector_store_idx %arg31[%select_n3A_577], %select_n3A_609 masked %and3A_611 : memref<2048xi32, #tpu.memory_space<vmem>>[vector<16xi32>], vector<16xi32>, vector<16xi1>
          %select_n3A_612 = arith.select %and3A_611, %gather3A_585, %select_n3A_608 : vector<16xi1>, vector<16xf32>
          %select_n3A_613 = arith.select %and3A_611, %gather3A_593, %select_n3A_609 : vector<16xi1>, vector<16xi32>
          %lt3A_614 = arith.cmpf olt, %select_n3A_612, %gather3A_586 : vector<16xf32>
          %and3A_615 = arith.andi %and3A_531, %lt3A_614 : vector<16xi1>
          tpu.vector_store_idx %arg24[%select_n3A_577], %select_n3A_612 masked %and3A_615 : memref<2048xf32, #tpu.memory_space<vmem>>[vector<16xi32>], vector<16xf32>, vector<16xi1>
          tpu.vector_store_idx %arg32[%select_n3A_577], %select_n3A_613 masked %and3A_615 : memref<2048xi32, #tpu.memory_space<vmem>>[vector<16xi32>], vector<16xi32>, vector<16xi1>
          %select_n3A_616 = arith.select %and3A_615, %gather3A_586, %select_n3A_612 : vector<16xi1>, vector<16xf32>
          %select_n3A_617 = arith.select %and3A_615, %gather3A_594, %select_n3A_613 : vector<16xi1>, vector<16xi32>
          %lt3A_618 = arith.cmpf olt, %select_n3A_616, %gather3A_587 : vector<16xf32>
          %and3A_619 = arith.andi %and3A_531, %lt3A_618 : vector<16xi1>
          tpu.vector_store_idx %arg25[%select_n3A_577], %select_n3A_616 masked %and3A_619 : memref<2048xf32, #tpu.memory_space<vmem>>[vector<16xi32>], vector<16xf32>, vector<16xi1>
          tpu.vector_store_idx %arg33[%select_n3A_577], %select_n3A_617 masked %and3A_619 : memref<2048xi32, #tpu.memory_space<vmem>>[vector<16xi32>], vector<16xi32>, vector<16xi1>
          %select_n3A_620 = arith.select %and3A_619, %gather3A_587, %select_n3A_616 : vector<16xi1>, vector<16xf32>
          %select_n3A_621 = arith.select %and3A_619, %gather3A_595, %select_n3A_617 : vector<16xi1>, vector<16xi32>
          %lt3A_622 = arith.cmpf olt, %select_n3A_620, %gather3A_588 : vector<16xf32>
          %and3A_623 = arith.andi %and3A_531, %lt3A_622 : vector<16xi1>
          tpu.vector_store_idx %arg26[%select_n3A_577], %select_n3A_620 masked %and3A_623 : memref<2048xf32, #tpu.memory_space<vmem>>[vector<16xi32>], vector<16xf32>, vector<16xi1>
          tpu.vector_store_idx %arg34[%select_n3A_577], %select_n3A_621 masked %and3A_623 : memref<2048xi32, #tpu.memory_space<vmem>>[vector<16xi32>], vector<16xi32>, vector<16xi1>
          %select_n3A_624 = arith.select %and3A_623, %gather3A_588, %select_n3A_620 : vector<16xi1>, vector<16xf32>
          %select_n3A_625 = arith.select %and3A_623, %gather3A_596, %select_n3A_621 : vector<16xi1>, vector<16xi32>
          %lt3A_626 = arith.cmpf olt, %select_n3A_624, %gather3A_589 : vector<16xf32>
          %and3A_627 = arith.andi %and3A_531, %lt3A_626 : vector<16xi1>
          tpu.vector_store_idx %arg27[%select_n3A_577], %select_n3A_624 masked %and3A_627 : memref<2048xf32, #tpu.memory_space<vmem>>[vector<16xi32>], vector<16xf32>, vector<16xi1>
          tpu.vector_store_idx %arg35[%select_n3A_577], %select_n3A_625 masked %and3A_627 : memref<2048xi32, #tpu.memory_space<vmem>>[vector<16xi32>], vector<16xi32>, vector<16xi1>
          %select_n3A_628 = arith.select %and3A_627, %gather3A_589, %select_n3A_624 : vector<16xi1>, vector<16xf32>
          %select_n3A_629 = arith.select %and3A_627, %gather3A_597, %select_n3A_625 : vector<16xi1>, vector<16xi32>
        }
        %while3A_335 = arith.constant 1 : i32
        scf.for %while3A_336 = %while3A_333 to %while3A_329 step %while3A_335  : i32 {
          %broadcast_in_dim3A_337 = vector.broadcast %while3A_336 : i32 to vector<16xi32>
          %gather3A = tpu.vector_load_idx %arg19[%broadcast_in_dim3A_337] : memref<2064xi32, #tpu.memory_space<vmem>>[vector<16xi32>], vector<16xi32>,
          %gather3A_338 = tpu.vector_load_idx %arg14[%gather3A] : memref<2048xf32, #tpu.memory_space<vmem>>[vector<16xi32>], vector<16xf32>,
          %gather3A_339 = tpu.vector_load_idx %arg15[%gather3A] : memref<2048xf32, #tpu.memory_space<vmem>>[vector<16xi32>], vector<16xf32>,
          %gather3A_340 = tpu.vector_load_idx %arg16[%gather3A] : memref<2048xf32, #tpu.memory_space<vmem>>[vector<16xi32>], vector<16xf32>,
          %gather3A_341 = tpu.vector_load_idx %arg17[%gather3A] : memref<2048xi32, #tpu.memory_space<vmem>>[vector<16xi32>], vector<16xi32>,
          %gather3A_342 = tpu.vector_load_idx %arg18[%gather3A] : memref<2048xi32, #tpu.memory_space<vmem>>[vector<16xi32>], vector<16xi32>,
          %mul3A_343 = arith.constant 2048 : i32
          %mul3A_344 = arith.muli %add3A_318, %mul3A_343 : i32
          %add3A_345 = vector.broadcast %mul3A_344 : i32 to vector<16xi32>
          %add3A_346 = arith.addi %gather3A, %add3A_345 : vector<16xi32>
          %add3A_347 = arith.addi %gather3A_341, %sub3A_31 : vector<16xi32>
          %add3A_348 = arith.addi %gather3A_342, %sub3A_37 : vector<16xi32>
          %ge3A = vector.broadcast %mul3A_2 : i32 to vector<16xi32>
          %ge3A_349 = arith.cmpi sge, %add3A_347, %ge3A : vector<16xi32>
          %and3A_350 = arith.andi %lt3A_39, %ge3A_349 : vector<16xi1>
          %add3A_351 = arith.constant 8 : i32
          %add3A_352 = arith.addi %mul3A_2, %add3A_351 : i32
          %lt3A_353 = vector.broadcast %add3A_352 : i32 to vector<16xi32>
          %lt3A_354 = arith.cmpi slt, %add3A_347, %lt3A_353 : vector<16xi32>
          %and3A_355 = arith.andi %and3A_350, %lt3A_354 : vector<16xi1>
          %ge3A_356 = arith.constant 0 : i32
          %ge3A_357 = vector.broadcast %ge3A_356 : i32 to vector<16xi32>
          %ge3A_358 = arith.cmpi sge, %add3A_348, %ge3A_357 : vector<16xi32>
          %and3A_359 = arith.andi %and3A_355, %ge3A_358 : vector<16xi1>
          %lt3A_360 = arith.constant 256 : i32
          %lt3A_361 = vector.broadcast %lt3A_360 : i32 to vector<16xi32>
          %lt3A_362 = arith.cmpi slt, %add3A_348, %lt3A_361 : vector<16xi32>
          %and3A_363 = arith.andi %and3A_359, %lt3A_362 : vector<16xi1>
          %convert_element_type3A_364 = arith.sitofp %add3A_348 : vector<16xi32> to vector<16xf32>
          %add3A_365 = arith.constant 5.000000e-01 : f32
          %add3A_366 = vector.broadcast %add3A_365 : f32 to vector<16xf32>
          %add3A_367 = arith.addf %convert_element_type3A_364, %add3A_366 : vector<16xf32>
          %mul3A_368 = arith.constant 7.812500e-03 : f32
          %mul3A_369 = vector.broadcast %mul3A_368 : f32 to vector<16xf32>
          %mul3A_370 = arith.mulf %add3A_367, %mul3A_369 : vector<16xf32>
          %sub3A_371 = arith.constant 1.000000e+00 : f32
          %sub3A_372 = vector.broadcast %sub3A_371 : f32 to vector<16xf32>
          %sub3A_373 = arith.subf %sub3A_372, %mul3A_370 : vector<16xf32>
          %convert_element_type3A_374 = arith.sitofp %add3A_347 : vector<16xi32> to vector<16xf32>
          %add3A_375 = arith.constant 5.000000e-01 : f32
          %add3A_376 = vector.broadcast %add3A_375 : f32 to vector<16xf32>
          %add3A_377 = arith.addf %convert_element_type3A_374, %add3A_376 : vector<16xf32>
          %mul3A_378 = arith.constant 7.812500e-03 : f32
          %mul3A_379 = vector.broadcast %mul3A_378 : f32 to vector<16xf32>
          %mul3A_380 = arith.mulf %add3A_377, %mul3A_379 : vector<16xf32>
          %sub3A_381 = arith.constant 1.000000e+00 : f32
          %sub3A_382 = vector.broadcast %sub3A_381 : f32 to vector<16xf32>
          %sub3A_383 = arith.subf %sub3A_382, %mul3A_380 : vector<16xf32>
          %sub3A_384 = arith.subf %gather3A_338, %sub3A_373 : vector<16xf32>
          %sub3A_385 = arith.subf %gather3A_339, %sub3A_383 : vector<16xf32>
          %mul3A_386 = arith.mulf %sub3A_384, %sub3A_384 : vector<16xf32>
          %mul3A_387 = arith.mulf %sub3A_385, %sub3A_385 : vector<16xf32>
          %add3A_388 = arith.addf %mul3A_386, %mul3A_387 : vector<16xf32>
          %lt3A_389 = arith.constant 1.37329102E-4 : f32
          %lt3A_390 = vector.broadcast %lt3A_389 : f32 to vector<16xf32>
          %lt3A_391 = arith.cmpf olt, %add3A_388, %lt3A_390 : vector<16xf32>
          %and3A_392 = arith.andi %and3A_363, %lt3A_391 : vector<16xi1>
          %mul3A_393 = arith.constant 7281.77783 : f32
          %mul3A_394 = vector.broadcast %mul3A_393 : f32 to vector<16xf32>
          %mul3A_395 = arith.mulf %add3A_388, %mul3A_394 : vector<16xf32>
          %jit3A_396 = arith.constant 1.000000e-03 : f32
          %jit3A_397 = arith.constant 1.000000e+00 : f32
          %max3A = vector.broadcast %jit3A_396 : f32 to vector<16xf32>
          %max3A_398 = arith.maximumf %max3A, %mul3A_395 : vector<16xf32>
          %min3A = vector.broadcast %jit3A_397 : f32 to vector<16xf32>
          %min3A_399 = arith.minimumf %min3A, %max3A_398 : vector<16xf32>
          %bitcast3A = vector.bitcast %min3A_399 : vector<16xf32> to vector<16xi32>
          %shift_right_arithmetic3A = arith.constant 1 : i32
          %shift_right_arithmetic3A_400 = vector.broadcast %shift_right_arithmetic3A : i32 to vector<16xi32>
          %shift_right_arithmetic3A_401 = arith.shrsi %bitcast3A, %shift_right_arithmetic3A_400 : vector<16xi32>
          %add3A_402 = arith.constant 532487669 : i32
          %add3A_403 = vector.broadcast %add3A_402 : i32 to vector<16xi32>
          %add3A_404 = arith.addi %shift_right_arithmetic3A_401, %add3A_403 : vector<16xi32>
          %bitcast3A_405 = vector.bitcast %add3A_404 : vector<16xi32> to vector<16xf32>
          %div3A_406 = arith.divf %min3A_399, %bitcast3A_405 : vector<16xf32>
          %add3A_407 = arith.addf %bitcast3A_405, %div3A_406 : vector<16xf32>
          %mul3A_408 = arith.constant 5.000000e-01 : f32
          %mul3A_409 = vector.broadcast %mul3A_408 : f32 to vector<16xf32>
          %mul3A_410 = arith.mulf %mul3A_409, %add3A_407 : vector<16xf32>
          %div3A_411 = arith.divf %min3A_399, %mul3A_410 : vector<16xf32>
          %add3A_412 = arith.addf %mul3A_410, %div3A_411 : vector<16xf32>
          %mul3A_413 = arith.constant 5.000000e-01 : f32
          %mul3A_414 = vector.broadcast %mul3A_413 : f32 to vector<16xf32>
          %mul3A_415 = arith.mulf %mul3A_414, %add3A_412 : vector<16xf32>
          %sub3A_416 = arith.constant 1.000000e+00 : f32
          %sub3A_417 = vector.broadcast %sub3A_416 : f32 to vector<16xf32>
          %sub3A_418 = arith.subf %sub3A_417, %mul3A_415 : vector<16xf32>
          %mul3A_419 = arith.constant 6.553500e+04 : f32
          %mul3A_420 = vector.broadcast %mul3A_419 : f32 to vector<16xf32>
          %mul3A_421 = arith.mulf %sub3A_418, %mul3A_420 : vector<16xf32>
          %add3A_422 = arith.constant 5.000000e-01 : f32
          %add3A_423 = vector.broadcast %add3A_422 : f32 to vector<16xf32>
          %add3A_424 = arith.addf %mul3A_421, %add3A_423 : vector<16xf32>
          %convert_element_type3A_425 = arith.fptosi %add3A_424 : vector<16xf32> to vector<16xi32>
          %sub3A_426 = vector.broadcast %mul3A_2 : i32 to vector<16xi32>
          %sub3A_427 = arith.subi %add3A_347, %sub3A_426 : vector<16xi32>
          %mul3A_428 = arith.constant 256 : i32
          %mul3A_429 = vector.broadcast %mul3A_428 : i32 to vector<16xi32>
          %mul3A_430 = arith.muli %sub3A_427, %mul3A_429 : vector<16xi32>
          %add3A_431 = arith.addi %mul3A_430, %add3A_348 : vector<16xi32>
          %jit3A_432 = arith.constant 0 : i32
          %broadcast_in_dim3A_433 = vector.broadcast %jit3A_432 : i32 to vector<16xi32>
          %select_n3A_434 = arith.select %and3A_392, %add3A_431, %broadcast_in_dim3A_433 : vector<16xi1>, vector<16xi32>
          %shift_left3A = arith.constant 16 : i32
          %shift_left3A_435 = vector.broadcast %shift_left3A : i32 to vector<16xi32>
          %shift_left3A_436 = arith.shli %add3A_346, %shift_left3A_435 : vector<16xi32>
          %or3A = arith.ori %shift_left3A_436, %convert_element_type3A_425 : vector<16xi32>
          %gather3A_437 = tpu.vector_load_idx %arg20[%select_n3A_434] masked %and3A_392 : memref<2048xf32, #tpu.memory_space<vmem>>[vector<16xi32>], vector<16xf32>, vector<16xi1>
          %gather3A_438 = tpu.vector_load_idx %arg21[%select_n3A_434] masked %and3A_392 : memref<2048xf32, #tpu.memory_space<vmem>>[vector<16xi32>], vector<16xf32>, vector<16xi1>
          %gather3A_439 = tpu.vector_load_idx %arg22[%select_n3A_434] masked %and3A_392 : memref<2048xf32, #tpu.memory_space<vmem>>[vector<16xi32>], vector<16xf32>, vector<16xi1>
          %gather3A_440 = tpu.vector_load_idx %arg23[%select_n3A_434] masked %and3A_392 : memref<2048xf32, #tpu.memory_space<vmem>>[vector<16xi32>], vector<16xf32>, vector<16xi1>
          %gather3A_441 = tpu.vector_load_idx %arg24[%select_n3A_434] masked %and3A_392 : memref<2048xf32, #tpu.memory_space<vmem>>[vector<16xi32>], vector<16xf32>, vector<16xi1>
          %gather3A_442 = tpu.vector_load_idx %arg25[%select_n3A_434] masked %and3A_392 : memref<2048xf32, #tpu.memory_space<vmem>>[vector<16xi32>], vector<16xf32>, vector<16xi1>
          %gather3A_443 = tpu.vector_load_idx %arg26[%select_n3A_434] masked %and3A_392 : memref<2048xf32, #tpu.memory_space<vmem>>[vector<16xi32>], vector<16xf32>, vector<16xi1>
          %gather3A_444 = tpu.vector_load_idx %arg27[%select_n3A_434] masked %and3A_392 : memref<2048xf32, #tpu.memory_space<vmem>>[vector<16xi32>], vector<16xf32>, vector<16xi1>
          %gather3A_445 = tpu.vector_load_idx %arg28[%select_n3A_434] masked %and3A_392 : memref<2048xi32, #tpu.memory_space<vmem>>[vector<16xi32>], vector<16xi32>, vector<16xi1>
          %gather3A_446 = tpu.vector_load_idx %arg29[%select_n3A_434] masked %and3A_392 : memref<2048xi32, #tpu.memory_space<vmem>>[vector<16xi32>], vector<16xi32>, vector<16xi1>
          %gather3A_447 = tpu.vector_load_idx %arg30[%select_n3A_434] masked %and3A_392 : memref<2048xi32, #tpu.memory_space<vmem>>[vector<16xi32>], vector<16xi32>, vector<16xi1>
          %gather3A_448 = tpu.vector_load_idx %arg31[%select_n3A_434] masked %and3A_392 : memref<2048xi32, #tpu.memory_space<vmem>>[vector<16xi32>], vector<16xi32>, vector<16xi1>
          %gather3A_449 = tpu.vector_load_idx %arg32[%select_n3A_434] masked %and3A_392 : memref<2048xi32, #tpu.memory_space<vmem>>[vector<16xi32>], vector<16xi32>, vector<16xi1>
          %gather3A_450 = tpu.vector_load_idx %arg33[%select_n3A_434] masked %and3A_392 : memref<2048xi32, #tpu.memory_space<vmem>>[vector<16xi32>], vector<16xi32>, vector<16xi1>
          %gather3A_451 = tpu.vector_load_idx %arg34[%select_n3A_434] masked %and3A_392 : memref<2048xi32, #tpu.memory_space<vmem>>[vector<16xi32>], vector<16xi32>, vector<16xi1>
          %gather3A_452 = tpu.vector_load_idx %arg35[%select_n3A_434] masked %and3A_392 : memref<2048xi32, #tpu.memory_space<vmem>>[vector<16xi32>], vector<16xi32>, vector<16xi1>
          %lt3A_453 = arith.cmpf olt, %gather3A_340, %gather3A_437 : vector<16xf32>
          %and3A_454 = arith.andi %and3A_392, %lt3A_453 : vector<16xi1>
          tpu.vector_store_idx %arg20[%select_n3A_434], %gather3A_340 masked %and3A_454 : memref<2048xf32, #tpu.memory_space<vmem>>[vector<16xi32>], vector<16xf32>, vector<16xi1>
          tpu.vector_store_idx %arg28[%select_n3A_434], %or3A masked %and3A_454 : memref<2048xi32, #tpu.memory_space<vmem>>[vector<16xi32>], vector<16xi32>, vector<16xi1>
          %select_n3A_455 = arith.select %and3A_454, %gather3A_437, %gather3A_340 : vector<16xi1>, vector<16xf32>
          %select_n3A_456 = arith.select %and3A_454, %gather3A_445, %or3A : vector<16xi1>, vector<16xi32>
          %lt3A_457 = arith.cmpf olt, %select_n3A_455, %gather3A_438 : vector<16xf32>
          %and3A_458 = arith.andi %and3A_392, %lt3A_457 : vector<16xi1>
          tpu.vector_store_idx %arg21[%select_n3A_434], %select_n3A_455 masked %and3A_458 : memref<2048xf32, #tpu.memory_space<vmem>>[vector<16xi32>], vector<16xf32>, vector<16xi1>
          tpu.vector_store_idx %arg29[%select_n3A_434], %select_n3A_456 masked %and3A_458 : memref<2048xi32, #tpu.memory_space<vmem>>[vector<16xi32>], vector<16xi32>, vector<16xi1>
          %select_n3A_459 = arith.select %and3A_458, %gather3A_438, %select_n3A_455 : vector<16xi1>, vector<16xf32>
          %select_n3A_460 = arith.select %and3A_458, %gather3A_446, %select_n3A_456 : vector<16xi1>, vector<16xi32>
          %lt3A_461 = arith.cmpf olt, %select_n3A_459, %gather3A_439 : vector<16xf32>
          %and3A_462 = arith.andi %and3A_392, %lt3A_461 : vector<16xi1>
          tpu.vector_store_idx %arg22[%select_n3A_434], %select_n3A_459 masked %and3A_462 : memref<2048xf32, #tpu.memory_space<vmem>>[vector<16xi32>], vector<16xf32>, vector<16xi1>
          tpu.vector_store_idx %arg30[%select_n3A_434], %select_n3A_460 masked %and3A_462 : memref<2048xi32, #tpu.memory_space<vmem>>[vector<16xi32>], vector<16xi32>, vector<16xi1>
          %select_n3A_463 = arith.select %and3A_462, %gather3A_439, %select_n3A_459 : vector<16xi1>, vector<16xf32>
          %select_n3A_464 = arith.select %and3A_462, %gather3A_447, %select_n3A_460 : vector<16xi1>, vector<16xi32>
          %lt3A_465 = arith.cmpf olt, %select_n3A_463, %gather3A_440 : vector<16xf32>
          %and3A_466 = arith.andi %and3A_392, %lt3A_465 : vector<16xi1>
          tpu.vector_store_idx %arg23[%select_n3A_434], %select_n3A_463 masked %and3A_466 : memref<2048xf32, #tpu.memory_space<vmem>>[vector<16xi32>], vector<16xf32>, vector<16xi1>
          tpu.vector_store_idx %arg31[%select_n3A_434], %select_n3A_464 masked %and3A_466 : memref<2048xi32, #tpu.memory_space<vmem>>[vector<16xi32>], vector<16xi32>, vector<16xi1>
          %select_n3A_467 = arith.select %and3A_466, %gather3A_440, %select_n3A_463 : vector<16xi1>, vector<16xf32>
          %select_n3A_468 = arith.select %and3A_466, %gather3A_448, %select_n3A_464 : vector<16xi1>, vector<16xi32>
          %lt3A_469 = arith.cmpf olt, %select_n3A_467, %gather3A_441 : vector<16xf32>
          %and3A_470 = arith.andi %and3A_392, %lt3A_469 : vector<16xi1>
          tpu.vector_store_idx %arg24[%select_n3A_434], %select_n3A_467 masked %and3A_470 : memref<2048xf32, #tpu.memory_space<vmem>>[vector<16xi32>], vector<16xf32>, vector<16xi1>
          tpu.vector_store_idx %arg32[%select_n3A_434], %select_n3A_468 masked %and3A_470 : memref<2048xi32, #tpu.memory_space<vmem>>[vector<16xi32>], vector<16xi32>, vector<16xi1>
          %select_n3A_471 = arith.select %and3A_470, %gather3A_441, %select_n3A_467 : vector<16xi1>, vector<16xf32>
          %select_n3A_472 = arith.select %and3A_470, %gather3A_449, %select_n3A_468 : vector<16xi1>, vector<16xi32>
          %lt3A_473 = arith.cmpf olt, %select_n3A_471, %gather3A_442 : vector<16xf32>
          %and3A_474 = arith.andi %and3A_392, %lt3A_473 : vector<16xi1>
          tpu.vector_store_idx %arg25[%select_n3A_434], %select_n3A_471 masked %and3A_474 : memref<2048xf32, #tpu.memory_space<vmem>>[vector<16xi32>], vector<16xf32>, vector<16xi1>
          tpu.vector_store_idx %arg33[%select_n3A_434], %select_n3A_472 masked %and3A_474 : memref<2048xi32, #tpu.memory_space<vmem>>[vector<16xi32>], vector<16xi32>, vector<16xi1>
          %select_n3A_475 = arith.select %and3A_474, %gather3A_442, %select_n3A_471 : vector<16xi1>, vector<16xf32>
          %select_n3A_476 = arith.select %and3A_474, %gather3A_450, %select_n3A_472 : vector<16xi1>, vector<16xi32>
          %lt3A_477 = arith.cmpf olt, %select_n3A_475, %gather3A_443 : vector<16xf32>
          %and3A_478 = arith.andi %and3A_392, %lt3A_477 : vector<16xi1>
          tpu.vector_store_idx %arg26[%select_n3A_434], %select_n3A_475 masked %and3A_478 : memref<2048xf32, #tpu.memory_space<vmem>>[vector<16xi32>], vector<16xf32>, vector<16xi1>
          tpu.vector_store_idx %arg34[%select_n3A_434], %select_n3A_476 masked %and3A_478 : memref<2048xi32, #tpu.memory_space<vmem>>[vector<16xi32>], vector<16xi32>, vector<16xi1>
          %select_n3A_479 = arith.select %and3A_478, %gather3A_443, %select_n3A_475 : vector<16xi1>, vector<16xf32>
          %select_n3A_480 = arith.select %and3A_478, %gather3A_451, %select_n3A_476 : vector<16xi1>, vector<16xi32>
          %lt3A_481 = arith.cmpf olt, %select_n3A_479, %gather3A_444 : vector<16xf32>
          %and3A_482 = arith.andi %and3A_392, %lt3A_481 : vector<16xi1>
          tpu.vector_store_idx %arg27[%select_n3A_434], %select_n3A_479 masked %and3A_482 : memref<2048xf32, #tpu.memory_space<vmem>>[vector<16xi32>], vector<16xf32>, vector<16xi1>
          tpu.vector_store_idx %arg35[%select_n3A_434], %select_n3A_480 masked %and3A_482 : memref<2048xi32, #tpu.memory_space<vmem>>[vector<16xi32>], vector<16xi32>, vector<16xi1>
          %select_n3A_483 = arith.select %and3A_482, %gather3A_444, %select_n3A_479 : vector<16xi1>, vector<16xf32>
          %select_n3A_484 = arith.select %and3A_482, %gather3A_452, %select_n3A_480 : vector<16xi1>, vector<16xi32>
          %add3A_485 = arith.addi %gather3A_341, %sub3A_76 : vector<16xi32>
          %add3A_486 = arith.addi %gather3A_342, %sub3A_82 : vector<16xi32>
          %ge3A_487 = vector.broadcast %mul3A_2 : i32 to vector<16xi32>
          %ge3A_488 = arith.cmpi sge, %add3A_485, %ge3A_487 : vector<16xi32>
          %and3A_489 = arith.andi %lt3A_85, %ge3A_488 : vector<16xi1>
          %add3A_490 = arith.constant 8 : i32
          %add3A_491 = arith.addi %mul3A_2, %add3A_490 : i32
          %lt3A_492 = vector.broadcast %add3A_491 : i32 to vector<16xi32>
          %lt3A_493 = arith.cmpi slt, %add3A_485, %lt3A_492 : vector<16xi32>
          %and3A_494 = arith.andi %and3A_489, %lt3A_493 : vector<16xi1>
          %ge3A_495 = arith.constant 0 : i32
          %ge3A_496 = vector.broadcast %ge3A_495 : i32 to vector<16xi32>
          %ge3A_497 = arith.cmpi sge, %add3A_486, %ge3A_496 : vector<16xi32>
          %and3A_498 = arith.andi %and3A_494, %ge3A_497 : vector<16xi1>
          %lt3A_499 = arith.constant 256 : i32
          %lt3A_500 = vector.broadcast %lt3A_499 : i32 to vector<16xi32>
          %lt3A_501 = arith.cmpi slt, %add3A_486, %lt3A_500 : vector<16xi32>
          %and3A_502 = arith.andi %and3A_498, %lt3A_501 : vector<16xi1>
          %convert_element_type3A_503 = arith.sitofp %add3A_486 : vector<16xi32> to vector<16xf32>
          %add3A_504 = arith.constant 5.000000e-01 : f32
          %add3A_505 = vector.broadcast %add3A_504 : f32 to vector<16xf32>
          %add3A_506 = arith.addf %convert_element_type3A_503, %add3A_505 : vector<16xf32>
          %mul3A_507 = arith.constant 7.812500e-03 : f32
          %mul3A_508 = vector.broadcast %mul3A_507 : f32 to vector<16xf32>
          %mul3A_509 = arith.mulf %add3A_506, %mul3A_508 : vector<16xf32>
          %sub3A_510 = arith.constant 1.000000e+00 : f32
          %sub3A_511 = vector.broadcast %sub3A_510 : f32 to vector<16xf32>
          %sub3A_512 = arith.subf %sub3A_511, %mul3A_509 : vector<16xf32>
          %convert_element_type3A_513 = arith.sitofp %add3A_485 : vector<16xi32> to vector<16xf32>
          %add3A_514 = arith.constant 5.000000e-01 : f32
          %add3A_515 = vector.broadcast %add3A_514 : f32 to vector<16xf32>
          %add3A_516 = arith.addf %convert_element_type3A_513, %add3A_515 : vector<16xf32>
          %mul3A_517 = arith.constant 7.812500e-03 : f32
          %mul3A_518 = vector.broadcast %mul3A_517 : f32 to vector<16xf32>
          %mul3A_519 = arith.mulf %add3A_516, %mul3A_518 : vector<16xf32>
          %sub3A_520 = arith.constant 1.000000e+00 : f32
          %sub3A_521 = vector.broadcast %sub3A_520 : f32 to vector<16xf32>
          %sub3A_522 = arith.subf %sub3A_521, %mul3A_519 : vector<16xf32>
          %sub3A_523 = arith.subf %gather3A_338, %sub3A_512 : vector<16xf32>
          %sub3A_524 = arith.subf %gather3A_339, %sub3A_522 : vector<16xf32>
          %mul3A_525 = arith.mulf %sub3A_523, %sub3A_523 : vector<16xf32>
          %mul3A_526 = arith.mulf %sub3A_524, %sub3A_524 : vector<16xf32>
          %add3A_527 = arith.addf %mul3A_525, %mul3A_526 : vector<16xf32>
          %lt3A_528 = arith.constant 1.37329102E-4 : f32
          %lt3A_529 = vector.broadcast %lt3A_528 : f32 to vector<16xf32>
          %lt3A_530 = arith.cmpf olt, %add3A_527, %lt3A_529 : vector<16xf32>
          %and3A_531 = arith.andi %and3A_502, %lt3A_530 : vector<16xi1>
          %mul3A_532 = arith.constant 7281.77783 : f32
          %mul3A_533 = vector.broadcast %mul3A_532 : f32 to vector<16xf32>
          %mul3A_534 = arith.mulf %add3A_527, %mul3A_533 : vector<16xf32>
          %jit3A_535 = arith.constant 1.000000e-03 : f32
          %jit3A_536 = arith.constant 1.000000e+00 : f32
          %max3A_537 = vector.broadcast %jit3A_535 : f32 to vector<16xf32>
          %max3A_538 = arith.maximumf %max3A_537, %mul3A_534 : vector<16xf32>
          %min3A_539 = vector.broadcast %jit3A_536 : f32 to vector<16xf32>
          %min3A_540 = arith.minimumf %min3A_539, %max3A_538 : vector<16xf32>
          %bitcast3A_541 = vector.bitcast %min3A_540 : vector<16xf32> to vector<16xi32>
          %shift_right_arithmetic3A_542 = arith.constant 1 : i32
          %shift_right_arithmetic3A_543 = vector.broadcast %shift_right_arithmetic3A_542 : i32 to vector<16xi32>
          %shift_right_arithmetic3A_544 = arith.shrsi %bitcast3A_541, %shift_right_arithmetic3A_543 : vector<16xi32>
          %add3A_545 = arith.constant 532487669 : i32
          %add3A_546 = vector.broadcast %add3A_545 : i32 to vector<16xi32>
          %add3A_547 = arith.addi %shift_right_arithmetic3A_544, %add3A_546 : vector<16xi32>
          %bitcast3A_548 = vector.bitcast %add3A_547 : vector<16xi32> to vector<16xf32>
          %div3A_549 = arith.divf %min3A_540, %bitcast3A_548 : vector<16xf32>
          %add3A_550 = arith.addf %bitcast3A_548, %div3A_549 : vector<16xf32>
          %mul3A_551 = arith.constant 5.000000e-01 : f32
          %mul3A_552 = vector.broadcast %mul3A_551 : f32 to vector<16xf32>
          %mul3A_553 = arith.mulf %mul3A_552, %add3A_550 : vector<16xf32>
          %div3A_554 = arith.divf %min3A_540, %mul3A_553 : vector<16xf32>
          %add3A_555 = arith.addf %mul3A_553, %div3A_554 : vector<16xf32>
          %mul3A_556 = arith.constant 5.000000e-01 : f32
          %mul3A_557 = vector.broadcast %mul3A_556 : f32 to vector<16xf32>
          %mul3A_558 = arith.mulf %mul3A_557, %add3A_555 : vector<16xf32>
          %sub3A_559 = arith.constant 1.000000e+00 : f32
          %sub3A_560 = vector.broadcast %sub3A_559 : f32 to vector<16xf32>
          %sub3A_561 = arith.subf %sub3A_560, %mul3A_558 : vector<16xf32>
          %mul3A_562 = arith.constant 6.553500e+04 : f32
          %mul3A_563 = vector.broadcast %mul3A_562 : f32 to vector<16xf32>
          %mul3A_564 = arith.mulf %sub3A_561, %mul3A_563 : vector<16xf32>
          %add3A_565 = arith.constant 5.000000e-01 : f32
          %add3A_566 = vector.broadcast %add3A_565 : f32 to vector<16xf32>
          %add3A_567 = arith.addf %mul3A_564, %add3A_566 : vector<16xf32>
          %convert_element_type3A_568 = arith.fptosi %add3A_567 : vector<16xf32> to vector<16xi32>
          %sub3A_569 = vector.broadcast %mul3A_2 : i32 to vector<16xi32>
          %sub3A_570 = arith.subi %add3A_485, %sub3A_569 : vector<16xi32>
          %mul3A_571 = arith.constant 256 : i32
          %mul3A_572 = vector.broadcast %mul3A_571 : i32 to vector<16xi32>
          %mul3A_573 = arith.muli %sub3A_570, %mul3A_572 : vector<16xi32>
          %add3A_574 = arith.addi %mul3A_573, %add3A_486 : vector<16xi32>
          %jit3A_575 = arith.constant 0 : i32
          %broadcast_in_dim3A_576 = vector.broadcast %jit3A_575 : i32 to vector<16xi32>
          %select_n3A_577 = arith.select %and3A_531, %add3A_574, %broadcast_in_dim3A_576 : vector<16xi1>, vector<16xi32>
          %shift_left3A_578 = arith.constant 16 : i32
          %shift_left3A_579 = vector.broadcast %shift_left3A_578 : i32 to vector<16xi32>
          %shift_left3A_580 = arith.shli %add3A_346, %shift_left3A_579 : vector<16xi32>
          %or3A_581 = arith.ori %shift_left3A_580, %convert_element_type3A_568 : vector<16xi32>
          %gather3A_582 = tpu.vector_load_idx %arg20[%select_n3A_577] masked %and3A_531 : memref<2048xf32, #tpu.memory_space<vmem>>[vector<16xi32>], vector<16xf32>, vector<16xi1>
          %gather3A_583 = tpu.vector_load_idx %arg21[%select_n3A_577] masked %and3A_531 : memref<2048xf32, #tpu.memory_space<vmem>>[vector<16xi32>], vector<16xf32>, vector<16xi1>
          %gather3A_584 = tpu.vector_load_idx %arg22[%select_n3A_577] masked %and3A_531 : memref<2048xf32, #tpu.memory_space<vmem>>[vector<16xi32>], vector<16xf32>, vector<16xi1>
          %gather3A_585 = tpu.vector_load_idx %arg23[%select_n3A_577] masked %and3A_531 : memref<2048xf32, #tpu.memory_space<vmem>>[vector<16xi32>], vector<16xf32>, vector<16xi1>
          %gather3A_586 = tpu.vector_load_idx %arg24[%select_n3A_577] masked %and3A_531 : memref<2048xf32, #tpu.memory_space<vmem>>[vector<16xi32>], vector<16xf32>, vector<16xi1>
          %gather3A_587 = tpu.vector_load_idx %arg25[%select_n3A_577] masked %and3A_531 : memref<2048xf32, #tpu.memory_space<vmem>>[vector<16xi32>], vector<16xf32>, vector<16xi1>
          %gather3A_588 = tpu.vector_load_idx %arg26[%select_n3A_577] masked %and3A_531 : memref<2048xf32, #tpu.memory_space<vmem>>[vector<16xi32>], vector<16xf32>, vector<16xi1>
          %gather3A_589 = tpu.vector_load_idx %arg27[%select_n3A_577] masked %and3A_531 : memref<2048xf32, #tpu.memory_space<vmem>>[vector<16xi32>], vector<16xf32>, vector<16xi1>
          %gather3A_590 = tpu.vector_load_idx %arg28[%select_n3A_577] masked %and3A_531 : memref<2048xi32, #tpu.memory_space<vmem>>[vector<16xi32>], vector<16xi32>, vector<16xi1>
          %gather3A_591 = tpu.vector_load_idx %arg29[%select_n3A_577] masked %and3A_531 : memref<2048xi32, #tpu.memory_space<vmem>>[vector<16xi32>], vector<16xi32>, vector<16xi1>
          %gather3A_592 = tpu.vector_load_idx %arg30[%select_n3A_577] masked %and3A_531 : memref<2048xi32, #tpu.memory_space<vmem>>[vector<16xi32>], vector<16xi32>, vector<16xi1>
          %gather3A_593 = tpu.vector_load_idx %arg31[%select_n3A_577] masked %and3A_531 : memref<2048xi32, #tpu.memory_space<vmem>>[vector<16xi32>], vector<16xi32>, vector<16xi1>
          %gather3A_594 = tpu.vector_load_idx %arg32[%select_n3A_577] masked %and3A_531 : memref<2048xi32, #tpu.memory_space<vmem>>[vector<16xi32>], vector<16xi32>, vector<16xi1>
          %gather3A_595 = tpu.vector_load_idx %arg33[%select_n3A_577] masked %and3A_531 : memref<2048xi32, #tpu.memory_space<vmem>>[vector<16xi32>], vector<16xi32>, vector<16xi1>
          %gather3A_596 = tpu.vector_load_idx %arg34[%select_n3A_577] masked %and3A_531 : memref<2048xi32, #tpu.memory_space<vmem>>[vector<16xi32>], vector<16xi32>, vector<16xi1>
          %gather3A_597 = tpu.vector_load_idx %arg35[%select_n3A_577] masked %and3A_531 : memref<2048xi32, #tpu.memory_space<vmem>>[vector<16xi32>], vector<16xi32>, vector<16xi1>
          %lt3A_598 = arith.cmpf olt, %gather3A_340, %gather3A_582 : vector<16xf32>
          %and3A_599 = arith.andi %and3A_531, %lt3A_598 : vector<16xi1>
          tpu.vector_store_idx %arg20[%select_n3A_577], %gather3A_340 masked %and3A_599 : memref<2048xf32, #tpu.memory_space<vmem>>[vector<16xi32>], vector<16xf32>, vector<16xi1>
          tpu.vector_store_idx %arg28[%select_n3A_577], %or3A_581 masked %and3A_599 : memref<2048xi32, #tpu.memory_space<vmem>>[vector<16xi32>], vector<16xi32>, vector<16xi1>
          %select_n3A_600 = arith.select %and3A_599, %gather3A_582, %gather3A_340 : vector<16xi1>, vector<16xf32>
          %select_n3A_601 = arith.select %and3A_599, %gather3A_590, %or3A_581 : vector<16xi1>, vector<16xi32>
          %lt3A_602 = arith.cmpf olt, %select_n3A_600, %gather3A_583 : vector<16xf32>
          %and3A_603 = arith.andi %and3A_531, %lt3A_602 : vector<16xi1>
          tpu.vector_store_idx %arg21[%select_n3A_577], %select_n3A_600 masked %and3A_603 : memref<2048xf32, #tpu.memory_space<vmem>>[vector<16xi32>], vector<16xf32>, vector<16xi1>
          tpu.vector_store_idx %arg29[%select_n3A_577], %select_n3A_601 masked %and3A_603 : memref<2048xi32, #tpu.memory_space<vmem>>[vector<16xi32>], vector<16xi32>, vector<16xi1>
          %select_n3A_604 = arith.select %and3A_603, %gather3A_583, %select_n3A_600 : vector<16xi1>, vector<16xf32>
          %select_n3A_605 = arith.select %and3A_603, %gather3A_591, %select_n3A_601 : vector<16xi1>, vector<16xi32>
          %lt3A_606 = arith.cmpf olt, %select_n3A_604, %gather3A_584 : vector<16xf32>
          %and3A_607 = arith.andi %and3A_531, %lt3A_606 : vector<16xi1>
          tpu.vector_store_idx %arg22[%select_n3A_577], %select_n3A_604 masked %and3A_607 : memref<2048xf32, #tpu.memory_space<vmem>>[vector<16xi32>], vector<16xf32>, vector<16xi1>
          tpu.vector_store_idx %arg30[%select_n3A_577], %select_n3A_605 masked %and3A_607 : memref<2048xi32, #tpu.memory_space<vmem>>[vector<16xi32>], vector<16xi32>, vector<16xi1>
          %select_n3A_608 = arith.select %and3A_607, %gather3A_584, %select_n3A_604 : vector<16xi1>, vector<16xf32>
          %select_n3A_609 = arith.select %and3A_607, %gather3A_592, %select_n3A_605 : vector<16xi1>, vector<16xi32>
          %lt3A_610 = arith.cmpf olt, %select_n3A_608, %gather3A_585 : vector<16xf32>
          %and3A_611 = arith.andi %and3A_531, %lt3A_610 : vector<16xi1>
          tpu.vector_store_idx %arg23[%select_n3A_577], %select_n3A_608 masked %and3A_611 : memref<2048xf32, #tpu.memory_space<vmem>>[vector<16xi32>], vector<16xf32>, vector<16xi1>
          tpu.vector_store_idx %arg31[%select_n3A_577], %select_n3A_609 masked %and3A_611 : memref<2048xi32, #tpu.memory_space<vmem>>[vector<16xi32>], vector<16xi32>, vector<16xi1>
          %select_n3A_612 = arith.select %and3A_611, %gather3A_585, %select_n3A_608 : vector<16xi1>, vector<16xf32>
          %select_n3A_613 = arith.select %and3A_611, %gather3A_593, %select_n3A_609 : vector<16xi1>, vector<16xi32>
          %lt3A_614 = arith.cmpf olt, %select_n3A_612, %gather3A_586 : vector<16xf32>
          %and3A_615 = arith.andi %and3A_531, %lt3A_614 : vector<16xi1>
          tpu.vector_store_idx %arg24[%select_n3A_577], %select_n3A_612 masked %and3A_615 : memref<2048xf32, #tpu.memory_space<vmem>>[vector<16xi32>], vector<16xf32>, vector<16xi1>
          tpu.vector_store_idx %arg32[%select_n3A_577], %select_n3A_613 masked %and3A_615 : memref<2048xi32, #tpu.memory_space<vmem>>[vector<16xi32>], vector<16xi32>, vector<16xi1>
          %select_n3A_616 = arith.select %and3A_615, %gather3A_586, %select_n3A_612 : vector<16xi1>, vector<16xf32>
          %select_n3A_617 = arith.select %and3A_615, %gather3A_594, %select_n3A_613 : vector<16xi1>, vector<16xi32>
          %lt3A_618 = arith.cmpf olt, %select_n3A_616, %gather3A_587 : vector<16xf32>
          %and3A_619 = arith.andi %and3A_531, %lt3A_618 : vector<16xi1>
          tpu.vector_store_idx %arg25[%select_n3A_577], %select_n3A_616 masked %and3A_619 : memref<2048xf32, #tpu.memory_space<vmem>>[vector<16xi32>], vector<16xf32>, vector<16xi1>
          tpu.vector_store_idx %arg33[%select_n3A_577], %select_n3A_617 masked %and3A_619 : memref<2048xi32, #tpu.memory_space<vmem>>[vector<16xi32>], vector<16xi32>, vector<16xi1>
          %select_n3A_620 = arith.select %and3A_619, %gather3A_587, %select_n3A_616 : vector<16xi1>, vector<16xf32>
          %select_n3A_621 = arith.select %and3A_619, %gather3A_595, %select_n3A_617 : vector<16xi1>, vector<16xi32>
          %lt3A_622 = arith.cmpf olt, %select_n3A_620, %gather3A_588 : vector<16xf32>
          %and3A_623 = arith.andi %and3A_531, %lt3A_622 : vector<16xi1>
          tpu.vector_store_idx %arg26[%select_n3A_577], %select_n3A_620 masked %and3A_623 : memref<2048xf32, #tpu.memory_space<vmem>>[vector<16xi32>], vector<16xf32>, vector<16xi1>
          tpu.vector_store_idx %arg34[%select_n3A_577], %select_n3A_621 masked %and3A_623 : memref<2048xi32, #tpu.memory_space<vmem>>[vector<16xi32>], vector<16xi32>, vector<16xi1>
          %select_n3A_624 = arith.select %and3A_623, %gather3A_588, %select_n3A_620 : vector<16xi1>, vector<16xf32>
          %select_n3A_625 = arith.select %and3A_623, %gather3A_596, %select_n3A_621 : vector<16xi1>, vector<16xi32>
          %lt3A_626 = arith.cmpf olt, %select_n3A_624, %gather3A_589 : vector<16xf32>
          %and3A_627 = arith.andi %and3A_531, %lt3A_626 : vector<16xi1>
          tpu.vector_store_idx %arg27[%select_n3A_577], %select_n3A_624 masked %and3A_627 : memref<2048xf32, #tpu.memory_space<vmem>>[vector<16xi32>], vector<16xf32>, vector<16xi1>
          tpu.vector_store_idx %arg35[%select_n3A_577], %select_n3A_625 masked %and3A_627 : memref<2048xi32, #tpu.memory_space<vmem>>[vector<16xi32>], vector<16xi32>, vector<16xi1>
          %select_n3A_628 = arith.select %and3A_627, %gather3A_589, %select_n3A_624 : vector<16xi1>, vector<16xf32>
          %select_n3A_629 = arith.select %and3A_627, %gather3A_597, %select_n3A_625 : vector<16xi1>, vector<16xi32>
        }
      }
      %scan3A_139 = arith.constant 16 : i32
      %get3A = arith.constant 0 : index
      %get3A_140 = tpu.vector_load %arg28[%get3A] {strides = array<i32>} : memref<2048xi32, #tpu.memory_space<vmem>>, vector<16xi32>,
      %shift_right_logical3A = arith.constant 16 : i32
      %shift_right_logical3A_141 = vector.broadcast %shift_right_logical3A : i32 to vector<16xi32>
      %shift_right_logical3A_142 = arith.shrui %get3A_140, %shift_right_logical3A_141 : vector<16xi32>
      %add3A_143 = vector.broadcast %mul3A_98 : i32 to vector<16xi32>
      %add3A_144 = arith.addi %shift_right_logical3A_142, %add3A_143 : vector<16xi32>
      %swap3A = arith.constant 0 : index
      %swap3A_145 = tpu.vector_load %arg37[%swap3A] {strides = array<i32>} : memref<128xi32, #tpu.memory_space<vmem>>, vector<16xi32>,
      tpu.vector_store %arg37[%swap3A], %add3A_144 {strides = array<i32>} : memref<128xi32, #tpu.memory_space<vmem>>, vector<16xi32>,
      %get3A_146 = arith.constant 0 : index
      %get3A_147 = tpu.vector_load %arg29[%get3A_146] {strides = array<i32>} : memref<2048xi32, #tpu.memory_space<vmem>>, vector<16xi32>,
      %shift_right_logical3A_148 = arith.constant 16 : i32
      %shift_right_logical3A_149 = vector.broadcast %shift_right_logical3A_148 : i32 to vector<16xi32>
      %shift_right_logical3A_150 = arith.shrui %get3A_147, %shift_right_logical3A_149 : vector<16xi32>
      %add3A_151 = vector.broadcast %mul3A_98 : i32 to vector<16xi32>
      %add3A_152 = arith.addi %shift_right_logical3A_150, %add3A_151 : vector<16xi32>
      %swap3A_153 = arith.constant 16 : index
      %swap3A_154 = tpu.vector_load %arg37[%swap3A_153] {strides = array<i32>} : memref<128xi32, #tpu.memory_space<vmem>>, vector<16xi32>,
      tpu.vector_store %arg37[%swap3A_153], %add3A_152 {strides = array<i32>} : memref<128xi32, #tpu.memory_space<vmem>>, vector<16xi32>,
      %get3A_155 = arith.constant 0 : index
      %get3A_156 = tpu.vector_load %arg30[%get3A_155] {strides = array<i32>} : memref<2048xi32, #tpu.memory_space<vmem>>, vector<16xi32>,
      %shift_right_logical3A_157 = arith.constant 16 : i32
      %shift_right_logical3A_158 = vector.broadcast %shift_right_logical3A_157 : i32 to vector<16xi32>
      %shift_right_logical3A_159 = arith.shrui %get3A_156, %shift_right_logical3A_158 : vector<16xi32>
      %add3A_160 = vector.broadcast %mul3A_98 : i32 to vector<16xi32>
      %add3A_161 = arith.addi %shift_right_logical3A_159, %add3A_160 : vector<16xi32>
      %swap3A_162 = arith.constant 32 : index
      %swap3A_163 = tpu.vector_load %arg37[%swap3A_162] {strides = array<i32>} : memref<128xi32, #tpu.memory_space<vmem>>, vector<16xi32>,
      tpu.vector_store %arg37[%swap3A_162], %add3A_161 {strides = array<i32>} : memref<128xi32, #tpu.memory_space<vmem>>, vector<16xi32>,
      %get3A_164 = arith.constant 0 : index
      %get3A_165 = tpu.vector_load %arg31[%get3A_164] {strides = array<i32>} : memref<2048xi32, #tpu.memory_space<vmem>>, vector<16xi32>,
      %shift_right_logical3A_166 = arith.constant 16 : i32
      %shift_right_logical3A_167 = vector.broadcast %shift_right_logical3A_166 : i32 to vector<16xi32>
      %shift_right_logical3A_168 = arith.shrui %get3A_165, %shift_right_logical3A_167 : vector<16xi32>
      %add3A_169 = vector.broadcast %mul3A_98 : i32 to vector<16xi32>
      %add3A_170 = arith.addi %shift_right_logical3A_168, %add3A_169 : vector<16xi32>
      %swap3A_171 = arith.constant 48 : index
      %swap3A_172 = tpu.vector_load %arg37[%swap3A_171] {strides = array<i32>} : memref<128xi32, #tpu.memory_space<vmem>>, vector<16xi32>,
      tpu.vector_store %arg37[%swap3A_171], %add3A_170 {strides = array<i32>} : memref<128xi32, #tpu.memory_space<vmem>>, vector<16xi32>,
      %get3A_173 = arith.constant 0 : index
      %get3A_174 = tpu.vector_load %arg32[%get3A_173] {strides = array<i32>} : memref<2048xi32, #tpu.memory_space<vmem>>, vector<16xi32>,
      %shift_right_logical3A_175 = arith.constant 16 : i32
      %shift_right_logical3A_176 = vector.broadcast %shift_right_logical3A_175 : i32 to vector<16xi32>
      %shift_right_logical3A_177 = arith.shrui %get3A_174, %shift_right_logical3A_176 : vector<16xi32>
      %add3A_178 = vector.broadcast %mul3A_98 : i32 to vector<16xi32>
      %add3A_179 = arith.addi %shift_right_logical3A_177, %add3A_178 : vector<16xi32>
      %swap3A_180 = arith.constant 64 : index
      %swap3A_181 = tpu.vector_load %arg37[%swap3A_180] {strides = array<i32>} : memref<128xi32, #tpu.memory_space<vmem>>, vector<16xi32>,
      tpu.vector_store %arg37[%swap3A_180], %add3A_179 {strides = array<i32>} : memref<128xi32, #tpu.memory_space<vmem>>, vector<16xi32>,
      %get3A_182 = arith.constant 0 : index
      %get3A_183 = tpu.vector_load %arg33[%get3A_182] {strides = array<i32>} : memref<2048xi32, #tpu.memory_space<vmem>>, vector<16xi32>,
      %shift_right_logical3A_184 = arith.constant 16 : i32
      %shift_right_logical3A_185 = vector.broadcast %shift_right_logical3A_184 : i32 to vector<16xi32>
      %shift_right_logical3A_186 = arith.shrui %get3A_183, %shift_right_logical3A_185 : vector<16xi32>
      %add3A_187 = vector.broadcast %mul3A_98 : i32 to vector<16xi32>
      %add3A_188 = arith.addi %shift_right_logical3A_186, %add3A_187 : vector<16xi32>
      %swap3A_189 = arith.constant 80 : index
      %swap3A_190 = tpu.vector_load %arg37[%swap3A_189] {strides = array<i32>} : memref<128xi32, #tpu.memory_space<vmem>>, vector<16xi32>,
      tpu.vector_store %arg37[%swap3A_189], %add3A_188 {strides = array<i32>} : memref<128xi32, #tpu.memory_space<vmem>>, vector<16xi32>,
      %get3A_191 = arith.constant 0 : index
      %get3A_192 = tpu.vector_load %arg34[%get3A_191] {strides = array<i32>} : memref<2048xi32, #tpu.memory_space<vmem>>, vector<16xi32>,
      %shift_right_logical3A_193 = arith.constant 16 : i32
      %shift_right_logical3A_194 = vector.broadcast %shift_right_logical3A_193 : i32 to vector<16xi32>
      %shift_right_logical3A_195 = arith.shrui %get3A_192, %shift_right_logical3A_194 : vector<16xi32>
      %add3A_196 = vector.broadcast %mul3A_98 : i32 to vector<16xi32>
      %add3A_197 = arith.addi %shift_right_logical3A_195, %add3A_196 : vector<16xi32>
      %swap3A_198 = arith.constant 96 : index
      %swap3A_199 = tpu.vector_load %arg37[%swap3A_198] {strides = array<i32>} : memref<128xi32, #tpu.memory_space<vmem>>, vector<16xi32>,
      tpu.vector_store %arg37[%swap3A_198], %add3A_197 {strides = array<i32>} : memref<128xi32, #tpu.memory_space<vmem>>, vector<16xi32>,
      %get3A_200 = arith.constant 0 : index
      %get3A_201 = tpu.vector_load %arg35[%get3A_200] {strides = array<i32>} : memref<2048xi32, #tpu.memory_space<vmem>>, vector<16xi32>,
      %shift_right_logical3A_202 = arith.constant 16 : i32
      %shift_right_logical3A_203 = vector.broadcast %shift_right_logical3A_202 : i32 to vector<16xi32>
      %shift_right_logical3A_204 = arith.shrui %get3A_201, %shift_right_logical3A_203 : vector<16xi32>
      %add3A_205 = vector.broadcast %mul3A_98 : i32 to vector<16xi32>
      %add3A_206 = arith.addi %shift_right_logical3A_204, %add3A_205 : vector<16xi32>
      %swap3A_207 = arith.constant 112 : index
      %swap3A_208 = tpu.vector_load %arg37[%swap3A_207] {strides = array<i32>} : memref<128xi32, #tpu.memory_space<vmem>>, vector<16xi32>,
      tpu.vector_store %arg37[%swap3A_207], %add3A_206 {strides = array<i32>} : memref<128xi32, #tpu.memory_space<vmem>>, vector<16xi32>,
      %dma_start3A_209 = arith.constant 0 : i32
      %dma_start3A_210 = arith.constant 0 : i32
      %dma_start3A_211 = tpu.memref_slice %arg7[%dma_start3A_209, %dma_start3A_210] : memref<262144x16xf32, #tpu.memory_space<hbm>> -> memref<262144x16xf32, #tpu.memory_space<hbm>>
      tpu.enqueue_indirect_dma source(%dma_start3A_211 : memref<262144x16xf32, #tpu.memory_space<hbm>>) target(%arg39 : memref<128x16xf32, #tpu.memory_space<vmem>>) offsets(%arg37 : memref<128xi32, #tpu.memory_space<vmem>>) semaphore(%arg43 : memref<!tpu.dma_semaphore, #tpu.memory_space<semaphore_mem>>)
      %scan3A_212 = arith.constant 0 : i32
      %scan3A_213 = arith.constant 0 : i32
      %scan3A_214 = arith.constant 64 : i32
      %scan3A_215 = arith.addi %scan3A_213, %scan3A_214 : i32
      %scan3A_216 = arith.constant 1 : i32
      scf.for %scan3A_218 = %scan3A_213 to %scan3A_215 step %scan3A_216  : i32 {
        %mul3A_219 = arith.constant 2 : i32
        %mul3A_220 = arith.muli %mul3A_219, %scan3A_218 : i32
        %add3A_221 = arith.constant 1 : i32
        %add3A_222 = arith.addi %mul3A_220, %add3A_221 : i32
        %mul3A_223 = arith.constant 16 : i32
        %mul3A_224 = arith.muli %add3A_222, %mul3A_223 : i32
        %get3A_225 = arith.index_cast %mul3A_224 : i32 to index
        %get3A_226 = tpu.vector_load %arg28[%get3A_225] {strides = array<i32>} : memref<2048xi32, #tpu.memory_space<vmem>>, vector<16xi32>,
        %shift_right_logical3A_227 = arith.constant 16 : i32
        %shift_right_logical3A_228 = vector.broadcast %shift_right_logical3A_227 : i32 to vector<16xi32>
        %shift_right_logical3A_229 = arith.shrui %get3A_226, %shift_right_logical3A_228 : vector<16xi32>
        %add3A_230 = vector.broadcast %mul3A_98 : i32 to vector<16xi32>
        %add3A_231 = arith.addi %shift_right_logical3A_229, %add3A_230 : vector<16xi32>
        %swap3A_232 = arith.constant 0 : index
        %swap3A_233 = tpu.vector_load %arg38[%swap3A_232] {strides = array<i32>} : memref<128xi32, #tpu.memory_space<vmem>>, vector<16xi32>,
        tpu.vector_store %arg38[%swap3A_232], %add3A_231 {strides = array<i32>} : memref<128xi32, #tpu.memory_space<vmem>>, vector<16xi32>,
        %get3A_234 = arith.index_cast %mul3A_224 : i32 to index
        %get3A_235 = tpu.vector_load %arg29[%get3A_234] {strides = array<i32>} : memref<2048xi32, #tpu.memory_space<vmem>>, vector<16xi32>,
        %shift_right_logical3A_236 = arith.constant 16 : i32
        %shift_right_logical3A_237 = vector.broadcast %shift_right_logical3A_236 : i32 to vector<16xi32>
        %shift_right_logical3A_238 = arith.shrui %get3A_235, %shift_right_logical3A_237 : vector<16xi32>
        %add3A_239 = vector.broadcast %mul3A_98 : i32 to vector<16xi32>
        %add3A_240 = arith.addi %shift_right_logical3A_238, %add3A_239 : vector<16xi32>
        %swap3A_241 = arith.constant 16 : index
        %swap3A_242 = tpu.vector_load %arg38[%swap3A_241] {strides = array<i32>} : memref<128xi32, #tpu.memory_space<vmem>>, vector<16xi32>,
        tpu.vector_store %arg38[%swap3A_241], %add3A_240 {strides = array<i32>} : memref<128xi32, #tpu.memory_space<vmem>>, vector<16xi32>,
        %get3A_243 = arith.index_cast %mul3A_224 : i32 to index
        %get3A_244 = tpu.vector_load %arg30[%get3A_243] {strides = array<i32>} : memref<2048xi32, #tpu.memory_space<vmem>>, vector<16xi32>,
        %shift_right_logical3A_245 = arith.constant 16 : i32
        %shift_right_logical3A_246 = vector.broadcast %shift_right_logical3A_245 : i32 to vector<16xi32>
        %shift_right_logical3A_247 = arith.shrui %get3A_244, %shift_right_logical3A_246 : vector<16xi32>
        %add3A_248 = vector.broadcast %mul3A_98 : i32 to vector<16xi32>
        %add3A_249 = arith.addi %shift_right_logical3A_247, %add3A_248 : vector<16xi32>
        %swap3A_250 = arith.constant 32 : index
        %swap3A_251 = tpu.vector_load %arg38[%swap3A_250] {strides = array<i32>} : memref<128xi32, #tpu.memory_space<vmem>>, vector<16xi32>,
        tpu.vector_store %arg38[%swap3A_250], %add3A_249 {strides = array<i32>} : memref<128xi32, #tpu.memory_space<vmem>>, vector<16xi32>,
        %get3A_252 = arith.index_cast %mul3A_224 : i32 to index
        %get3A_253 = tpu.vector_load %arg31[%get3A_252] {strides = array<i32>} : memref<2048xi32, #tpu.memory_space<vmem>>, vector<16xi32>,
        %shift_right_logical3A_254 = arith.constant 16 : i32
        %shift_right_logical3A_255 = vector.broadcast %shift_right_logical3A_254 : i32 to vector<16xi32>
        %shift_right_logical3A_256 = arith.shrui %get3A_253, %shift_right_logical3A_255 : vector<16xi32>
        %add3A_257 = vector.broadcast %mul3A_98 : i32 to vector<16xi32>
        %add3A_258 = arith.addi %shift_right_logical3A_256, %add3A_257 : vector<16xi32>
        %swap3A_259 = arith.constant 48 : index
        %swap3A_260 = tpu.vector_load %arg38[%swap3A_259] {strides = array<i32>} : memref<128xi32, #tpu.memory_space<vmem>>, vector<16xi32>,
        tpu.vector_store %arg38[%swap3A_259], %add3A_258 {strides = array<i32>} : memref<128xi32, #tpu.memory_space<vmem>>, vector<16xi32>,
        %get3A_261 = arith.index_cast %mul3A_224 : i32 to index
        %get3A_262 = tpu.vector_load %arg32[%get3A_261] {strides = array<i32>} : memref<2048xi32, #tpu.memory_space<vmem>>, vector<16xi32>,
        %shift_right_logical3A_263 = arith.constant 16 : i32
        %shift_right_logical3A_264 = vector.broadcast %shift_right_logical3A_263 : i32 to vector<16xi32>
        %shift_right_logical3A_265 = arith.shrui %get3A_262, %shift_right_logical3A_264 : vector<16xi32>
        %add3A_266 = vector.broadcast %mul3A_98 : i32 to vector<16xi32>
        %add3A_267 = arith.addi %shift_right_logical3A_265, %add3A_266 : vector<16xi32>
        %swap3A_268 = arith.constant 64 : index
        %swap3A_269 = tpu.vector_load %arg38[%swap3A_268] {strides = array<i32>} : memref<128xi32, #tpu.memory_space<vmem>>, vector<16xi32>,
        tpu.vector_store %arg38[%swap3A_268], %add3A_267 {strides = array<i32>} : memref<128xi32, #tpu.memory_space<vmem>>, vector<16xi32>,
        %get3A_270 = arith.index_cast %mul3A_224 : i32 to index
        %get3A_271 = tpu.vector_load %arg33[%get3A_270] {strides = array<i32>} : memref<2048xi32, #tpu.memory_space<vmem>>, vector<16xi32>,
        %shift_right_logical3A_272 = arith.constant 16 : i32
        %shift_right_logical3A_273 = vector.broadcast %shift_right_logical3A_272 : i32 to vector<16xi32>
        %shift_right_logical3A_274 = arith.shrui %get3A_271, %shift_right_logical3A_273 : vector<16xi32>
        %add3A_275 = vector.broadcast %mul3A_98 : i32 to vector<16xi32>
        %add3A_276 = arith.addi %shift_right_logical3A_274, %add3A_275 : vector<16xi32>
        %swap3A_277 = arith.constant 80 : index
        %swap3A_278 = tpu.vector_load %arg38[%swap3A_277] {strides = array<i32>} : memref<128xi32, #tpu.memory_space<vmem>>, vector<16xi32>,
        tpu.vector_store %arg38[%swap3A_277], %add3A_276 {strides = array<i32>} : memref<128xi32, #tpu.memory_space<vmem>>, vector<16xi32>,
        %get3A_279 = arith.index_cast %mul3A_224 : i32 to index
        %get3A_280 = tpu.vector_load %arg34[%get3A_279] {strides = array<i32>} : memref<2048xi32, #tpu.memory_space<vmem>>, vector<16xi32>,
        %shift_right_logical3A_281 = arith.constant 16 : i32
        %shift_right_logical3A_282 = vector.broadcast %shift_right_logical3A_281 : i32 to vector<16xi32>
        %shift_right_logical3A_283 = arith.shrui %get3A_280, %shift_right_logical3A_282 : vector<16xi32>
        %add3A_284 = vector.broadcast %mul3A_98 : i32 to vector<16xi32>
        %add3A_285 = arith.addi %shift_right_logical3A_283, %add3A_284 : vector<16xi32>
        %swap3A_286 = arith.constant 96 : index
        %swap3A_287 = tpu.vector_load %arg38[%swap3A_286] {strides = array<i32>} : memref<128xi32, #tpu.memory_space<vmem>>, vector<16xi32>,
        tpu.vector_store %arg38[%swap3A_286], %add3A_285 {strides = array<i32>} : memref<128xi32, #tpu.memory_space<vmem>>, vector<16xi32>,
        %get3A_288 = arith.index_cast %mul3A_224 : i32 to index
        %get3A_289 = tpu.vector_load %arg35[%get3A_288] {strides = array<i32>} : memref<2048xi32, #tpu.memory_space<vmem>>, vector<16xi32>,
        %shift_right_logical3A_290 = arith.constant 16 : i32
        %shift_right_logical3A_291 = vector.broadcast %shift_right_logical3A_290 : i32 to vector<16xi32>
        %shift_right_logical3A_292 = arith.shrui %get3A_289, %shift_right_logical3A_291 : vector<16xi32>
        %add3A_293 = vector.broadcast %mul3A_98 : i32 to vector<16xi32>
        %add3A_294 = arith.addi %shift_right_logical3A_292, %add3A_293 : vector<16xi32>
        %swap3A_295 = arith.constant 112 : index
        %swap3A_296 = tpu.vector_load %arg38[%swap3A_295] {strides = array<i32>} : memref<128xi32, #tpu.memory_space<vmem>>, vector<16xi32>,
        tpu.vector_store %arg38[%swap3A_295], %add3A_294 {strides = array<i32>} : memref<128xi32, #tpu.memory_space<vmem>>, vector<16xi32>,
        %dma_start3A_297 = arith.constant 0 : i32
        %dma_start3A_298 = arith.constant 0 : i32
        %dma_start3A_299 = tpu.memref_slice %arg7[%dma_start3A_297, %dma_start3A_298] : memref<262144x16xf32, #tpu.memory_space<hbm>> -> memref<262144x16xf32, #tpu.memory_space<hbm>>
        tpu.enqueue_indirect_dma source(%dma_start3A_299 : memref<262144x16xf32, #tpu.memory_space<hbm>>) target(%arg40 : memref<128x16xf32, #tpu.memory_space<vmem>>) offsets(%arg38 : memref<128xi32, #tpu.memory_space<vmem>>) semaphore(%arg44 : memref<!tpu.dma_semaphore, #tpu.memory_space<semaphore_mem>>)
        %dma_wait3A = arith.constant 0 : i32
        %dma_wait3A_300 = arith.constant 0 : i32
        %dma_wait3A_301 = tpu.memref_slice %arg7[%dma_wait3A, %dma_wait3A_300] : memref<262144x16xf32, #tpu.memory_space<hbm>> -> memref<262144x16xf32, #tpu.memory_space<hbm>>
        tpu.wait_indirect_dma semaphore(%arg43 : memref<!tpu.dma_semaphore, #tpu.memory_space<semaphore_mem>>) src(%dma_wait3A_301 : memref<262144x16xf32, #tpu.memory_space<hbm>>) dst(%arg39 : memref<128x16xf32, #tpu.memory_space<vmem>>)
        %mul3A_302 = arith.constant 2 : i32
        %mul3A_303 = arith.muli %mul3A_302, %scan3A_218 : i32
        %mul3A_304 = arith.constant 16 : i32
        %mul3A_305 = arith.muli %mul3A_303, %mul3A_304 : i32
        %get3A_306 = arith.index_cast %mul3A_305 : i32 to index
        %get3A_307 = tpu.vector_load %arg28[%get3A_306] {strides = array<i32>} : memref<2048xi32, #tpu.memory_space<vmem>>, vector<16xi32>,
        %and3A_308 = arith.constant 65535 : i32
        %and3A_309 = vector.broadcast %and3A_308 : i32 to vector<16xi32>
        %and3A_310 = arith.andi %get3A_307, %and3A_309 : vector<16xi32>
        %convert_element_type3A = arith.sitofp %and3A_310 : vector<16xi32> to vector<16xf32>
        %mul3A_311 = arith.constant 1.52590219E-5 : f32
        %mul3A_312 = vector.broadcast %mul3A_311 : f32 to vector<16xf32>
        %mul3A_313 = arith.mulf %convert_element_type3A, %mul3A_312 : vector<16xf32>
        %get3A_314 = arith.index_cast %mul3A_305 : i32 to index
        %get3A_315 = tpu.vector_load %arg29[%get3A_314] {strides = array<i32>} : memref<2048xi32, #tpu.memory_space<vmem>>, vector<16xi32>,
        %and3A_316 = arith.constant 65535 : i32
        %and3A_317 = vector.broadcast %and3A_316 : i32 to vector<16xi32>
        %and3A_318 = arith.andi %get3A_315, %and3A_317 : vector<16xi32>
        %convert_element_type3A_319 = arith.sitofp %and3A_318 : vector<16xi32> to vector<16xf32>
        %mul3A_320 = arith.constant 1.52590219E-5 : f32
        %mul3A_321 = vector.broadcast %mul3A_320 : f32 to vector<16xf32>
        %mul3A_322 = arith.mulf %convert_element_type3A_319, %mul3A_321 : vector<16xf32>
        %get3A_323 = arith.index_cast %mul3A_305 : i32 to index
        %get3A_324 = tpu.vector_load %arg30[%get3A_323] {strides = array<i32>} : memref<2048xi32, #tpu.memory_space<vmem>>, vector<16xi32>,
        %and3A_325 = arith.constant 65535 : i32
        %and3A_326 = vector.broadcast %and3A_325 : i32 to vector<16xi32>
        %and3A_327 = arith.andi %get3A_324, %and3A_326 : vector<16xi32>
        %convert_element_type3A_328 = arith.sitofp %and3A_327 : vector<16xi32> to vector<16xf32>
        %mul3A_329 = arith.constant 1.52590219E-5 : f32
        %mul3A_330 = vector.broadcast %mul3A_329 : f32 to vector<16xf32>
        %mul3A_331 = arith.mulf %convert_element_type3A_328, %mul3A_330 : vector<16xf32>
        %get3A_332 = arith.index_cast %mul3A_305 : i32 to index
        %get3A_333 = tpu.vector_load %arg31[%get3A_332] {strides = array<i32>} : memref<2048xi32, #tpu.memory_space<vmem>>, vector<16xi32>,
        %and3A_334 = arith.constant 65535 : i32
        %and3A_335 = vector.broadcast %and3A_334 : i32 to vector<16xi32>
        %and3A_336 = arith.andi %get3A_333, %and3A_335 : vector<16xi32>
        %convert_element_type3A_337 = arith.sitofp %and3A_336 : vector<16xi32> to vector<16xf32>
        %mul3A_338 = arith.constant 1.52590219E-5 : f32
        %mul3A_339 = vector.broadcast %mul3A_338 : f32 to vector<16xf32>
        %mul3A_340 = arith.mulf %convert_element_type3A_337, %mul3A_339 : vector<16xf32>
        %get3A_341 = arith.index_cast %mul3A_305 : i32 to index
        %get3A_342 = tpu.vector_load %arg32[%get3A_341] {strides = array<i32>} : memref<2048xi32, #tpu.memory_space<vmem>>, vector<16xi32>,
        %and3A_343 = arith.constant 65535 : i32
        %and3A_344 = vector.broadcast %and3A_343 : i32 to vector<16xi32>
        %and3A_345 = arith.andi %get3A_342, %and3A_344 : vector<16xi32>
        %convert_element_type3A_346 = arith.sitofp %and3A_345 : vector<16xi32> to vector<16xf32>
        %mul3A_347 = arith.constant 1.52590219E-5 : f32
        %mul3A_348 = vector.broadcast %mul3A_347 : f32 to vector<16xf32>
        %mul3A_349 = arith.mulf %convert_element_type3A_346, %mul3A_348 : vector<16xf32>
        %get3A_350 = arith.index_cast %mul3A_305 : i32 to index
        %get3A_351 = tpu.vector_load %arg33[%get3A_350] {strides = array<i32>} : memref<2048xi32, #tpu.memory_space<vmem>>, vector<16xi32>,
        %and3A_352 = arith.constant 65535 : i32
        %and3A_353 = vector.broadcast %and3A_352 : i32 to vector<16xi32>
        %and3A_354 = arith.andi %get3A_351, %and3A_353 : vector<16xi32>
        %convert_element_type3A_355 = arith.sitofp %and3A_354 : vector<16xi32> to vector<16xf32>
        %mul3A_356 = arith.constant 1.52590219E-5 : f32
        %mul3A_357 = vector.broadcast %mul3A_356 : f32 to vector<16xf32>
        %mul3A_358 = arith.mulf %convert_element_type3A_355, %mul3A_357 : vector<16xf32>
        %get3A_359 = arith.index_cast %mul3A_305 : i32 to index
        %get3A_360 = tpu.vector_load %arg34[%get3A_359] {strides = array<i32>} : memref<2048xi32, #tpu.memory_space<vmem>>, vector<16xi32>,
        %and3A_361 = arith.constant 65535 : i32
        %and3A_362 = vector.broadcast %and3A_361 : i32 to vector<16xi32>
        %and3A_363 = arith.andi %get3A_360, %and3A_362 : vector<16xi32>
        %convert_element_type3A_364 = arith.sitofp %and3A_363 : vector<16xi32> to vector<16xf32>
        %mul3A_365 = arith.constant 1.52590219E-5 : f32
        %mul3A_366 = vector.broadcast %mul3A_365 : f32 to vector<16xf32>
        %mul3A_367 = arith.mulf %convert_element_type3A_364, %mul3A_366 : vector<16xf32>
        %get3A_368 = arith.index_cast %mul3A_305 : i32 to index
        %get3A_369 = tpu.vector_load %arg35[%get3A_368] {strides = array<i32>} : memref<2048xi32, #tpu.memory_space<vmem>>, vector<16xi32>,
        %and3A_370 = arith.constant 65535 : i32
        %and3A_371 = vector.broadcast %and3A_370 : i32 to vector<16xi32>
        %and3A_372 = arith.andi %get3A_369, %and3A_371 : vector<16xi32>
        %convert_element_type3A_373 = arith.sitofp %and3A_372 : vector<16xi32> to vector<16xf32>
        %mul3A_374 = arith.constant 1.52590219E-5 : f32
        %mul3A_375 = vector.broadcast %mul3A_374 : f32 to vector<16xf32>
        %mul3A_376 = arith.mulf %convert_element_type3A_373, %mul3A_375 : vector<16xf32>
        %jit3A_377 = arith.constant 256 : i32
        %div3A_378 = arith.divsi %mul3A_305, %jit3A_377 : i32
        %sign3A_379 = arith.constant 0 : i32
        %sign3A_380 = arith.cmpi sgt, %mul3A_305, %sign3A_379 : i32
        %sign3A_381 = arith.extui %sign3A_380 : i1 to i32
        %sign3A_382 = arith.constant 0 : i32
        %sign3A_383 = arith.cmpi slt, %mul3A_305, %sign3A_382 : i32
        %sign3A_384 = arith.extui %sign3A_383 : i1 to i32
        %sign3A_385 = arith.subi %sign3A_381, %sign3A_384 : i32
        %sign3A_386 = arith.constant 0 : i32
        %sign3A_387 = arith.cmpi sgt, %jit3A_377, %sign3A_386 : i32
        %sign3A_388 = arith.extui %sign3A_387 : i1 to i32
        %sign3A_389 = arith.constant 0 : i32
        %sign3A_390 = arith.cmpi slt, %jit3A_377, %sign3A_389 : i32
        %sign3A_391 = arith.extui %sign3A_390 : i1 to i32
        %sign3A_392 = arith.subi %sign3A_388, %sign3A_391 : i32
        %ne3A_393 = arith.cmpi ne, %sign3A_385, %sign3A_392 : i32
        %rem3A_394 = arith.remsi %mul3A_305, %jit3A_377 : i32
        %ne3A_395 = arith.constant 0 : i32
        %ne3A_396 = arith.cmpi ne, %rem3A_394, %ne3A_395 : i32
        %and3A_397 = arith.andi %ne3A_393, %ne3A_396 : i1
        %sub3A_398 = arith.constant 1 : i32
        %sub3A_399 = arith.subi %div3A_378, %sub3A_398 : i32
        %select_n3A_400 = arith.select %and3A_397, %sub3A_399, %div3A_378 : i32
        %rem3A_401 = arith.constant 256 : i32
        %rem3A_402 = arith.remsi %mul3A_305, %rem3A_401 : i32
        %broadcast_in_dim3A_403 = arith.constant 0 : i32
        %broadcast_in_dim3A_404 = vector.broadcast %broadcast_in_dim3A_403 : i32 to vector<16xi32>
        %mul3A_405 = arith.mulf %mul3A_313, %mul3A_313 : vector<16xf32>
        %add3A_406 = arith.addf %broadcast_in_dim3A_86, %mul3A_405 : vector<16xf32>
        %mul3A_407 = arith.mulf %mul3A_322, %mul3A_322 : vector<16xf32>
        %add3A_408 = arith.addf %add3A_406, %mul3A_407 : vector<16xf32>
        %mul3A_409 = arith.mulf %mul3A_331, %mul3A_331 : vector<16xf32>
        %add3A_410 = arith.addf %add3A_408, %mul3A_409 : vector<16xf32>
        %mul3A_411 = arith.mulf %mul3A_340, %mul3A_340 : vector<16xf32>
        %add3A_412 = arith.addf %add3A_410, %mul3A_411 : vector<16xf32>
        %mul3A_413 = arith.mulf %mul3A_349, %mul3A_349 : vector<16xf32>
        %add3A_414 = arith.addf %add3A_412, %mul3A_413 : vector<16xf32>
        %mul3A_415 = arith.mulf %mul3A_358, %mul3A_358 : vector<16xf32>
        %add3A_416 = arith.addf %add3A_414, %mul3A_415 : vector<16xf32>
        %mul3A_417 = arith.mulf %mul3A_367, %mul3A_367 : vector<16xf32>
        %add3A_418 = arith.addf %add3A_416, %mul3A_417 : vector<16xf32>
        %mul3A_419 = arith.mulf %mul3A_376, %mul3A_376 : vector<16xf32>
        %add3A_420 = arith.addf %add3A_418, %mul3A_419 : vector<16xf32>
        %swap3A_421 = arith.constant 0 : i32
        %swap3A_422 = arith.index_cast %swap3A_421 : i32 to index
        %swap3A_423 = arith.index_cast %select_n3A_400 : i32 to index
        %swap3A_424 = arith.index_cast %rem3A_402 : i32 to index
        %swap3A_425 = tpu.vector_load %arg36[%swap3A_422, %swap3A_423, %swap3A_424] {strides = array<i32>} : memref<16x8x256xf32, #tpu.memory_space<vmem>>, vector<16xf32>,
        tpu.vector_store %arg36[%swap3A_422, %swap3A_423, %swap3A_424], %add3A_420 {strides = array<i32>} : memref<16x8x256xf32, #tpu.memory_space<vmem>>, vector<16xf32>,
        %broadcast_in_dim3A_426 = arith.constant 1 : i32
        %broadcast_in_dim3A_427 = vector.broadcast %broadcast_in_dim3A_426 : i32 to vector<16xi32>
        %mul3A_428 = arith.mulf %mul3A_313, %mul3A_313 : vector<16xf32>
        %add3A_429 = arith.addf %broadcast_in_dim3A_86, %mul3A_428 : vector<16xf32>
        %mul3A_430 = arith.mulf %mul3A_322, %mul3A_322 : vector<16xf32>
        %add3A_431 = arith.addf %add3A_429, %mul3A_430 : vector<16xf32>
        %mul3A_432 = arith.mulf %mul3A_331, %mul3A_331 : vector<16xf32>
        %add3A_433 = arith.addf %add3A_431, %mul3A_432 : vector<16xf32>
        %mul3A_434 = arith.mulf %mul3A_340, %mul3A_340 : vector<16xf32>
        %add3A_435 = arith.addf %add3A_433, %mul3A_434 : vector<16xf32>
        %mul3A_436 = arith.mulf %mul3A_349, %mul3A_349 : vector<16xf32>
        %add3A_437 = arith.addf %add3A_435, %mul3A_436 : vector<16xf32>
        %mul3A_438 = arith.mulf %mul3A_358, %mul3A_358 : vector<16xf32>
        %add3A_439 = arith.addf %add3A_437, %mul3A_438 : vector<16xf32>
        %mul3A_440 = arith.mulf %mul3A_367, %mul3A_367 : vector<16xf32>
        %add3A_441 = arith.addf %add3A_439, %mul3A_440 : vector<16xf32>
        %mul3A_442 = arith.mulf %mul3A_376, %mul3A_376 : vector<16xf32>
        %add3A_443 = arith.addf %add3A_441, %mul3A_442 : vector<16xf32>
        %swap3A_444 = arith.constant 1 : i32
        %swap3A_445 = arith.index_cast %swap3A_444 : i32 to index
        %swap3A_446 = arith.index_cast %select_n3A_400 : i32 to index
        %swap3A_447 = arith.index_cast %rem3A_402 : i32 to index
        %swap3A_448 = tpu.vector_load %arg36[%swap3A_445, %swap3A_446, %swap3A_447] {strides = array<i32>} : memref<16x8x256xf32, #tpu.memory_space<vmem>>, vector<16xf32>,
        tpu.vector_store %arg36[%swap3A_445, %swap3A_446, %swap3A_447], %add3A_443 {strides = array<i32>} : memref<16x8x256xf32, #tpu.memory_space<vmem>>, vector<16xf32>,
        %broadcast_in_dim3A_449 = arith.constant 2 : i32
        %broadcast_in_dim3A_450 = vector.broadcast %broadcast_in_dim3A_449 : i32 to vector<16xi32>
        %mul3A_451 = arith.mulf %mul3A_313, %mul3A_313 : vector<16xf32>
        %add3A_452 = arith.addf %broadcast_in_dim3A_86, %mul3A_451 : vector<16xf32>
        %mul3A_453 = arith.mulf %mul3A_322, %mul3A_322 : vector<16xf32>
        %add3A_454 = arith.addf %add3A_452, %mul3A_453 : vector<16xf32>
        %mul3A_455 = arith.mulf %mul3A_331, %mul3A_331 : vector<16xf32>
        %add3A_456 = arith.addf %add3A_454, %mul3A_455 : vector<16xf32>
        %mul3A_457 = arith.mulf %mul3A_340, %mul3A_340 : vector<16xf32>
        %add3A_458 = arith.addf %add3A_456, %mul3A_457 : vector<16xf32>
        %mul3A_459 = arith.mulf %mul3A_349, %mul3A_349 : vector<16xf32>
        %add3A_460 = arith.addf %add3A_458, %mul3A_459 : vector<16xf32>
        %mul3A_461 = arith.mulf %mul3A_358, %mul3A_358 : vector<16xf32>
        %add3A_462 = arith.addf %add3A_460, %mul3A_461 : vector<16xf32>
        %mul3A_463 = arith.mulf %mul3A_367, %mul3A_367 : vector<16xf32>
        %add3A_464 = arith.addf %add3A_462, %mul3A_463 : vector<16xf32>
        %mul3A_465 = arith.mulf %mul3A_376, %mul3A_376 : vector<16xf32>
        %add3A_466 = arith.addf %add3A_464, %mul3A_465 : vector<16xf32>
        %swap3A_467 = arith.constant 2 : i32
        %swap3A_468 = arith.index_cast %swap3A_467 : i32 to index
        %swap3A_469 = arith.index_cast %select_n3A_400 : i32 to index
        %swap3A_470 = arith.index_cast %rem3A_402 : i32 to index
        %swap3A_471 = tpu.vector_load %arg36[%swap3A_468, %swap3A_469, %swap3A_470] {strides = array<i32>} : memref<16x8x256xf32, #tpu.memory_space<vmem>>, vector<16xf32>,
        tpu.vector_store %arg36[%swap3A_468, %swap3A_469, %swap3A_470], %add3A_466 {strides = array<i32>} : memref<16x8x256xf32, #tpu.memory_space<vmem>>, vector<16xf32>,
        %broadcast_in_dim3A_472 = arith.constant 3 : i32
        %broadcast_in_dim3A_473 = vector.broadcast %broadcast_in_dim3A_472 : i32 to vector<16xi32>
        %mul3A_474 = arith.mulf %mul3A_313, %mul3A_313 : vector<16xf32>
        %add3A_475 = arith.addf %broadcast_in_dim3A_86, %mul3A_474 : vector<16xf32>
        %mul3A_476 = arith.mulf %mul3A_322, %mul3A_322 : vector<16xf32>
        %add3A_477 = arith.addf %add3A_475, %mul3A_476 : vector<16xf32>
        %mul3A_478 = arith.mulf %mul3A_331, %mul3A_331 : vector<16xf32>
        %add3A_479 = arith.addf %add3A_477, %mul3A_478 : vector<16xf32>
        %mul3A_480 = arith.mulf %mul3A_340, %mul3A_340 : vector<16xf32>
        %add3A_481 = arith.addf %add3A_479, %mul3A_480 : vector<16xf32>
        %mul3A_482 = arith.mulf %mul3A_349, %mul3A_349 : vector<16xf32>
        %add3A_483 = arith.addf %add3A_481, %mul3A_482 : vector<16xf32>
        %mul3A_484 = arith.mulf %mul3A_358, %mul3A_358 : vector<16xf32>
        %add3A_485 = arith.addf %add3A_483, %mul3A_484 : vector<16xf32>
        %mul3A_486 = arith.mulf %mul3A_367, %mul3A_367 : vector<16xf32>
        %add3A_487 = arith.addf %add3A_485, %mul3A_486 : vector<16xf32>
        %mul3A_488 = arith.mulf %mul3A_376, %mul3A_376 : vector<16xf32>
        %add3A_489 = arith.addf %add3A_487, %mul3A_488 : vector<16xf32>
        %swap3A_490 = arith.constant 3 : i32
        %swap3A_491 = arith.index_cast %swap3A_490 : i32 to index
        %swap3A_492 = arith.index_cast %select_n3A_400 : i32 to index
        %swap3A_493 = arith.index_cast %rem3A_402 : i32 to index
        %swap3A_494 = tpu.vector_load %arg36[%swap3A_491, %swap3A_492, %swap3A_493] {strides = array<i32>} : memref<16x8x256xf32, #tpu.memory_space<vmem>>, vector<16xf32>,
        tpu.vector_store %arg36[%swap3A_491, %swap3A_492, %swap3A_493], %add3A_489 {strides = array<i32>} : memref<16x8x256xf32, #tpu.memory_space<vmem>>, vector<16xf32>,
        %broadcast_in_dim3A_495 = arith.constant 4 : i32
        %broadcast_in_dim3A_496 = vector.broadcast %broadcast_in_dim3A_495 : i32 to vector<16xi32>
        %mul3A_497 = arith.mulf %mul3A_313, %mul3A_313 : vector<16xf32>
        %add3A_498 = arith.addf %broadcast_in_dim3A_86, %mul3A_497 : vector<16xf32>
        %mul3A_499 = arith.mulf %mul3A_322, %mul3A_322 : vector<16xf32>
        %add3A_500 = arith.addf %add3A_498, %mul3A_499 : vector<16xf32>
        %mul3A_501 = arith.mulf %mul3A_331, %mul3A_331 : vector<16xf32>
        %add3A_502 = arith.addf %add3A_500, %mul3A_501 : vector<16xf32>
        %mul3A_503 = arith.mulf %mul3A_340, %mul3A_340 : vector<16xf32>
        %add3A_504 = arith.addf %add3A_502, %mul3A_503 : vector<16xf32>
        %mul3A_505 = arith.mulf %mul3A_349, %mul3A_349 : vector<16xf32>
        %add3A_506 = arith.addf %add3A_504, %mul3A_505 : vector<16xf32>
        %mul3A_507 = arith.mulf %mul3A_358, %mul3A_358 : vector<16xf32>
        %add3A_508 = arith.addf %add3A_506, %mul3A_507 : vector<16xf32>
        %mul3A_509 = arith.mulf %mul3A_367, %mul3A_367 : vector<16xf32>
        %add3A_510 = arith.addf %add3A_508, %mul3A_509 : vector<16xf32>
        %mul3A_511 = arith.mulf %mul3A_376, %mul3A_376 : vector<16xf32>
        %add3A_512 = arith.addf %add3A_510, %mul3A_511 : vector<16xf32>
        %swap3A_513 = arith.constant 4 : i32
        %swap3A_514 = arith.index_cast %swap3A_513 : i32 to index
        %swap3A_515 = arith.index_cast %select_n3A_400 : i32 to index
        %swap3A_516 = arith.index_cast %rem3A_402 : i32 to index
        %swap3A_517 = tpu.vector_load %arg36[%swap3A_514, %swap3A_515, %swap3A_516] {strides = array<i32>} : memref<16x8x256xf32, #tpu.memory_space<vmem>>, vector<16xf32>,
        tpu.vector_store %arg36[%swap3A_514, %swap3A_515, %swap3A_516], %add3A_512 {strides = array<i32>} : memref<16x8x256xf32, #tpu.memory_space<vmem>>, vector<16xf32>,
        %broadcast_in_dim3A_518 = arith.constant 5 : i32
        %broadcast_in_dim3A_519 = vector.broadcast %broadcast_in_dim3A_518 : i32 to vector<16xi32>
        %mul3A_520 = arith.mulf %mul3A_313, %mul3A_313 : vector<16xf32>
        %add3A_521 = arith.addf %broadcast_in_dim3A_86, %mul3A_520 : vector<16xf32>
        %mul3A_522 = arith.mulf %mul3A_322, %mul3A_322 : vector<16xf32>
        %add3A_523 = arith.addf %add3A_521, %mul3A_522 : vector<16xf32>
        %mul3A_524 = arith.mulf %mul3A_331, %mul3A_331 : vector<16xf32>
        %add3A_525 = arith.addf %add3A_523, %mul3A_524 : vector<16xf32>
        %mul3A_526 = arith.mulf %mul3A_340, %mul3A_340 : vector<16xf32>
        %add3A_527 = arith.addf %add3A_525, %mul3A_526 : vector<16xf32>
        %mul3A_528 = arith.mulf %mul3A_349, %mul3A_349 : vector<16xf32>
        %add3A_529 = arith.addf %add3A_527, %mul3A_528 : vector<16xf32>
        %mul3A_530 = arith.mulf %mul3A_358, %mul3A_358 : vector<16xf32>
        %add3A_531 = arith.addf %add3A_529, %mul3A_530 : vector<16xf32>
        %mul3A_532 = arith.mulf %mul3A_367, %mul3A_367 : vector<16xf32>
        %add3A_533 = arith.addf %add3A_531, %mul3A_532 : vector<16xf32>
        %mul3A_534 = arith.mulf %mul3A_376, %mul3A_376 : vector<16xf32>
        %add3A_535 = arith.addf %add3A_533, %mul3A_534 : vector<16xf32>
        %swap3A_536 = arith.constant 5 : i32
        %swap3A_537 = arith.index_cast %swap3A_536 : i32 to index
        %swap3A_538 = arith.index_cast %select_n3A_400 : i32 to index
        %swap3A_539 = arith.index_cast %rem3A_402 : i32 to index
        %swap3A_540 = tpu.vector_load %arg36[%swap3A_537, %swap3A_538, %swap3A_539] {strides = array<i32>} : memref<16x8x256xf32, #tpu.memory_space<vmem>>, vector<16xf32>,
        tpu.vector_store %arg36[%swap3A_537, %swap3A_538, %swap3A_539], %add3A_535 {strides = array<i32>} : memref<16x8x256xf32, #tpu.memory_space<vmem>>, vector<16xf32>,
        %broadcast_in_dim3A_541 = arith.constant 6 : i32
        %broadcast_in_dim3A_542 = vector.broadcast %broadcast_in_dim3A_541 : i32 to vector<16xi32>
        %mul3A_543 = arith.mulf %mul3A_313, %mul3A_313 : vector<16xf32>
        %add3A_544 = arith.addf %broadcast_in_dim3A_86, %mul3A_543 : vector<16xf32>
        %mul3A_545 = arith.mulf %mul3A_322, %mul3A_322 : vector<16xf32>
        %add3A_546 = arith.addf %add3A_544, %mul3A_545 : vector<16xf32>
        %mul3A_547 = arith.mulf %mul3A_331, %mul3A_331 : vector<16xf32>
        %add3A_548 = arith.addf %add3A_546, %mul3A_547 : vector<16xf32>
        %mul3A_549 = arith.mulf %mul3A_340, %mul3A_340 : vector<16xf32>
        %add3A_550 = arith.addf %add3A_548, %mul3A_549 : vector<16xf32>
        %mul3A_551 = arith.mulf %mul3A_349, %mul3A_349 : vector<16xf32>
        %add3A_552 = arith.addf %add3A_550, %mul3A_551 : vector<16xf32>
        %mul3A_553 = arith.mulf %mul3A_358, %mul3A_358 : vector<16xf32>
        %add3A_554 = arith.addf %add3A_552, %mul3A_553 : vector<16xf32>
        %mul3A_555 = arith.mulf %mul3A_367, %mul3A_367 : vector<16xf32>
        %add3A_556 = arith.addf %add3A_554, %mul3A_555 : vector<16xf32>
        %mul3A_557 = arith.mulf %mul3A_376, %mul3A_376 : vector<16xf32>
        %add3A_558 = arith.addf %add3A_556, %mul3A_557 : vector<16xf32>
        %swap3A_559 = arith.constant 6 : i32
        %swap3A_560 = arith.index_cast %swap3A_559 : i32 to index
        %swap3A_561 = arith.index_cast %select_n3A_400 : i32 to index
        %swap3A_562 = arith.index_cast %rem3A_402 : i32 to index
        %swap3A_563 = tpu.vector_load %arg36[%swap3A_560, %swap3A_561, %swap3A_562] {strides = array<i32>} : memref<16x8x256xf32, #tpu.memory_space<vmem>>, vector<16xf32>,
        tpu.vector_store %arg36[%swap3A_560, %swap3A_561, %swap3A_562], %add3A_558 {strides = array<i32>} : memref<16x8x256xf32, #tpu.memory_space<vmem>>, vector<16xf32>,
        %broadcast_in_dim3A_564 = arith.constant 7 : i32
        %broadcast_in_dim3A_565 = vector.broadcast %broadcast_in_dim3A_564 : i32 to vector<16xi32>
        %mul3A_566 = arith.mulf %mul3A_313, %mul3A_313 : vector<16xf32>
        %add3A_567 = arith.addf %broadcast_in_dim3A_86, %mul3A_566 : vector<16xf32>
        %mul3A_568 = arith.mulf %mul3A_322, %mul3A_322 : vector<16xf32>
        %add3A_569 = arith.addf %add3A_567, %mul3A_568 : vector<16xf32>
        %mul3A_570 = arith.mulf %mul3A_331, %mul3A_331 : vector<16xf32>
        %add3A_571 = arith.addf %add3A_569, %mul3A_570 : vector<16xf32>
        %mul3A_572 = arith.mulf %mul3A_340, %mul3A_340 : vector<16xf32>
        %add3A_573 = arith.addf %add3A_571, %mul3A_572 : vector<16xf32>
        %mul3A_574 = arith.mulf %mul3A_349, %mul3A_349 : vector<16xf32>
        %add3A_575 = arith.addf %add3A_573, %mul3A_574 : vector<16xf32>
        %mul3A_576 = arith.mulf %mul3A_358, %mul3A_358 : vector<16xf32>
        %add3A_577 = arith.addf %add3A_575, %mul3A_576 : vector<16xf32>
        %mul3A_578 = arith.mulf %mul3A_367, %mul3A_367 : vector<16xf32>
        %add3A_579 = arith.addf %add3A_577, %mul3A_578 : vector<16xf32>
        %mul3A_580 = arith.mulf %mul3A_376, %mul3A_376 : vector<16xf32>
        %add3A_581 = arith.addf %add3A_579, %mul3A_580 : vector<16xf32>
        %swap3A_582 = arith.constant 7 : i32
        %swap3A_583 = arith.index_cast %swap3A_582 : i32 to index
        %swap3A_584 = arith.index_cast %select_n3A_400 : i32 to index
        %swap3A_585 = arith.index_cast %rem3A_402 : i32 to index
        %swap3A_586 = tpu.vector_load %arg36[%swap3A_583, %swap3A_584, %swap3A_585] {strides = array<i32>} : memref<16x8x256xf32, #tpu.memory_space<vmem>>, vector<16xf32>,
        tpu.vector_store %arg36[%swap3A_583, %swap3A_584, %swap3A_585], %add3A_581 {strides = array<i32>} : memref<16x8x256xf32, #tpu.memory_space<vmem>>, vector<16xf32>,
        %broadcast_in_dim3A_587 = arith.constant 8 : i32
        %broadcast_in_dim3A_588 = vector.broadcast %broadcast_in_dim3A_587 : i32 to vector<16xi32>
        %mul3A_589 = arith.mulf %mul3A_313, %mul3A_313 : vector<16xf32>
        %add3A_590 = arith.addf %broadcast_in_dim3A_86, %mul3A_589 : vector<16xf32>
        %mul3A_591 = arith.mulf %mul3A_322, %mul3A_322 : vector<16xf32>
        %add3A_592 = arith.addf %add3A_590, %mul3A_591 : vector<16xf32>
        %mul3A_593 = arith.mulf %mul3A_331, %mul3A_331 : vector<16xf32>
        %add3A_594 = arith.addf %add3A_592, %mul3A_593 : vector<16xf32>
        %mul3A_595 = arith.mulf %mul3A_340, %mul3A_340 : vector<16xf32>
        %add3A_596 = arith.addf %add3A_594, %mul3A_595 : vector<16xf32>
        %mul3A_597 = arith.mulf %mul3A_349, %mul3A_349 : vector<16xf32>
        %add3A_598 = arith.addf %add3A_596, %mul3A_597 : vector<16xf32>
        %mul3A_599 = arith.mulf %mul3A_358, %mul3A_358 : vector<16xf32>
        %add3A_600 = arith.addf %add3A_598, %mul3A_599 : vector<16xf32>
        %mul3A_601 = arith.mulf %mul3A_367, %mul3A_367 : vector<16xf32>
        %add3A_602 = arith.addf %add3A_600, %mul3A_601 : vector<16xf32>
        %mul3A_603 = arith.mulf %mul3A_376, %mul3A_376 : vector<16xf32>
        %add3A_604 = arith.addf %add3A_602, %mul3A_603 : vector<16xf32>
        %swap3A_605 = arith.constant 8 : i32
        %swap3A_606 = arith.index_cast %swap3A_605 : i32 to index
        %swap3A_607 = arith.index_cast %select_n3A_400 : i32 to index
        %swap3A_608 = arith.index_cast %rem3A_402 : i32 to index
        %swap3A_609 = tpu.vector_load %arg36[%swap3A_606, %swap3A_607, %swap3A_608] {strides = array<i32>} : memref<16x8x256xf32, #tpu.memory_space<vmem>>, vector<16xf32>,
        tpu.vector_store %arg36[%swap3A_606, %swap3A_607, %swap3A_608], %add3A_604 {strides = array<i32>} : memref<16x8x256xf32, #tpu.memory_space<vmem>>, vector<16xf32>,
        %broadcast_in_dim3A_610 = arith.constant 9 : i32
        %broadcast_in_dim3A_611 = vector.broadcast %broadcast_in_dim3A_610 : i32 to vector<16xi32>
        %mul3A_612 = arith.mulf %mul3A_313, %mul3A_313 : vector<16xf32>
        %add3A_613 = arith.addf %broadcast_in_dim3A_86, %mul3A_612 : vector<16xf32>
        %mul3A_614 = arith.mulf %mul3A_322, %mul3A_322 : vector<16xf32>
        %add3A_615 = arith.addf %add3A_613, %mul3A_614 : vector<16xf32>
        %mul3A_616 = arith.mulf %mul3A_331, %mul3A_331 : vector<16xf32>
        %add3A_617 = arith.addf %add3A_615, %mul3A_616 : vector<16xf32>
        %mul3A_618 = arith.mulf %mul3A_340, %mul3A_340 : vector<16xf32>
        %add3A_619 = arith.addf %add3A_617, %mul3A_618 : vector<16xf32>
        %mul3A_620 = arith.mulf %mul3A_349, %mul3A_349 : vector<16xf32>
        %add3A_621 = arith.addf %add3A_619, %mul3A_620 : vector<16xf32>
        %mul3A_622 = arith.mulf %mul3A_358, %mul3A_358 : vector<16xf32>
        %add3A_623 = arith.addf %add3A_621, %mul3A_622 : vector<16xf32>
        %mul3A_624 = arith.mulf %mul3A_367, %mul3A_367 : vector<16xf32>
        %add3A_625 = arith.addf %add3A_623, %mul3A_624 : vector<16xf32>
        %mul3A_626 = arith.mulf %mul3A_376, %mul3A_376 : vector<16xf32>
        %add3A_627 = arith.addf %add3A_625, %mul3A_626 : vector<16xf32>
        %swap3A_628 = arith.constant 9 : i32
        %swap3A_629 = arith.index_cast %swap3A_628 : i32 to index
        %swap3A_630 = arith.index_cast %select_n3A_400 : i32 to index
        %swap3A_631 = arith.index_cast %rem3A_402 : i32 to index
        %swap3A_632 = tpu.vector_load %arg36[%swap3A_629, %swap3A_630, %swap3A_631] {strides = array<i32>} : memref<16x8x256xf32, #tpu.memory_space<vmem>>, vector<16xf32>,
        tpu.vector_store %arg36[%swap3A_629, %swap3A_630, %swap3A_631], %add3A_627 {strides = array<i32>} : memref<16x8x256xf32, #tpu.memory_space<vmem>>, vector<16xf32>,
        %broadcast_in_dim3A_633 = arith.constant 10 : i32
        %broadcast_in_dim3A_634 = vector.broadcast %broadcast_in_dim3A_633 : i32 to vector<16xi32>
        %mul3A_635 = arith.mulf %mul3A_313, %mul3A_313 : vector<16xf32>
        %add3A_636 = arith.addf %broadcast_in_dim3A_86, %mul3A_635 : vector<16xf32>
        %mul3A_637 = arith.mulf %mul3A_322, %mul3A_322 : vector<16xf32>
        %add3A_638 = arith.addf %add3A_636, %mul3A_637 : vector<16xf32>
        %mul3A_639 = arith.mulf %mul3A_331, %mul3A_331 : vector<16xf32>
        %add3A_640 = arith.addf %add3A_638, %mul3A_639 : vector<16xf32>
        %mul3A_641 = arith.mulf %mul3A_340, %mul3A_340 : vector<16xf32>
        %add3A_642 = arith.addf %add3A_640, %mul3A_641 : vector<16xf32>
        %mul3A_643 = arith.mulf %mul3A_349, %mul3A_349 : vector<16xf32>
        %add3A_644 = arith.addf %add3A_642, %mul3A_643 : vector<16xf32>
        %mul3A_645 = arith.mulf %mul3A_358, %mul3A_358 : vector<16xf32>
        %add3A_646 = arith.addf %add3A_644, %mul3A_645 : vector<16xf32>
        %mul3A_647 = arith.mulf %mul3A_367, %mul3A_367 : vector<16xf32>
        %add3A_648 = arith.addf %add3A_646, %mul3A_647 : vector<16xf32>
        %mul3A_649 = arith.mulf %mul3A_376, %mul3A_376 : vector<16xf32>
        %add3A_650 = arith.addf %add3A_648, %mul3A_649 : vector<16xf32>
        %swap3A_651 = arith.constant 10 : i32
        %swap3A_652 = arith.index_cast %swap3A_651 : i32 to index
        %swap3A_653 = arith.index_cast %select_n3A_400 : i32 to index
        %swap3A_654 = arith.index_cast %rem3A_402 : i32 to index
        %swap3A_655 = tpu.vector_load %arg36[%swap3A_652, %swap3A_653, %swap3A_654] {strides = array<i32>} : memref<16x8x256xf32, #tpu.memory_space<vmem>>, vector<16xf32>,
        tpu.vector_store %arg36[%swap3A_652, %swap3A_653, %swap3A_654], %add3A_650 {strides = array<i32>} : memref<16x8x256xf32, #tpu.memory_space<vmem>>, vector<16xf32>,
        %broadcast_in_dim3A_656 = arith.constant 11 : i32
        %broadcast_in_dim3A_657 = vector.broadcast %broadcast_in_dim3A_656 : i32 to vector<16xi32>
        %mul3A_658 = arith.mulf %mul3A_313, %mul3A_313 : vector<16xf32>
        %add3A_659 = arith.addf %broadcast_in_dim3A_86, %mul3A_658 : vector<16xf32>
        %mul3A_660 = arith.mulf %mul3A_322, %mul3A_322 : vector<16xf32>
        %add3A_661 = arith.addf %add3A_659, %mul3A_660 : vector<16xf32>
        %mul3A_662 = arith.mulf %mul3A_331, %mul3A_331 : vector<16xf32>
        %add3A_663 = arith.addf %add3A_661, %mul3A_662 : vector<16xf32>
        %mul3A_664 = arith.mulf %mul3A_340, %mul3A_340 : vector<16xf32>
        %add3A_665 = arith.addf %add3A_663, %mul3A_664 : vector<16xf32>
        %mul3A_666 = arith.mulf %mul3A_349, %mul3A_349 : vector<16xf32>
        %add3A_667 = arith.addf %add3A_665, %mul3A_666 : vector<16xf32>
        %mul3A_668 = arith.mulf %mul3A_358, %mul3A_358 : vector<16xf32>
        %add3A_669 = arith.addf %add3A_667, %mul3A_668 : vector<16xf32>
        %mul3A_670 = arith.mulf %mul3A_367, %mul3A_367 : vector<16xf32>
        %add3A_671 = arith.addf %add3A_669, %mul3A_670 : vector<16xf32>
        %mul3A_672 = arith.mulf %mul3A_376, %mul3A_376 : vector<16xf32>
        %add3A_673 = arith.addf %add3A_671, %mul3A_672 : vector<16xf32>
        %swap3A_674 = arith.constant 11 : i32
        %swap3A_675 = arith.index_cast %swap3A_674 : i32 to index
        %swap3A_676 = arith.index_cast %select_n3A_400 : i32 to index
        %swap3A_677 = arith.index_cast %rem3A_402 : i32 to index
        %swap3A_678 = tpu.vector_load %arg36[%swap3A_675, %swap3A_676, %swap3A_677] {strides = array<i32>} : memref<16x8x256xf32, #tpu.memory_space<vmem>>, vector<16xf32>,
        tpu.vector_store %arg36[%swap3A_675, %swap3A_676, %swap3A_677], %add3A_673 {strides = array<i32>} : memref<16x8x256xf32, #tpu.memory_space<vmem>>, vector<16xf32>,
        %broadcast_in_dim3A_679 = arith.constant 12 : i32
        %broadcast_in_dim3A_680 = vector.broadcast %broadcast_in_dim3A_679 : i32 to vector<16xi32>
        %mul3A_681 = arith.mulf %mul3A_313, %mul3A_313 : vector<16xf32>
        %add3A_682 = arith.addf %broadcast_in_dim3A_86, %mul3A_681 : vector<16xf32>
        %mul3A_683 = arith.mulf %mul3A_322, %mul3A_322 : vector<16xf32>
        %add3A_684 = arith.addf %add3A_682, %mul3A_683 : vector<16xf32>
        %mul3A_685 = arith.mulf %mul3A_331, %mul3A_331 : vector<16xf32>
        %add3A_686 = arith.addf %add3A_684, %mul3A_685 : vector<16xf32>
        %mul3A_687 = arith.mulf %mul3A_340, %mul3A_340 : vector<16xf32>
        %add3A_688 = arith.addf %add3A_686, %mul3A_687 : vector<16xf32>
        %mul3A_689 = arith.mulf %mul3A_349, %mul3A_349 : vector<16xf32>
        %add3A_690 = arith.addf %add3A_688, %mul3A_689 : vector<16xf32>
        %mul3A_691 = arith.mulf %mul3A_358, %mul3A_358 : vector<16xf32>
        %add3A_692 = arith.addf %add3A_690, %mul3A_691 : vector<16xf32>
        %mul3A_693 = arith.mulf %mul3A_367, %mul3A_367 : vector<16xf32>
        %add3A_694 = arith.addf %add3A_692, %mul3A_693 : vector<16xf32>
        %mul3A_695 = arith.mulf %mul3A_376, %mul3A_376 : vector<16xf32>
        %add3A_696 = arith.addf %add3A_694, %mul3A_695 : vector<16xf32>
        %swap3A_697 = arith.constant 12 : i32
        %swap3A_698 = arith.index_cast %swap3A_697 : i32 to index
        %swap3A_699 = arith.index_cast %select_n3A_400 : i32 to index
        %swap3A_700 = arith.index_cast %rem3A_402 : i32 to index
        %swap3A_701 = tpu.vector_load %arg36[%swap3A_698, %swap3A_699, %swap3A_700] {strides = array<i32>} : memref<16x8x256xf32, #tpu.memory_space<vmem>>, vector<16xf32>,
        tpu.vector_store %arg36[%swap3A_698, %swap3A_699, %swap3A_700], %add3A_696 {strides = array<i32>} : memref<16x8x256xf32, #tpu.memory_space<vmem>>, vector<16xf32>,
        %broadcast_in_dim3A_702 = arith.constant 13 : i32
        %broadcast_in_dim3A_703 = vector.broadcast %broadcast_in_dim3A_702 : i32 to vector<16xi32>
        %mul3A_704 = arith.mulf %mul3A_313, %mul3A_313 : vector<16xf32>
        %add3A_705 = arith.addf %broadcast_in_dim3A_86, %mul3A_704 : vector<16xf32>
        %mul3A_706 = arith.mulf %mul3A_322, %mul3A_322 : vector<16xf32>
        %add3A_707 = arith.addf %add3A_705, %mul3A_706 : vector<16xf32>
        %mul3A_708 = arith.mulf %mul3A_331, %mul3A_331 : vector<16xf32>
        %add3A_709 = arith.addf %add3A_707, %mul3A_708 : vector<16xf32>
        %mul3A_710 = arith.mulf %mul3A_340, %mul3A_340 : vector<16xf32>
        %add3A_711 = arith.addf %add3A_709, %mul3A_710 : vector<16xf32>
        %mul3A_712 = arith.mulf %mul3A_349, %mul3A_349 : vector<16xf32>
        %add3A_713 = arith.addf %add3A_711, %mul3A_712 : vector<16xf32>
        %mul3A_714 = arith.mulf %mul3A_358, %mul3A_358 : vector<16xf32>
        %add3A_715 = arith.addf %add3A_713, %mul3A_714 : vector<16xf32>
        %mul3A_716 = arith.mulf %mul3A_367, %mul3A_367 : vector<16xf32>
        %add3A_717 = arith.addf %add3A_715, %mul3A_716 : vector<16xf32>
        %mul3A_718 = arith.mulf %mul3A_376, %mul3A_376 : vector<16xf32>
        %add3A_719 = arith.addf %add3A_717, %mul3A_718 : vector<16xf32>
        %swap3A_720 = arith.constant 13 : i32
        %swap3A_721 = arith.index_cast %swap3A_720 : i32 to index
        %swap3A_722 = arith.index_cast %select_n3A_400 : i32 to index
        %swap3A_723 = arith.index_cast %rem3A_402 : i32 to index
        %swap3A_724 = tpu.vector_load %arg36[%swap3A_721, %swap3A_722, %swap3A_723] {strides = array<i32>} : memref<16x8x256xf32, #tpu.memory_space<vmem>>, vector<16xf32>,
        tpu.vector_store %arg36[%swap3A_721, %swap3A_722, %swap3A_723], %add3A_719 {strides = array<i32>} : memref<16x8x256xf32, #tpu.memory_space<vmem>>, vector<16xf32>,
        %broadcast_in_dim3A_725 = arith.constant 14 : i32
        %broadcast_in_dim3A_726 = vector.broadcast %broadcast_in_dim3A_725 : i32 to vector<16xi32>
        %mul3A_727 = arith.mulf %mul3A_313, %mul3A_313 : vector<16xf32>
        %add3A_728 = arith.addf %broadcast_in_dim3A_86, %mul3A_727 : vector<16xf32>
        %mul3A_729 = arith.mulf %mul3A_322, %mul3A_322 : vector<16xf32>
        %add3A_730 = arith.addf %add3A_728, %mul3A_729 : vector<16xf32>
        %mul3A_731 = arith.mulf %mul3A_331, %mul3A_331 : vector<16xf32>
        %add3A_732 = arith.addf %add3A_730, %mul3A_731 : vector<16xf32>
        %mul3A_733 = arith.mulf %mul3A_340, %mul3A_340 : vector<16xf32>
        %add3A_734 = arith.addf %add3A_732, %mul3A_733 : vector<16xf32>
        %mul3A_735 = arith.mulf %mul3A_349, %mul3A_349 : vector<16xf32>
        %add3A_736 = arith.addf %add3A_734, %mul3A_735 : vector<16xf32>
        %mul3A_737 = arith.mulf %mul3A_358, %mul3A_358 : vector<16xf32>
        %add3A_738 = arith.addf %add3A_736, %mul3A_737 : vector<16xf32>
        %mul3A_739 = arith.mulf %mul3A_367, %mul3A_367 : vector<16xf32>
        %add3A_740 = arith.addf %add3A_738, %mul3A_739 : vector<16xf32>
        %mul3A_741 = arith.mulf %mul3A_376, %mul3A_376 : vector<16xf32>
        %add3A_742 = arith.addf %add3A_740, %mul3A_741 : vector<16xf32>
        %swap3A_743 = arith.constant 14 : i32
        %swap3A_744 = arith.index_cast %swap3A_743 : i32 to index
        %swap3A_745 = arith.index_cast %select_n3A_400 : i32 to index
        %swap3A_746 = arith.index_cast %rem3A_402 : i32 to index
        %swap3A_747 = tpu.vector_load %arg36[%swap3A_744, %swap3A_745, %swap3A_746] {strides = array<i32>} : memref<16x8x256xf32, #tpu.memory_space<vmem>>, vector<16xf32>,
        tpu.vector_store %arg36[%swap3A_744, %swap3A_745, %swap3A_746], %add3A_742 {strides = array<i32>} : memref<16x8x256xf32, #tpu.memory_space<vmem>>, vector<16xf32>,
        %broadcast_in_dim3A_748 = arith.constant 15 : i32
        %broadcast_in_dim3A_749 = vector.broadcast %broadcast_in_dim3A_748 : i32 to vector<16xi32>
        %mul3A_750 = arith.mulf %mul3A_313, %mul3A_313 : vector<16xf32>
        %add3A_751 = arith.addf %broadcast_in_dim3A_86, %mul3A_750 : vector<16xf32>
        %mul3A_752 = arith.mulf %mul3A_322, %mul3A_322 : vector<16xf32>
        %add3A_753 = arith.addf %add3A_751, %mul3A_752 : vector<16xf32>
        %mul3A_754 = arith.mulf %mul3A_331, %mul3A_331 : vector<16xf32>
        %add3A_755 = arith.addf %add3A_753, %mul3A_754 : vector<16xf32>
        %mul3A_756 = arith.mulf %mul3A_340, %mul3A_340 : vector<16xf32>
        %add3A_757 = arith.addf %add3A_755, %mul3A_756 : vector<16xf32>
        %mul3A_758 = arith.mulf %mul3A_349, %mul3A_349 : vector<16xf32>
        %add3A_759 = arith.addf %add3A_757, %mul3A_758 : vector<16xf32>
        %mul3A_760 = arith.mulf %mul3A_358, %mul3A_358 : vector<16xf32>
        %add3A_761 = arith.addf %add3A_759, %mul3A_760 : vector<16xf32>
        %mul3A_762 = arith.mulf %mul3A_367, %mul3A_367 : vector<16xf32>
        %add3A_763 = arith.addf %add3A_761, %mul3A_762 : vector<16xf32>
        %mul3A_764 = arith.mulf %mul3A_376, %mul3A_376 : vector<16xf32>
        %add3A_765 = arith.addf %add3A_763, %mul3A_764 : vector<16xf32>
        %swap3A_766 = arith.constant 15 : i32
        %swap3A_767 = arith.index_cast %swap3A_766 : i32 to index
        %swap3A_768 = arith.index_cast %select_n3A_400 : i32 to index
        %swap3A_769 = arith.index_cast %rem3A_402 : i32 to index
        %swap3A_770 = tpu.vector_load %arg36[%swap3A_767, %swap3A_768, %swap3A_769] {strides = array<i32>} : memref<16x8x256xf32, #tpu.memory_space<vmem>>, vector<16xf32>,
        tpu.vector_store %arg36[%swap3A_767, %swap3A_768, %swap3A_769], %add3A_765 {strides = array<i32>} : memref<16x8x256xf32, #tpu.memory_space<vmem>>, vector<16xf32>,
        %lt3A_771 = arith.constant 63 : i32
        %lt3A_772 = arith.cmpi slt, %scan3A_218, %lt3A_771 : i32
        %convert_element_type3A_773 = arith.extui %lt3A_772 : i1 to i32
        %cond3A = arith.constant 0 : i32
        %cond3A_774 = arith.cmpi ne, %convert_element_type3A_773, %cond3A : i32
        scf.if %cond3A_774 {
          %mul3A_1250 = arith.constant 2 : i32
          %mul3A_1251 = arith.muli %mul3A_1250, %scan3A_218 : i32
          %add3A_1252 = arith.constant 2 : i32
          %add3A_1253 = arith.addi %mul3A_1251, %add3A_1252 : i32
          %mul3A_1254 = arith.constant 16 : i32
          %mul3A_1255 = arith.muli %add3A_1253, %mul3A_1254 : i32
          %get3A_1256 = arith.index_cast %mul3A_1255 : i32 to index
          %get3A_1257 = tpu.vector_load %arg28[%get3A_1256] {strides = array<i32>} : memref<2048xi32, #tpu.memory_space<vmem>>, vector<16xi32>,
          %shift_right_logical3A_1258 = arith.constant 16 : i32
          %shift_right_logical3A_1259 = vector.broadcast %shift_right_logical3A_1258 : i32 to vector<16xi32>
          %shift_right_logical3A_1260 = arith.shrui %get3A_1257, %shift_right_logical3A_1259 : vector<16xi32>
          %add3A_1261 = vector.broadcast %mul3A_98 : i32 to vector<16xi32>
          %add3A_1262 = arith.addi %shift_right_logical3A_1260, %add3A_1261 : vector<16xi32>
          %swap3A_1263 = arith.constant 0 : index
          %swap3A_1264 = tpu.vector_load %arg37[%swap3A_1263] {strides = array<i32>} : memref<128xi32, #tpu.memory_space<vmem>>, vector<16xi32>,
          tpu.vector_store %arg37[%swap3A_1263], %add3A_1262 {strides = array<i32>} : memref<128xi32, #tpu.memory_space<vmem>>, vector<16xi32>,
          %get3A_1265 = arith.index_cast %mul3A_1255 : i32 to index
          %get3A_1266 = tpu.vector_load %arg29[%get3A_1265] {strides = array<i32>} : memref<2048xi32, #tpu.memory_space<vmem>>, vector<16xi32>,
          %shift_right_logical3A_1267 = arith.constant 16 : i32
          %shift_right_logical3A_1268 = vector.broadcast %shift_right_logical3A_1267 : i32 to vector<16xi32>
          %shift_right_logical3A_1269 = arith.shrui %get3A_1266, %shift_right_logical3A_1268 : vector<16xi32>
          %add3A_1270 = vector.broadcast %mul3A_98 : i32 to vector<16xi32>
          %add3A_1271 = arith.addi %shift_right_logical3A_1269, %add3A_1270 : vector<16xi32>
          %swap3A_1272 = arith.constant 16 : index
          %swap3A_1273 = tpu.vector_load %arg37[%swap3A_1272] {strides = array<i32>} : memref<128xi32, #tpu.memory_space<vmem>>, vector<16xi32>,
          tpu.vector_store %arg37[%swap3A_1272], %add3A_1271 {strides = array<i32>} : memref<128xi32, #tpu.memory_space<vmem>>, vector<16xi32>,
          %get3A_1274 = arith.index_cast %mul3A_1255 : i32 to index
          %get3A_1275 = tpu.vector_load %arg30[%get3A_1274] {strides = array<i32>} : memref<2048xi32, #tpu.memory_space<vmem>>, vector<16xi32>,
          %shift_right_logical3A_1276 = arith.constant 16 : i32
          %shift_right_logical3A_1277 = vector.broadcast %shift_right_logical3A_1276 : i32 to vector<16xi32>
          %shift_right_logical3A_1278 = arith.shrui %get3A_1275, %shift_right_logical3A_1277 : vector<16xi32>
          %add3A_1279 = vector.broadcast %mul3A_98 : i32 to vector<16xi32>
          %add3A_1280 = arith.addi %shift_right_logical3A_1278, %add3A_1279 : vector<16xi32>
          %swap3A_1281 = arith.constant 32 : index
          %swap3A_1282 = tpu.vector_load %arg37[%swap3A_1281] {strides = array<i32>} : memref<128xi32, #tpu.memory_space<vmem>>, vector<16xi32>,
          tpu.vector_store %arg37[%swap3A_1281], %add3A_1280 {strides = array<i32>} : memref<128xi32, #tpu.memory_space<vmem>>, vector<16xi32>,
          %get3A_1283 = arith.index_cast %mul3A_1255 : i32 to index
          %get3A_1284 = tpu.vector_load %arg31[%get3A_1283] {strides = array<i32>} : memref<2048xi32, #tpu.memory_space<vmem>>, vector<16xi32>,
          %shift_right_logical3A_1285 = arith.constant 16 : i32
          %shift_right_logical3A_1286 = vector.broadcast %shift_right_logical3A_1285 : i32 to vector<16xi32>
          %shift_right_logical3A_1287 = arith.shrui %get3A_1284, %shift_right_logical3A_1286 : vector<16xi32>
          %add3A_1288 = vector.broadcast %mul3A_98 : i32 to vector<16xi32>
          %add3A_1289 = arith.addi %shift_right_logical3A_1287, %add3A_1288 : vector<16xi32>
          %swap3A_1290 = arith.constant 48 : index
          %swap3A_1291 = tpu.vector_load %arg37[%swap3A_1290] {strides = array<i32>} : memref<128xi32, #tpu.memory_space<vmem>>, vector<16xi32>,
          tpu.vector_store %arg37[%swap3A_1290], %add3A_1289 {strides = array<i32>} : memref<128xi32, #tpu.memory_space<vmem>>, vector<16xi32>,
          %get3A_1292 = arith.index_cast %mul3A_1255 : i32 to index
          %get3A_1293 = tpu.vector_load %arg32[%get3A_1292] {strides = array<i32>} : memref<2048xi32, #tpu.memory_space<vmem>>, vector<16xi32>,
          %shift_right_logical3A_1294 = arith.constant 16 : i32
          %shift_right_logical3A_1295 = vector.broadcast %shift_right_logical3A_1294 : i32 to vector<16xi32>
          %shift_right_logical3A_1296 = arith.shrui %get3A_1293, %shift_right_logical3A_1295 : vector<16xi32>
          %add3A_1297 = vector.broadcast %mul3A_98 : i32 to vector<16xi32>
          %add3A_1298 = arith.addi %shift_right_logical3A_1296, %add3A_1297 : vector<16xi32>
          %swap3A_1299 = arith.constant 64 : index
          %swap3A_1300 = tpu.vector_load %arg37[%swap3A_1299] {strides = array<i32>} : memref<128xi32, #tpu.memory_space<vmem>>, vector<16xi32>,
          tpu.vector_store %arg37[%swap3A_1299], %add3A_1298 {strides = array<i32>} : memref<128xi32, #tpu.memory_space<vmem>>, vector<16xi32>,
          %get3A_1301 = arith.index_cast %mul3A_1255 : i32 to index
          %get3A_1302 = tpu.vector_load %arg33[%get3A_1301] {strides = array<i32>} : memref<2048xi32, #tpu.memory_space<vmem>>, vector<16xi32>,
          %shift_right_logical3A_1303 = arith.constant 16 : i32
          %shift_right_logical3A_1304 = vector.broadcast %shift_right_logical3A_1303 : i32 to vector<16xi32>
          %shift_right_logical3A_1305 = arith.shrui %get3A_1302, %shift_right_logical3A_1304 : vector<16xi32>
          %add3A_1306 = vector.broadcast %mul3A_98 : i32 to vector<16xi32>
          %add3A_1307 = arith.addi %shift_right_logical3A_1305, %add3A_1306 : vector<16xi32>
          %swap3A_1308 = arith.constant 80 : index
          %swap3A_1309 = tpu.vector_load %arg37[%swap3A_1308] {strides = array<i32>} : memref<128xi32, #tpu.memory_space<vmem>>, vector<16xi32>,
          tpu.vector_store %arg37[%swap3A_1308], %add3A_1307 {strides = array<i32>} : memref<128xi32, #tpu.memory_space<vmem>>, vector<16xi32>,
          %get3A_1310 = arith.index_cast %mul3A_1255 : i32 to index
          %get3A_1311 = tpu.vector_load %arg34[%get3A_1310] {strides = array<i32>} : memref<2048xi32, #tpu.memory_space<vmem>>, vector<16xi32>,
          %shift_right_logical3A_1312 = arith.constant 16 : i32
          %shift_right_logical3A_1313 = vector.broadcast %shift_right_logical3A_1312 : i32 to vector<16xi32>
          %shift_right_logical3A_1314 = arith.shrui %get3A_1311, %shift_right_logical3A_1313 : vector<16xi32>
          %add3A_1315 = vector.broadcast %mul3A_98 : i32 to vector<16xi32>
          %add3A_1316 = arith.addi %shift_right_logical3A_1314, %add3A_1315 : vector<16xi32>
          %swap3A_1317 = arith.constant 96 : index
          %swap3A_1318 = tpu.vector_load %arg37[%swap3A_1317] {strides = array<i32>} : memref<128xi32, #tpu.memory_space<vmem>>, vector<16xi32>,
          tpu.vector_store %arg37[%swap3A_1317], %add3A_1316 {strides = array<i32>} : memref<128xi32, #tpu.memory_space<vmem>>, vector<16xi32>,
          %get3A_1319 = arith.index_cast %mul3A_1255 : i32 to index
          %get3A_1320 = tpu.vector_load %arg35[%get3A_1319] {strides = array<i32>} : memref<2048xi32, #tpu.memory_space<vmem>>, vector<16xi32>,
          %shift_right_logical3A_1321 = arith.constant 16 : i32
          %shift_right_logical3A_1322 = vector.broadcast %shift_right_logical3A_1321 : i32 to vector<16xi32>
          %shift_right_logical3A_1323 = arith.shrui %get3A_1320, %shift_right_logical3A_1322 : vector<16xi32>
          %add3A_1324 = vector.broadcast %mul3A_98 : i32 to vector<16xi32>
          %add3A_1325 = arith.addi %shift_right_logical3A_1323, %add3A_1324 : vector<16xi32>
          %swap3A_1326 = arith.constant 112 : index
          %swap3A_1327 = tpu.vector_load %arg37[%swap3A_1326] {strides = array<i32>} : memref<128xi32, #tpu.memory_space<vmem>>, vector<16xi32>,
          tpu.vector_store %arg37[%swap3A_1326], %add3A_1325 {strides = array<i32>} : memref<128xi32, #tpu.memory_space<vmem>>, vector<16xi32>,
          %dma_start3A_1328 = arith.constant 0 : i32
          %dma_start3A_1329 = arith.constant 0 : i32
          %dma_start3A_1330 = tpu.memref_slice %arg7[%dma_start3A_1328, %dma_start3A_1329] : memref<262144x16xf32, #tpu.memory_space<hbm>> -> memref<262144x16xf32, #tpu.memory_space<hbm>>
          tpu.enqueue_indirect_dma source(%dma_start3A_1330 : memref<262144x16xf32, #tpu.memory_space<hbm>>) target(%arg39 : memref<128x16xf32, #tpu.memory_space<vmem>>) offsets(%arg37 : memref<128xi32, #tpu.memory_space<vmem>>) semaphore(%arg43 : memref<!tpu.dma_semaphore, #tpu.memory_space<semaphore_mem>>)
        } else {
        }
        %dma_wait3A_775 = arith.constant 0 : i32
        %dma_wait3A_776 = arith.constant 0 : i32
        %dma_wait3A_777 = tpu.memref_slice %arg7[%dma_wait3A_775, %dma_wait3A_776] : memref<262144x16xf32, #tpu.memory_space<hbm>> -> memref<262144x16xf32, #tpu.memory_space<hbm>>
        tpu.wait_indirect_dma semaphore(%arg44 : memref<!tpu.dma_semaphore, #tpu.memory_space<semaphore_mem>>) src(%dma_wait3A_777 : memref<262144x16xf32, #tpu.memory_space<hbm>>) dst(%arg40 : memref<128x16xf32, #tpu.memory_space<vmem>>)
        %mul3A_778 = arith.constant 2 : i32
        %mul3A_779 = arith.muli %mul3A_778, %scan3A_218 : i32
        %add3A_780 = arith.constant 1 : i32
        %add3A_781 = arith.addi %mul3A_779, %add3A_780 : i32
        %mul3A_782 = arith.constant 16 : i32
        %mul3A_783 = arith.muli %add3A_781, %mul3A_782 : i32
        %get3A_784 = arith.index_cast %mul3A_783 : i32 to index
        %get3A_785 = tpu.vector_load %arg28[%get3A_784] {strides = array<i32>} : memref<2048xi32, #tpu.memory_space<vmem>>, vector<16xi32>,
        %and3A_786 = arith.constant 65535 : i32
        %and3A_787 = vector.broadcast %and3A_786 : i32 to vector<16xi32>
        %and3A_788 = arith.andi %get3A_785, %and3A_787 : vector<16xi32>
        %convert_element_type3A_789 = arith.sitofp %and3A_788 : vector<16xi32> to vector<16xf32>
        %mul3A_790 = arith.constant 1.52590219E-5 : f32
        %mul3A_791 = vector.broadcast %mul3A_790 : f32 to vector<16xf32>
        %mul3A_792 = arith.mulf %convert_element_type3A_789, %mul3A_791 : vector<16xf32>
        %get3A_793 = arith.index_cast %mul3A_783 : i32 to index
        %get3A_794 = tpu.vector_load %arg29[%get3A_793] {strides = array<i32>} : memref<2048xi32, #tpu.memory_space<vmem>>, vector<16xi32>,
        %and3A_795 = arith.constant 65535 : i32
        %and3A_796 = vector.broadcast %and3A_795 : i32 to vector<16xi32>
        %and3A_797 = arith.andi %get3A_794, %and3A_796 : vector<16xi32>
        %convert_element_type3A_798 = arith.sitofp %and3A_797 : vector<16xi32> to vector<16xf32>
        %mul3A_799 = arith.constant 1.52590219E-5 : f32
        %mul3A_800 = vector.broadcast %mul3A_799 : f32 to vector<16xf32>
        %mul3A_801 = arith.mulf %convert_element_type3A_798, %mul3A_800 : vector<16xf32>
        %get3A_802 = arith.index_cast %mul3A_783 : i32 to index
        %get3A_803 = tpu.vector_load %arg30[%get3A_802] {strides = array<i32>} : memref<2048xi32, #tpu.memory_space<vmem>>, vector<16xi32>,
        %and3A_804 = arith.constant 65535 : i32
        %and3A_805 = vector.broadcast %and3A_804 : i32 to vector<16xi32>
        %and3A_806 = arith.andi %get3A_803, %and3A_805 : vector<16xi32>
        %convert_element_type3A_807 = arith.sitofp %and3A_806 : vector<16xi32> to vector<16xf32>
        %mul3A_808 = arith.constant 1.52590219E-5 : f32
        %mul3A_809 = vector.broadcast %mul3A_808 : f32 to vector<16xf32>
        %mul3A_810 = arith.mulf %convert_element_type3A_807, %mul3A_809 : vector<16xf32>
        %get3A_811 = arith.index_cast %mul3A_783 : i32 to index
        %get3A_812 = tpu.vector_load %arg31[%get3A_811] {strides = array<i32>} : memref<2048xi32, #tpu.memory_space<vmem>>, vector<16xi32>,
        %and3A_813 = arith.constant 65535 : i32
        %and3A_814 = vector.broadcast %and3A_813 : i32 to vector<16xi32>
        %and3A_815 = arith.andi %get3A_812, %and3A_814 : vector<16xi32>
        %convert_element_type3A_816 = arith.sitofp %and3A_815 : vector<16xi32> to vector<16xf32>
        %mul3A_817 = arith.constant 1.52590219E-5 : f32
        %mul3A_818 = vector.broadcast %mul3A_817 : f32 to vector<16xf32>
        %mul3A_819 = arith.mulf %convert_element_type3A_816, %mul3A_818 : vector<16xf32>
        %get3A_820 = arith.index_cast %mul3A_783 : i32 to index
        %get3A_821 = tpu.vector_load %arg32[%get3A_820] {strides = array<i32>} : memref<2048xi32, #tpu.memory_space<vmem>>, vector<16xi32>,
        %and3A_822 = arith.constant 65535 : i32
        %and3A_823 = vector.broadcast %and3A_822 : i32 to vector<16xi32>
        %and3A_824 = arith.andi %get3A_821, %and3A_823 : vector<16xi32>
        %convert_element_type3A_825 = arith.sitofp %and3A_824 : vector<16xi32> to vector<16xf32>
        %mul3A_826 = arith.constant 1.52590219E-5 : f32
        %mul3A_827 = vector.broadcast %mul3A_826 : f32 to vector<16xf32>
        %mul3A_828 = arith.mulf %convert_element_type3A_825, %mul3A_827 : vector<16xf32>
        %get3A_829 = arith.index_cast %mul3A_783 : i32 to index
        %get3A_830 = tpu.vector_load %arg33[%get3A_829] {strides = array<i32>} : memref<2048xi32, #tpu.memory_space<vmem>>, vector<16xi32>,
        %and3A_831 = arith.constant 65535 : i32
        %and3A_832 = vector.broadcast %and3A_831 : i32 to vector<16xi32>
        %and3A_833 = arith.andi %get3A_830, %and3A_832 : vector<16xi32>
        %convert_element_type3A_834 = arith.sitofp %and3A_833 : vector<16xi32> to vector<16xf32>
        %mul3A_835 = arith.constant 1.52590219E-5 : f32
        %mul3A_836 = vector.broadcast %mul3A_835 : f32 to vector<16xf32>
        %mul3A_837 = arith.mulf %convert_element_type3A_834, %mul3A_836 : vector<16xf32>
        %get3A_838 = arith.index_cast %mul3A_783 : i32 to index
        %get3A_839 = tpu.vector_load %arg34[%get3A_838] {strides = array<i32>} : memref<2048xi32, #tpu.memory_space<vmem>>, vector<16xi32>,
        %and3A_840 = arith.constant 65535 : i32
        %and3A_841 = vector.broadcast %and3A_840 : i32 to vector<16xi32>
        %and3A_842 = arith.andi %get3A_839, %and3A_841 : vector<16xi32>
        %convert_element_type3A_843 = arith.sitofp %and3A_842 : vector<16xi32> to vector<16xf32>
        %mul3A_844 = arith.constant 1.52590219E-5 : f32
        %mul3A_845 = vector.broadcast %mul3A_844 : f32 to vector<16xf32>
        %mul3A_846 = arith.mulf %convert_element_type3A_843, %mul3A_845 : vector<16xf32>
        %get3A_847 = arith.index_cast %mul3A_783 : i32 to index
        %get3A_848 = tpu.vector_load %arg35[%get3A_847] {strides = array<i32>} : memref<2048xi32, #tpu.memory_space<vmem>>, vector<16xi32>,
        %and3A_849 = arith.constant 65535 : i32
        %and3A_850 = vector.broadcast %and3A_849 : i32 to vector<16xi32>
        %and3A_851 = arith.andi %get3A_848, %and3A_850 : vector<16xi32>
        %convert_element_type3A_852 = arith.sitofp %and3A_851 : vector<16xi32> to vector<16xf32>
        %mul3A_853 = arith.constant 1.52590219E-5 : f32
        %mul3A_854 = vector.broadcast %mul3A_853 : f32 to vector<16xf32>
        %mul3A_855 = arith.mulf %convert_element_type3A_852, %mul3A_854 : vector<16xf32>
        %jit3A_856 = arith.constant 256 : i32
        %div3A_857 = arith.divsi %mul3A_783, %jit3A_856 : i32
        %sign3A_858 = arith.constant 0 : i32
        %sign3A_859 = arith.cmpi sgt, %mul3A_783, %sign3A_858 : i32
        %sign3A_860 = arith.extui %sign3A_859 : i1 to i32
        %sign3A_861 = arith.constant 0 : i32
        %sign3A_862 = arith.cmpi slt, %mul3A_783, %sign3A_861 : i32
        %sign3A_863 = arith.extui %sign3A_862 : i1 to i32
        %sign3A_864 = arith.subi %sign3A_860, %sign3A_863 : i32
        %sign3A_865 = arith.constant 0 : i32
        %sign3A_866 = arith.cmpi sgt, %jit3A_856, %sign3A_865 : i32
        %sign3A_867 = arith.extui %sign3A_866 : i1 to i32
        %sign3A_868 = arith.constant 0 : i32
        %sign3A_869 = arith.cmpi slt, %jit3A_856, %sign3A_868 : i32
        %sign3A_870 = arith.extui %sign3A_869 : i1 to i32
        %sign3A_871 = arith.subi %sign3A_867, %sign3A_870 : i32
        %ne3A_872 = arith.cmpi ne, %sign3A_864, %sign3A_871 : i32
        %rem3A_873 = arith.remsi %mul3A_783, %jit3A_856 : i32
        %ne3A_874 = arith.constant 0 : i32
        %ne3A_875 = arith.cmpi ne, %rem3A_873, %ne3A_874 : i32
        %and3A_876 = arith.andi %ne3A_872, %ne3A_875 : i1
        %sub3A_877 = arith.constant 1 : i32
        %sub3A_878 = arith.subi %div3A_857, %sub3A_877 : i32
        %select_n3A_879 = arith.select %and3A_876, %sub3A_878, %div3A_857 : i32
        %rem3A_880 = arith.constant 256 : i32
        %rem3A_881 = arith.remsi %mul3A_783, %rem3A_880 : i32
        %broadcast_in_dim3A_882 = arith.constant 0 : i32
        %broadcast_in_dim3A_883 = vector.broadcast %broadcast_in_dim3A_882 : i32 to vector<16xi32>
        %mul3A_884 = arith.mulf %mul3A_792, %mul3A_792 : vector<16xf32>
        %add3A_885 = arith.addf %broadcast_in_dim3A_86, %mul3A_884 : vector<16xf32>
        %mul3A_886 = arith.mulf %mul3A_801, %mul3A_801 : vector<16xf32>
        %add3A_887 = arith.addf %add3A_885, %mul3A_886 : vector<16xf32>
        %mul3A_888 = arith.mulf %mul3A_810, %mul3A_810 : vector<16xf32>
        %add3A_889 = arith.addf %add3A_887, %mul3A_888 : vector<16xf32>
        %mul3A_890 = arith.mulf %mul3A_819, %mul3A_819 : vector<16xf32>
        %add3A_891 = arith.addf %add3A_889, %mul3A_890 : vector<16xf32>
        %mul3A_892 = arith.mulf %mul3A_828, %mul3A_828 : vector<16xf32>
        %add3A_893 = arith.addf %add3A_891, %mul3A_892 : vector<16xf32>
        %mul3A_894 = arith.mulf %mul3A_837, %mul3A_837 : vector<16xf32>
        %add3A_895 = arith.addf %add3A_893, %mul3A_894 : vector<16xf32>
        %mul3A_896 = arith.mulf %mul3A_846, %mul3A_846 : vector<16xf32>
        %add3A_897 = arith.addf %add3A_895, %mul3A_896 : vector<16xf32>
        %mul3A_898 = arith.mulf %mul3A_855, %mul3A_855 : vector<16xf32>
        %add3A_899 = arith.addf %add3A_897, %mul3A_898 : vector<16xf32>
        %swap3A_900 = arith.constant 0 : i32
        %swap3A_901 = arith.index_cast %swap3A_900 : i32 to index
        %swap3A_902 = arith.index_cast %select_n3A_879 : i32 to index
        %swap3A_903 = arith.index_cast %rem3A_881 : i32 to index
        %swap3A_904 = tpu.vector_load %arg36[%swap3A_901, %swap3A_902, %swap3A_903] {strides = array<i32>} : memref<16x8x256xf32, #tpu.memory_space<vmem>>, vector<16xf32>,
        tpu.vector_store %arg36[%swap3A_901, %swap3A_902, %swap3A_903], %add3A_899 {strides = array<i32>} : memref<16x8x256xf32, #tpu.memory_space<vmem>>, vector<16xf32>,
        %broadcast_in_dim3A_905 = arith.constant 1 : i32
        %broadcast_in_dim3A_906 = vector.broadcast %broadcast_in_dim3A_905 : i32 to vector<16xi32>
        %mul3A_907 = arith.mulf %mul3A_792, %mul3A_792 : vector<16xf32>
        %add3A_908 = arith.addf %broadcast_in_dim3A_86, %mul3A_907 : vector<16xf32>
        %mul3A_909 = arith.mulf %mul3A_801, %mul3A_801 : vector<16xf32>
        %add3A_910 = arith.addf %add3A_908, %mul3A_909 : vector<16xf32>
        %mul3A_911 = arith.mulf %mul3A_810, %mul3A_810 : vector<16xf32>
        %add3A_912 = arith.addf %add3A_910, %mul3A_911 : vector<16xf32>
        %mul3A_913 = arith.mulf %mul3A_819, %mul3A_819 : vector<16xf32>
        %add3A_914 = arith.addf %add3A_912, %mul3A_913 : vector<16xf32>
        %mul3A_915 = arith.mulf %mul3A_828, %mul3A_828 : vector<16xf32>
        %add3A_916 = arith.addf %add3A_914, %mul3A_915 : vector<16xf32>
        %mul3A_917 = arith.mulf %mul3A_837, %mul3A_837 : vector<16xf32>
        %add3A_918 = arith.addf %add3A_916, %mul3A_917 : vector<16xf32>
        %mul3A_919 = arith.mulf %mul3A_846, %mul3A_846 : vector<16xf32>
        %add3A_920 = arith.addf %add3A_918, %mul3A_919 : vector<16xf32>
        %mul3A_921 = arith.mulf %mul3A_855, %mul3A_855 : vector<16xf32>
        %add3A_922 = arith.addf %add3A_920, %mul3A_921 : vector<16xf32>
        %swap3A_923 = arith.constant 1 : i32
        %swap3A_924 = arith.index_cast %swap3A_923 : i32 to index
        %swap3A_925 = arith.index_cast %select_n3A_879 : i32 to index
        %swap3A_926 = arith.index_cast %rem3A_881 : i32 to index
        %swap3A_927 = tpu.vector_load %arg36[%swap3A_924, %swap3A_925, %swap3A_926] {strides = array<i32>} : memref<16x8x256xf32, #tpu.memory_space<vmem>>, vector<16xf32>,
        tpu.vector_store %arg36[%swap3A_924, %swap3A_925, %swap3A_926], %add3A_922 {strides = array<i32>} : memref<16x8x256xf32, #tpu.memory_space<vmem>>, vector<16xf32>,
        %broadcast_in_dim3A_928 = arith.constant 2 : i32
        %broadcast_in_dim3A_929 = vector.broadcast %broadcast_in_dim3A_928 : i32 to vector<16xi32>
        %mul3A_930 = arith.mulf %mul3A_792, %mul3A_792 : vector<16xf32>
        %add3A_931 = arith.addf %broadcast_in_dim3A_86, %mul3A_930 : vector<16xf32>
        %mul3A_932 = arith.mulf %mul3A_801, %mul3A_801 : vector<16xf32>
        %add3A_933 = arith.addf %add3A_931, %mul3A_932 : vector<16xf32>
        %mul3A_934 = arith.mulf %mul3A_810, %mul3A_810 : vector<16xf32>
        %add3A_935 = arith.addf %add3A_933, %mul3A_934 : vector<16xf32>
        %mul3A_936 = arith.mulf %mul3A_819, %mul3A_819 : vector<16xf32>
        %add3A_937 = arith.addf %add3A_935, %mul3A_936 : vector<16xf32>
        %mul3A_938 = arith.mulf %mul3A_828, %mul3A_828 : vector<16xf32>
        %add3A_939 = arith.addf %add3A_937, %mul3A_938 : vector<16xf32>
        %mul3A_940 = arith.mulf %mul3A_837, %mul3A_837 : vector<16xf32>
        %add3A_941 = arith.addf %add3A_939, %mul3A_940 : vector<16xf32>
        %mul3A_942 = arith.mulf %mul3A_846, %mul3A_846 : vector<16xf32>
        %add3A_943 = arith.addf %add3A_941, %mul3A_942 : vector<16xf32>
        %mul3A_944 = arith.mulf %mul3A_855, %mul3A_855 : vector<16xf32>
        %add3A_945 = arith.addf %add3A_943, %mul3A_944 : vector<16xf32>
        %swap3A_946 = arith.constant 2 : i32
        %swap3A_947 = arith.index_cast %swap3A_946 : i32 to index
        %swap3A_948 = arith.index_cast %select_n3A_879 : i32 to index
        %swap3A_949 = arith.index_cast %rem3A_881 : i32 to index
        %swap3A_950 = tpu.vector_load %arg36[%swap3A_947, %swap3A_948, %swap3A_949] {strides = array<i32>} : memref<16x8x256xf32, #tpu.memory_space<vmem>>, vector<16xf32>,
        tpu.vector_store %arg36[%swap3A_947, %swap3A_948, %swap3A_949], %add3A_945 {strides = array<i32>} : memref<16x8x256xf32, #tpu.memory_space<vmem>>, vector<16xf32>,
        %broadcast_in_dim3A_951 = arith.constant 3 : i32
        %broadcast_in_dim3A_952 = vector.broadcast %broadcast_in_dim3A_951 : i32 to vector<16xi32>
        %mul3A_953 = arith.mulf %mul3A_792, %mul3A_792 : vector<16xf32>
        %add3A_954 = arith.addf %broadcast_in_dim3A_86, %mul3A_953 : vector<16xf32>
        %mul3A_955 = arith.mulf %mul3A_801, %mul3A_801 : vector<16xf32>
        %add3A_956 = arith.addf %add3A_954, %mul3A_955 : vector<16xf32>
        %mul3A_957 = arith.mulf %mul3A_810, %mul3A_810 : vector<16xf32>
        %add3A_958 = arith.addf %add3A_956, %mul3A_957 : vector<16xf32>
        %mul3A_959 = arith.mulf %mul3A_819, %mul3A_819 : vector<16xf32>
        %add3A_960 = arith.addf %add3A_958, %mul3A_959 : vector<16xf32>
        %mul3A_961 = arith.mulf %mul3A_828, %mul3A_828 : vector<16xf32>
        %add3A_962 = arith.addf %add3A_960, %mul3A_961 : vector<16xf32>
        %mul3A_963 = arith.mulf %mul3A_837, %mul3A_837 : vector<16xf32>
        %add3A_964 = arith.addf %add3A_962, %mul3A_963 : vector<16xf32>
        %mul3A_965 = arith.mulf %mul3A_846, %mul3A_846 : vector<16xf32>
        %add3A_966 = arith.addf %add3A_964, %mul3A_965 : vector<16xf32>
        %mul3A_967 = arith.mulf %mul3A_855, %mul3A_855 : vector<16xf32>
        %add3A_968 = arith.addf %add3A_966, %mul3A_967 : vector<16xf32>
        %swap3A_969 = arith.constant 3 : i32
        %swap3A_970 = arith.index_cast %swap3A_969 : i32 to index
        %swap3A_971 = arith.index_cast %select_n3A_879 : i32 to index
        %swap3A_972 = arith.index_cast %rem3A_881 : i32 to index
        %swap3A_973 = tpu.vector_load %arg36[%swap3A_970, %swap3A_971, %swap3A_972] {strides = array<i32>} : memref<16x8x256xf32, #tpu.memory_space<vmem>>, vector<16xf32>,
        tpu.vector_store %arg36[%swap3A_970, %swap3A_971, %swap3A_972], %add3A_968 {strides = array<i32>} : memref<16x8x256xf32, #tpu.memory_space<vmem>>, vector<16xf32>,
        %broadcast_in_dim3A_974 = arith.constant 4 : i32
        %broadcast_in_dim3A_975 = vector.broadcast %broadcast_in_dim3A_974 : i32 to vector<16xi32>
        %mul3A_976 = arith.mulf %mul3A_792, %mul3A_792 : vector<16xf32>
        %add3A_977 = arith.addf %broadcast_in_dim3A_86, %mul3A_976 : vector<16xf32>
        %mul3A_978 = arith.mulf %mul3A_801, %mul3A_801 : vector<16xf32>
        %add3A_979 = arith.addf %add3A_977, %mul3A_978 : vector<16xf32>
        %mul3A_980 = arith.mulf %mul3A_810, %mul3A_810 : vector<16xf32>
        %add3A_981 = arith.addf %add3A_979, %mul3A_980 : vector<16xf32>
        %mul3A_982 = arith.mulf %mul3A_819, %mul3A_819 : vector<16xf32>
        %add3A_983 = arith.addf %add3A_981, %mul3A_982 : vector<16xf32>
        %mul3A_984 = arith.mulf %mul3A_828, %mul3A_828 : vector<16xf32>
        %add3A_985 = arith.addf %add3A_983, %mul3A_984 : vector<16xf32>
        %mul3A_986 = arith.mulf %mul3A_837, %mul3A_837 : vector<16xf32>
        %add3A_987 = arith.addf %add3A_985, %mul3A_986 : vector<16xf32>
        %mul3A_988 = arith.mulf %mul3A_846, %mul3A_846 : vector<16xf32>
        %add3A_989 = arith.addf %add3A_987, %mul3A_988 : vector<16xf32>
        %mul3A_990 = arith.mulf %mul3A_855, %mul3A_855 : vector<16xf32>
        %add3A_991 = arith.addf %add3A_989, %mul3A_990 : vector<16xf32>
        %swap3A_992 = arith.constant 4 : i32
        %swap3A_993 = arith.index_cast %swap3A_992 : i32 to index
        %swap3A_994 = arith.index_cast %select_n3A_879 : i32 to index
        %swap3A_995 = arith.index_cast %rem3A_881 : i32 to index
        %swap3A_996 = tpu.vector_load %arg36[%swap3A_993, %swap3A_994, %swap3A_995] {strides = array<i32>} : memref<16x8x256xf32, #tpu.memory_space<vmem>>, vector<16xf32>,
        tpu.vector_store %arg36[%swap3A_993, %swap3A_994, %swap3A_995], %add3A_991 {strides = array<i32>} : memref<16x8x256xf32, #tpu.memory_space<vmem>>, vector<16xf32>,
        %broadcast_in_dim3A_997 = arith.constant 5 : i32
        %broadcast_in_dim3A_998 = vector.broadcast %broadcast_in_dim3A_997 : i32 to vector<16xi32>
        %mul3A_999 = arith.mulf %mul3A_792, %mul3A_792 : vector<16xf32>
        %add3A_1000 = arith.addf %broadcast_in_dim3A_86, %mul3A_999 : vector<16xf32>
        %mul3A_1001 = arith.mulf %mul3A_801, %mul3A_801 : vector<16xf32>
        %add3A_1002 = arith.addf %add3A_1000, %mul3A_1001 : vector<16xf32>
        %mul3A_1003 = arith.mulf %mul3A_810, %mul3A_810 : vector<16xf32>
        %add3A_1004 = arith.addf %add3A_1002, %mul3A_1003 : vector<16xf32>
        %mul3A_1005 = arith.mulf %mul3A_819, %mul3A_819 : vector<16xf32>
        %add3A_1006 = arith.addf %add3A_1004, %mul3A_1005 : vector<16xf32>
        %mul3A_1007 = arith.mulf %mul3A_828, %mul3A_828 : vector<16xf32>
        %add3A_1008 = arith.addf %add3A_1006, %mul3A_1007 : vector<16xf32>
        %mul3A_1009 = arith.mulf %mul3A_837, %mul3A_837 : vector<16xf32>
        %add3A_1010 = arith.addf %add3A_1008, %mul3A_1009 : vector<16xf32>
        %mul3A_1011 = arith.mulf %mul3A_846, %mul3A_846 : vector<16xf32>
        %add3A_1012 = arith.addf %add3A_1010, %mul3A_1011 : vector<16xf32>
        %mul3A_1013 = arith.mulf %mul3A_855, %mul3A_855 : vector<16xf32>
        %add3A_1014 = arith.addf %add3A_1012, %mul3A_1013 : vector<16xf32>
        %swap3A_1015 = arith.constant 5 : i32
        %swap3A_1016 = arith.index_cast %swap3A_1015 : i32 to index
        %swap3A_1017 = arith.index_cast %select_n3A_879 : i32 to index
        %swap3A_1018 = arith.index_cast %rem3A_881 : i32 to index
        %swap3A_1019 = tpu.vector_load %arg36[%swap3A_1016, %swap3A_1017, %swap3A_1018] {strides = array<i32>} : memref<16x8x256xf32, #tpu.memory_space<vmem>>, vector<16xf32>,
        tpu.vector_store %arg36[%swap3A_1016, %swap3A_1017, %swap3A_1018], %add3A_1014 {strides = array<i32>} : memref<16x8x256xf32, #tpu.memory_space<vmem>>, vector<16xf32>,
        %broadcast_in_dim3A_1020 = arith.constant 6 : i32
        %broadcast_in_dim3A_1021 = vector.broadcast %broadcast_in_dim3A_1020 : i32 to vector<16xi32>
        %mul3A_1022 = arith.mulf %mul3A_792, %mul3A_792 : vector<16xf32>
        %add3A_1023 = arith.addf %broadcast_in_dim3A_86, %mul3A_1022 : vector<16xf32>
        %mul3A_1024 = arith.mulf %mul3A_801, %mul3A_801 : vector<16xf32>
        %add3A_1025 = arith.addf %add3A_1023, %mul3A_1024 : vector<16xf32>
        %mul3A_1026 = arith.mulf %mul3A_810, %mul3A_810 : vector<16xf32>
        %add3A_1027 = arith.addf %add3A_1025, %mul3A_1026 : vector<16xf32>
        %mul3A_1028 = arith.mulf %mul3A_819, %mul3A_819 : vector<16xf32>
        %add3A_1029 = arith.addf %add3A_1027, %mul3A_1028 : vector<16xf32>
        %mul3A_1030 = arith.mulf %mul3A_828, %mul3A_828 : vector<16xf32>
        %add3A_1031 = arith.addf %add3A_1029, %mul3A_1030 : vector<16xf32>
        %mul3A_1032 = arith.mulf %mul3A_837, %mul3A_837 : vector<16xf32>
        %add3A_1033 = arith.addf %add3A_1031, %mul3A_1032 : vector<16xf32>
        %mul3A_1034 = arith.mulf %mul3A_846, %mul3A_846 : vector<16xf32>
        %add3A_1035 = arith.addf %add3A_1033, %mul3A_1034 : vector<16xf32>
        %mul3A_1036 = arith.mulf %mul3A_855, %mul3A_855 : vector<16xf32>
        %add3A_1037 = arith.addf %add3A_1035, %mul3A_1036 : vector<16xf32>
        %swap3A_1038 = arith.constant 6 : i32
        %swap3A_1039 = arith.index_cast %swap3A_1038 : i32 to index
        %swap3A_1040 = arith.index_cast %select_n3A_879 : i32 to index
        %swap3A_1041 = arith.index_cast %rem3A_881 : i32 to index
        %swap3A_1042 = tpu.vector_load %arg36[%swap3A_1039, %swap3A_1040, %swap3A_1041] {strides = array<i32>} : memref<16x8x256xf32, #tpu.memory_space<vmem>>, vector<16xf32>,
        tpu.vector_store %arg36[%swap3A_1039, %swap3A_1040, %swap3A_1041], %add3A_1037 {strides = array<i32>} : memref<16x8x256xf32, #tpu.memory_space<vmem>>, vector<16xf32>,
        %broadcast_in_dim3A_1043 = arith.constant 7 : i32
        %broadcast_in_dim3A_1044 = vector.broadcast %broadcast_in_dim3A_1043 : i32 to vector<16xi32>
        %mul3A_1045 = arith.mulf %mul3A_792, %mul3A_792 : vector<16xf32>
        %add3A_1046 = arith.addf %broadcast_in_dim3A_86, %mul3A_1045 : vector<16xf32>
        %mul3A_1047 = arith.mulf %mul3A_801, %mul3A_801 : vector<16xf32>
        %add3A_1048 = arith.addf %add3A_1046, %mul3A_1047 : vector<16xf32>
        %mul3A_1049 = arith.mulf %mul3A_810, %mul3A_810 : vector<16xf32>
        %add3A_1050 = arith.addf %add3A_1048, %mul3A_1049 : vector<16xf32>
        %mul3A_1051 = arith.mulf %mul3A_819, %mul3A_819 : vector<16xf32>
        %add3A_1052 = arith.addf %add3A_1050, %mul3A_1051 : vector<16xf32>
        %mul3A_1053 = arith.mulf %mul3A_828, %mul3A_828 : vector<16xf32>
        %add3A_1054 = arith.addf %add3A_1052, %mul3A_1053 : vector<16xf32>
        %mul3A_1055 = arith.mulf %mul3A_837, %mul3A_837 : vector<16xf32>
        %add3A_1056 = arith.addf %add3A_1054, %mul3A_1055 : vector<16xf32>
        %mul3A_1057 = arith.mulf %mul3A_846, %mul3A_846 : vector<16xf32>
        %add3A_1058 = arith.addf %add3A_1056, %mul3A_1057 : vector<16xf32>
        %mul3A_1059 = arith.mulf %mul3A_855, %mul3A_855 : vector<16xf32>
        %add3A_1060 = arith.addf %add3A_1058, %mul3A_1059 : vector<16xf32>
        %swap3A_1061 = arith.constant 7 : i32
        %swap3A_1062 = arith.index_cast %swap3A_1061 : i32 to index
        %swap3A_1063 = arith.index_cast %select_n3A_879 : i32 to index
        %swap3A_1064 = arith.index_cast %rem3A_881 : i32 to index
        %swap3A_1065 = tpu.vector_load %arg36[%swap3A_1062, %swap3A_1063, %swap3A_1064] {strides = array<i32>} : memref<16x8x256xf32, #tpu.memory_space<vmem>>, vector<16xf32>,
        tpu.vector_store %arg36[%swap3A_1062, %swap3A_1063, %swap3A_1064], %add3A_1060 {strides = array<i32>} : memref<16x8x256xf32, #tpu.memory_space<vmem>>, vector<16xf32>,
        %broadcast_in_dim3A_1066 = arith.constant 8 : i32
        %broadcast_in_dim3A_1067 = vector.broadcast %broadcast_in_dim3A_1066 : i32 to vector<16xi32>
        %mul3A_1068 = arith.mulf %mul3A_792, %mul3A_792 : vector<16xf32>
        %add3A_1069 = arith.addf %broadcast_in_dim3A_86, %mul3A_1068 : vector<16xf32>
        %mul3A_1070 = arith.mulf %mul3A_801, %mul3A_801 : vector<16xf32>
        %add3A_1071 = arith.addf %add3A_1069, %mul3A_1070 : vector<16xf32>
        %mul3A_1072 = arith.mulf %mul3A_810, %mul3A_810 : vector<16xf32>
        %add3A_1073 = arith.addf %add3A_1071, %mul3A_1072 : vector<16xf32>
        %mul3A_1074 = arith.mulf %mul3A_819, %mul3A_819 : vector<16xf32>
        %add3A_1075 = arith.addf %add3A_1073, %mul3A_1074 : vector<16xf32>
        %mul3A_1076 = arith.mulf %mul3A_828, %mul3A_828 : vector<16xf32>
        %add3A_1077 = arith.addf %add3A_1075, %mul3A_1076 : vector<16xf32>
        %mul3A_1078 = arith.mulf %mul3A_837, %mul3A_837 : vector<16xf32>
        %add3A_1079 = arith.addf %add3A_1077, %mul3A_1078 : vector<16xf32>
        %mul3A_1080 = arith.mulf %mul3A_846, %mul3A_846 : vector<16xf32>
        %add3A_1081 = arith.addf %add3A_1079, %mul3A_1080 : vector<16xf32>
        %mul3A_1082 = arith.mulf %mul3A_855, %mul3A_855 : vector<16xf32>
        %add3A_1083 = arith.addf %add3A_1081, %mul3A_1082 : vector<16xf32>
        %swap3A_1084 = arith.constant 8 : i32
        %swap3A_1085 = arith.index_cast %swap3A_1084 : i32 to index
        %swap3A_1086 = arith.index_cast %select_n3A_879 : i32 to index
        %swap3A_1087 = arith.index_cast %rem3A_881 : i32 to index
        %swap3A_1088 = tpu.vector_load %arg36[%swap3A_1085, %swap3A_1086, %swap3A_1087] {strides = array<i32>} : memref<16x8x256xf32, #tpu.memory_space<vmem>>, vector<16xf32>,
        tpu.vector_store %arg36[%swap3A_1085, %swap3A_1086, %swap3A_1087], %add3A_1083 {strides = array<i32>} : memref<16x8x256xf32, #tpu.memory_space<vmem>>, vector<16xf32>,
        %broadcast_in_dim3A_1089 = arith.constant 9 : i32
        %broadcast_in_dim3A_1090 = vector.broadcast %broadcast_in_dim3A_1089 : i32 to vector<16xi32>
        %mul3A_1091 = arith.mulf %mul3A_792, %mul3A_792 : vector<16xf32>
        %add3A_1092 = arith.addf %broadcast_in_dim3A_86, %mul3A_1091 : vector<16xf32>
        %mul3A_1093 = arith.mulf %mul3A_801, %mul3A_801 : vector<16xf32>
        %add3A_1094 = arith.addf %add3A_1092, %mul3A_1093 : vector<16xf32>
        %mul3A_1095 = arith.mulf %mul3A_810, %mul3A_810 : vector<16xf32>
        %add3A_1096 = arith.addf %add3A_1094, %mul3A_1095 : vector<16xf32>
        %mul3A_1097 = arith.mulf %mul3A_819, %mul3A_819 : vector<16xf32>
        %add3A_1098 = arith.addf %add3A_1096, %mul3A_1097 : vector<16xf32>
        %mul3A_1099 = arith.mulf %mul3A_828, %mul3A_828 : vector<16xf32>
        %add3A_1100 = arith.addf %add3A_1098, %mul3A_1099 : vector<16xf32>
        %mul3A_1101 = arith.mulf %mul3A_837, %mul3A_837 : vector<16xf32>
        %add3A_1102 = arith.addf %add3A_1100, %mul3A_1101 : vector<16xf32>
        %mul3A_1103 = arith.mulf %mul3A_846, %mul3A_846 : vector<16xf32>
        %add3A_1104 = arith.addf %add3A_1102, %mul3A_1103 : vector<16xf32>
        %mul3A_1105 = arith.mulf %mul3A_855, %mul3A_855 : vector<16xf32>
        %add3A_1106 = arith.addf %add3A_1104, %mul3A_1105 : vector<16xf32>
        %swap3A_1107 = arith.constant 9 : i32
        %swap3A_1108 = arith.index_cast %swap3A_1107 : i32 to index
        %swap3A_1109 = arith.index_cast %select_n3A_879 : i32 to index
        %swap3A_1110 = arith.index_cast %rem3A_881 : i32 to index
        %swap3A_1111 = tpu.vector_load %arg36[%swap3A_1108, %swap3A_1109, %swap3A_1110] {strides = array<i32>} : memref<16x8x256xf32, #tpu.memory_space<vmem>>, vector<16xf32>,
        tpu.vector_store %arg36[%swap3A_1108, %swap3A_1109, %swap3A_1110], %add3A_1106 {strides = array<i32>} : memref<16x8x256xf32, #tpu.memory_space<vmem>>, vector<16xf32>,
        %broadcast_in_dim3A_1112 = arith.constant 10 : i32
        %broadcast_in_dim3A_1113 = vector.broadcast %broadcast_in_dim3A_1112 : i32 to vector<16xi32>
        %mul3A_1114 = arith.mulf %mul3A_792, %mul3A_792 : vector<16xf32>
        %add3A_1115 = arith.addf %broadcast_in_dim3A_86, %mul3A_1114 : vector<16xf32>
        %mul3A_1116 = arith.mulf %mul3A_801, %mul3A_801 : vector<16xf32>
        %add3A_1117 = arith.addf %add3A_1115, %mul3A_1116 : vector<16xf32>
        %mul3A_1118 = arith.mulf %mul3A_810, %mul3A_810 : vector<16xf32>
        %add3A_1119 = arith.addf %add3A_1117, %mul3A_1118 : vector<16xf32>
        %mul3A_1120 = arith.mulf %mul3A_819, %mul3A_819 : vector<16xf32>
        %add3A_1121 = arith.addf %add3A_1119, %mul3A_1120 : vector<16xf32>
        %mul3A_1122 = arith.mulf %mul3A_828, %mul3A_828 : vector<16xf32>
        %add3A_1123 = arith.addf %add3A_1121, %mul3A_1122 : vector<16xf32>
        %mul3A_1124 = arith.mulf %mul3A_837, %mul3A_837 : vector<16xf32>
        %add3A_1125 = arith.addf %add3A_1123, %mul3A_1124 : vector<16xf32>
        %mul3A_1126 = arith.mulf %mul3A_846, %mul3A_846 : vector<16xf32>
        %add3A_1127 = arith.addf %add3A_1125, %mul3A_1126 : vector<16xf32>
        %mul3A_1128 = arith.mulf %mul3A_855, %mul3A_855 : vector<16xf32>
        %add3A_1129 = arith.addf %add3A_1127, %mul3A_1128 : vector<16xf32>
        %swap3A_1130 = arith.constant 10 : i32
        %swap3A_1131 = arith.index_cast %swap3A_1130 : i32 to index
        %swap3A_1132 = arith.index_cast %select_n3A_879 : i32 to index
        %swap3A_1133 = arith.index_cast %rem3A_881 : i32 to index
        %swap3A_1134 = tpu.vector_load %arg36[%swap3A_1131, %swap3A_1132, %swap3A_1133] {strides = array<i32>} : memref<16x8x256xf32, #tpu.memory_space<vmem>>, vector<16xf32>,
        tpu.vector_store %arg36[%swap3A_1131, %swap3A_1132, %swap3A_1133], %add3A_1129 {strides = array<i32>} : memref<16x8x256xf32, #tpu.memory_space<vmem>>, vector<16xf32>,
        %broadcast_in_dim3A_1135 = arith.constant 11 : i32
        %broadcast_in_dim3A_1136 = vector.broadcast %broadcast_in_dim3A_1135 : i32 to vector<16xi32>
        %mul3A_1137 = arith.mulf %mul3A_792, %mul3A_792 : vector<16xf32>
        %add3A_1138 = arith.addf %broadcast_in_dim3A_86, %mul3A_1137 : vector<16xf32>
        %mul3A_1139 = arith.mulf %mul3A_801, %mul3A_801 : vector<16xf32>
        %add3A_1140 = arith.addf %add3A_1138, %mul3A_1139 : vector<16xf32>
        %mul3A_1141 = arith.mulf %mul3A_810, %mul3A_810 : vector<16xf32>
        %add3A_1142 = arith.addf %add3A_1140, %mul3A_1141 : vector<16xf32>
        %mul3A_1143 = arith.mulf %mul3A_819, %mul3A_819 : vector<16xf32>
        %add3A_1144 = arith.addf %add3A_1142, %mul3A_1143 : vector<16xf32>
        %mul3A_1145 = arith.mulf %mul3A_828, %mul3A_828 : vector<16xf32>
        %add3A_1146 = arith.addf %add3A_1144, %mul3A_1145 : vector<16xf32>
        %mul3A_1147 = arith.mulf %mul3A_837, %mul3A_837 : vector<16xf32>
        %add3A_1148 = arith.addf %add3A_1146, %mul3A_1147 : vector<16xf32>
        %mul3A_1149 = arith.mulf %mul3A_846, %mul3A_846 : vector<16xf32>
        %add3A_1150 = arith.addf %add3A_1148, %mul3A_1149 : vector<16xf32>
        %mul3A_1151 = arith.mulf %mul3A_855, %mul3A_855 : vector<16xf32>
        %add3A_1152 = arith.addf %add3A_1150, %mul3A_1151 : vector<16xf32>
        %swap3A_1153 = arith.constant 11 : i32
        %swap3A_1154 = arith.index_cast %swap3A_1153 : i32 to index
        %swap3A_1155 = arith.index_cast %select_n3A_879 : i32 to index
        %swap3A_1156 = arith.index_cast %rem3A_881 : i32 to index
        %swap3A_1157 = tpu.vector_load %arg36[%swap3A_1154, %swap3A_1155, %swap3A_1156] {strides = array<i32>} : memref<16x8x256xf32, #tpu.memory_space<vmem>>, vector<16xf32>,
        tpu.vector_store %arg36[%swap3A_1154, %swap3A_1155, %swap3A_1156], %add3A_1152 {strides = array<i32>} : memref<16x8x256xf32, #tpu.memory_space<vmem>>, vector<16xf32>,
        %broadcast_in_dim3A_1158 = arith.constant 12 : i32
        %broadcast_in_dim3A_1159 = vector.broadcast %broadcast_in_dim3A_1158 : i32 to vector<16xi32>
        %mul3A_1160 = arith.mulf %mul3A_792, %mul3A_792 : vector<16xf32>
        %add3A_1161 = arith.addf %broadcast_in_dim3A_86, %mul3A_1160 : vector<16xf32>
        %mul3A_1162 = arith.mulf %mul3A_801, %mul3A_801 : vector<16xf32>
        %add3A_1163 = arith.addf %add3A_1161, %mul3A_1162 : vector<16xf32>
        %mul3A_1164 = arith.mulf %mul3A_810, %mul3A_810 : vector<16xf32>
        %add3A_1165 = arith.addf %add3A_1163, %mul3A_1164 : vector<16xf32>
        %mul3A_1166 = arith.mulf %mul3A_819, %mul3A_819 : vector<16xf32>
        %add3A_1167 = arith.addf %add3A_1165, %mul3A_1166 : vector<16xf32>
        %mul3A_1168 = arith.mulf %mul3A_828, %mul3A_828 : vector<16xf32>
        %add3A_1169 = arith.addf %add3A_1167, %mul3A_1168 : vector<16xf32>
        %mul3A_1170 = arith.mulf %mul3A_837, %mul3A_837 : vector<16xf32>
        %add3A_1171 = arith.addf %add3A_1169, %mul3A_1170 : vector<16xf32>
        %mul3A_1172 = arith.mulf %mul3A_846, %mul3A_846 : vector<16xf32>
        %add3A_1173 = arith.addf %add3A_1171, %mul3A_1172 : vector<16xf32>
        %mul3A_1174 = arith.mulf %mul3A_855, %mul3A_855 : vector<16xf32>
        %add3A_1175 = arith.addf %add3A_1173, %mul3A_1174 : vector<16xf32>
        %swap3A_1176 = arith.constant 12 : i32
        %swap3A_1177 = arith.index_cast %swap3A_1176 : i32 to index
        %swap3A_1178 = arith.index_cast %select_n3A_879 : i32 to index
        %swap3A_1179 = arith.index_cast %rem3A_881 : i32 to index
        %swap3A_1180 = tpu.vector_load %arg36[%swap3A_1177, %swap3A_1178, %swap3A_1179] {strides = array<i32>} : memref<16x8x256xf32, #tpu.memory_space<vmem>>, vector<16xf32>,
        tpu.vector_store %arg36[%swap3A_1177, %swap3A_1178, %swap3A_1179], %add3A_1175 {strides = array<i32>} : memref<16x8x256xf32, #tpu.memory_space<vmem>>, vector<16xf32>,
        %broadcast_in_dim3A_1181 = arith.constant 13 : i32
        %broadcast_in_dim3A_1182 = vector.broadcast %broadcast_in_dim3A_1181 : i32 to vector<16xi32>
        %mul3A_1183 = arith.mulf %mul3A_792, %mul3A_792 : vector<16xf32>
        %add3A_1184 = arith.addf %broadcast_in_dim3A_86, %mul3A_1183 : vector<16xf32>
        %mul3A_1185 = arith.mulf %mul3A_801, %mul3A_801 : vector<16xf32>
        %add3A_1186 = arith.addf %add3A_1184, %mul3A_1185 : vector<16xf32>
        %mul3A_1187 = arith.mulf %mul3A_810, %mul3A_810 : vector<16xf32>
        %add3A_1188 = arith.addf %add3A_1186, %mul3A_1187 : vector<16xf32>
        %mul3A_1189 = arith.mulf %mul3A_819, %mul3A_819 : vector<16xf32>
        %add3A_1190 = arith.addf %add3A_1188, %mul3A_1189 : vector<16xf32>
        %mul3A_1191 = arith.mulf %mul3A_828, %mul3A_828 : vector<16xf32>
        %add3A_1192 = arith.addf %add3A_1190, %mul3A_1191 : vector<16xf32>
        %mul3A_1193 = arith.mulf %mul3A_837, %mul3A_837 : vector<16xf32>
        %add3A_1194 = arith.addf %add3A_1192, %mul3A_1193 : vector<16xf32>
        %mul3A_1195 = arith.mulf %mul3A_846, %mul3A_846 : vector<16xf32>
        %add3A_1196 = arith.addf %add3A_1194, %mul3A_1195 : vector<16xf32>
        %mul3A_1197 = arith.mulf %mul3A_855, %mul3A_855 : vector<16xf32>
        %add3A_1198 = arith.addf %add3A_1196, %mul3A_1197 : vector<16xf32>
        %swap3A_1199 = arith.constant 13 : i32
        %swap3A_1200 = arith.index_cast %swap3A_1199 : i32 to index
        %swap3A_1201 = arith.index_cast %select_n3A_879 : i32 to index
        %swap3A_1202 = arith.index_cast %rem3A_881 : i32 to index
        %swap3A_1203 = tpu.vector_load %arg36[%swap3A_1200, %swap3A_1201, %swap3A_1202] {strides = array<i32>} : memref<16x8x256xf32, #tpu.memory_space<vmem>>, vector<16xf32>,
        tpu.vector_store %arg36[%swap3A_1200, %swap3A_1201, %swap3A_1202], %add3A_1198 {strides = array<i32>} : memref<16x8x256xf32, #tpu.memory_space<vmem>>, vector<16xf32>,
        %broadcast_in_dim3A_1204 = arith.constant 14 : i32
        %broadcast_in_dim3A_1205 = vector.broadcast %broadcast_in_dim3A_1204 : i32 to vector<16xi32>
        %mul3A_1206 = arith.mulf %mul3A_792, %mul3A_792 : vector<16xf32>
        %add3A_1207 = arith.addf %broadcast_in_dim3A_86, %mul3A_1206 : vector<16xf32>
        %mul3A_1208 = arith.mulf %mul3A_801, %mul3A_801 : vector<16xf32>
        %add3A_1209 = arith.addf %add3A_1207, %mul3A_1208 : vector<16xf32>
        %mul3A_1210 = arith.mulf %mul3A_810, %mul3A_810 : vector<16xf32>
        %add3A_1211 = arith.addf %add3A_1209, %mul3A_1210 : vector<16xf32>
        %mul3A_1212 = arith.mulf %mul3A_819, %mul3A_819 : vector<16xf32>
        %add3A_1213 = arith.addf %add3A_1211, %mul3A_1212 : vector<16xf32>
        %mul3A_1214 = arith.mulf %mul3A_828, %mul3A_828 : vector<16xf32>
        %add3A_1215 = arith.addf %add3A_1213, %mul3A_1214 : vector<16xf32>
        %mul3A_1216 = arith.mulf %mul3A_837, %mul3A_837 : vector<16xf32>
        %add3A_1217 = arith.addf %add3A_1215, %mul3A_1216 : vector<16xf32>
        %mul3A_1218 = arith.mulf %mul3A_846, %mul3A_846 : vector<16xf32>
        %add3A_1219 = arith.addf %add3A_1217, %mul3A_1218 : vector<16xf32>
        %mul3A_1220 = arith.mulf %mul3A_855, %mul3A_855 : vector<16xf32>
        %add3A_1221 = arith.addf %add3A_1219, %mul3A_1220 : vector<16xf32>
        %swap3A_1222 = arith.constant 14 : i32
        %swap3A_1223 = arith.index_cast %swap3A_1222 : i32 to index
        %swap3A_1224 = arith.index_cast %select_n3A_879 : i32 to index
        %swap3A_1225 = arith.index_cast %rem3A_881 : i32 to index
        %swap3A_1226 = tpu.vector_load %arg36[%swap3A_1223, %swap3A_1224, %swap3A_1225] {strides = array<i32>} : memref<16x8x256xf32, #tpu.memory_space<vmem>>, vector<16xf32>,
        tpu.vector_store %arg36[%swap3A_1223, %swap3A_1224, %swap3A_1225], %add3A_1221 {strides = array<i32>} : memref<16x8x256xf32, #tpu.memory_space<vmem>>, vector<16xf32>,
        %broadcast_in_dim3A_1227 = arith.constant 15 : i32
        %broadcast_in_dim3A_1228 = vector.broadcast %broadcast_in_dim3A_1227 : i32 to vector<16xi32>
        %mul3A_1229 = arith.mulf %mul3A_792, %mul3A_792 : vector<16xf32>
        %add3A_1230 = arith.addf %broadcast_in_dim3A_86, %mul3A_1229 : vector<16xf32>
        %mul3A_1231 = arith.mulf %mul3A_801, %mul3A_801 : vector<16xf32>
        %add3A_1232 = arith.addf %add3A_1230, %mul3A_1231 : vector<16xf32>
        %mul3A_1233 = arith.mulf %mul3A_810, %mul3A_810 : vector<16xf32>
        %add3A_1234 = arith.addf %add3A_1232, %mul3A_1233 : vector<16xf32>
        %mul3A_1235 = arith.mulf %mul3A_819, %mul3A_819 : vector<16xf32>
        %add3A_1236 = arith.addf %add3A_1234, %mul3A_1235 : vector<16xf32>
        %mul3A_1237 = arith.mulf %mul3A_828, %mul3A_828 : vector<16xf32>
        %add3A_1238 = arith.addf %add3A_1236, %mul3A_1237 : vector<16xf32>
        %mul3A_1239 = arith.mulf %mul3A_837, %mul3A_837 : vector<16xf32>
        %add3A_1240 = arith.addf %add3A_1238, %mul3A_1239 : vector<16xf32>
        %mul3A_1241 = arith.mulf %mul3A_846, %mul3A_846 : vector<16xf32>
        %add3A_1242 = arith.addf %add3A_1240, %mul3A_1241 : vector<16xf32>
        %mul3A_1243 = arith.mulf %mul3A_855, %mul3A_855 : vector<16xf32>
        %add3A_1244 = arith.addf %add3A_1242, %mul3A_1243 : vector<16xf32>
        %swap3A_1245 = arith.constant 15 : i32
        %swap3A_1246 = arith.index_cast %swap3A_1245 : i32 to index
        %swap3A_1247 = arith.index_cast %select_n3A_879 : i32 to index
        %swap3A_1248 = arith.index_cast %rem3A_881 : i32 to index
        %swap3A_1249 = tpu.vector_load %arg36[%swap3A_1246, %swap3A_1247, %swap3A_1248] {strides = array<i32>} : memref<16x8x256xf32, #tpu.memory_space<vmem>>, vector<16xf32>,
        tpu.vector_store %arg36[%swap3A_1246, %swap3A_1247, %swap3A_1248], %add3A_1244 {strides = array<i32>} : memref<16x8x256xf32, #tpu.memory_space<vmem>>, vector<16xf32>,
      }
      %scan3A_217 = arith.constant 64 : i32
      "tpu.region"() ({
        %run_scoped3A = tpu.sem_alloc : memref<!tpu.dma_semaphore, #tpu.memory_space<semaphore_mem>>
        %dma_start3A_218 = arith.constant 0 : i32
        %dma_start3A_219 = arith.constant 0 : i32
        %dma_start3A_220 = tpu.memref_slice %arg8[%scan3A_96, %dma_start3A_218, %mul3A_2, %dma_start3A_219] : memref<4x16x256x256xf32, #tpu.memory_space<hbm>> -> memref<1x16x8x256xf32, #tpu.memory_space<hbm>>
        %dma_start3A_221 = tpu.memref_squeeze %dma_start3A_220 : memref<1x16x8x256xf32, #tpu.memory_space<hbm>> -> memref<16x8x256xf32, #tpu.memory_space<hbm>>
        %dma_start3A_222 = arith.constant 0 : i32
        %dma_start3A_223 = arith.constant 0 : i32
        %dma_start3A_224 = tpu.memref_slice %arg8[%scan3A_96, %dma_start3A_222, %mul3A_2, %dma_start3A_223] : memref<4x16x256x256xf32, #tpu.memory_space<hbm>> -> memref<1x16x8x256xf32, #tpu.memory_space<hbm>>
        %dma_start3A_225 = tpu.memref_squeeze %dma_start3A_224 : memref<1x16x8x256xf32, #tpu.memory_space<hbm>> -> memref<16x8x256xf32, #tpu.memory_space<hbm>>
        tpu.enqueue_dma source(%arg36 : memref<16x8x256xf32, #tpu.memory_space<vmem>>) target(%dma_start3A_225 : memref<16x8x256xf32, #tpu.memory_space<hbm>>) target_semaphore(%run_scoped3A : memref<!tpu.dma_semaphore, #tpu.memory_space<semaphore_mem>>)
        %dma_wait3A = arith.constant 0 : i32
        %dma_wait3A_226 = arith.constant 0 : i32
        %dma_wait3A_227 = tpu.memref_slice %arg8[%scan3A_96, %dma_wait3A, %mul3A_2, %dma_wait3A_226] : memref<4x16x256x256xf32, #tpu.memory_space<hbm>> -> memref<1x16x8x256xf32, #tpu.memory_space<hbm>>
        %dma_wait3A_228 = tpu.memref_squeeze %dma_wait3A_227 : memref<1x16x8x256xf32, #tpu.memory_space<hbm>> -> memref<16x8x256xf32, #tpu.memory_space<hbm>>
        %dma_wait3A_229 = arith.constant 0 : i32
        %dma_wait3A_230 = arith.constant 0 : i32
        %dma_wait3A_231 = tpu.memref_slice %arg8[%scan3A_96, %dma_wait3A_229, %mul3A_2, %dma_wait3A_230] : memref<4x16x256x256xf32, #tpu.memory_space<hbm>> -> memref<1x16x8x256xf32, #tpu.memory_space<hbm>>
        %dma_wait3A_232 = tpu.memref_squeeze %dma_wait3A_231 : memref<1x16x8x256xf32, #tpu.memory_space<hbm>> -> memref<16x8x256xf32, #tpu.memory_space<hbm>>
        tpu.wait_dma2 semaphore(%run_scoped3A : memref<!tpu.dma_semaphore, #tpu.memory_space<semaphore_mem>>) src(%arg36 : memref<16x8x256xf32, #tpu.memory_space<vmem>>) dst(%dma_wait3A_232 : memref<16x8x256xf32, #tpu.memory_space<hbm>>)
        tpu.yield
      }) : () -> ()
    }
    %scan3A_95 = arith.constant 4 : i32
    return
  }
}

</mosaic_0001>

<sc_bundles>
// kernel: kernel.3.cloned.1.call-start
scs
__scs_entry_jumppad:
0x0: {  	(pc) =	sbr.rel $0x88, $3  }
0x1: {  	(tag) =	ssettag $0x0;
	lr =	simm.s32 $0x1  }
0x2: {  	[smem:$0x3F9F] =	sst lr;
	_ =	strace $0xD0000000  }
0x3: {  	_ = 	snop  }
0x4: {  	_ = 	snop  }
0x5: {  	_ = 	snop  }
0x6: {  	_ = 	snop  }
0x7: {  	_ = 	snop  }
__scs_overlays_trampoline_lowered:
0x8: {  	[smem:$0x3FAE] =	sst s0  }
0x9: {  	[smem:$0x3FAF] =	sst s1  }
0xa: {  	[smem:$0x3FB0] =	sst s2  }
0xb: {  	[smem:$0x3FB1] =	sst s3  }
0xc: {  	[smem:$0x3FB2] =	sst s4  }
0xd: {  	[smem:$0x3FB3] =	sst s5  }
0xe: {  	[smem:$0x3FB4] =	sst s6  }
0xf: {  	[smem:$0x3FB5] =	sst s7  }
0x10: {  	[smem:$0x3FB6] =	sst s8  }
0x11: {  	[smem:$0x3FB7] =	sst s9;
	s0 =	simm.s32 @!p0 $0x0  }
0x12: {  	s1 =	sld [smem:$0x3F9D];
	s0 =	simm.s32 @p0 $0x1  }
0x13: {  	[smem:$0x3FB8] =	sst s0;
	s0 =	simm.s32 @!p1 $0x0  }
0x14: {  	s2 =	sld [smem:$0x3F9C];
	s0 =	simm.s32 @p1 $0x1  }
0x15: {  	[smem:$0x3FB9] =	sst s0;
	s0 =	simm.s32 @!p2 $0x0  }
0x16: {  	s3 =	sld [smem:$0x3FDB];
	s0 =	simm.s32 @p2 $0x1  }
0x17: {  	s4 =	simm.s32 $0x1BF5;
	[smem:$0x3FBB] =	sst s0  }
0x18: {  	s0 =	sld [smem:$0x3F9E];
	_ =	swait.ge [sflag:s4], $0x0  }
0x19: {  	s7 =	sld [smem:$0x3F9F]  }
0x1a: {  	s8 =	sadd.s32 $0xFFFFE003, lr  }
0x1b: {  	s9 =	sadd.s32 $0xFFFFFEF7, lr;
	s5 =	simm.s32 $0xFFFFFFFF;
	p2 =	slt.u32 s8, $0xFFFFF086  }
0x1c: {  	p1 =	slt.u32 s9, $0xF7A;
	s5 =	simm.s32 @!p2 $0x0  }
0x1d: {  	s5 =	simm.s32 @p1 $0x1;
	p0 =	seq.s32 s7, s2  }
0x1e: {  	s7 =	smul.u32 @!p0 $0xF7A, s2;
	p2 =	seq.s32 @!p0 s5, $0x0  }
0x1f: {  	s9 =	smul.u32 $0xF7A, s1;
	s8 =	simm.s32 @!p0 $0x1BF5;
	p2 =	por !p2, p0  }
0x20: {  	[sflag:s8] =	ssyncset.s32 @!p0 $0xFFFFF086;
	s6 =	sadd.s32 @!p0 s3, s7;
	s7 =	simm.s32 @!p0 $0x108  }
0x21: {  	s3 =	sadd.s32 s3, s9;
	s6 =	sadd.s32 @!p0 $0x88, s6;
	s7 =	simm.s32 @p2 $0x1082  }
0x22: {  	[simem:s7], [sflag:s8] =	dma.local @!p0 [hbm:s6], $0xF7A  }
0x23: {  	s9 =	sor.u32 $0xD0000000, s2;
	s6 =	simm.s32 $0x108;
	_ =	swait.ge @!p0 [sflag:s8], $0x0  }
0x24: {  	s3 =	sadd.s32 $0x88, s3;
	s6 =	simm.s32 @!p1 $0x1082;
	[sflag:s4] =	ssyncset.s32 $0xFFFFF086  }
0x25: {  	[simem:s6], [sflag:s4] =	dma.local [hbm:s3], $0xF7A  }
0x26: {  	[smem:$0x3F9F] =	sst s1;
	(tag) =	ssettag s2;
	_ =	strace s9  }
0x27: {  	s1 =	sld [smem:$0x3FAF]  }
0x28: {  	s2 =	sld [smem:$0x3FB0]  }
0x29: {  	s4 =	sld [smem:$0x3FB2]  }
0x2a: {  	p0 =	seq.s32 s5, $0x0;
	s5 =	sld [smem:$0x3FB3]  }
0x2b: {  	s6 =	sld [smem:$0x3FB4]  }
0x2c: {  	s7 =	sld [smem:$0x3FB5]  }
0x2d: {  	s3 =	simm.s32 $0x108;
	s8 =	sld [smem:$0x3FB6]  }
0x2e: {  	s3 =	simm.s32 @!p0 $0x1082;
	s9 =	sld [smem:$0x3FB7]  }
0x2f: {  	lr =	sadd.s32 s0, s3;
	s0 =	sld [smem:$0x3FAE]  }
0x30: {  	s3 =	sld [smem:$0x3FB1]  }
0x31: {  	[smem:$0x3FBA] =	sst s10  }
0x32: {  	s10 =	sld [smem:$0x3FB8];
	_ =	sdelay $0x3  }
0x33: {  	p0 =	seq.s32 s10, $0x1;
	s10 =	sld [smem:$0x3FBA];
	_ =	sdelay $0x3  }
0x34: {  	[smem:$0x3FBA] =	sst s10  }
0x35: {  	s10 =	sld [smem:$0x3FB9];
	_ =	sdelay $0x3  }
0x36: {  	p1 =	seq.s32 s10, $0x1;
	s10 =	sld [smem:$0x3FBA];
	_ =	sdelay $0x3  }
0x37: {  	[smem:$0x3FBA] =	sst s10  }
0x38: {  	s10 =	sld [smem:$0x3FBB]  }
0x39: {  	_ = 	snop;
	(pc) =	sbr.ind lr, $3  }
0x3a: {  	_ = 	snop  }
0x3b: {  	_ = 	snop  }
0x3c: {  	p2 =	seq.s32 s10, $0x1;
	s10 =	sld [smem:$0x3FBA]  }
0x3d: {  	_ =	shalt  }
0x3e: {  	_ =	shalt  }
0x3f: {  	_ =	shalt  }
0x40: {  	_ =	shalt  }
0x41: {  	_ =	shalt  }
0x42: {  	_ =	shalt  }
0x43: {  	_ =	shalt  }
0x44: {  	_ =	shalt  }
0x45: {  	_ =	shalt  }
0x46: {  	_ =	shalt  }
0x47: {  	_ =	shalt  }
0x48: {  	_ =	shalt  }
0x49: {  	_ =	shalt  }
0x4a: {  	_ =	shalt  }
0x4b: {  	_ =	shalt  }
0x4c: {  	_ =	shalt  }
0x4d: {  	_ =	shalt  }
0x4e: {  	_ =	shalt  }
0x4f: {  	_ =	shalt  }
0x50: {  	_ =	shalt  }
0x51: {  	_ =	shalt  }
0x52: {  	_ =	shalt  }
0x53: {  	_ =	shalt  }
0x54: {  	_ =	shalt  }
0x55: {  	_ =	shalt  }
0x56: {  	_ =	shalt  }
0x57: {  	_ =	shalt  }
0x58: {  	_ =	shalt  }
0x59: {  	_ =	shalt  }
0x5a: {  	_ =	shalt  }
0x5b: {  	_ =	shalt  }
0x5c: {  	_ =	shalt  }
0x5d: {  	_ =	shalt  }
0x5e: {  	_ =	shalt  }
0x5f: {  	_ =	shalt  }
0x60: {  	_ =	shalt  }
0x61: {  	_ =	shalt  }
0x62: {  	_ =	shalt  }
0x63: {  	_ =	shalt  }
0x64: {  	_ =	shalt  }
0x65: {  	_ =	shalt  }
0x66: {  	_ =	shalt  }
0x67: {  	_ =	shalt  }
0x68: {  	_ =	shalt  }
0x69: {  	_ =	shalt  }
0x6a: {  	_ =	shalt  }
0x6b: {  	_ =	shalt  }
0x6c: {  	_ =	shalt  }
0x6d: {  	_ =	shalt  }
0x6e: {  	_ =	shalt  }
0x6f: {  	_ =	shalt  }
0x70: {  	_ =	shalt  }
0x71: {  	_ =	shalt  }
0x72: {  	_ =	shalt  }
0x73: {  	_ =	shalt  }
0x74: {  	_ =	shalt  }
0x75: {  	_ =	shalt  }
0x76: {  	_ =	shalt  }
0x77: {  	_ =	shalt  }
0x78: {  	_ =	shalt  }
0x79: {  	_ =	shalt  }
0x7a: {  	_ =	shalt  }
0x7b: {  	_ =	shalt  }
0x7c: {  	_ =	shalt  }
0x7d: {  	_ =	shalt  }
0x7e: {  	_ =	shalt  }
0x7f: {  	_ =	shalt  }
0x80: {  	_ =	shalt  }
0x81: {  	_ =	shalt  }
0x82: {  	_ =	shalt  }
0x83: {  	_ =	shalt  }
0x84: {  	_ =	shalt  }
0x85: {  	_ =	shalt  }
0x86: {  	_ =	shalt  }
0x87: {  	_ =	shalt  }
.Lfunc_end0:
.L_simem_size_0:
called_computation_lowered:
.L_overlay_start_0:
0x88: {  	s2 =	sld [smem:$0x3FD9]  }
0x89: {  	s3 =	sld [smem:$0x3FFE];
	_ =	sdelay $0x1  }
0x8a: {  	s1 =	srdreg.scid  }
0x8b: {  	s0 =	sand.u32 $0x1, s1  }
0x8c: {  	s17 =	sshll.u32 s0, $0xA;
	s2 =	sadd.s32 s3, s2  }
0x8d: {  	s2 =	sadd.s32 s2, s17  }
0x8e: {  	[smem:$0x3FC6] =	sst s2  }
0x8f: {  	_ = 	snop  }
0x90: {  	s2 =	sld [smem:$0x3FD0];
	(tm) =	ssettm $0x1  }
0x91: {  	s18 =	sld [smem:$0x3FFB];
	_ =	sdelay $0x3  }
0x92: {  	_ =	strace s18  }
0x93: {  	s3 =	sld [smem:$0x3FFC];
	_ =	sdelay $0x3  }
0x94: {  	_ =	strace s3  }
0x95: {  	s3 =	sld [smem:$0x3FFD];
	_ =	sdelay $0x3  }
0x96: {  	_ =	strace s3  }
0x97: {  	_ =	strace $0x8FFFFFFF  }
0x98: {  	s19 =	sld [smem:$0x3FDB];
	_ =	sdelay $0x1  }
0x99: {  	s4 =	simm.s32 $_scs_section_size  }
0x9a: {  	s5 =	simm.s32 $_size__tile_overlayer_lowered;
	s6 =	simm.s32 $_tile_overlayer_lowered  }
0x9b: {  	s22 =	simm.s32 $0x1BFF;
	s21 =	sshll.u32 s6, $0x1;
	s3 =	sadd.s32 s4, s19  }
0x9c: {  	s7 =	simm.s32 $0x0;
	s20 =	sshll.u32 s5, $0x1;
	s5 =	sadd.s32 s21, s3  }
0x9d: {  	[timem:s7], [sflag:s22] =	dma.local [hbm:s5], s20  }
0x9e: {  	_ =	swait.ge [sflag:s22], s20  }
0x9f: {  	s4 =	ssub.s32 $0x0, s20;
	[sflag:s22] =	ssyncset.done $0x0  }
0xa0: {  	[sflag:s22] =	ssyncadd.s32 s4;
	_ =	sdelay $0x1  }
0xa1: {  	s23 =	simm.s32 $0x1B8B  }
0xa2: {  	_ =	swait.ge [sflag:s23], $0x1  }
0xa3: {  	[sflag:s23] =	ssyncset.done $0x0  }
0xa4: {  	s25 =	simm.s32 $0x1B8E;
	s24 =	sld [smem:$0x3FFE];
	[sflag:s23] =	ssyncadd.s32 $0xFFFFFFFF  }
0xa5: {  	s26 =	simm.s32 $execute0_lowered;
	[smem:$0x3FD2] =	sst s25  }
0xa6: {  	s5 =	sshll.u32 s26, $0x1;
	_ =	strace $0x80000046;
	[dreg:$0x1] =	wrdreg $0xFFFFFFFF  }
0xa7: {  	s28 =	simm.s32 $_size_execute0_lowered;
	s3 =	sadd.s32 s3, s5;
	[dreg:$0x0] =	wrdreg $0x0  }
0xa8: {  	s5 =	sshll.u32 s28, $0x1;
	[dreg:$0x2] =	wrdreg s3  }
0xa9: {  	[dreg:$0x3] =	wrdreg s5  }
0xaa: {  	[dreg:$0x4] =	wrdreg $0xC0  }
0xab: {  	_ =	task [dreg:s7], $0x5FFFF  }
0xac: {  	[dreg:$0x1] =	wrdreg $0xFFFFFFFF  }
0xad: {  	[dreg:$0x0] =	wrdreg $0x60  }
0xae: {  	[dreg:$0x2] =	wrdreg s24  }
0xaf: {  	[dreg:$0x3] =	wrdreg s2  }
0xb0: {  	[dreg:$0x4] =	wrdreg $0x9  }
0xb1: {  	_ =	task.clear_ibuf [dreg:s7], $0x5FFFF;
	_ =	strace $0x90000046  }
0xb2: {  	s29 =	simm.s32 $0x9;
	_ =	strace $0x80000048  }
0xb3: {  	_ =	swait.ge [sflag:s29], $0x1  }
0xb4: {  	[sflag:s29] =	ssyncadd.s32 $0xFFFFFFFF  }
0xb5: {  	_ =	strace $0x90000048  }
0xb6: {  	_ =	sfence  }
0xb7: {  	s30 =	sld [smem:$0x0];
	_ =	sdelay $0x2  }
0xb8: {  	s31 =	sshll.u32 s1, $0xD;
	s1 =	sshrl.u32 s1, $0x2  }
0xb9: {  	s3 =	sand.u32 $0x4000, s31;
	s1 =	sadd.s32 s1, s30  }
0xba: {  	s0 =	sor.u32 s3, s0;
	s1 =	sshll.u32 s1, $0x11  }
0xbb: {  	s0 =	sor.u32 s1, s0  }
0xbc: {  	s0 =	sadd.s32 $0x8F2B, s0  }
0xbd: {  	[sflag:s0] =	ssyncadd.remote.s32 $0x1  }
0xbe: {  	_ =	sfence.sel $0xFFFF  }
0xbf: {  	[dreg:$0x0] =	wrdreg $0xFFFFFFFF;
	(pc) =	sbr.abs _section_cstart, $3  }
0xc0: {  	[dreg:$0x1] =	wrdreg $0xFFFFFFFF  }
0xc1: {  	_ =	task.clear_ibuf [dreg:s7], $0x2FFFF;
	_ =	strace $0x9FFFFFFF  }
0xc2: {  	(tm) =	ssettm $0x7FFFFFFF  }
0xc3: {  	_ =	shalt  }
tec
execute0_lowered:
.L_overlay_start_1:
0x0: {  	(tag) =	ssettag $0x1  }
0x1: {  	s0 =	rddreg [dreg:$0x0]  }
0x2: {  	s9 =	rddreg [dreg:$0x1]  }
0x3: {  	s10 =	simm.s32 $0x0;
	s11 =	srdreg.scid;
	s21 =	simm.s32 $0x800  }
0x4: {  	s22 =	simm.s32 $0x1000;
	s23 =	simm.s32 $0x1800;
	s24 =	simm.s32 $0x2000  }
0x5: {  	v1 =	vimm.s32 $0xFE210F1;
	s26 =	simm.s32 $0x3000;
	s28 =	simm.s32 $0x3800;
	s29 =	simm.s32 $0x4800  }
0x6: {  	v3 =	vimm.s32 $0xE210FE20;
	s30 =	simm.s32 $0x5000;
	s31 =	simm.s32 $0x5810;
	s20 =	simm.s32 $0x15890  }
0x7: {  	s12 =	stileid.u32;
	v4 =	vimm.f32 $+Inf;
	v7 =	vimm.s32 $0x400FFEAA;
	vm0 =	vcmask $0x2304;
	[smem:$0x7FF] =	sst s10;
	s1 =	sadd.s32 $0x20A00, s0  }
0x8: {  	vm1 =	vcmask $0x3F24;
	v8 =	vimm.s32 $0x10FE2102;
	s2 =	sadd.s32 $0x18A00, s0;
	_ =	strace $0x80000047;
	[dreg:$0x5] =	wrdreg s1  }
0x9: {  	v9 =	vimm.s32 $0xFE210FE0;
	s3 =	sadd.s32 $0x10A00, s0;
	s4 =	sadd.s32 $0x8A00, s0;
	v5 =	vunpack.c.l.s4.s8 v1;
	v6 =	vunpack.c.l.s4.s8 v3;
	[dreg:$0x6] =	wrdreg s2  }
0xa: {  	s14 =	sadd.s32 $0xA00, s0;
	v7 =	vunpack.c.l.s2.s4 v7;
	v8 =	vunpack.c.l.s4.s8 v8;
	v9 =	vunpack.c.l.s4.s8 v9;
	s1 =	sand.u32 $0x1, s11;
	[dreg:$0x7] =	wrdreg s3  }
0xb: {  	vm2 =	vcmask $0xF00;
	s2 =	sshll.u32 s12, $0x4;
	[dreg:$0x8] =	wrdreg s4;
	s13 =	sshll.u32 s1, $0x3;
	v5 =	vunpack.c.0.s8.s32 v5;
	v6 =	vunpack.c.0.s8.s32 v6  }
0xc: {  	s25 =	simm.s32 $0x16110;
	[dreg:$0x9] =	wrdreg s14;
	v8 =	vunpack.c.0.s8.s32 v8;
	v10 =	vunpack.c.l.s4.s8 v7;
	v11 =	vunpack.c.0.s8.s32 v9;
	s2 =	sor.u32 s13, s2  }
0xd: {  	s3 =	simm.s32 $0x2800;
	[dreg:$0x4] =	wrdreg s20;
	s1 =	ssub.s32 $0x2, s1;
	v7 =	vimm.s32 $0x0;
	v2 =	vmov s2;
	v5 =	vnsel vm0, $0xFFFFFFFE, v5  }
0xe: {  	s4 =	simm.s32 $0x4000;
	[dreg:$0x3] =	wrdreg s25;
	s16 =	sshrl.u32 s1, $0x1;
	v12 =	vnsel vm0, $0xFFFFFFFF, v8;
	v8 =	vlaneseq.u32;
	v9 =	vunpack.c.0.s8.s32 v10  }
0xf: {  	s15 =	sshll.u32 s2, $0x5;
	s1 =	ssub.s32 s1, s16;
	s17 =	sadd.s32 $0xFFFFFFFE, s2;
	vm0 =	vmmov $0x1ff;
	v5 =	vsel vm1, v6, v5;
	v6 =	vimm.s32 $0x4  }
0x10: {  	s18 =	sadd.s32 $0x9, s2;
	s0 =	sadd.s32 s15, s0;
	s19 =	smax.u32 s1, $0x1;
	v0 =	vmov s17;
	v6 =	vsel vm2, $0x1, v6;
	vm2 =	vcmask $0x2310  }
0x11: {  	s5 =	sadd.s32 $0x8, s2;
	v1 =	vmov s18;
	s0 =	sadd.s32 $0x28A00, s0;
	[dreg:$0xb] =	wrdreg s19;
	v6 =	vsel vm2, $0x2, v6;
	vm2 =	vcmask $0x3724  }
0x12: {  	v3 =	vmov s5;
	s5 =	simm.s32 $0xC810;
	v10 =	vsel vm1, v11, v12;
	s1 =	simm.s32 $0x0;
	[dreg:$0xa] =	wrdreg s0;
	v6 =	vsel vm2, $0x3, v6  }
.LBB2_1:
0x13: {  	[dreg:$0xc] =	wrdreg s1;
	s7 =	simm.s32 $0x0  }
.LBB2_2:
0x14: {  	s1 =	simm.s32 $0x0;
	s2 =	simm.s32 $0x40;
	s0 =	simm.s32 $0x6010  }
.LBB2_3:
0x15: {  	p0 =	sne.s32 s2, $0x1FC0;
	[tilespmem:s1+$0xD010] =	vst v7  }
0x16: {  	[tilespmem:s1+$0x5810] =	vst v4  }
0x17: {  	[tilespmem:s1+$0x9810] =	vst v7  }
0x18: {  	[tilespmem:s1+$0x6010] =	vst v4  }
0x19: {  	[tilespmem:s1+$0xA010] =	vst v7  }
0x1a: {  	[tilespmem:s1+$0x6810] =	vst v4  }
0x1b: {  	[tilespmem:s1+$0xA810] =	vst v7  }
0x1c: {  	[tilespmem:s1+$0x7010] =	vst v4  }
0x1d: {  	[tilespmem:s1+$0xB010] =	vst v7  }
0x1e: {  	[tilespmem:s1+$0x7810] =	vst v4  }
0x1f: {  	[tilespmem:s1+$0xB810] =	vst v7  }
.Ltmp0:
0x20: {  	[tilespmem:s1+$0x8010] =	vst v4;
	(pc) =	sbr.rel @p0 .LBB2_3-.Ltmp0, $4  }
0x21: {  	[tilespmem:s1+$0xC010] =	vst v7  }
0x22: {  	[tilespmem:s1+$0x8810] =	vst v4  }
0x23: {  	[tilespmem:s1+$0xC810] =	vst v7  }
0x24: {  	[tilespmem:s1+$0x9010] =	vst v4;
	s1 =	sshra.s32 s2, $0x2;
	s2 =	sadd.s32 $0x40, s2  }
0x25: {  	[tilespmem:s1+$0xD010] =	vst v7  }
0x26: {  	[tilespmem:s1+$0x5810] =	vst v4  }
0x27: {  	[tilespmem:s1+$0x9810] =	vst v7  }
0x28: {  	[tilespmem:s1+$0x6010] =	vst v4  }
0x29: {  	[tilespmem:s1+$0xA010] =	vst v7  }
0x2a: {  	[tilespmem:s1+$0x6810] =	vst v4  }
0x2b: {  	[tilespmem:s1+$0xA810] =	vst v7  }
0x2c: {  	[tilespmem:s1+$0x7010] =	vst v4  }
0x2d: {  	[tilespmem:s1+$0xB010] =	vst v7  }
0x2e: {  	[tilespmem:s1+$0x7810] =	vst v4  }
0x2f: {  	[tilespmem:s1+$0xB810] =	vst v7  }
0x30: {  	[tilespmem:s1+$0x8010] =	vst v4  }
0x31: {  	[tilespmem:s1+$0xC010] =	vst v7  }
0x32: {  	[tilespmem:s1+$0x8810] =	vst v4  }
0x33: {  	[tilespmem:s1+$0xC810] =	vst v7;
	s2 =	sshll.u32 s7, $0xD;
	s16 =	rddreg [dreg:$0x5]  }
0x34: {  	[tilespmem:s1+$0x9010] =	vst v4;
	s8 =	simm.s32 $0x0;
	s17 =	rddreg [dreg:$0x6];
	s1 =	sadd.s32 s16, s2  }
0x35: {  	[tilespmem:s8], [sflag:$0x1] =	stream.linear.gather [hbm4b:s1+s8], $0x800, $0x38;
	[tilespmem:$0x16910] =	vst v63  }
0x36: {  	s18 =	rddreg [dreg:$0x7];
	s1 =	sadd.s32 s17, s2  }
0x37: {  	[tilespmem:s21], [sflag:$0x1] =	stream.linear.gather [hbm4b:s1+s8], $0x800, $0x38;
	[tilespmem:$0x16910] =	vst v63  }
0x38: {  	s19 =	rddreg [dreg:$0x8];
	s1 =	sadd.s32 s18, s2  }
0x39: {  	[tilespmem:s22], [sflag:$0x1] =	stream.linear.gather [hbm4b:s1+s8], $0x800, $0x38;
	[tilespmem:$0x16910] =	vst v63  }
0x3a: {  	s1 =	sadd.s32 s19, s2  }
0x3b: {  	[tilespmem:s23], [sflag:$0x1] =	stream.linear.gather [hbm4b:s1+s8], $0x800, $0x38;
	[tilespmem:$0x16910] =	vst v63  }
.Ltmp1:
0x3c: {  	s20 =	rddreg [dreg:$0x9];
	(pc) =	sbr.rel .LBB2_5-.Ltmp1, $4  }
0x3d: {  	[dreg:$0xd] =	wrdreg s7;
	s25 =	sshll.u32 s7, $0x10;
	s1 =	sadd.s32 s20, s2  }
0x3e: {  	[tilespmem:s24], [sflag:$0x1] =	stream.linear.gather [hbm4b:s1+s8], $0x800, $0x38;
	[tilespmem:$0x16910] =	vst v63  }
0x3f: {  	[dreg:$0xe] =	wrdreg s25;
	s1 =	sor.u32 $0x1000, s25  }
0x40: {  	[dreg:$0xf] =	wrdreg s1;
	s1 =	simm.s32 $0x0  }
.LBB2_15:
0x41: {  	s1 =	rddreg [dreg:$0x10]  }
0x42: {  	s1 =	sadd.s32 $0x1, s1  }
0x43: {  	p0 =	sne.s32 s1, $0x10  }
.Ltmp2:
0x44: {  	_ = 	snop;
	(pc) =	sbr.rel @!p0 .LBB2_16-.Ltmp2, $2  }
0x45: {  	_ =	sdelay $0x2  }
0x46: {  	s7 =	simm.s32 $0x80;
	s8 =	simm.s32 $0x0  }
.LBB2_5:
0x47: {  	s6 =	simm.s32 $0x1  }
0x48: {  	_ =	swait.ge [sflag:s6], $0x800  }
0x49: {  	[sflag:s6] =	ssyncset.done $0x0  }
0x4a: {  	[sflag:s6] =	ssyncadd.s32 $0xFFFFF800  }
0x4b: {  	_ =	swait.ge [sflag:s6], $0x800  }
0x4c: {  	[sflag:s6] =	ssyncset.done $0x0  }
0x4d: {  	[sflag:s6] =	ssyncadd.s32 $0xFFFFF800  }
0x4e: {  	_ =	swait.ge [sflag:s6], $0x800  }
0x4f: {  	[sflag:s6] =	ssyncset.done $0x0  }
0x50: {  	[sflag:s6] =	ssyncadd.s32 $0xFFFFF800  }
0x51: {  	_ =	swait.ge [sflag:s6], $0x800  }
0x52: {  	[sflag:s6] =	ssyncset.done $0x0  }
0x53: {  	[dreg:$0x10] =	wrdreg s1;
	[sflag:s6] =	ssyncadd.s32 $0xFFFFF800  }
0x54: {  	s25 =	sshll.u32 s1, $0xC;
	_ =	swait.ge [sflag:s6], $0x800  }
0x55: {  	s2 =	sor.u32 $0x800, s25;
	s20 =	rddreg [dreg:$0xe]  }
0x56: {  	s1 =	sor.u32 s20, s2  }
0x57: {  	[sflag:s6] =	ssyncset.done $0x0;
	s7 =	rddreg [dreg:$0x5];
	s1 =	sshrl.u32 s1, $0x3  }
0x58: {  	s12 =	rddreg [dreg:$0x6];
	[sflag:s6] =	ssyncadd.s32 $0xFFFFF800;
	s11 =	sadd.s32 s7, s1  }
0x59: {  	[tilespmem:s3], [sflag:$0x2] =	stream.linear.gather [hbm4b:s11+s8], $0x800, $0x38;
	[tilespmem:$0x16910] =	vst v63  }
0x5a: {  	s14 =	rddreg [dreg:$0x7];
	s13 =	sadd.s32 s12, s1  }
0x5b: {  	[tilespmem:s26], [sflag:$0x2] =	stream.linear.gather [hbm4b:s13+s8], $0x800, $0x38;
	[tilespmem:$0x16910] =	vst v63  }
0x5c: {  	s16 =	rddreg [dreg:$0x8];
	s15 =	sadd.s32 s14, s1  }
0x5d: {  	[tilespmem:s28], [sflag:$0x2] =	stream.linear.gather [hbm4b:s15+s8], $0x800, $0x38;
	[tilespmem:$0x16910] =	vst v63  }
0x5e: {  	s18 =	rddreg [dreg:$0x9];
	s17 =	sadd.s32 s16, s1  }
0x5f: {  	[tilespmem:s4], [sflag:$0x2] =	stream.linear.gather [hbm4b:s17+s8], $0x800, $0x38;
	[tilespmem:$0x16910] =	vst v63  }
0x60: {  	s1 =	sadd.s32 s18, s1;
	s7 =	simm.s32 $0x2000  }
0x61: {  	[tilespmem:s29], [sflag:$0x2] =	stream.linear.gather [hbm4b:s1+s8], $0x800, $0x38;
	[tilespmem:$0x16910] =	vst v63  }
0x62: {  	s19 =	simm.s32 $0x1800;
	v11 =	vld [tilespmem:s7+$0x0]  }
0x63: {  	s20 =	simm.s32 $0x1000;
	v12 =	vld [tilespmem:s19+$0x0]  }
0x64: {  	v13 =	vld [tilespmem:s20+$0x0];
	_ =	sdelay $0x3  }
0x65: {  	vm1 =	vge.s32 v12, v0;
	vm2 =	vle.s32 v12, v1  }
0x66: {  	v11 =	vadd.s32 $0x2, v11;
	vm1 =	vmand vm1, vm2;
	vm2 =	vgt.f32 v13, $0.0e+00  }
0x67: {  	vm1 =	vmand vm1, vm2;
	vm2 =	vlt.u32 v11, $0x104  }
0x68: {  	vm1 =	vmand vm2, vm1  }
0x69: {  	v12 =	vmpcnt.ones.xlane vm1;
	_ =	sdelay $0x1  }
0x6a: {  	(v2sf) =	vpush v12, $0x0;
	_ =	sdelay $0x1  }
0x6b: {  	v11 =	vor.u32 s8, v8  }
0x6c: {  	s7 =	simm.s32 $0x2010;
	[tilespmem:s8+$0x5000] =	vst.msk vm1, v11  }
0x6d: {  	[dreg:$0x11] =	wrdreg s2;
	s6 =	simm.s32 $0x0;
	s11 =	simm.s32 $0x1810;
	v11 =	vld [tilespmem:s7+$0x0]  }
0x6e: {  	s14 =	simm.s32 $0x20;
	s13 =	simm.s32 $0x1010;
	s1 =	simm.s32 $0x10;
	v12 =	vld [tilespmem:s11+$0x0]  }
.LBB2_6:
0x6f: {  	p0 =	seq.s32 s14, $0x7F0;
	v13 =	vld [tilespmem:s13+$0x0];
	_ =	sdelay $0x3  }
0x70: {  	vm1 =	vge.s32 v12, v0;
	vm2 =	vle.s32 v12, v1  }
0x71: {  	v11 =	vadd.s32 $0x2, v11;
	vm1 =	vmand vm1, vm2;
	vm2 =	vgt.f32 v13, $0.0e+00  }
0x72: {  	vm1 =	vmand vm1, vm2;
	vm2 =	vlt.u32 v11, $0x104  }
0x73: {  	vm1 =	vmand vm2, vm1  }
0x74: {  	v11 =	vmpcnt.ones.xlane vm1  }
0x75: {  	s15 =	spop (v2sf)  }
0x76: {  	v12 =	vor.u32 s1, v8;
	s1 =	smov.u32 s14;
	(v2sf) =	vpush v11, $0x0;
	s6 =	sadd.s32 s6, s15  }
.Ltmp3:
0x77: {  	[tilespmem:s6+$0x5000] =	vst.msk vm1, v12;
	(pc) =	sbr.rel @!p0 .LBB2_6-.Ltmp3, $4  }
0x78: {  	_ = 	snop  }
0x79: {  	s7 =	sadd.s32 $0x10, s7  }
0x7a: {  	s11 =	sadd.s32 $0x10, s11;
	v11 =	vld [tilespmem:s7+$0x0]  }
0x7b: {  	s13 =	sadd.s32 $0x10, s13;
	s14 =	sadd.s32 $0x10, s14;
	v12 =	vld [tilespmem:s11+$0x0]  }
0x7c: {  	v13 =	vld [tilespmem:s13+$0x0];
	_ =	sdelay $0x3  }
0x7d: {  	vm1 =	vge.s32 v12, v0;
	vm2 =	vle.s32 v12, v1  }
0x7e: {  	v11 =	vadd.s32 $0x2, v11;
	vm1 =	vmand vm1, vm2;
	vm2 =	vgt.f32 v13, $0.0e+00  }
0x7f: {  	vm1 =	vmand vm1, vm2;
	vm2 =	vlt.u32 v11, $0x104  }
0x80: {  	vm1 =	vmand vm2, vm1  }
0x81: {  	v11 =	vmpcnt.ones.xlane vm1;
	_ =	sdelay $0x1  }
0x82: {  	(v2sf) =	vpush v11, $0x0;
	_ =	sdelay $0xd  }
0x83: {  	s7 =	spop (v2sf)  }
0x84: {  	v11 =	vor.u32 s1, v8;
	s1 =	sadd.s32 s6, s7;
	s6 =	spop (v2sf)  }
0x85: {  	s7 =	sadd.s32 s1, s6  }
0x86: {  	p0 =	slt.s32 s7, $0x1  }
.Ltmp4:
0x87: {  	s15 =	simm.s32 $0x6810;
	(pc) =	sbr.rel @p0 .LBB2_10-.Ltmp4, $4  }
0x88: {  	s11 =	simm.s32 $0x7810;
	s13 =	simm.s32 $0x8010;
	s14 =	simm.s32 $0x8810  }
0x89: {  	s16 =	simm.s32 $0x9010;
	s17 =	simm.s32 $0x9810;
	s18 =	simm.s32 $0xA010  }
0x8a: {  	s19 =	simm.s32 $0xA810;
	s20 =	simm.s32 $0xB010;
	s12 =	simm.s32 $0xB810  }
0x8b: {  	s8 =	simm.s32 $0xC010;
	s2 =	simm.s32 $0xD010;
	[tilespmem:s1+$0x5000] =	vst.msk vm1, v11;
	s7 =	simm.s32 $0x7010  }
0x8c: {  	v11 =	vmov s25;
	s1 =	sadd.s32 s1, s6;
	s6 =	simm.s32 $0x0  }
.LBB2_9:
0x8d: {  	v12 =	vmov s6;
	_ =	sdelay $0x4  }
0x8e: {  	v13 =	vld.idx.msk [tilespmem:v12+s30+$0x0], $0xffff;
	_ =	sdelay $0x7  }
0x8f: {  	v12 =	vld.idx.msk [tilespmem:v13+s23+$0x0], $0xffff  }
0x90: {  	v14 =	vld.idx.msk [tilespmem:v13+s24+$0x0], $0xffff;
	_ =	sdelay $0x4  }
0x91: {  	v15 =	vadd.s32 v9, v12;
	v16 =	vadd.s32 v5, v14  }
0x92: {  	v17 =	vcvt.s32.f32 v16;
	v18 =	vcvt.s32.f32 v15;
	_ =	sdelay $0x1  }
0x93: {  	v19 =	vld.idx.msk [tilespmem:v13+s10+$0x0], $0xffff;
	v17 =	vadd.f32 $5.000000000e-01, v17;
	v18 =	vadd.f32 $5.000000000e-01, v18  }
0x94: {  	v20 =	vld.idx.msk [tilespmem:v13+s21+$0x0], $0xffff  }
0x95: {  	v17 =	vmul.f32 $7.812500000e-03, v17;
	v18 =	vmul.f32 $7.812500000e-03, v18;
	_ =	sdelay $0x1  }
0x96: {  	v17 =	vsub.f32 $1.000000000e+00, v17;
	v18 =	vsub.f32 $1.000000000e+00, v18;
	_ =	sdelay $0x1  }
0x97: {  	v17 =	vsub.f32 v19, v17;
	v18 =	vsub.f32 v20, v18;
	_ =	sdelay $0x1  }
0x98: {  	v17 =	vmul.f32 v17, v17;
	v18 =	vmul.f32 v18, v18;
	_ =	sdelay $0x1  }
0x99: {  	v17 =	vadd.f32 v17, v18;
	_ =	sdelay $0x1  }
0x9a: {  	v18 =	vmul.f32 $7.281777830e+03, v17;
	_ =	sdelay $0x1  }
0x9b: {  	v18 =	vmax.f32 v18, $1.000000050e-03  }
0x9c: {  	v18 =	vmin.f32 v18, $1.000000000e+00  }
0x9d: {  	v21 =	vshra.s32 v18, $0x1  }
0x9e: {  	v21 =	vadd.s32 $0x1FBD1DF5, v21  }
0x9f: {  	(erf) = vrcp.f32 v21;
	_ =	sdelay $0x8  }
0xa0: {  	v63 =	vadd.s32 v6, v12;
	v14 =	vadd.s32 v10, v14;
	v22 =	vpop (erf)  }
0xa1: {  	vm1 =	vge.s32 v15, v2;
	vm2 =	vlt.s32 v15, v3;
	v22 =	vmul.f32 v22, v18  }
0xa2: {  	v15 =	vsub.s32 v15, v2;
	v33 =	vcvt.s32.f32 v14;
	v34 =	vcvt.s32.f32 v63  }
0xa3: {  	vm1 =	vmand vm1, vm2;
	vm2 =	vlt.u32 v16, $0x100;
	v21 =	vadd.f32 v21, v22  }
0xa4: {  	v15 =	vshll.u32 v15, $0x8;
	vm1 =	vmand vm1, vm2;
	vm2 =	vlt.f32 v17, $1.373291020e-04  }
0xa5: {  	v15 =	vadd.s32 v16, v15;
	vm1 =	vmand vm1, vm2;
	v21 =	vmul.f32 $5.000000000e-01, v21  }
0xa6: {  	v35 =	vadd.f32 $5.000000000e-01, v33;
	v17 =	vadd.f32 $5.000000000e-01, v34;
	v15 =	vnsel vm1, $0x0, v15  }
0xa7: {  	(erf) = vrcp.f32 v21  }
0xa8: {  	v17 =	vmul.f32 $7.812500000e-03, v17;
	v22 =	vmul.f32 $7.812500000e-03, v35;
	_ =	sdelay $0x1  }
0xa9: {  	v36 =	vld.idx.msk [tilespmem:v13+s22+$0x0], $0xffff;
	v17 =	vsub.f32 $1.000000000e+00, v17;
	v22 =	vsub.f32 $1.000000000e+00, v22  }
0xaa: {  	v23 =	vld.idx.msk [tilespmem:v15+s31+$0x0], vm1  }
0xab: {  	v17 =	vsub.f32 v20, v17;
	v19 =	vsub.f32 v19, v22;
	_ =	sdelay $0x1  }
0xac: {  	v25 =	vld.idx.msk [tilespmem:v15+s0+$0x0], vm1;
	v17 =	vmul.f32 v17, v17;
	v19 =	vmul.f32 v19, v19;
	_ =	sdelay $0x1  }
0xad: {  	vm2 =	vlt.f32 v36, v23;
	v17 =	vadd.f32 v19, v17;
	v24 =	vpop (erf)  }
0xae: {  	v37 =	vld.idx.msk [tilespmem:v15+s15+$0x0], vm1;
	vm2 =	vmand vm2, vm1;
	v18 =	vmul.f32 v24, v18  }
0xaf: {  	v38 =	vsel vm2, v23, v36;
	v41 =	vmul.f32 $7.281777830e+03, v17  }
0xb0: {  	vm3 =	vlt.f32 v38, v25;
	v18 =	vadd.f32 v18, v21  }
0xb1: {  	v39 =	vld.idx.msk [tilespmem:v15+s7+$0x0], vm1;
	vm3 =	vmand vm1, vm3;
	v23 =	vmax.f32 v41, $1.000000050e-03  }
0xb2: {  	v25 =	vsel vm3, v25, v38;
	v23 =	vmin.f32 v23, $1.000000000e+00;
	v18 =	vmul.f32 $5.000000000e-01, v18  }
0xb3: {  	v40 =	vld.idx.msk [tilespmem:v15+s11+$0x0], vm1;
	vm4 =	vlt.f32 v25, v37;
	v29 =	vshra.s32 v23, $0x1  }
0xb4: {  	v42 =	vld.idx.msk [tilespmem:v15+s13+$0x0], vm1;
	vm4 =	vmand vm1, vm4;
	v29 =	vadd.s32 $0x1FBD1DF5, v29;
	v18 =	vsub.f32 $1.000000000e+00, v18  }
0xb5: {  	v26 =	vld.idx.msk [tilespmem:v15+s14+$0x0], vm1;
	v20 =	vsel vm4, v37, v25;
	(erf) = vrcp.f32 v29  }
0xb6: {  	v27 =	vld.idx.msk [tilespmem:v15+s16+$0x0], vm1;
	vm5 =	vlt.f32 v20, v39;
	v18 =	vmul.f32 $6.553500000e+04, v18  }
0xb7: {  	v28 =	vld.idx.msk [tilespmem:v15+s17+$0x0], vm1;
	vm5 =	vmand vm1, vm5  }
0xb8: {  	v30 =	vld.idx.msk [tilespmem:v15+s18+$0x0], vm1;
	v19 =	vsel vm5, v39, v20;
	v18 =	vadd.f32 $5.000000000e-01, v18  }
0xb9: {  	v31 =	vld.idx.msk [tilespmem:v15+s19+$0x0], vm1;
	vm6 =	vlt.f32 v19, v40  }
0xba: {  	v32 =	vld.idx.msk [tilespmem:v15+s20+$0x0], vm1;
	vm7 =	vmand vm1, vm6;
	v18 =	vtrunc.f32 v18  }
0xbb: {  	v13 =	vadd.s32 v11, v13;
	v33 =	vld.idx.msk [tilespmem:v15+s12+$0x0], vm1;
	v22 =	vsel vm7, v40, v19;
	v18 =	vcvt.f32.s32 v18  }
0xbc: {  	v13 =	vshll.u32 v13, $0x10;
	v34 =	vld.idx.msk [tilespmem:v15+s8+$0x0], vm1;
	vm13 =	vlt.f32 v22, v42  }
0xbd: {  	v35 =	vld.idx.msk [tilespmem:v15+s5+$0x0], vm1;
	[tilespmem:v15+s31+$0x0] =	vst.idx.msk vm2, v36;
	vm6 =	vmand vm1, vm13;
	v18 =	vor.u32 v18, v13  }
0xbe: {  	vm8 =	vlt.s32 v63, v3;
	v43 =	vsel vm6, v42, v22;
	v44 =	vpop (erf);
	[tilespmem:v15+s17+$0x0] =	vst.idx.msk vm2, v18  }
0xbf: {  	v24 =	vmul.f32 v44, v23;
	v18 =	vsel vm2, v28, v18;
	[tilespmem:v15+s0+$0x0] =	vst.idx.msk vm3, v38  }
0xc0: {  	v16 =	vsub.s32 v63, v2;
	vm2 =	vlt.f32 v43, v26;
	[tilespmem:v15+s18+$0x0] =	vst.idx.msk vm3, v18  }
0xc1: {  	v46 =	vadd.f32 v29, v24;
	vm2 =	vmand vm1, vm2;
	v18 =	vsel vm3, v30, v18;
	[tilespmem:v15+s15+$0x0] =	vst.idx.msk vm4, v25  }
0xc2: {  	vm15 =	vlt.u32 v14, $0x100;
	vm3 =	vge.s32 v63, v2;
	v45 =	vsel vm2, v26, v43;
	[tilespmem:v15+s19+$0x0] =	vst.idx.msk vm4, v18  }
0xc3: {  	v16 =	vshll.u32 v16, $0x8;
	vm14 =	vlt.f32 v45, v27;
	v18 =	vsel vm4, v31, v18;
	[tilespmem:v15+s7+$0x0] =	vst.idx.msk vm5, v20  }
0xc4: {  	v47 =	vmul.f32 $5.000000000e-01, v46;
	vm3 =	vmand vm3, vm8;
	vm4 =	vmand vm1, vm14;
	[tilespmem:v15+s20+$0x0] =	vst.idx.msk vm5, v18  }
0xc5: {  	vm1 =	vmand vm3, vm15;
	vm3 =	vlt.f32 v17, $1.373291020e-04;
	v18 =	vsel vm5, v32, v18;
	[tilespmem:v15+s11+$0x0] =	vst.idx.msk vm7, v19  }
0xc6: {  	v14 =	vadd.s32 v14, v16;
	vm1 =	vmand vm1, vm3;
	[tilespmem:v15+s12+$0x0] =	vst.idx.msk vm7, v18  }
0xc7: {  	(erf) = vrcp.f32 v47;
	vm1 =	vmand vm1, vm0;
	v18 =	vsel vm7, v33, v18;
	[tilespmem:v15+s13+$0x0] =	vst.idx.msk vm6, v22  }
0xc8: {  	v14 =	vnsel vm1, $0x0, v14;
	[tilespmem:v15+s8+$0x0] =	vst.idx.msk vm6, v18  }
0xc9: {  	v48 =	vsel vm6, v34, v18;
	[tilespmem:v15+s14+$0x0] =	vst.idx.msk vm2, v43  }
0xca: {  	[tilespmem:v15+s5+$0x0] =	vst.idx.msk vm2, v48  }
0xcb: {  	v16 =	vsel vm2, v35, v48;
	[tilespmem:v15+s16+$0x0] =	vst.idx.msk vm4, v45  }
0xcc: {  	[tilespmem:v15+s2+$0x0] =	vst.idx.msk vm4, v16  }
0xcd: {  	v15 =	vld.idx.msk [tilespmem:v14+s31+$0x0], vm1;
	_ =	sdelay $0x2  }
0xce: {  	v49 =	vpop (erf);
	v50 =	vld.idx.msk [tilespmem:v14+s0+$0x0], vm1  }
0xcf: {  	v16 =	vmul.f32 v49, v23  }
0xd0: {  	vm2 =	vlt.f32 v36, v15  }
0xd1: {  	v51 =	vld.idx.msk [tilespmem:v14+s15+$0x0], vm1;
	v16 =	vadd.f32 v16, v47;
	vm2 =	vmand vm1, vm2  }
0xd2: {  	v15 =	vsel vm2, v15, v36  }
0xd3: {  	v19 =	vld.idx.msk [tilespmem:v14+s7+$0x0], vm1;
	v16 =	vmul.f32 $5.000000000e-01, v16;
	vm3 =	vlt.f32 v15, v50  }
0xd4: {  	v52 =	vld.idx.msk [tilespmem:v14+s11+$0x0], vm1;
	vm3 =	vmand vm1, vm3  }
0xd5: {  	v21 =	vld.idx.msk [tilespmem:v14+s13+$0x0], vm1;
	v16 =	vsub.f32 $1.000000000e+00, v16;
	v18 =	vsel vm3, v50, v15  }
0xd6: {  	v22 =	vld.idx.msk [tilespmem:v14+s14+$0x0], vm1;
	vm11 =	vlt.f32 v18, v51  }
0xd7: {  	v53 =	vld.idx.msk [tilespmem:v14+s16+$0x0], vm1;
	v16 =	vmul.f32 $6.553500000e+04, v16;
	vm4 =	vmand vm1, vm11  }
0xd8: {  	v54 =	vld.idx.msk [tilespmem:v14+s17+$0x0], vm1;
	v17 =	vsel vm4, v51, v18  }
0xd9: {  	v25 =	vld.idx.msk [tilespmem:v14+s18+$0x0], vm1;
	v16 =	vadd.f32 $5.000000000e-01, v16;
	vm12 =	vlt.f32 v17, v19  }
0xda: {  	v55 =	vld.idx.msk [tilespmem:v14+s19+$0x0], vm1;
	vm5 =	vmand vm1, vm12  }
0xdb: {  	v56 =	vld.idx.msk [tilespmem:v14+s20+$0x0], vm1;
	v16 =	vtrunc.f32 v16;
	v19 =	vsel vm5, v19, v17  }
0xdc: {  	v57 =	vld.idx.msk [tilespmem:v14+s12+$0x0], vm1;
	v16 =	vcvt.f32.s32 v16;
	vm13 =	vlt.f32 v19, v52  }
0xdd: {  	v58 =	vld.idx.msk [tilespmem:v14+s8+$0x0], vm1;
	vm6 =	vmand vm1, vm13  }
0xde: {  	v59 =	vld.idx.msk [tilespmem:v14+s5+$0x0], vm1;
	[tilespmem:v14+s31+$0x0] =	vst.idx.msk vm2, v36;
	v13 =	vor.u32 v16, v13;
	v60 =	vsel vm6, v52, v19  }
0xdf: {  	[tilespmem:v14+s17+$0x0] =	vst.idx.msk vm2, v13;
	vm14 =	vlt.f32 v60, v21  }
0xe0: {  	v13 =	vsel vm2, v54, v13;
	[tilespmem:v14+s0+$0x0] =	vst.idx.msk vm3, v15;
	vm2 =	vmand vm1, vm14  }
0xe1: {  	[tilespmem:v14+s18+$0x0] =	vst.idx.msk vm3, v13;
	v61 =	vsel vm2, v21, v60  }
0xe2: {  	v13 =	vsel vm3, v25, v13;
	[tilespmem:v14+s15+$0x0] =	vst.idx.msk vm4, v18;
	vm3 =	vlt.f32 v61, v22  }
0xe3: {  	[tilespmem:v14+s19+$0x0] =	vst.idx.msk vm4, v13;
	vm3 =	vmand vm1, vm3  }
0xe4: {  	v13 =	vsel vm4, v55, v13;
	[tilespmem:v14+s7+$0x0] =	vst.idx.msk vm5, v17;
	v62 =	vsel vm3, v22, v61  }
0xe5: {  	[tilespmem:v14+s20+$0x0] =	vst.idx.msk vm5, v13;
	vm15 =	vlt.f32 v62, v53  }
0xe6: {  	v13 =	vsel vm5, v56, v13;
	[tilespmem:v14+s11+$0x0] =	vst.idx.msk vm6, v19;
	vm1 =	vmand vm1, vm15  }
0xe7: {  	s6 =	sadd.s32 $0x1, s6;
	[tilespmem:v14+s12+$0x0] =	vst.idx.msk vm6, v13  }
0xe8: {  	p0 =	sne.s32 s1, s6;
	v13 =	vsel vm6, v57, v13;
	[tilespmem:v14+s13+$0x0] =	vst.idx.msk vm2, v60  }
.Ltmp5:
0xe9: {  	[tilespmem:v14+s8+$0x0] =	vst.idx.msk vm2, v13;
	(pc) =	sbr.rel @p0 .LBB2_9-.Ltmp5, $4  }
0xea: {  	v63 =	vsel vm2, v58, v13;
	[tilespmem:v14+s14+$0x0] =	vst.idx.msk vm3, v61  }
0xeb: {  	[tilespmem:v14+s5+$0x0] =	vst.idx.msk vm3, v63  }
0xec: {  	v12 =	vsel vm3, v59, v63;
	[tilespmem:v14+s16+$0x0] =	vst.idx.msk vm1, v62  }
0xed: {  	[tilespmem:v14+s2+$0x0] =	vst.idx.msk vm1, v12  }
.LBB2_10:
0xee: {  	s2 =	simm.s32 $0x2  }
0xef: {  	_ =	swait.ge [sflag:s2], $0x800  }
0xf0: {  	[sflag:s2] =	ssyncset.done $0x0  }
0xf1: {  	[sflag:s2] =	ssyncadd.s32 $0xFFFFF800  }
0xf2: {  	_ =	swait.ge [sflag:s2], $0x800  }
0xf3: {  	[sflag:s2] =	ssyncset.done $0x0  }
0xf4: {  	[sflag:s2] =	ssyncadd.s32 $0xFFFFF800  }
0xf5: {  	_ =	swait.ge [sflag:s2], $0x800  }
0xf6: {  	[sflag:s2] =	ssyncset.done $0x0  }
0xf7: {  	[sflag:s2] =	ssyncadd.s32 $0xFFFFF800  }
0xf8: {  	_ =	swait.ge [sflag:s2], $0x800  }
0xf9: {  	[sflag:s2] =	ssyncset.done $0x0  }
0xfa: {  	[sflag:s2] =	ssyncadd.s32 $0xFFFFF800  }
0xfb: {  	s1 =	rddreg [dreg:$0x10];
	_ =	swait.ge [sflag:s2], $0x800  }
0xfc: {  	p0 =	sne.s32 s1, $0xF;
	s1 =	rddreg [dreg:$0xf]  }
0xfd: {  	[sflag:s2] =	ssyncset.done $0x0;
	s1 =	sadd.s32 @p0 s25, s1  }
0xfe: {  	[sflag:s2] =	ssyncadd.s32 $0xFFFFF800;
	s2 =	rddreg [dreg:$0x5];
	s1 =	sshrl.u32 @p0 s1, $0x3  }
0xff: {  	s7 =	simm.s32 @p0 $0x0;
	s6 =	sadd.s32 @p0 s2, s1;
	s2 =	rddreg [dreg:$0x6]  }
0x100: {  	[tilespmem:s7], [sflag:$0x1] =	stream.linear.gather @p0 [hbm4b:s6+s7], $0x800, $0x38;
	[tilespmem:$0x16910] =	vst v63  }
0x101: {  	s8 =	simm.s32 @p0 $0x800;
	s6 =	sadd.s32 @p0 s2, s1;
	s2 =	rddreg [dreg:$0x7]  }
0x102: {  	[tilespmem:s8], [sflag:$0x1] =	stream.linear.gather @p0 [hbm4b:s6+s7], $0x800, $0x38;
	[tilespmem:$0x16910] =	vst v63  }
0x103: {  	s6 =	sadd.s32 @p0 s2, s1;
	s8 =	simm.s32 @p0 $0x1000;
	s2 =	rddreg [dreg:$0x8]  }
0x104: {  	[tilespmem:s8], [sflag:$0x1] =	stream.linear.gather @p0 [hbm4b:s6+s7], $0x800, $0x38;
	[tilespmem:$0x16910] =	vst v63  }
0x105: {  	s6 =	sadd.s32 @p0 s2, s1;
	s8 =	simm.s32 @p0 $0x1800;
	s2 =	rddreg [dreg:$0x9]  }
0x106: {  	[tilespmem:s8], [sflag:$0x1] =	stream.linear.gather @p0 [hbm4b:s6+s7], $0x800, $0x38;
	[tilespmem:$0x16910] =	vst v63  }
0x107: {  	s20 =	simm.s32 $0x4800;
	s1 =	sadd.s32 @p0 s2, s1;
	s6 =	simm.s32 @p0 $0x2000  }
0x108: {  	[tilespmem:s6], [sflag:$0x1] =	stream.linear.gather @p0 [hbm4b:s1+s7], $0x800, $0x38;
	[tilespmem:$0x16910] =	vst v63  }
0x109: {  	s19 =	simm.s32 $0x4000;
	v11 =	vld [tilespmem:s20+$0x0]  }
0x10a: {  	s25 =	simm.s32 $0x3800;
	v12 =	vld [tilespmem:s19+$0x0]  }
0x10b: {  	v13 =	vld [tilespmem:s25+$0x0];
	_ =	sdelay $0x3  }
0x10c: {  	vm1 =	vge.s32 v12, v0;
	vm2 =	vle.s32 v12, v1  }
0x10d: {  	v11 =	vadd.s32 $0x2, v11;
	vm1 =	vmand vm1, vm2;
	vm2 =	vgt.f32 v13, $0.0e+00  }
0x10e: {  	vm1 =	vmand vm1, vm2;
	vm2 =	vlt.u32 v11, $0x104  }
0x10f: {  	vm1 =	vmand vm2, vm1  }
0x110: {  	v12 =	vmpcnt.ones.xlane vm1;
	_ =	sdelay $0x1  }
0x111: {  	(v2sf) =	vpush v12, $0x0  }
0x112: {  	s1 =	simm.s32 $0x0  }
0x113: {  	s13 =	simm.s32 $0x20;
	s11 =	simm.s32 $0x3810;
	v11 =	vor.u32 s1, v8  }
0x114: {  	s16 =	simm.s32 $0x9810;
	s17 =	simm.s32 $0xA010;
	s7 =	simm.s32 $0x4810;
	[tilespmem:s1+$0x5000] =	vst.msk vm1, v11  }
0x115: {  	s18 =	simm.s32 $0xA810;
	s12 =	simm.s32 $0xC010;
	s8 =	simm.s32 $0x4010;
	v11 =	vld [tilespmem:s7+$0x0]  }
0x116: {  	s6 =	simm.s32 $0x10;
	s19 =	simm.s32 $0xB010;
	s20 =	simm.s32 $0xB810;
	v12 =	vld [tilespmem:s8+$0x0]  }
.LBB2_11:
0x117: {  	p0 =	seq.s32 s13, $0x7F0;
	v13 =	vld [tilespmem:s11+$0x0];
	_ =	sdelay $0x3  }
0x118: {  	vm1 =	vge.s32 v12, v0;
	vm2 =	vle.s32 v12, v1  }
0x119: {  	v11 =	vadd.s32 $0x2, v11;
	vm1 =	vmand vm1, vm2;
	vm2 =	vgt.f32 v13, $0.0e+00  }
0x11a: {  	vm1 =	vmand vm1, vm2;
	vm2 =	vlt.u32 v11, $0x104  }
0x11b: {  	vm1 =	vmand vm2, vm1  }
0x11c: {  	v11 =	vmpcnt.ones.xlane vm1  }
0x11d: {  	s14 =	spop (v2sf)  }
0x11e: {  	v12 =	vor.u32 s6, v8;
	s6 =	smov.u32 s13;
	(v2sf) =	vpush v11, $0x0;
	s1 =	sadd.s32 s1, s14  }
.Ltmp6:
0x11f: {  	[tilespmem:s1+$0x5000] =	vst.msk vm1, v12;
	(pc) =	sbr.rel @!p0 .LBB2_11-.Ltmp6, $4  }
0x120: {  	_ = 	snop  }
0x121: {  	s7 =	sadd.s32 $0x10, s7  }
0x122: {  	s8 =	sadd.s32 $0x10, s8;
	v11 =	vld [tilespmem:s7+$0x0]  }
0x123: {  	s11 =	sadd.s32 $0x10, s11;
	s13 =	sadd.s32 $0x10, s13;
	v12 =	vld [tilespmem:s8+$0x0]  }
0x124: {  	v13 =	vld [tilespmem:s11+$0x0];
	_ =	sdelay $0x3  }
0x125: {  	vm1 =	vge.s32 v12, v0;
	vm2 =	vle.s32 v12, v1  }
0x126: {  	v11 =	vadd.s32 $0x2, v11;
	vm1 =	vmand vm1, vm2;
	vm2 =	vgt.f32 v13, $0.0e+00  }
0x127: {  	vm1 =	vmand vm1, vm2;
	vm2 =	vlt.u32 v11, $0x104  }
0x128: {  	vm1 =	vmand vm2, vm1  }
0x129: {  	v11 =	vmpcnt.ones.xlane vm1;
	_ =	sdelay $0x1  }
0x12a: {  	(v2sf) =	vpush v11, $0x0;
	_ =	sdelay $0xd  }
0x12b: {  	s7 =	spop (v2sf)  }
0x12c: {  	v11 =	vor.u32 s6, v8;
	s1 =	sadd.s32 s1, s7;
	s6 =	spop (v2sf)  }
0x12d: {  	s7 =	sadd.s32 s1, s6  }
0x12e: {  	p0 =	slt.s32 s7, $0x1  }
.Ltmp7:
0x12f: {  	_ = 	snop;
	(pc) =	sbr.rel @p0 .LBB2_15-.Ltmp7, $3  }
0x130: {  	_ =	sdelay $0x1  }
0x131: {  	s11 =	simm.s32 $0x8010;
	s8 =	simm.s32 $0x7810;
	s13 =	simm.s32 $0x8810  }
0x132: {  	s14 =	simm.s32 $0x9010;
	s2 =	simm.s32 $0xD010;
	[tilespmem:s1+$0x5000] =	vst.msk vm1, v11;
	s7 =	simm.s32 $0x7010  }
0x133: {  	s25 =	rddreg [dreg:$0x11]  }
0x134: {  	s1 =	sadd.s32 s1, s6;
	s6 =	simm.s32 $0x0;
	v11 =	vmov s25  }
.LBB2_14:
0x135: {  	v12 =	vmov s6;
	_ =	sdelay $0x4  }
0x136: {  	v13 =	vld.idx.msk [tilespmem:v12+s30+$0x0], $0xffff;
	_ =	sdelay $0x7  }
0x137: {  	v12 =	vld.idx.msk [tilespmem:v13+s4+$0x0], $0xffff  }
0x138: {  	v14 =	vld.idx.msk [tilespmem:v13+s29+$0x0], $0xffff;
	_ =	sdelay $0x4  }
0x139: {  	v15 =	vadd.s32 v9, v12;
	v16 =	vadd.s32 v5, v14  }
0x13a: {  	v17 =	vcvt.s32.f32 v16;
	v18 =	vcvt.s32.f32 v15;
	_ =	sdelay $0x1  }
0x13b: {  	v19 =	vld.idx.msk [tilespmem:v13+s3+$0x0], $0xffff;
	v17 =	vadd.f32 $5.000000000e-01, v17;
	v18 =	vadd.f32 $5.000000000e-01, v18  }
0x13c: {  	v20 =	vld.idx.msk [tilespmem:v13+s26+$0x0], $0xffff  }
0x13d: {  	v17 =	vmul.f32 $7.812500000e-03, v17;
	v18 =	vmul.f32 $7.812500000e-03, v18;
	_ =	sdelay $0x1  }
0x13e: {  	v17 =	vsub.f32 $1.000000000e+00, v17;
	v18 =	vsub.f32 $1.000000000e+00, v18;
	_ =	sdelay $0x1  }
0x13f: {  	v17 =	vsub.f32 v19, v17;
	v18 =	vsub.f32 v20, v18;
	_ =	sdelay $0x1  }
0x140: {  	v17 =	vmul.f32 v17, v17;
	v18 =	vmul.f32 v18, v18;
	_ =	sdelay $0x1  }
0x141: {  	v17 =	vadd.f32 v17, v18;
	_ =	sdelay $0x1  }
0x142: {  	v18 =	vmul.f32 $7.281777830e+03, v17;
	_ =	sdelay $0x1  }
0x143: {  	v18 =	vmax.f32 v18, $1.000000050e-03  }
0x144: {  	v18 =	vmin.f32 v18, $1.000000000e+00  }
0x145: {  	v21 =	vshra.s32 v18, $0x1  }
0x146: {  	v21 =	vadd.s32 $0x1FBD1DF5, v21  }
0x147: {  	(erf) = vrcp.f32 v21;
	_ =	sdelay $0x8  }
0x148: {  	v63 =	vadd.s32 v6, v12;
	v14 =	vadd.s32 v10, v14;
	v22 =	vpop (erf)  }
0x149: {  	vm1 =	vge.s32 v15, v2;
	vm2 =	vlt.s32 v15, v3;
	v22 =	vmul.f32 v22, v18  }
0x14a: {  	v15 =	vsub.s32 v15, v2;
	v33 =	vcvt.s32.f32 v14;
	v34 =	vcvt.s32.f32 v63  }
0x14b: {  	vm1 =	vmand vm1, vm2;
	vm2 =	vlt.u32 v16, $0x100;
	v21 =	vadd.f32 v21, v22  }
0x14c: {  	v15 =	vshll.u32 v15, $0x8;
	vm1 =	vmand vm1, vm2;
	vm2 =	vlt.f32 v17, $1.373291020e-04  }
0x14d: {  	v15 =	vadd.s32 v16, v15;
	vm1 =	vmand vm1, vm2;
	v21 =	vmul.f32 $5.000000000e-01, v21  }
0x14e: {  	v35 =	vadd.f32 $5.000000000e-01, v33;
	v17 =	vadd.f32 $5.000000000e-01, v34;
	v15 =	vnsel vm1, $0x0, v15  }
0x14f: {  	(erf) = vrcp.f32 v21  }
0x150: {  	v17 =	vmul.f32 $7.812500000e-03, v17;
	v22 =	vmul.f32 $7.812500000e-03, v35;
	_ =	sdelay $0x1  }
0x151: {  	v36 =	vld.idx.msk [tilespmem:v13+s28+$0x0], $0xffff;
	v17 =	vsub.f32 $1.000000000e+00, v17;
	v22 =	vsub.f32 $1.000000000e+00, v22  }
0x152: {  	v23 =	vld.idx.msk [tilespmem:v15+s31+$0x0], vm1  }
0x153: {  	v17 =	vsub.f32 v20, v17;
	v19 =	vsub.f32 v19, v22;
	_ =	sdelay $0x1  }
0x154: {  	v25 =	vld.idx.msk [tilespmem:v15+s0+$0x0], vm1;
	v17 =	vmul.f32 v17, v17;
	v19 =	vmul.f32 v19, v19;
	_ =	sdelay $0x1  }
0x155: {  	vm2 =	vlt.f32 v36, v23;
	v17 =	vadd.f32 v19, v17;
	v24 =	vpop (erf)  }
0x156: {  	v37 =	vld.idx.msk [tilespmem:v15+s15+$0x0], vm1;
	vm2 =	vmand vm2, vm1;
	v18 =	vmul.f32 v24, v18  }
0x157: {  	v38 =	vsel vm2, v23, v36;
	v41 =	vmul.f32 $7.281777830e+03, v17  }
0x158: {  	vm3 =	vlt.f32 v38, v25;
	v18 =	vadd.f32 v18, v21  }
0x159: {  	v39 =	vld.idx.msk [tilespmem:v15+s7+$0x0], vm1;
	vm3 =	vmand vm1, vm3;
	v23 =	vmax.f32 v41, $1.000000050e-03  }
0x15a: {  	v25 =	vsel vm3, v25, v38;
	v23 =	vmin.f32 v23, $1.000000000e+00;
	v18 =	vmul.f32 $5.000000000e-01, v18  }
0x15b: {  	v40 =	vld.idx.msk [tilespmem:v15+s8+$0x0], vm1;
	vm4 =	vlt.f32 v25, v37;
	v29 =	vshra.s32 v23, $0x1  }
0x15c: {  	v42 =	vld.idx.msk [tilespmem:v15+s11+$0x0], vm1;
	vm4 =	vmand vm1, vm4;
	v29 =	vadd.s32 $0x1FBD1DF5, v29;
	v18 =	vsub.f32 $1.000000000e+00, v18  }
0x15d: {  	v26 =	vld.idx.msk [tilespmem:v15+s13+$0x0], vm1;
	v20 =	vsel vm4, v37, v25;
	(erf) = vrcp.f32 v29  }
0x15e: {  	v27 =	vld.idx.msk [tilespmem:v15+s14+$0x0], vm1;
	vm5 =	vlt.f32 v20, v39;
	v18 =	vmul.f32 $6.553500000e+04, v18  }
0x15f: {  	v28 =	vld.idx.msk [tilespmem:v15+s16+$0x0], vm1;
	vm5 =	vmand vm1, vm5  }
0x160: {  	v30 =	vld.idx.msk [tilespmem:v15+s17+$0x0], vm1;
	v19 =	vsel vm5, v39, v20;
	v18 =	vadd.f32 $5.000000000e-01, v18  }
0x161: {  	v31 =	vld.idx.msk [tilespmem:v15+s18+$0x0], vm1;
	vm6 =	vlt.f32 v19, v40  }
0x162: {  	v32 =	vld.idx.msk [tilespmem:v15+s19+$0x0], vm1;
	vm7 =	vmand vm1, vm6;
	v18 =	vtrunc.f32 v18  }
0x163: {  	v13 =	vadd.s32 v11, v13;
	v33 =	vld.idx.msk [tilespmem:v15+s20+$0x0], vm1;
	v22 =	vsel vm7, v40, v19;
	v18 =	vcvt.f32.s32 v18  }
0x164: {  	v13 =	vshll.u32 v13, $0x10;
	v34 =	vld.idx.msk [tilespmem:v15+s12+$0x0], vm1;
	vm13 =	vlt.f32 v22, v42  }
0x165: {  	v35 =	vld.idx.msk [tilespmem:v15+s5+$0x0], vm1;
	[tilespmem:v15+s31+$0x0] =	vst.idx.msk vm2, v36;
	vm6 =	vmand vm1, vm13;
	v18 =	vor.u32 v18, v13  }
0x166: {  	vm8 =	vlt.s32 v63, v3;
	v43 =	vsel vm6, v42, v22;
	v44 =	vpop (erf);
	[tilespmem:v15+s16+$0x0] =	vst.idx.msk vm2, v18  }
0x167: {  	v24 =	vmul.f32 v44, v23;
	v18 =	vsel vm2, v28, v18;
	[tilespmem:v15+s0+$0x0] =	vst.idx.msk vm3, v38  }
0x168: {  	v16 =	vsub.s32 v63, v2;
	vm2 =	vlt.f32 v43, v26;
	[tilespmem:v15+s17+$0x0] =	vst.idx.msk vm3, v18  }
0x169: {  	v46 =	vadd.f32 v29, v24;
	vm2 =	vmand vm1, vm2;
	v18 =	vsel vm3, v30, v18;
	[tilespmem:v15+s15+$0x0] =	vst.idx.msk vm4, v25  }
0x16a: {  	vm15 =	vlt.u32 v14, $0x100;
	vm3 =	vge.s32 v63, v2;
	v45 =	vsel vm2, v26, v43;
	[tilespmem:v15+s18+$0x0] =	vst.idx.msk vm4, v18  }
0x16b: {  	v16 =	vshll.u32 v16, $0x8;
	vm14 =	vlt.f32 v45, v27;
	v18 =	vsel vm4, v31, v18;
	[tilespmem:v15+s7+$0x0] =	vst.idx.msk vm5, v20  }
0x16c: {  	v47 =	vmul.f32 $5.000000000e-01, v46;
	vm3 =	vmand vm3, vm8;
	vm4 =	vmand vm1, vm14;
	[tilespmem:v15+s19+$0x0] =	vst.idx.msk vm5, v18  }
0x16d: {  	vm1 =	vmand vm3, vm15;
	vm3 =	vlt.f32 v17, $1.373291020e-04;
	v18 =	vsel vm5, v32, v18;
	[tilespmem:v15+s8+$0x0] =	vst.idx.msk vm7, v19  }
0x16e: {  	v14 =	vadd.s32 v14, v16;
	vm1 =	vmand vm1, vm3;
	[tilespmem:v15+s20+$0x0] =	vst.idx.msk vm7, v18  }
0x16f: {  	(erf) = vrcp.f32 v47;
	vm1 =	vmand vm1, vm0;
	v18 =	vsel vm7, v33, v18;
	[tilespmem:v15+s11+$0x0] =	vst.idx.msk vm6, v22  }
0x170: {  	v14 =	vnsel vm1, $0x0, v14;
	[tilespmem:v15+s12+$0x0] =	vst.idx.msk vm6, v18  }
0x171: {  	v48 =	vsel vm6, v34, v18;
	[tilespmem:v15+s13+$0x0] =	vst.idx.msk vm2, v43  }
0x172: {  	[tilespmem:v15+s5+$0x0] =	vst.idx.msk vm2, v48  }
0x173: {  	v16 =	vsel vm2, v35, v48;
	[tilespmem:v15+s14+$0x0] =	vst.idx.msk vm4, v45  }
0x174: {  	[tilespmem:v15+s2+$0x0] =	vst.idx.msk vm4, v16  }
0x175: {  	v15 =	vld.idx.msk [tilespmem:v14+s31+$0x0], vm1;
	_ =	sdelay $0x2  }
0x176: {  	v49 =	vpop (erf);
	v50 =	vld.idx.msk [tilespmem:v14+s0+$0x0], vm1  }
0x177: {  	v16 =	vmul.f32 v49, v23  }
0x178: {  	vm2 =	vlt.f32 v36, v15  }
0x179: {  	v51 =	vld.idx.msk [tilespmem:v14+s15+$0x0], vm1;
	v16 =	vadd.f32 v16, v47;
	vm2 =	vmand vm1, vm2  }
0x17a: {  	v15 =	vsel vm2, v15, v36  }
0x17b: {  	v19 =	vld.idx.msk [tilespmem:v14+s7+$0x0], vm1;
	v16 =	vmul.f32 $5.000000000e-01, v16;
	vm3 =	vlt.f32 v15, v50  }
0x17c: {  	v52 =	vld.idx.msk [tilespmem:v14+s8+$0x0], vm1;
	vm3 =	vmand vm1, vm3  }
0x17d: {  	v21 =	vld.idx.msk [tilespmem:v14+s11+$0x0], vm1;
	v16 =	vsub.f32 $1.000000000e+00, v16;
	v18 =	vsel vm3, v50, v15  }
0x17e: {  	v22 =	vld.idx.msk [tilespmem:v14+s13+$0x0], vm1;
	vm11 =	vlt.f32 v18, v51  }
0x17f: {  	v53 =	vld.idx.msk [tilespmem:v14+s14+$0x0], vm1;
	v16 =	vmul.f32 $6.553500000e+04, v16;
	vm4 =	vmand vm1, vm11  }
0x180: {  	v54 =	vld.idx.msk [tilespmem:v14+s16+$0x0], vm1;
	v17 =	vsel vm4, v51, v18  }
0x181: {  	v25 =	vld.idx.msk [tilespmem:v14+s17+$0x0], vm1;
	v16 =	vadd.f32 $5.000000000e-01, v16;
	vm12 =	vlt.f32 v17, v19  }
0x182: {  	v55 =	vld.idx.msk [tilespmem:v14+s18+$0x0], vm1;
	vm5 =	vmand vm1, vm12  }
0x183: {  	v56 =	vld.idx.msk [tilespmem:v14+s19+$0x0], vm1;
	v16 =	vtrunc.f32 v16;
	v19 =	vsel vm5, v19, v17  }
0x184: {  	v57 =	vld.idx.msk [tilespmem:v14+s20+$0x0], vm1;
	v16 =	vcvt.f32.s32 v16;
	vm13 =	vlt.f32 v19, v52  }
0x185: {  	v58 =	vld.idx.msk [tilespmem:v14+s12+$0x0], vm1;
	vm6 =	vmand vm1, vm13  }
0x186: {  	v59 =	vld.idx.msk [tilespmem:v14+s5+$0x0], vm1;
	[tilespmem:v14+s31+$0x0] =	vst.idx.msk vm2, v36;
	v13 =	vor.u32 v16, v13;
	v60 =	vsel vm6, v52, v19  }
0x187: {  	[tilespmem:v14+s16+$0x0] =	vst.idx.msk vm2, v13;
	vm14 =	vlt.f32 v60, v21  }
0x188: {  	v13 =	vsel vm2, v54, v13;
	[tilespmem:v14+s0+$0x0] =	vst.idx.msk vm3, v15;
	vm2 =	vmand vm1, vm14  }
0x189: {  	[tilespmem:v14+s17+$0x0] =	vst.idx.msk vm3, v13;
	v61 =	vsel vm2, v21, v60  }
0x18a: {  	v13 =	vsel vm3, v25, v13;
	[tilespmem:v14+s15+$0x0] =	vst.idx.msk vm4, v18;
	vm3 =	vlt.f32 v61, v22  }
0x18b: {  	[tilespmem:v14+s18+$0x0] =	vst.idx.msk vm4, v13;
	vm3 =	vmand vm1, vm3  }
0x18c: {  	v13 =	vsel vm4, v55, v13;
	[tilespmem:v14+s7+$0x0] =	vst.idx.msk vm5, v17;
	v62 =	vsel vm3, v22, v61  }
0x18d: {  	[tilespmem:v14+s19+$0x0] =	vst.idx.msk vm5, v13;
	vm15 =	vlt.f32 v62, v53  }
0x18e: {  	v13 =	vsel vm5, v56, v13;
	[tilespmem:v14+s8+$0x0] =	vst.idx.msk vm6, v19;
	vm1 =	vmand vm1, vm15  }
0x18f: {  	s6 =	sadd.s32 $0x1, s6;
	[tilespmem:v14+s20+$0x0] =	vst.idx.msk vm6, v13  }
0x190: {  	p0 =	sne.s32 s1, s6;
	v13 =	vsel vm6, v57, v13;
	[tilespmem:v14+s11+$0x0] =	vst.idx.msk vm2, v60  }
.Ltmp8:
0x191: {  	[tilespmem:v14+s12+$0x0] =	vst.idx.msk vm2, v13;
	(pc) =	sbr.rel @p0 .LBB2_14-.Ltmp8, $4  }
0x192: {  	v63 =	vsel vm2, v58, v13;
	[tilespmem:v14+s13+$0x0] =	vst.idx.msk vm3, v61  }
0x193: {  	[tilespmem:v14+s5+$0x0] =	vst.idx.msk vm3, v63  }
0x194: {  	v12 =	vsel vm3, v59, v63;
	[tilespmem:v14+s14+$0x0] =	vst.idx.msk vm1, v62  }
0x195: {  	[tilespmem:v14+s2+$0x0] =	vst.idx.msk vm1, v12  }
.Ltmp9:
0x196: {  	_ = 	snop;
	(pc) =	sbr.rel .LBB2_15-.Ltmp9, $1  }
0x197: {  	_ =	sdelay $0x3  }
.LBB2_16:
0x198: {  	v11 =	vld [tilespmem:$0x9810]  }
0x199: {  	v12 =	vld [tilespmem:$0xA010]  }
0x19a: {  	v13 =	vld [tilespmem:$0xA810]  }
0x19b: {  	v14 =	vld [tilespmem:$0xB010]  }
0x19c: {  	v15 =	vld [tilespmem:$0xB810]  }
0x19d: {  	v16 =	vld [tilespmem:$0xC010];
	s2 =	rddreg [dreg:$0xe];
	v11 =	vshrl.u32 v11, $0x10  }
0x19e: {  	v17 =	vld [tilespmem:$0xC810];
	v12 =	vshrl.u32 v12, $0x10;
	v11 =	vor.u32 s2, v11  }
0x19f: {  	[tilespmem:$0x15810] =	vst v11;
	v11 =	vor.u32 s2, v12;
	v12 =	vshrl.u32 v13, $0x10;
	v13 =	vld [tilespmem:$0xD010]  }
0x1a0: {  	[tilespmem:$0x15820] =	vst v11;
	v11 =	vor.u32 s2, v12;
	v12 =	vshrl.u32 v14, $0x10  }
0x1a1: {  	[tilespmem:$0x15830] =	vst v11;
	v11 =	vor.u32 s2, v12;
	v12 =	vshrl.u32 v15, $0x10  }
0x1a2: {  	[tilespmem:$0x15840] =	vst v11;
	v11 =	vor.u32 s2, v12;
	v12 =	vshrl.u32 v16, $0x10  }
0x1a3: {  	[tilespmem:$0x15850] =	vst v11;
	v11 =	vor.u32 s2, v12;
	v12 =	vshrl.u32 v17, $0x10  }
0x1a4: {  	[tilespmem:$0x15860] =	vst v11;
	v11 =	vor.u32 s2, v12;
	v12 =	vshrl.u32 v13, $0x10  }
0x1a5: {  	[tilespmem:$0x15870] =	vst v11;
	v11 =	vor.u32 s2, v12  }
0x1a6: {  	s0 =	simm.s32 $0x15810;
	s1 =	simm.s32 $0x15910;
	[tilespmem:$0x15880] =	vst v11  }
0x1a7: {  	[tilespmem:s1], [sflag:$0x3] =	stream.indirect.gather [hbm4b:s9+s7], $0x10, s0, s7, $0xb8;
	[tilespmem:$0x16910] =	vst v63  }
0x1a8: {  	s1 =	simm.s32 $0x0  }
0x1a9: {  	v12 =	vld [tilespmem:s1+$0x9820];
	_ =	sdelay $0x4  }
0x1aa: {  	v11 =	vmov s2;
	v12 =	vshrl.u32 v12, $0x10  }
0x1ab: {  	v12 =	vor.u32 v11, v12  }
0x1ac: {  	[tilespmem:$0x15890] =	vst v12  }
0x1ad: {  	v12 =	vld [tilespmem:s1+$0xA020];
	_ =	sdelay $0x4  }
0x1ae: {  	v12 =	vshrl.u32 v12, $0x10  }
0x1af: {  	v12 =	vor.u32 v11, v12  }
0x1b0: {  	[tilespmem:$0x158A0] =	vst v12  }
0x1b1: {  	v12 =	vld [tilespmem:s1+$0xA820];
	_ =	sdelay $0x4  }
0x1b2: {  	v12 =	vshrl.u32 v12, $0x10  }
0x1b3: {  	v12 =	vor.u32 v11, v12  }
0x1b4: {  	[tilespmem:$0x158B0] =	vst v12  }
0x1b5: {  	v12 =	vld [tilespmem:s1+$0xB020];
	_ =	sdelay $0x4  }
0x1b6: {  	v12 =	vshrl.u32 v12, $0x10  }
0x1b7: {  	v12 =	vor.u32 v11, v12  }
0x1b8: {  	[tilespmem:$0x158C0] =	vst v12  }
0x1b9: {  	v12 =	vld [tilespmem:s1+$0xB820];
	_ =	sdelay $0x4  }
0x1ba: {  	v12 =	vshrl.u32 v12, $0x10  }
0x1bb: {  	v12 =	vor.u32 v11, v12  }
0x1bc: {  	[tilespmem:$0x158D0] =	vst v12  }
0x1bd: {  	v12 =	vld [tilespmem:s1+$0xC020];
	_ =	sdelay $0x4  }
0x1be: {  	v12 =	vshrl.u32 v12, $0x10  }
0x1bf: {  	v12 =	vor.u32 v11, v12  }
0x1c0: {  	[tilespmem:$0x158E0] =	vst v12  }
0x1c1: {  	v12 =	vld [tilespmem:s1+$0xC820];
	_ =	sdelay $0x4  }
0x1c2: {  	v12 =	vshrl.u32 v12, $0x10  }
0x1c3: {  	v12 =	vor.u32 v11, v12  }
0x1c4: {  	[tilespmem:$0x158F0] =	vst v12  }
0x1c5: {  	v12 =	vld [tilespmem:s1+$0xD020];
	_ =	sdelay $0x4  }
0x1c6: {  	v12 =	vshrl.u32 v12, $0x10  }
0x1c7: {  	s24 =	rddreg [dreg:$0x4];
	v12 =	vor.u32 v11, v12  }
0x1c8: {  	s6 =	rddreg [dreg:$0x3];
	s25 =	simm.s32 $0x3;
	[tilespmem:$0x15900] =	vst v12  }
0x1c9: {  	[tilespmem:s6], [sflag:$0x4] =	stream.indirect.gather [hbm4b:s9+s7], $0x10, s24, s7, $0xb8;
	[tilespmem:$0x16910] =	vst v63  }
0x1ca: {  	_ =	swait.ge [sflag:s25], $0x800  }
0x1cb: {  	[sflag:s25] =	ssyncset.done $0x0  }
0x1cc: {  	[sflag:s25] =	ssyncadd.s32 $0xFFFFF800  }
0x1cd: {  	v12 =	vld [tilespmem:s1+$0x9810]  }
0x1ce: {  	v13 =	vld [tilespmem:s1+$0xA010]  }
0x1cf: {  	v14 =	vld [tilespmem:s1+$0xA810];
	_ =	sdelay $0x1  }
0x1d0: {  	v15 =	vld [tilespmem:s1+$0xB010];
	_ =	sdelay $0x1  }
0x1d1: {  	v55 =	vld [tilespmem:s1+$0xB810];
	v12 =	vand.u32 $0xFFFF, v12;
	v13 =	vand.u32 $0xFFFF, v13  }
0x1d2: {  	v54 =	vld [tilespmem:s1+$0xC010];
	v14 =	vand.u32 $0xFFFF, v14;
	v12 =	vcvt.s32.f32 v12;
	v13 =	vcvt.s32.f32 v13  }
0x1d3: {  	v14 =	vcvt.s32.f32 v14  }
0x1d4: {  	v15 =	vand.u32 $0xFFFF, v15;
	v12 =	vmul.f32 $1.525902190e-05, v12;
	v13 =	vmul.f32 $1.525902190e-05, v13  }
0x1d5: {  	v18 =	vld [tilespmem:s1+$0xC810];
	v15 =	vcvt.s32.f32 v15;
	v14 =	vmul.f32 $1.525902190e-05, v14  }
0x1d6: {  	v19 =	vld [tilespmem:s1+$0xD010];
	v17 =	vand.u32 $0xFFFF, v55;
	v12 =	vmul.f32 v12, v12;
	v13 =	vmul.f32 v13, v13  }
0x1d7: {  	v16 =	vand.u32 $0xFFFF, v54;
	v17 =	vcvt.s32.f32 v17  }
0x1d8: {  	v15 =	vmul.f32 $1.525902190e-05, v15;
	v12 =	vadd.f32 v13, v12;
	v13 =	vmul.f32 v14, v14  }
0x1d9: {  	v14 =	vcvt.s32.f32 v16  }
0x1da: {  	v56 =	vmul.f32 $1.525902190e-05, v17;
	v12 =	vadd.f32 v13, v12;
	v13 =	vmul.f32 v15, v15  }
0x1db: {  	v57 =	vand.u32 $0xFFFF, v19;
	v15 =	vand.u32 $0xFFFF, v18;
	v14 =	vmul.f32 $1.525902190e-05, v14  }
0x1dc: {  	v15 =	vcvt.s32.f32 v15;
	v12 =	vadd.f32 v13, v12;
	v13 =	vmul.f32 v56, v56  }
0x1dd: {  	v58 =	vcvt.s32.f32 v57  }
0x1de: {  	v15 =	vmul.f32 $1.525902190e-05, v15;
	v12 =	vadd.f32 v13, v12;
	v13 =	vmul.f32 v14, v14;
	_ =	sdelay $0x1  }
0x1df: {  	v14 =	vmul.f32 $1.525902190e-05, v58;
	v12 =	vadd.f32 v13, v12;
	v13 =	vmul.f32 v15, v15;
	_ =	sdelay $0x1  }
0x1e0: {  	s26 =	simm.s32 $0x0;
	v12 =	vadd.f32 v13, v12;
	v13 =	vmul.f32 v14, v14  }
0x1e1: {  	s21 =	sand.u32 $0x700, s26  }
0x1e2: {  	s12 =	sor.u32 $0xD810, s21;
	s2 =	sand.u32 $0xE0, s26;
	v12 =	vadd.f32 v13, v12  }
0x1e3: {  	s28 =	sor.u32 s2, s12;
	s6 =	sor.u32 $0xE010, s21  }
0x1e4: {  	s15 =	sor.u32 $0xE810, s21;
	s8 =	sor.u32 s2, s6;
	[tilespmem:s28+$0x0] =	vst v12  }
0x1e5: {  	s13 =	sor.u32 $0xF010, s21;
	s11 =	sor.u32 s2, s15;
	[tilespmem:s8+$0x0] =	vst v12  }
0x1e6: {  	s29 =	sor.u32 s2, s13;
	s7 =	sor.u32 $0xF810, s21;
	[tilespmem:s11+$0x0] =	vst v12  }
0x1e7: {  	s22 =	sor.u32 $0x10010, s21;
	s30 =	sor.u32 s2, s7;
	[tilespmem:s29+$0x0] =	vst v12  }
0x1e8: {  	s14 =	sor.u32 $0x10810, s21;
	s31 =	sor.u32 s2, s22;
	[tilespmem:s30+$0x0] =	vst v12  }
0x1e9: {  	s16 =	sor.u32 s2, s14;
	s11 =	sor.u32 $0x11010, s21;
	[tilespmem:s31+$0x0] =	vst v12  }
0x1ea: {  	s17 =	sor.u32 $0x11810, s21;
	s0 =	sor.u32 s2, s11;
	[tilespmem:s16+$0x0] =	vst v12  }
0x1eb: {  	s18 =	sor.u32 $0x12010, s21;
	s19 =	sor.u32 s2, s17;
	[tilespmem:s0+$0x0] =	vst v12  }
0x1ec: {  	s3 =	sor.u32 s2, s18;
	s16 =	sor.u32 $0x12810, s21;
	[tilespmem:s19+$0x0] =	vst v12  }
0x1ed: {  	s20 =	sor.u32 s2, s16;
	s19 =	sor.u32 $0x13010, s21;
	[tilespmem:s3+$0x0] =	vst v12  }
0x1ee: {  	s8 =	sor.u32 $0x13810, s21;
	s23 =	sor.u32 s2, s19;
	[tilespmem:s20+$0x0] =	vst v12  }
0x1ef: {  	s24 =	sor.u32 s2, s8;
	s20 =	sor.u32 $0x14010, s21;
	[tilespmem:s23+$0x0] =	vst v12  }
0x1f0: {  	s4 =	sor.u32 $0x14810, s21;
	s25 =	sor.u32 s2, s20;
	[tilespmem:s24+$0x0] =	vst v12  }
0x1f1: {  	s10 =	sor.u32 $0x15010, s21;
	s26 =	sor.u32 s2, s4;
	[tilespmem:s25+$0x0] =	vst v12  }
0x1f2: {  	p0 =	por $0x0, $0x0;
	s2 =	sor.u32 s2, s10;
	[tilespmem:s26+$0x0] =	vst v12  }
0x1f3: {  	[tilespmem:s2+$0x0] =	vst v12;
	s2 =	simm.s32 @!p0 $0x0  }
0x1f4: {  	v12 =	vld @!p0 [tilespmem:s2+$0x9830];
	_ =	sdelay $0x4  }
0x1f5: {  	v12 =	vshrl.u32 @!p0 v12, $0x10  }
0x1f6: {  	v12 =	vor.u32 @!p0 v11, v12  }
0x1f7: {  	[tilespmem:$0x15810] =	vst @!p0 v12  }
0x1f8: {  	v12 =	vld @!p0 [tilespmem:s2+$0xA030];
	_ =	sdelay $0x4  }
0x1f9: {  	v12 =	vshrl.u32 @!p0 v12, $0x10  }
0x1fa: {  	v12 =	vor.u32 @!p0 v11, v12  }
0x1fb: {  	[tilespmem:$0x15820] =	vst @!p0 v12  }
0x1fc: {  	v12 =	vld @!p0 [tilespmem:s2+$0xA830];
	_ =	sdelay $0x4  }
0x1fd: {  	v12 =	vshrl.u32 @!p0 v12, $0x10  }
0x1fe: {  	v12 =	vor.u32 @!p0 v11, v12  }
0x1ff: {  	[tilespmem:$0x15830] =	vst @!p0 v12  }
0x200: {  	v12 =	vld @!p0 [tilespmem:s2+$0xB030];
	_ =	sdelay $0x4  }
0x201: {  	v12 =	vshrl.u32 @!p0 v12, $0x10  }
0x202: {  	v12 =	vor.u32 @!p0 v11, v12  }
0x203: {  	[tilespmem:$0x15840] =	vst @!p0 v12  }
0x204: {  	v12 =	vld @!p0 [tilespmem:s2+$0xB830];
	_ =	sdelay $0x4  }
0x205: {  	v12 =	vshrl.u32 @!p0 v12, $0x10  }
0x206: {  	v12 =	vor.u32 @!p0 v11, v12  }
0x207: {  	[tilespmem:$0x15850] =	vst @!p0 v12  }
0x208: {  	v12 =	vld @!p0 [tilespmem:s2+$0xC030];
	_ =	sdelay $0x4  }
0x209: {  	v12 =	vshrl.u32 @!p0 v12, $0x10  }
0x20a: {  	v12 =	vor.u32 @!p0 v11, v12  }
0x20b: {  	[tilespmem:$0x15860] =	vst @!p0 v12  }
0x20c: {  	v12 =	vld @!p0 [tilespmem:s2+$0xC830];
	_ =	sdelay $0x4  }
0x20d: {  	v12 =	vshrl.u32 @!p0 v12, $0x10  }
0x20e: {  	v12 =	vor.u32 @!p0 v11, v12  }
0x20f: {  	[tilespmem:$0x15870] =	vst @!p0 v12  }
0x210: {  	v12 =	vld @!p0 [tilespmem:s2+$0xD030];
	_ =	sdelay $0x4  }
0x211: {  	v12 =	vshrl.u32 @!p0 v12, $0x10  }
0x212: {  	s5 =	simm.s32 $0x4;
	v12 =	vor.u32 @!p0 v11, v12  }
0x213: {  	s21 =	simm.s32 @!p0 $0x15810;
	s25 =	simm.s32 @!p0 $0x15910;
	s2 =	simm.s32 @!p0 $0x80;
	[tilespmem:$0x15880] =	vst @!p0 v12  }
0x214: {  	[tilespmem:s25], [sflag:$0x3] =	stream.indirect.gather @!p0 [hbm4b:s9+s2], $0x10, s21, s2, $0xb8;
	[tilespmem:$0x16910] =	vst v63  }
0x215: {  	_ =	swait.ge [sflag:s5], $0x800  }
0x216: {  	[sflag:s5] =	ssyncset.done $0x0  }
0x217: {  	[sflag:s5] =	ssyncadd.s32 $0xFFFFF800  }
0x218: {  	v12 =	vld [tilespmem:s1+$0x9820]  }
0x219: {  	v13 =	vld [tilespmem:s1+$0xA020]  }
0x21a: {  	v14 =	vld [tilespmem:s1+$0xA820];
	_ =	sdelay $0x1  }
0x21b: {  	v15 =	vld [tilespmem:s1+$0xB020];
	_ =	sdelay $0x1  }
0x21c: {  	v59 =	vld [tilespmem:s1+$0xB820];
	v12 =	vand.u32 $0xFFFF, v12;
	v13 =	vand.u32 $0xFFFF, v13  }
0x21d: {  	v60 =	vld [tilespmem:s1+$0xC020];
	v14 =	vand.u32 $0xFFFF, v14;
	v12 =	vcvt.s32.f32 v12;
	v13 =	vcvt.s32.f32 v13  }
0x21e: {  	v14 =	vcvt.s32.f32 v14  }
0x21f: {  	v15 =	vand.u32 $0xFFFF, v15;
	v12 =	vmul.f32 $1.525902190e-05, v12;
	v13 =	vmul.f32 $1.525902190e-05, v13  }
0x220: {  	v15 =	vcvt.s32.f32 v15;
	v14 =	vmul.f32 $1.525902190e-05, v14  }
0x221: {  	v61 =	vld [tilespmem:s1+$0xC820];
	v12 =	vmul.f32 v12, v12;
	v13 =	vmul.f32 v13, v13  }
0x222: {  	v16 =	vand.u32 $0xFFFF, v59;
	v62 =	vand.u32 $0xFFFF, v60;
	v15 =	vmul.f32 $1.525902190e-05, v15  }
0x223: {  	v63 =	vld [tilespmem:s1+$0xD020];
	v12 =	vadd.f32 v13, v12;
	v13 =	vmul.f32 v14, v14;
	v14 =	vcvt.s32.f32 v16  }
0x224: {  	v16 =	vcvt.s32.f32 v62  }
0x225: {  	v12 =	vadd.f32 v13, v12;
	v13 =	vmul.f32 $1.525902190e-05, v14;
	v14 =	vmul.f32 v15, v15  }
0x226: {  	v15 =	vand.u32 $0xFFFF, v61;
	v16 =	vmul.f32 $1.525902190e-05, v16  }
0x227: {  	v15 =	vcvt.s32.f32 v15;
	v13 =	vmul.f32 v13, v13;
	v12 =	vadd.f32 v14, v12  }
0x228: {  	v14 =	vand.u32 $0xFFFF, v63;
	v16 =	vmul.f32 v16, v16  }
0x229: {  	v15 =	vmul.f32 $1.525902190e-05, v15;
	v14 =	vcvt.s32.f32 v14;
	v12 =	vadd.f32 v13, v12;
	_ =	sdelay $0x1  }
0x22a: {  	v13 =	vmul.f32 $1.525902190e-05, v14;
	v14 =	vmul.f32 v15, v15;
	v12 =	vadd.f32 v16, v12;
	_ =	sdelay $0x1  }
0x22b: {  	v13 =	vmul.f32 v13, v13;
	v12 =	vadd.f32 v14, v12  }
0x22c: {  	s2 =	simm.s32 $0x10  }
0x22d: {  	s21 =	sand.u32 $0xF0, s2;
	v12 =	vadd.f32 v13, v12  }
0x22e: {  	s28 =	sadd.s32 s21, s12  }
0x22f: {  	s29 =	sadd.s32 s21, s6;
	[tilespmem:s28+$0x0] =	vst v12  }
0x230: {  	s30 =	sadd.s32 s21, s15;
	[tilespmem:s29+$0x0] =	vst v12  }
0x231: {  	s12 =	simm.s32 $0x80;
	s26 =	sadd.s32 s21, s22;
	s31 =	sadd.s32 s21, s13;
	[tilespmem:s30+$0x0] =	vst v12  }
0x232: {  	s15 =	sadd.s32 s21, s4;
	s6 =	sadd.s32 s21, s10;
	s1 =	sadd.s32 s21, s7;
	[tilespmem:s31+$0x0] =	vst v12  }
.LBB2_17:
0x233: {  	[tilespmem:s1+$0x0] =	vst v12  }
0x234: {  	s7 =	sadd.s32 s21, s14;
	[tilespmem:s26+$0x0] =	vst v12  }
0x235: {  	s13 =	sadd.s32 s21, s11;
	[tilespmem:s7+$0x0] =	vst v12  }
0x236: {  	s14 =	sadd.s32 s21, s17;
	[tilespmem:s13+$0x0] =	vst v12  }
0x237: {  	s17 =	sadd.s32 s21, s18;
	[tilespmem:s14+$0x0] =	vst v12  }
0x238: {  	s18 =	sadd.s32 s21, s16;
	[tilespmem:s17+$0x0] =	vst v12  }
0x239: {  	s19 =	sadd.s32 s21, s19;
	[tilespmem:s18+$0x0] =	vst v12  }
0x23a: {  	s22 =	sadd.s32 s21, s8;
	[tilespmem:s19+$0x0] =	vst v12  }
0x23b: {  	s23 =	sadd.s32 s21, s20;
	[tilespmem:s22+$0x0] =	vst v12  }
0x23c: {  	[tilespmem:s23+$0x0] =	vst v12  }
0x23d: {  	s1 =	smov.u32 s12;
	[tilespmem:s15+$0x0] =	vst v12  }
0x23e: {  	s13 =	sshra.s32 s1, $0x2;
	[tilespmem:s6+$0x0] =	vst v12  }
0x23f: {  	v12 =	vld [tilespmem:s13+$0x9820];
	_ =	sdelay $0x4  }
0x240: {  	v12 =	vshrl.u32 v12, $0x10  }
0x241: {  	v12 =	vor.u32 v11, v12  }
0x242: {  	[tilespmem:$0x15890] =	vst v12  }
0x243: {  	v12 =	vld [tilespmem:s13+$0xA020];
	_ =	sdelay $0x4  }
0x244: {  	v12 =	vshrl.u32 v12, $0x10  }
0x245: {  	v12 =	vor.u32 v11, v12  }
0x246: {  	[tilespmem:$0x158A0] =	vst v12  }
0x247: {  	v12 =	vld [tilespmem:s13+$0xA820];
	_ =	sdelay $0x4  }
0x248: {  	v12 =	vshrl.u32 v12, $0x10  }
0x249: {  	v12 =	vor.u32 v11, v12  }
0x24a: {  	[tilespmem:$0x158B0] =	vst v12  }
0x24b: {  	v12 =	vld [tilespmem:s13+$0xB020];
	_ =	sdelay $0x4  }
0x24c: {  	v12 =	vshrl.u32 v12, $0x10  }
0x24d: {  	v12 =	vor.u32 v11, v12  }
0x24e: {  	[tilespmem:$0x158C0] =	vst v12  }
0x24f: {  	v12 =	vld [tilespmem:s13+$0xB820];
	_ =	sdelay $0x4  }
0x250: {  	v12 =	vshrl.u32 v12, $0x10  }
0x251: {  	v12 =	vor.u32 v11, v12  }
0x252: {  	[tilespmem:$0x158D0] =	vst v12  }
0x253: {  	v12 =	vld [tilespmem:s13+$0xC020];
	_ =	sdelay $0x4  }
0x254: {  	v12 =	vshrl.u32 v12, $0x10  }
0x255: {  	v12 =	vor.u32 v11, v12  }
0x256: {  	[tilespmem:$0x158E0] =	vst v12  }
0x257: {  	v12 =	vld [tilespmem:s13+$0xC820];
	_ =	sdelay $0x4  }
0x258: {  	v12 =	vshrl.u32 v12, $0x10  }
0x259: {  	v12 =	vor.u32 v11, v12  }
0x25a: {  	[tilespmem:$0x158F0] =	vst v12  }
0x25b: {  	v12 =	vld [tilespmem:s13+$0xD020];
	_ =	sdelay $0x4  }
0x25c: {  	v12 =	vshrl.u32 v12, $0x10  }
0x25d: {  	s24 =	rddreg [dreg:$0x4];
	v12 =	vor.u32 v11, v12  }
0x25e: {  	s25 =	rddreg [dreg:$0x3];
	s0 =	simm.s32 $0x80;
	s26 =	simm.s32 $0x3;
	[tilespmem:$0x15900] =	vst v12  }
0x25f: {  	[tilespmem:s25], [sflag:$0x4] =	stream.indirect.gather [hbm4b:s9+s0], $0x10, s24, s0, $0xb8;
	[tilespmem:$0x16910] =	vst v63  }
0x260: {  	_ =	swait.ge [sflag:s26], $0x800  }
0x261: {  	[sflag:s26] =	ssyncset.done $0x0  }
0x262: {  	[sflag:s26] =	ssyncadd.s32 $0xFFFFF800  }
0x263: {  	v12 =	vld [tilespmem:s13+$0x9810]  }
0x264: {  	v13 =	vld [tilespmem:s13+$0xA010]  }
0x265: {  	v15 =	vld [tilespmem:s13+$0xA810];
	_ =	sdelay $0x1  }
0x266: {  	v16 =	vld [tilespmem:s13+$0xB010];
	_ =	sdelay $0x1  }
0x267: {  	v18 =	vld [tilespmem:s13+$0xB810];
	v12 =	vand.u32 $0xFFFF, v12;
	v13 =	vand.u32 $0xFFFF, v13  }
0x268: {  	v14 =	vld [tilespmem:s13+$0xC010];
	v15 =	vand.u32 $0xFFFF, v15;
	v12 =	vcvt.s32.f32 v12;
	v13 =	vcvt.s32.f32 v13  }
0x269: {  	v15 =	vcvt.s32.f32 v15  }
0x26a: {  	v17 =	vld [tilespmem:s13+$0xC810];
	v16 =	vand.u32 $0xFFFF, v16;
	v12 =	vmul.f32 $1.525902190e-05, v12;
	v13 =	vmul.f32 $1.525902190e-05, v13  }
0x26b: {  	v16 =	vcvt.s32.f32 v16;
	v15 =	vmul.f32 $1.525902190e-05, v15  }
0x26c: {  	v19 =	vld [tilespmem:s13+$0xD010];
	v18 =	vand.u32 $0xFFFF, v18;
	v12 =	vmul.f32 v12, v12;
	v13 =	vmul.f32 v13, v13  }
0x26d: {  	v14 =	vand.u32 $0xFFFF, v14;
	v18 =	vcvt.s32.f32 v18  }
0x26e: {  	v16 =	vmul.f32 $1.525902190e-05, v16;
	v12 =	vadd.f32 v13, v12;
	v13 =	vmul.f32 v15, v15  }
0x26f: {  	v17 =	vand.u32 $0xFFFF, v17;
	v14 =	vcvt.s32.f32 v14  }
0x270: {  	v15 =	vmul.f32 $1.525902190e-05, v18;
	v12 =	vadd.f32 v13, v12;
	v13 =	vmul.f32 v16, v16  }
0x271: {  	v19 =	vand.u32 $0xFFFF, v19;
	v57 =	vcvt.s32.f32 v17  }
0x272: {  	v14 =	vmul.f32 $1.525902190e-05, v14;
	v12 =	vadd.f32 v13, v12;
	v13 =	vmul.f32 v15, v15  }
0x273: {  	v19 =	vcvt.s32.f32 v19  }
0x274: {  	v15 =	vmul.f32 $1.525902190e-05, v57;
	v12 =	vadd.f32 v13, v12;
	v13 =	vmul.f32 v14, v14;
	_ =	sdelay $0x1  }
0x275: {  	v56 =	vmul.f32 $1.525902190e-05, v19;
	v12 =	vadd.f32 v13, v12;
	v13 =	vmul.f32 v15, v15  }
0x276: {  	s2 =	sadd.s32 $0x20, s2  }
0x277: {  	s28 =	sadd.s32 $0xFFFFFFF0, s2;
	v12 =	vadd.f32 v13, v12;
	v13 =	vmul.f32 v56, v56  }
0x278: {  	s15 =	sand.u32 $0x700, s28  }
0x279: {  	s6 =	sand.u32 $0xE0, s28;
	s24 =	sor.u32 $0xD810, s15;
	v12 =	vadd.f32 v13, v12  }
0x27a: {  	s7 =	sor.u32 $0xE010, s15;
	s29 =	sor.u32 s6, s24  }
0x27b: {  	s23 =	sor.u32 $0xE810, s15;
	s30 =	sor.u32 s6, s7;
	[tilespmem:s29+$0x0] =	vst v12  }
0x27c: {  	s31 =	sor.u32 s6, s23;
	s25 =	sor.u32 $0xF010, s15;
	[tilespmem:s30+$0x0] =	vst v12  }
0x27d: {  	s22 =	sor.u32 $0xF810, s15;
	s0 =	sor.u32 s6, s25;
	[tilespmem:s31+$0x0] =	vst v12  }
0x27e: {  	s3 =	sor.u32 s6, s22;
	s26 =	sor.u32 $0x10010, s15;
	[tilespmem:s0+$0x0] =	vst v12  }
0x27f: {  	s14 =	sor.u32 $0x10810, s15;
	s4 =	sor.u32 s6, s26;
	[tilespmem:s3+$0x0] =	vst v12  }
0x280: {  	s11 =	sor.u32 $0x11010, s15;
	s10 =	sor.u32 s6, s14;
	[tilespmem:s4+$0x0] =	vst v12  }
0x281: {  	s17 =	sor.u32 $0x11810, s15;
	s28 =	sor.u32 s6, s11;
	[tilespmem:s10+$0x0] =	vst v12  }
0x282: {  	s18 =	sor.u32 $0x12010, s15;
	s29 =	sor.u32 s6, s17;
	[tilespmem:s28+$0x0] =	vst v12  }
0x283: {  	s16 =	sor.u32 $0x12810, s15;
	s30 =	sor.u32 s6, s18;
	[tilespmem:s29+$0x0] =	vst v12  }
0x284: {  	s19 =	sor.u32 $0x13010, s15;
	s31 =	sor.u32 s6, s16;
	[tilespmem:s30+$0x0] =	vst v12  }
0x285: {  	s8 =	sor.u32 $0x13810, s15;
	s0 =	sor.u32 s6, s19;
	[tilespmem:s31+$0x0] =	vst v12  }
0x286: {  	s20 =	sor.u32 $0x14010, s15;
	s28 =	sor.u32 s6, s8;
	[tilespmem:s0+$0x0] =	vst v12  }
0x287: {  	s3 =	sor.u32 s6, s20;
	s10 =	sor.u32 $0x14810, s15;
	[tilespmem:s28+$0x0] =	vst v12  }
0x288: {  	s4 =	smov.u32 s9;
	s9 =	sor.u32 $0x15010, s15;
	s29 =	sor.u32 s6, s10;
	[tilespmem:s3+$0x0] =	vst v12  }
0x289: {  	p1 =	seq.s32 s1, $0x1F80;
	s30 =	sor.u32 s6, s9;
	[tilespmem:s29+$0x0] =	vst v12  }
0x28a: {  	s1 =	sshra.s32 @!p1 s1, $0x2;
	[tilespmem:s30+$0x0] =	vst v12  }
0x28b: {  	v12 =	vld @!p1 [tilespmem:s1+$0x9830];
	_ =	sdelay $0x4  }
0x28c: {  	v12 =	vshrl.u32 @!p1 v12, $0x10  }
0x28d: {  	v12 =	vor.u32 @!p1 v11, v12  }
0x28e: {  	[tilespmem:$0x15810] =	vst @!p1 v12  }
0x28f: {  	v12 =	vld @!p1 [tilespmem:s1+$0xA030];
	_ =	sdelay $0x4  }
0x290: {  	v12 =	vshrl.u32 @!p1 v12, $0x10  }
0x291: {  	v12 =	vor.u32 @!p1 v11, v12  }
0x292: {  	[tilespmem:$0x15820] =	vst @!p1 v12  }
0x293: {  	v12 =	vld @!p1 [tilespmem:s1+$0xA830];
	_ =	sdelay $0x4  }
0x294: {  	v12 =	vshrl.u32 @!p1 v12, $0x10  }
0x295: {  	v12 =	vor.u32 @!p1 v11, v12  }
0x296: {  	[tilespmem:$0x15830] =	vst @!p1 v12  }
0x297: {  	v12 =	vld @!p1 [tilespmem:s1+$0xB030];
	_ =	sdelay $0x4  }
0x298: {  	v12 =	vshrl.u32 @!p1 v12, $0x10  }
0x299: {  	v12 =	vor.u32 @!p1 v11, v12  }
0x29a: {  	[tilespmem:$0x15840] =	vst @!p1 v12  }
0x29b: {  	v12 =	vld @!p1 [tilespmem:s1+$0xB830];
	_ =	sdelay $0x4  }
0x29c: {  	v12 =	vshrl.u32 @!p1 v12, $0x10  }
0x29d: {  	v12 =	vor.u32 @!p1 v11, v12  }
0x29e: {  	[tilespmem:$0x15850] =	vst @!p1 v12  }
0x29f: {  	v12 =	vld @!p1 [tilespmem:s1+$0xC030];
	_ =	sdelay $0x4  }
0x2a0: {  	v12 =	vshrl.u32 @!p1 v12, $0x10  }
0x2a1: {  	v12 =	vor.u32 @!p1 v11, v12  }
0x2a2: {  	[tilespmem:$0x15860] =	vst @!p1 v12  }
0x2a3: {  	v12 =	vld @!p1 [tilespmem:s1+$0xC830];
	_ =	sdelay $0x4  }
0x2a4: {  	v12 =	vshrl.u32 @!p1 v12, $0x10  }
0x2a5: {  	v12 =	vor.u32 @!p1 v11, v12  }
0x2a6: {  	[tilespmem:$0x15870] =	vst @!p1 v12  }
0x2a7: {  	v12 =	vld @!p1 [tilespmem:s1+$0xD030];
	_ =	sdelay $0x4  }
0x2a8: {  	v12 =	vshrl.u32 @!p1 v12, $0x10  }
0x2a9: {  	v12 =	vor.u32 @!p1 v11, v12  }
0x2aa: {  	s0 =	simm.s32 @!p1 $0x80;
	s3 =	simm.s32 @!p1 $0x15910;
	s1 =	simm.s32 @!p1 $0x15810;
	[tilespmem:$0x15880] =	vst @!p1 v12  }
0x2ab: {  	[tilespmem:s3], [sflag:$0x3] =	stream.indirect.gather @!p1 [hbm4b:s4+s0], $0x10, s1, s0, $0xb8;
	[tilespmem:$0x16910] =	vst v63  }
0x2ac: {  	_ =	swait.ge [sflag:s5], $0x800  }
0x2ad: {  	[sflag:s5] =	ssyncset.done $0x0  }
0x2ae: {  	[sflag:s5] =	ssyncadd.s32 $0xFFFFF800  }
0x2af: {  	v12 =	vld [tilespmem:s13+$0x9820]  }
0x2b0: {  	v13 =	vld [tilespmem:s13+$0xA020]  }
0x2b1: {  	v14 =	vld [tilespmem:s13+$0xA820];
	_ =	sdelay $0x1  }
0x2b2: {  	v15 =	vld [tilespmem:s13+$0xB020];
	_ =	sdelay $0x1  }
0x2b3: {  	v12 =	vand.u32 $0xFFFF, v12;
	v13 =	vand.u32 $0xFFFF, v13  }
0x2b4: {  	v58 =	vld [tilespmem:s13+$0xB820];
	v14 =	vand.u32 $0xFFFF, v14;
	v12 =	vcvt.s32.f32 v12;
	v13 =	vcvt.s32.f32 v13  }
0x2b5: {  	v59 =	vld [tilespmem:s13+$0xC020];
	v14 =	vcvt.s32.f32 v14  }
0x2b6: {  	v60 =	vld [tilespmem:s13+$0xC820];
	v15 =	vand.u32 $0xFFFF, v15;
	v12 =	vmul.f32 $1.525902190e-05, v12;
	v13 =	vmul.f32 $1.525902190e-05, v13  }
0x2b7: {  	v15 =	vcvt.s32.f32 v15;
	v14 =	vmul.f32 $1.525902190e-05, v14  }
0x2b8: {  	v12 =	vmul.f32 v12, v12;
	v13 =	vmul.f32 v13, v13  }
0x2b9: {  	v16 =	vand.u32 $0xFFFF, v58;
	v15 =	vmul.f32 $1.525902190e-05, v15  }
0x2ba: {  	v62 =	vld [tilespmem:s13+$0xD020];
	v12 =	vadd.f32 v13, v12;
	v13 =	vmul.f32 v14, v14;
	v14 =	vcvt.s32.f32 v16  }
0x2bb: {  	v61 =	vand.u32 $0xFFFF, v59;
	v63 =	vand.u32 $0xFFFF, v60;
	v15 =	vmul.f32 v15, v15  }
0x2bc: {  	v12 =	vadd.f32 v13, v12;
	v13 =	vmul.f32 $1.525902190e-05, v14;
	v14 =	vcvt.s32.f32 v61  }
0x2bd: {  	v16 =	vcvt.s32.f32 v63  }
0x2be: {  	v14 =	vmul.f32 $1.525902190e-05, v14;
	v13 =	vmul.f32 v13, v13;
	v12 =	vadd.f32 v15, v12  }
0x2bf: {  	v16 =	vmul.f32 $1.525902190e-05, v16;
	v15 =	vand.u32 $0xFFFF, v62  }
0x2c0: {  	v15 =	vcvt.s32.f32 v15;
	v14 =	vmul.f32 v14, v14;
	v12 =	vadd.f32 v13, v12;
	_ =	sdelay $0x1  }
0x2c1: {  	v13 =	vmul.f32 $1.525902190e-05, v15;
	v12 =	vadd.f32 v14, v12;
	v14 =	vmul.f32 v16, v16;
	_ =	sdelay $0x1  }
0x2c2: {  	v13 =	vmul.f32 v13, v13;
	v12 =	vadd.f32 v14, v12  }
0x2c3: {  	s12 =	sadd.s32 $0x80, s12  }
0x2c4: {  	p0 =	sne.s32 s12, $0x2000;
	s21 =	sand.u32 $0xF0, s2;
	v12 =	vadd.f32 v13, v12  }
.Ltmp10:
0x2c5: {  	s28 =	sadd.s32 s21, s24;
	(pc) =	sbr.rel @p0 .LBB2_17-.Ltmp10, $4  }
0x2c6: {  	s29 =	sadd.s32 s21, s7;
	[tilespmem:s28+$0x0] =	vst v12  }
0x2c7: {  	s30 =	sadd.s32 s21, s23;
	[tilespmem:s29+$0x0] =	vst v12  }
0x2c8: {  	s26 =	sadd.s32 s21, s26;
	s15 =	sadd.s32 s21, s10;
	s31 =	sadd.s32 s21, s25;
	[tilespmem:s30+$0x0] =	vst v12  }
0x2c9: {  	s6 =	sadd.s32 s21, s9;
	s9 =	smov.u32 s4;
	s1 =	sadd.s32 s21, s22;
	[tilespmem:s31+$0x0] =	vst v12  }
0x2ca: {  	[tilespmem:s1+$0x0] =	vst v12  }
0x2cb: {  	s0 =	sadd.s32 s21, s14;
	[tilespmem:s26+$0x0] =	vst v12  }
0x2cc: {  	s12 =	sadd.s32 s21, s11;
	[tilespmem:s0+$0x0] =	vst v12  }
0x2cd: {  	s13 =	sadd.s32 s21, s17;
	[tilespmem:s12+$0x0] =	vst v12  }
0x2ce: {  	s14 =	sadd.s32 s21, s18;
	[tilespmem:s13+$0x0] =	vst v12  }
0x2cf: {  	s17 =	sadd.s32 s21, s16;
	s18 =	sadd.s32 s21, s19;
	s7 =	rddreg [dreg:$0xd];
	[tilespmem:s14+$0x0] =	vst v12  }
0x2d0: {  	s19 =	sadd.s32 s21, s8;
	s22 =	sadd.s32 s21, s20;
	s24 =	rddreg [dreg:$0xa];
	[tilespmem:s17+$0x0] =	vst v12  }
0x2d1: {  	s21 =	simm.s32 $0x800;
	s25 =	simm.s32 $0x10000;
	s2 =	simm.s32 $0xD810;
	[tilespmem:s18+$0x0] =	vst v12  }
0x2d2: {  	s10 =	simm.s32 $0x0;
	s3 =	simm.s32 $0x2800;
	s28 =	simm.s32 $0x3800;
	[tilespmem:s19+$0x0] =	vst v12  }
0x2d3: {  	s4 =	simm.s32 $0x4000;
	s23 =	sshll.u32 s7, $0x11;
	s7 =	sadd.s32 $0x1, s7;
	[tilespmem:s22+$0x0] =	vst v12  }
0x2d4: {  	s29 =	simm.s32 $0x4800;
	s30 =	simm.s32 $0x5000;
	p0 =	sne.s32 s7, $0x4;
	[tilespmem:s15+$0x0] =	vst v12  }
.Ltmp11:
0x2d5: {  	s26 =	simm.s32 $0x5;
	s0 =	sadd.s32 s23, s24;
	[tilespmem:s6+$0x0] =	vst v12;
	(pc) =	sbr.rel @p0 .LBB2_2-.Ltmp11, $4  }
0x2d6: {  	[hbm4b:s0+s21] =	stream.strided.scatter [tilespmem:s2], [sflag:$0x5], $0x8000, s25, s21, $0x38;
	[tilespmem:$0x16910] =	vst v63  }
0x2d7: {  	s31 =	simm.s32 $0x5810;
	s5 =	simm.s32 $0xC810;
	_ =	swait.ge [sflag:s26], $0x8000  }
0x2d8: {  	s23 =	simm.s32 $0x1800;
	s24 =	simm.s32 $0x2000;
	[sflag:s26] =	ssyncset.done $0x0  }
0x2d9: {  	s22 =	simm.s32 $0x1000;
	[sflag:s26] =	ssyncadd.s32 $0xFFFF8000;
	s26 =	simm.s32 $0x3000  }
0x2da: {  	s1 =	rddreg [dreg:$0xc]  }
0x2db: {  	s0 =	rddreg [dreg:$0xb];
	s1 =	sadd.s32 $0x1, s1  }
0x2dc: {  	p0 =	sne.s32 s1, s0  }
.Ltmp12:
0x2dd: {  	_ = 	snop;
	(pc) =	sbr.rel @p0 .LBB2_1-.Ltmp12, $1  }
0x2de: {  	_ =	sdelay $0x3  }
0x2df: {  	_ =	sfence.sel $0x180000  }
0x2e0: {  	[bflag:$0x0] =	sbarrier.arrive $0xFFFF  }
0x2e1: {  	_ =	strace $0x90000047  }
0x2e2: {  	s0 =	stileid.u32;
	[bflag:$0x2] =	sbarrier.arrive $0xFFFF  }
0x2e3: {  	p0 =	sne.s32 s0, $0x0;
	s0 =	rddreg [dreg:$0x2]  }
0x2e4: {  	s0 =	sadd.s32 @!p0 $0x100000, s0  }
0x2e5: {  	[sflag:s0] =	ssyncadd.tile.s32 @!p0 $0x1;
	_ =	shalt  }
.Lfunc_end2:
_tile_overlayer_lowered:
.L_overlay_start_2:
0x2e6: {  	(tag) =	ssettag $0x2  }
0x2e7: {  	s0 =	rddreg [dreg:$0x0];
	s2 =	stileid.u32  }
0x2e8: {  	s1 =	rddreg [dreg:$0x1];
	p0 =	sne.s32 s2, $0x0  }
0x2e9: {  	s3 =	rddreg [dreg:$0x2];
	[bflag:$0x3] =	sbarrier.arrive $0xFFFF;
	s2 =	simm.s32 @!p0 $0x1C05  }
0x2ea: {  	[timem:s3], [sflag:s2] =	dma.local @!p0 [hbm:s0], s1  }
0x2eb: {  	s0 =	simm.s32 @!p0 $0x5  }
0x2ec: {  	_ =	swait.ge @!p0 [sflag:s0], s1  }
0x2ed: {  	s1 =	ssub.s32 @!p0 $0x0, s1;
	[sflag:s0] =	ssyncset.done @!p0 $0x0  }
0x2ee: {  	[sflag:s0] =	ssyncadd.s32 @!p0 s1  }
0x2ef: {  	[bflag:$0x3] =	sbarrier.arrive $0xFFFF  }
0x2f0: {  	_ =	shalt  }

</sc_bundles>
